<compile_context>
chip_gen: v7x
topology: tpu7x:2x2x1
jax: 0.10.2.dev20260603
libtpu: 0.0.44.dev20260713+nightly
codegen_flags: <defaults>
</compile_context>

<pallas_src>
import functools

import jax
import jax.numpy as jnp
from jax import lax
from jax.experimental import pallas as pl
from jax.experimental.pallas import tpu as pltpu
from jax.experimental.pallas import tpu_sc as plsc

f32 = jnp.float32
i32 = jnp.int32

N_NODES = 10000
D = 128
NROW = 80
NPAD = NROW * 128
NC, NS = 2, 16
NW = NC * NS
NCH = 81
EPT = NCH * 128
EPAD = NW * EPT
G = 3
NGRP = NCH // G
OUT_PT = NPAD // NS
ROWB = 1000
NBLK = N_NODES // ROWB


def _tc1_body(x_ref, w_ref, att_ref, h_ref, ab_ref, mx_ref):
    i = pl.program_id(0)
    h = jnp.dot(x_ref[...], w_ref[...], preferred_element_type=f32)
    h_ref[...] = h
    ab = jnp.dot(h, att_ref[...], preferred_element_type=f32)
    ab_ref[...] = ab

    @pl.when(i == 0)
    def _():
        mx_ref[...] = jnp.full((8, 128), -jnp.inf, f32)

    bm = jnp.broadcast_to(jnp.max(ab, axis=0, keepdims=True), (8, 128))
    mx_ref[...] = jnp.maximum(mx_ref[...], bm)


_tc1 = pl.pallas_call(
    _tc1_body,
    grid=(NBLK,),
    in_specs=[
        pl.BlockSpec((ROWB, D), lambda i: (i, 0)),
        pl.BlockSpec((D, D), lambda i: (0, 0)),
        pl.BlockSpec((D, D), lambda i: (0, 0)),
    ],
    out_specs=[
        pl.BlockSpec((ROWB, D), lambda i: (i, 0)),
        pl.BlockSpec((ROWB, D), lambda i: (i, 0)),
        pl.BlockSpec((8, 128), lambda i: (0, 0)),
    ],
    out_shape=[
        jax.ShapeDtypeStruct((N_NODES, D), f32),
        jax.ShapeDtypeStruct((N_NODES, D), f32),
        jax.ShapeDtypeStruct((8, 128), f32),
    ],
)


def _sc_mesh():
    return plsc.VectorSubcoreMesh(
        core_axis_name="c", subcore_axis_name="s", num_cores=NC, num_subcores=NS
    )


@functools.partial(
    pl.kernel,
    out_type=(
        jax.ShapeDtypeStruct((NW, NCH, 128), f32),
        jax.ShapeDtypeStruct((NC, NROW, 128), f32),
    ),
    mesh=_sc_mesh(),
    compiler_params=pltpu.CompilerParams(needs_layout_passes=False, use_tc_tiling_on_sc=False),
    scratch_types=[
        pltpu.VMEM((NPAD,), f32),
        pltpu.VMEM((NPAD,), f32),
        pltpu.VMEM((NCH, 128), i32),
        pltpu.VMEM((NCH, 128), i32),
        pltpu.VMEM((NCH, 128), f32),
        pltpu.VMEM((NROW, 128), f32),
        pltpu.VMEM((16,), f32),
        pltpu.VMEM((NROW,), i32),
        pltpu.VMEM_SHARED((NROW, 128), f32),
    ],
)
def _sc_edge_softmax(asrc_h, adst_h, src_h, dst_h, m_h, ex_h, den_h,
                     asrc_v, adst_v, srcv, dstv, exv, denv, mv, idxv, dsh):
    cid = lax.axis_index("c")
    sid = lax.axis_index("s")
    wid = cid * NS + sid
    pltpu.sync_copy(asrc_h, asrc_v)
    pltpu.sync_copy(adst_h, adst_v)
    pltpu.sync_copy(m_h, mv)
    pltpu.sync_copy(src_h.at[wid], srcv)
    pltpu.sync_copy(dst_h.at[wid], dstv)

    zero16 = jnp.zeros((16,), f32)

    def zero_body(r, carry):
        for k in range(8):
            denv[r, pl.ds(k * 16, 16)] = zero16
        return carry

    lax.fori_loop(0, NROW, zero_body, 0)
    for i in range(NROW // 16):
        idxv[pl.ds(i * 16, 16)] = jnp.arange(16, dtype=i32) + (i * 16)

    @pl.when(sid == 0)
    def _():
        pltpu.sync_copy(denv, dsh)

    plsc.subcore_barrier()
    mvec = mv[...]

    def chunk(j, carry):
        for k in range(8):
            s16 = srcv[j, pl.ds(k * 16, 16)]
            d16 = dstv[j, pl.ds(k * 16, 16)]
            a = plsc.load_gather(asrc_v, [s16]) + plsc.load_gather(adst_v, [d16])
            a = jnp.where(a >= 0.0, a, 0.2 * a)
            ex = jnp.exp(a - mvec)
            exv[j, pl.ds(k * 16, 16)] = ex
            plsc.addupdate_scatter(
                denv, [lax.shift_right_logical(d16, 7), d16 & 127], ex
            )
        return carry

    lax.fori_loop(0, NCH, chunk, 0)
    pltpu.sync_copy(exv, ex_h.at[wid])
    pltpu.sync_copy(denv, dsh.at[idxv], add=True)
    plsc.subcore_barrier()

    @pl.when(sid == 0)
    def _():
        pltpu.sync_copy(dsh, den_h.at[cid])


@functools.partial(
    pl.kernel,
    out_type=jax.ShapeDtypeStruct((NC, NPAD, 128), f32),
    mesh=_sc_mesh(),
    compiler_params=pltpu.CompilerParams(needs_layout_passes=False, use_tc_tiling_on_sc=False),
    scratch_types=[
        pltpu.VMEM((NROW, 128), f32),
        pltpu.VMEM((8, 128), f32),
        pltpu.VMEM((6, 64), i32),
        pltpu.VMEM((6, 64), i32),
        pltpu.VMEM((6, 64), f32),
        pltpu.VMEM((3, 64, 128), f32),
        pltpu.VMEM_SHARED((NPAD, 128), f32),
        pltpu.SemaphoreType.DMA,
        pltpu.SemaphoreType.DMA,
        pltpu.SemaphoreType.DMA,
        pltpu.SemaphoreType.DMA,
        pltpu.SemaphoreType.DMA,
        pltpu.SemaphoreType.DMA,
    ],
)
def _sc_scatter(src_h, dst_h, ex_h, den_h, hp_h, zeros_h, outp_h,
                denv, tmpv, srcg, dstg, cfg, rows, outsh,
                gsem0, gsem1, gsem2, ssem0, ssem1, ssem2):
    cid = lax.axis_index("c")
    sid = lax.axis_index("s")
    wid = cid * NS + sid
    row0 = sid * OUT_PT
    pltpu.sync_copy(zeros_h.at[pl.ds(row0, OUT_PT)],
                    outsh.at[pl.ds(row0, OUT_PT)])

    pltpu.sync_copy(den_h.at[0], denv)

    def addb(s, carry):
        pltpu.sync_copy(den_h.at[1].at[pl.ds(s * 8, 8)], tmpv)
        for r in range(8):
            for k in range(8):
                denv[s * 8 + r, pl.ds(k * 16, 16)] = (
                    denv[s * 8 + r, pl.ds(k * 16, 16)]
                    + tmpv[r, pl.ds(k * 16, 16)]
                )
        return carry

    lax.fori_loop(0, NROW // 8, addb, 0)
    plsc.subcore_barrier()

    gsem = (gsem0, gsem1, gsem2)
    ssem = (ssem0, ssem1, ssem2)

    def group(g, carry):
        pltpu.sync_copy(src_h.at[wid].at[pl.ds(g * 6, 6)], srcg)
        pltpu.sync_copy(dst_h.at[wid].at[pl.ds(g * 6, 6)], dstg)
        pltpu.sync_copy(ex_h.at[wid].at[pl.ds(g * 6, 6)], cfg)
        for hh in range(6):
            for k in range(4):
                d16 = dstg[hh, pl.ds(k * 16, 16)]
                den16 = plsc.load_gather(
                    denv, [lax.shift_right_logical(d16, 7), d16 & 127]
                )
                cfg[hh, pl.ds(k * 16, 16)] = (
                    cfg[hh, pl.ds(k * 16, 16)] / (den16 + 1e-16)
                )
        gd = [None] * 6
        sd = [None] * 6
        for b in range(2):
            gd[b] = pltpu.async_copy(
                hp_h.at[srcg.at[b]], rows.at[b], gsem[b])
        for hh in range(6):
            s = hh % 3
            if hh >= 2:
                sd[hh - 2].wait()
            if hh + 1 < 6 and hh >= 1:
                s1 = (hh + 1) % 3
                gd[hh + 1] = pltpu.async_copy(
                    hp_h.at[srcg.at[hh + 1]], rows.at[s1], gsem[s1])
            gd[hh].wait()
            rb = rows.at[s]
            cfrow = cfg.at[hh]

            def scale(e2, c2):
                for u in range(2):
                    e = e2 * 2 + u
                    cf = plsc.load_gather(cfrow, [jnp.full((16,), e, i32)])
                    for q in range(8):
                        rb[e, pl.ds(q * 16, 16)] = (
                            rb[e, pl.ds(q * 16, 16)] * cf
                        )
                return c2

            lax.fori_loop(0, 32, scale, 0)
            sd[hh] = pltpu.async_copy(
                rb, outsh.at[dstg.at[hh]], ssem[s], add=True)
        sd[4].wait()
        sd[5].wait()
        return carry

    lax.fori_loop(0, NGRP, group, 0)
    plsc.subcore_barrier()
    pltpu.sync_copy(outsh.at[pl.ds(row0, OUT_PT)],
                    outp_h.at[cid].at[pl.ds(row0, OUT_PT)])


def _tc2_body(p0_ref, p1_ref, b_ref, o_ref):
    v = p0_ref[...] + p1_ref[...] + b_ref[...]
    o_ref[...] = jnp.where(v > 0.0, v, jnp.exp(jnp.minimum(v, 0.0)) - 1.0)


_tc2 = pl.pallas_call(
    _tc2_body,
    grid=(NBLK,),
    in_specs=[
        pl.BlockSpec((ROWB, D), lambda i: (i, 0)),
        pl.BlockSpec((ROWB, D), lambda i: (i, 0)),
        pl.BlockSpec((1, D), lambda i: (0, 0)),
    ],
    out_specs=pl.BlockSpec((ROWB, D), lambda i: (i, 0)),
    out_shape=jax.ShapeDtypeStruct((N_NODES, D), f32),
)


@jax.jit
def kernel(x, edge_index, W, att_src, att_dst, bias):
    n = x.shape[0]
    e = edge_index.shape[1]
    loop = jnp.arange(n, dtype=i32)
    pad = jnp.full((EPAD - e - n,), n, dtype=i32)
    src3 = jnp.concatenate([edge_index[0], loop, pad]).reshape(NW, NCH, 128)
    dst3 = jnp.concatenate([edge_index[1], loop, pad]).reshape(NW, NCH, 128)

    att2 = (
        jnp.zeros((D, D), f32).at[:, 0].set(att_src).at[:, 1].set(att_dst)
    )
    h, ab, mx = _tc1(x, W, att2)

    a_src_p = jnp.pad(ab[:, 0], (0, NPAD - n))
    a_dst_p = jnp.pad(ab[:, 1], (0, NPAD - n))
    m = mx[0, 0] + mx[0, 1]
    m = jnp.where(m > 0.0, m, 0.2 * m)
    m16 = jnp.full((16,), m, f32)

    ex3, dens = _sc_edge_softmax(a_src_p, a_dst_p, src3, dst3, m16)

    h_pad = jnp.pad(h, ((0, NPAD - n), (0, 0)))
    zeros = jnp.zeros((NPAD, D), f32)
    outp = _sc_scatter(
        src3.reshape(NW, NCH * 2, 64),
        dst3.reshape(NW, NCH * 2, 64),
        ex3.reshape(NW, NCH * 2, 64),
        dens, h_pad, zeros,
    )

    return _tc2(outp[0, :n], outp[1, :n], bias.reshape(1, D))

# --- scband reference (transcript-rebuilt; emitter-appended) ---
"""Pipeline reference for scband-gat-66529043415293 (READ-ONLY COPY).

The authoritative reference and input builder live on the scoring server;
editing this copy changes nothing except your own understanding.
"""

import jax, jax.numpy as jnp
import numpy as np

N = 10000
E = 320000
D_IN = 128
D_OUT = 128


def setup_inputs(seed: int = 0) -> dict:
    key = jax.random.key(seed)
    k1, k2, k3, k4, k5 = jax.random.split(key, 5)
    x = jax.random.normal(k1, (N, D_IN), dtype=jnp.float32)
    edge_index = jax.random.randint(k2, (2, E), 0, N, dtype=jnp.int32)
    # GATConv parameters (heads=1, concat=True default)
    W = jax.random.normal(k3, (D_IN, D_OUT), dtype=jnp.float32) * (1.0 / np.sqrt(D_IN))
    att_src = jax.random.normal(k4, (D_OUT,), dtype=jnp.float32) * 0.1
    att_dst = jax.random.normal(k5, (D_OUT,), dtype=jnp.float32) * 0.1
    bias = jnp.zeros((D_OUT,), dtype=jnp.float32)
    return {"x": x, "edge_index": edge_index, "W": W, "att_src": att_src, "att_dst": att_dst, "bias": bias}


def _gat_forward(x, edge_index, W, att_src, att_dst, bias):
    n = x.shape[0]
    src = edge_index[0]
    dst = edge_index[1]
    # PyG GATConv default: add_self_loops=True
    loop = jnp.arange(n, dtype=src.dtype)
    src = jnp.concatenate([src, loop], axis=0)
    dst = jnp.concatenate([dst, loop], axis=0)
    # linear transform
    h = x @ W  # [N, D_OUT]
    # per-node attention logits
    a_src = h @ att_src  # [N]
    a_dst = h @ att_dst  # [N]
    # per-edge attention (gather)
    alpha = a_src[src] + a_dst[dst]
    alpha = jax.nn.leaky_relu(alpha, negative_slope=0.2)
    # segment softmax over incoming edges of each dst node
    amax = jax.ops.segment_max(alpha, dst, num_segments=n)
    amax = jnp.where(jnp.isfinite(amax), amax, 0.0)
    ex = jnp.exp(alpha - amax[dst])
    denom = jax.ops.segment_sum(ex, dst, num_segments=n)
    coef = ex / (denom[dst] + 1e-16)
    # weighted message aggregation (gather + scatter-add)
    msg = h[src] * coef[:, None]
    out = jax.ops.segment_sum(msg, dst, num_segments=n)
    out = out + bias
    # module wraps GATConv output in F.elu
    return jax.nn.elu(out)


def reference(x, edge_index, W, att_src, att_dst, bias):
    return _gat_forward(x, edge_index, W, att_src, att_dst, bias)

if __name__ == "__main__":
    import jax
    _d = setup_inputs()
    print(jax.jit(kernel)(*tuple(_d.values())))

</pallas_src>

<mosaic_0001>
#map = affine_map<(d0, d1) -> (0)>
#map1 = affine_map<(d0, d1) -> (0, 0, 0)>
module attributes {stable_mosaic.version = 14 : i64} {
  func.func @_sc_edge_softmax(%arg0: i32, %arg1: i32, %arg2: memref<10240xf32, #tpu.memory_space<hbm>>, %arg3: memref<10240xf32, #tpu.memory_space<hbm>>, %arg4: memref<32x81x128xi32, #tpu.memory_space<hbm>>, %arg5: memref<32x81x128xi32, #tpu.memory_space<hbm>>, %arg6: memref<16xf32, #tpu.memory_space<hbm>>, %arg7: memref<32x81x128xf32, #tpu.memory_space<hbm>>, %arg8: memref<2x80x128xf32, #tpu.memory_space<hbm>>, %arg9: memref<10240xf32, #tpu.memory_space<vmem>>, %arg10: memref<10240xf32, #tpu.memory_space<vmem>>, %arg11: memref<81x128xi32, #tpu.memory_space<vmem>>, %arg12: memref<81x128xi32, #tpu.memory_space<vmem>>, %arg13: memref<81x128xf32, #tpu.memory_space<vmem>>, %arg14: memref<80x128xf32, #tpu.memory_space<vmem>>, %arg15: memref<16xf32, #tpu.memory_space<vmem>>, %arg16: memref<80xi32, #tpu.memory_space<vmem>>, %arg17: memref<80x128xf32, #tpu.memory_space<vmem_shared>>) attributes {dimension_semantics = [#tpu.dimension_semantics<core_parallel>, #tpu.dimension_semantics<subcore_parallel>], iteration_bounds = array<i64: 2, 16>, scalar_prefetch = 0 : i64, scratch_operands = 9 : i64, tpu.core_type = #tpu.core_type<sc_vector_subcore>, window_params = [{transform_indices = #map}, {transform_indices = #map}, {transform_indices = #map1}, {transform_indices = #map1}, {transform_indices = #map}, {transform_indices = #map1}, {transform_indices = #map1}]} {
    %mul3A = arith.constant 16 : i32
    %mul3A_0 = arith.muli %arg0, %mul3A : i32
    %add3A = arith.addi %mul3A_0, %arg1 : i32
    "tpu.region"() ({
      %run_scoped3A = tpu.sem_alloc : memref<!tpu.dma_semaphore, #tpu.memory_space<semaphore_mem>>
      tpu.enqueue_dma source(%arg2 : memref<10240xf32, #tpu.memory_space<hbm>>) target(%arg9 : memref<10240xf32, #tpu.memory_space<vmem>>) target_semaphore(%run_scoped3A : memref<!tpu.dma_semaphore, #tpu.memory_space<semaphore_mem>>)
      tpu.wait_dma2 semaphore(%run_scoped3A : memref<!tpu.dma_semaphore, #tpu.memory_space<semaphore_mem>>) src(%arg2 : memref<10240xf32, #tpu.memory_space<hbm>>) dst(%arg9 : memref<10240xf32, #tpu.memory_space<vmem>>)
      tpu.yield
    }) : () -> ()
    "tpu.region"() ({
      %run_scoped3A = tpu.sem_alloc : memref<!tpu.dma_semaphore, #tpu.memory_space<semaphore_mem>>
      tpu.enqueue_dma source(%arg3 : memref<10240xf32, #tpu.memory_space<hbm>>) target(%arg10 : memref<10240xf32, #tpu.memory_space<vmem>>) target_semaphore(%run_scoped3A : memref<!tpu.dma_semaphore, #tpu.memory_space<semaphore_mem>>)
      tpu.wait_dma2 semaphore(%run_scoped3A : memref<!tpu.dma_semaphore, #tpu.memory_space<semaphore_mem>>) src(%arg3 : memref<10240xf32, #tpu.memory_space<hbm>>) dst(%arg10 : memref<10240xf32, #tpu.memory_space<vmem>>)
      tpu.yield
    }) : () -> ()
    "tpu.region"() ({
      %run_scoped3A = tpu.sem_alloc : memref<!tpu.dma_semaphore, #tpu.memory_space<semaphore_mem>>
      tpu.enqueue_dma source(%arg6 : memref<16xf32, #tpu.memory_space<hbm>>) target(%arg15 : memref<16xf32, #tpu.memory_space<vmem>>) target_semaphore(%run_scoped3A : memref<!tpu.dma_semaphore, #tpu.memory_space<semaphore_mem>>)
      tpu.wait_dma2 semaphore(%run_scoped3A : memref<!tpu.dma_semaphore, #tpu.memory_space<semaphore_mem>>) src(%arg6 : memref<16xf32, #tpu.memory_space<hbm>>) dst(%arg15 : memref<16xf32, #tpu.memory_space<vmem>>)
      tpu.yield
    }) : () -> ()
    "tpu.region"() ({
      %run_scoped3A = tpu.sem_alloc : memref<!tpu.dma_semaphore, #tpu.memory_space<semaphore_mem>>
      %dma_start3A = arith.constant 0 : i32
      %dma_start3A_50 = arith.constant 0 : i32
      %dma_start3A_51 = tpu.memref_slice %arg4[%add3A, %dma_start3A, %dma_start3A_50] : memref<32x81x128xi32, #tpu.memory_space<hbm>> -> memref<1x81x128xi32, #tpu.memory_space<hbm>>
      %dma_start3A_52 = tpu.memref_squeeze %dma_start3A_51 : memref<1x81x128xi32, #tpu.memory_space<hbm>> -> memref<81x128xi32, #tpu.memory_space<hbm>>
      %dma_start3A_53 = arith.constant 0 : i32
      %dma_start3A_54 = arith.constant 0 : i32
      %dma_start3A_55 = tpu.memref_slice %arg4[%add3A, %dma_start3A_53, %dma_start3A_54] : memref<32x81x128xi32, #tpu.memory_space<hbm>> -> memref<1x81x128xi32, #tpu.memory_space<hbm>>
      %dma_start3A_56 = tpu.memref_squeeze %dma_start3A_55 : memref<1x81x128xi32, #tpu.memory_space<hbm>> -> memref<81x128xi32, #tpu.memory_space<hbm>>
      tpu.enqueue_dma source(%dma_start3A_56 : memref<81x128xi32, #tpu.memory_space<hbm>>) target(%arg11 : memref<81x128xi32, #tpu.memory_space<vmem>>) target_semaphore(%run_scoped3A : memref<!tpu.dma_semaphore, #tpu.memory_space<semaphore_mem>>)
      %dma_wait3A = arith.constant 0 : i32
      %dma_wait3A_57 = arith.constant 0 : i32
      %dma_wait3A_58 = tpu.memref_slice %arg4[%add3A, %dma_wait3A, %dma_wait3A_57] : memref<32x81x128xi32, #tpu.memory_space<hbm>> -> memref<1x81x128xi32, #tpu.memory_space<hbm>>
      %dma_wait3A_59 = tpu.memref_squeeze %dma_wait3A_58 : memref<1x81x128xi32, #tpu.memory_space<hbm>> -> memref<81x128xi32, #tpu.memory_space<hbm>>
      %dma_wait3A_60 = arith.constant 0 : i32
      %dma_wait3A_61 = arith.constant 0 : i32
      %dma_wait3A_62 = tpu.memref_slice %arg4[%add3A, %dma_wait3A_60, %dma_wait3A_61] : memref<32x81x128xi32, #tpu.memory_space<hbm>> -> memref<1x81x128xi32, #tpu.memory_space<hbm>>
      %dma_wait3A_63 = tpu.memref_squeeze %dma_wait3A_62 : memref<1x81x128xi32, #tpu.memory_space<hbm>> -> memref<81x128xi32, #tpu.memory_space<hbm>>
      tpu.wait_dma2 semaphore(%run_scoped3A : memref<!tpu.dma_semaphore, #tpu.memory_space<semaphore_mem>>) src(%dma_wait3A_63 : memref<81x128xi32, #tpu.memory_space<hbm>>) dst(%arg11 : memref<81x128xi32, #tpu.memory_space<vmem>>)
      tpu.yield
    }) : () -> ()
    "tpu.region"() ({
      %run_scoped3A = tpu.sem_alloc : memref<!tpu.dma_semaphore, #tpu.memory_space<semaphore_mem>>
      %dma_start3A = arith.constant 0 : i32
      %dma_start3A_50 = arith.constant 0 : i32
      %dma_start3A_51 = tpu.memref_slice %arg5[%add3A, %dma_start3A, %dma_start3A_50] : memref<32x81x128xi32, #tpu.memory_space<hbm>> -> memref<1x81x128xi32, #tpu.memory_space<hbm>>
      %dma_start3A_52 = tpu.memref_squeeze %dma_start3A_51 : memref<1x81x128xi32, #tpu.memory_space<hbm>> -> memref<81x128xi32, #tpu.memory_space<hbm>>
      %dma_start3A_53 = arith.constant 0 : i32
      %dma_start3A_54 = arith.constant 0 : i32
      %dma_start3A_55 = tpu.memref_slice %arg5[%add3A, %dma_start3A_53, %dma_start3A_54] : memref<32x81x128xi32, #tpu.memory_space<hbm>> -> memref<1x81x128xi32, #tpu.memory_space<hbm>>
      %dma_start3A_56 = tpu.memref_squeeze %dma_start3A_55 : memref<1x81x128xi32, #tpu.memory_space<hbm>> -> memref<81x128xi32, #tpu.memory_space<hbm>>
      tpu.enqueue_dma source(%dma_start3A_56 : memref<81x128xi32, #tpu.memory_space<hbm>>) target(%arg12 : memref<81x128xi32, #tpu.memory_space<vmem>>) target_semaphore(%run_scoped3A : memref<!tpu.dma_semaphore, #tpu.memory_space<semaphore_mem>>)
      %dma_wait3A = arith.constant 0 : i32
      %dma_wait3A_57 = arith.constant 0 : i32
      %dma_wait3A_58 = tpu.memref_slice %arg5[%add3A, %dma_wait3A, %dma_wait3A_57] : memref<32x81x128xi32, #tpu.memory_space<hbm>> -> memref<1x81x128xi32, #tpu.memory_space<hbm>>
      %dma_wait3A_59 = tpu.memref_squeeze %dma_wait3A_58 : memref<1x81x128xi32, #tpu.memory_space<hbm>> -> memref<81x128xi32, #tpu.memory_space<hbm>>
      %dma_wait3A_60 = arith.constant 0 : i32
      %dma_wait3A_61 = arith.constant 0 : i32
      %dma_wait3A_62 = tpu.memref_slice %arg5[%add3A, %dma_wait3A_60, %dma_wait3A_61] : memref<32x81x128xi32, #tpu.memory_space<hbm>> -> memref<1x81x128xi32, #tpu.memory_space<hbm>>
      %dma_wait3A_63 = tpu.memref_squeeze %dma_wait3A_62 : memref<1x81x128xi32, #tpu.memory_space<hbm>> -> memref<81x128xi32, #tpu.memory_space<hbm>>
      tpu.wait_dma2 semaphore(%run_scoped3A : memref<!tpu.dma_semaphore, #tpu.memory_space<semaphore_mem>>) src(%dma_wait3A_63 : memref<81x128xi32, #tpu.memory_space<hbm>>) dst(%arg12 : memref<81x128xi32, #tpu.memory_space<vmem>>)
      tpu.yield
    }) : () -> ()
    %broadcast_in_dim3A = arith.constant 0.000000e+00 : f32
    %broadcast_in_dim3A_1 = vector.broadcast %broadcast_in_dim3A : f32 to vector<16xf32>
    %scan3A = arith.constant 0 : i32
    %scan3A_2 = arith.constant 0 : i32
    %scan3A_3 = arith.constant 80 : i32
    %scan3A_4 = arith.addi %scan3A_2, %scan3A_3 : i32
    %scan3A_5 = arith.constant 1 : i32
    scf.for %scan3A_50 = %scan3A_2 to %scan3A_4 step %scan3A_5  : i32 {
      %swap3A_51 = arith.index_cast %scan3A_50 : i32 to index
      %swap3A_52 = arith.constant 0 : index
      %swap3A_53 = tpu.vector_load %arg14[%swap3A_51, %swap3A_52] {strides = array<i32>} : memref<80x128xf32, #tpu.memory_space<vmem>>, vector<16xf32>,
      tpu.vector_store %arg14[%swap3A_51, %swap3A_52], %broadcast_in_dim3A_1 {strides = array<i32>} : memref<80x128xf32, #tpu.memory_space<vmem>>, vector<16xf32>,
      %swap3A_54 = arith.index_cast %scan3A_50 : i32 to index
      %swap3A_55 = arith.constant 16 : index
      %swap3A_56 = tpu.vector_load %arg14[%swap3A_54, %swap3A_55] {strides = array<i32>} : memref<80x128xf32, #tpu.memory_space<vmem>>, vector<16xf32>,
      tpu.vector_store %arg14[%swap3A_54, %swap3A_55], %broadcast_in_dim3A_1 {strides = array<i32>} : memref<80x128xf32, #tpu.memory_space<vmem>>, vector<16xf32>,
      %swap3A_57 = arith.index_cast %scan3A_50 : i32 to index
      %swap3A_58 = arith.constant 32 : index
      %swap3A_59 = tpu.vector_load %arg14[%swap3A_57, %swap3A_58] {strides = array<i32>} : memref<80x128xf32, #tpu.memory_space<vmem>>, vector<16xf32>,
      tpu.vector_store %arg14[%swap3A_57, %swap3A_58], %broadcast_in_dim3A_1 {strides = array<i32>} : memref<80x128xf32, #tpu.memory_space<vmem>>, vector<16xf32>,
      %swap3A_60 = arith.index_cast %scan3A_50 : i32 to index
      %swap3A_61 = arith.constant 48 : index
      %swap3A_62 = tpu.vector_load %arg14[%swap3A_60, %swap3A_61] {strides = array<i32>} : memref<80x128xf32, #tpu.memory_space<vmem>>, vector<16xf32>,
      tpu.vector_store %arg14[%swap3A_60, %swap3A_61], %broadcast_in_dim3A_1 {strides = array<i32>} : memref<80x128xf32, #tpu.memory_space<vmem>>, vector<16xf32>,
      %swap3A_63 = arith.index_cast %scan3A_50 : i32 to index
      %swap3A_64 = arith.constant 64 : index
      %swap3A_65 = tpu.vector_load %arg14[%swap3A_63, %swap3A_64] {strides = array<i32>} : memref<80x128xf32, #tpu.memory_space<vmem>>, vector<16xf32>,
      tpu.vector_store %arg14[%swap3A_63, %swap3A_64], %broadcast_in_dim3A_1 {strides = array<i32>} : memref<80x128xf32, #tpu.memory_space<vmem>>, vector<16xf32>,
      %swap3A_66 = arith.index_cast %scan3A_50 : i32 to index
      %swap3A_67 = arith.constant 80 : index
      %swap3A_68 = tpu.vector_load %arg14[%swap3A_66, %swap3A_67] {strides = array<i32>} : memref<80x128xf32, #tpu.memory_space<vmem>>, vector<16xf32>,
      tpu.vector_store %arg14[%swap3A_66, %swap3A_67], %broadcast_in_dim3A_1 {strides = array<i32>} : memref<80x128xf32, #tpu.memory_space<vmem>>, vector<16xf32>,
      %swap3A_69 = arith.index_cast %scan3A_50 : i32 to index
      %swap3A_70 = arith.constant 96 : index
      %swap3A_71 = tpu.vector_load %arg14[%swap3A_69, %swap3A_70] {strides = array<i32>} : memref<80x128xf32, #tpu.memory_space<vmem>>, vector<16xf32>,
      tpu.vector_store %arg14[%swap3A_69, %swap3A_70], %broadcast_in_dim3A_1 {strides = array<i32>} : memref<80x128xf32, #tpu.memory_space<vmem>>, vector<16xf32>,
      %swap3A_72 = arith.index_cast %scan3A_50 : i32 to index
      %swap3A_73 = arith.constant 112 : index
      %swap3A_74 = tpu.vector_load %arg14[%swap3A_72, %swap3A_73] {strides = array<i32>} : memref<80x128xf32, #tpu.memory_space<vmem>>, vector<16xf32>,
      tpu.vector_store %arg14[%swap3A_72, %swap3A_73], %broadcast_in_dim3A_1 {strides = array<i32>} : memref<80x128xf32, #tpu.memory_space<vmem>>, vector<16xf32>,
    }
    %scan3A_6 = arith.constant 80 : i32
    %iota3A = tpu.iota {dimensions = array<i32: 0>} : vector<16xi32>
    %add3A_7 = arith.constant 0 : i32
    %add3A_8 = vector.broadcast %add3A_7 : i32 to vector<16xi32>
    %add3A_9 = arith.addi %iota3A, %add3A_8 : vector<16xi32>
    %swap3A = arith.constant 0 : index
    %swap3A_10 = tpu.vector_load %arg16[%swap3A] {strides = array<i32>} : memref<80xi32, #tpu.memory_space<vmem>>, vector<16xi32>,
    tpu.vector_store %arg16[%swap3A], %add3A_9 {strides = array<i32>} : memref<80xi32, #tpu.memory_space<vmem>>, vector<16xi32>,
    %iota3A_11 = tpu.iota {dimensions = array<i32: 0>} : vector<16xi32>
    %add3A_12 = arith.constant 16 : i32
    %add3A_13 = vector.broadcast %add3A_12 : i32 to vector<16xi32>
    %add3A_14 = arith.addi %iota3A_11, %add3A_13 : vector<16xi32>
    %swap3A_15 = arith.constant 16 : index
    %swap3A_16 = tpu.vector_load %arg16[%swap3A_15] {strides = array<i32>} : memref<80xi32, #tpu.memory_space<vmem>>, vector<16xi32>,
    tpu.vector_store %arg16[%swap3A_15], %add3A_14 {strides = array<i32>} : memref<80xi32, #tpu.memory_space<vmem>>, vector<16xi32>,
    %iota3A_17 = tpu.iota {dimensions = array<i32: 0>} : vector<16xi32>
    %add3A_18 = arith.constant 32 : i32
    %add3A_19 = vector.broadcast %add3A_18 : i32 to vector<16xi32>
    %add3A_20 = arith.addi %iota3A_17, %add3A_19 : vector<16xi32>
    %swap3A_21 = arith.constant 32 : index
    %swap3A_22 = tpu.vector_load %arg16[%swap3A_21] {strides = array<i32>} : memref<80xi32, #tpu.memory_space<vmem>>, vector<16xi32>,
    tpu.vector_store %arg16[%swap3A_21], %add3A_20 {strides = array<i32>} : memref<80xi32, #tpu.memory_space<vmem>>, vector<16xi32>,
    %iota3A_23 = tpu.iota {dimensions = array<i32: 0>} : vector<16xi32>
    %add3A_24 = arith.constant 48 : i32
    %add3A_25 = vector.broadcast %add3A_24 : i32 to vector<16xi32>
    %add3A_26 = arith.addi %iota3A_23, %add3A_25 : vector<16xi32>
    %swap3A_27 = arith.constant 48 : index
    %swap3A_28 = tpu.vector_load %arg16[%swap3A_27] {strides = array<i32>} : memref<80xi32, #tpu.memory_space<vmem>>, vector<16xi32>,
    tpu.vector_store %arg16[%swap3A_27], %add3A_26 {strides = array<i32>} : memref<80xi32, #tpu.memory_space<vmem>>, vector<16xi32>,
    %iota3A_29 = tpu.iota {dimensions = array<i32: 0>} : vector<16xi32>
    %add3A_30 = arith.constant 64 : i32
    %add3A_31 = vector.broadcast %add3A_30 : i32 to vector<16xi32>
    %add3A_32 = arith.addi %iota3A_29, %add3A_31 : vector<16xi32>
    %swap3A_33 = arith.constant 64 : index
    %swap3A_34 = tpu.vector_load %arg16[%swap3A_33] {strides = array<i32>} : memref<80xi32, #tpu.memory_space<vmem>>, vector<16xi32>,
    tpu.vector_store %arg16[%swap3A_33], %add3A_32 {strides = array<i32>} : memref<80xi32, #tpu.memory_space<vmem>>, vector<16xi32>,
    %eq3A = arith.constant 0 : i32
    %eq3A_35 = arith.cmpi eq, %arg1, %eq3A : i32
    %convert_element_type3A = arith.extui %eq3A_35 : i1 to i32
    %cond3A = arith.constant 0 : i32
    %cond3A_36 = arith.cmpi ne, %convert_element_type3A, %cond3A : i32
    scf.if %cond3A_36 {
      "tpu.region"() ({
        %run_scoped3A = tpu.sem_alloc : memref<!tpu.dma_semaphore, #tpu.memory_space<semaphore_mem>>
        tpu.enqueue_dma source(%arg14 : memref<80x128xf32, #tpu.memory_space<vmem>>) target(%arg17 : memref<80x128xf32, #tpu.memory_space<vmem_shared>>) target_semaphore(%run_scoped3A : memref<!tpu.dma_semaphore, #tpu.memory_space<semaphore_mem>>)
        tpu.wait_dma2 semaphore(%run_scoped3A : memref<!tpu.dma_semaphore, #tpu.memory_space<semaphore_mem>>) src(%arg14 : memref<80x128xf32, #tpu.memory_space<vmem>>) dst(%arg17 : memref<80x128xf32, #tpu.memory_space<vmem_shared>>)
        tpu.yield
      }) : () -> ()
    } else {
    }
    %barrier3A = arith.constant 0 : index
    tpu.barrier barrier_id(%barrier3A)
    %get3A = arith.constant 0 : index
    %get3A_37 = tpu.vector_load %arg15[%get3A] {strides = array<i32>} : memref<16xf32, #tpu.memory_space<vmem>>, vector<16xf32>,
    %scan3A_38 = arith.constant 0 : i32
    %scan3A_39 = arith.constant 0 : i32
    %scan3A_40 = arith.constant 81 : i32
    %scan3A_41 = arith.addi %scan3A_39, %scan3A_40 : i32
    %scan3A_42 = arith.constant 1 : i32
    scf.for %scan3A_50 = %scan3A_39 to %scan3A_41 step %scan3A_42  : i32 {
      %get3A_51 = arith.index_cast %scan3A_50 : i32 to index
      %get3A_52 = arith.constant 0 : index
      %get3A_53 = tpu.vector_load %arg11[%get3A_51, %get3A_52] {strides = array<i32>} : memref<81x128xi32, #tpu.memory_space<vmem>>, vector<16xi32>,
      %get3A_54 = arith.index_cast %scan3A_50 : i32 to index
      %get3A_55 = arith.constant 0 : index
      %get3A_56 = tpu.vector_load %arg12[%get3A_54, %get3A_55] {strides = array<i32>} : memref<81x128xi32, #tpu.memory_space<vmem>>, vector<16xi32>,
      %gather3A = tpu.vector_load_idx %arg9[%get3A_53] : memref<10240xf32, #tpu.memory_space<vmem>>[vector<16xi32>], vector<16xf32>,
      %gather3A_57 = tpu.vector_load_idx %arg10[%get3A_56] : memref<10240xf32, #tpu.memory_space<vmem>>[vector<16xi32>], vector<16xf32>,
      %add3A_58 = arith.addf %gather3A, %gather3A_57 : vector<16xf32>
      %ge3A = arith.constant 0.000000e+00 : f32
      %ge3A_59 = vector.broadcast %ge3A : f32 to vector<16xf32>
      %ge3A_60 = arith.cmpf oge, %add3A_58, %ge3A_59 : vector<16xf32>
      %mul3A_61 = arith.constant 2.000000e-01 : f32
      %mul3A_62 = vector.broadcast %mul3A_61 : f32 to vector<16xf32>
      %mul3A_63 = arith.mulf %mul3A_62, %add3A_58 : vector<16xf32>
      %select_n3A = arith.select %ge3A_60, %add3A_58, %mul3A_63 : vector<16xi1>, vector<16xf32>
      %sub3A = arith.subf %select_n3A, %get3A_37 : vector<16xf32>
      %exp3A = math.exp %sub3A : vector<16xf32>
      %swap3A_64 = arith.index_cast %scan3A_50 : i32 to index
      %swap3A_65 = arith.constant 0 : index
      %swap3A_66 = tpu.vector_load %arg13[%swap3A_64, %swap3A_65] {strides = array<i32>} : memref<81x128xf32, #tpu.memory_space<vmem>>, vector<16xf32>,
      tpu.vector_store %arg13[%swap3A_64, %swap3A_65], %exp3A {strides = array<i32>} : memref<81x128xf32, #tpu.memory_space<vmem>>, vector<16xf32>,
      %shift_right_logical3A = arith.constant 7 : i32
      %shift_right_logical3A_67 = vector.broadcast %shift_right_logical3A : i32 to vector<16xi32>
      %shift_right_logical3A_68 = arith.shrui %get3A_56, %shift_right_logical3A_67 : vector<16xi32>
      %and3A = arith.constant 127 : i32
      %and3A_69 = vector.broadcast %and3A : i32 to vector<16xi32>
      %and3A_70 = arith.andi %get3A_56, %and3A_69 : vector<16xi32>
      tpu.vector_store_idx %arg14[%shift_right_logical3A_68, %and3A_70], %exp3A {add = true} : memref<80x128xf32, #tpu.memory_space<vmem>>[vector<16xi32>, vector<16xi32>], vector<16xf32>,
      %get3A_71 = arith.index_cast %scan3A_50 : i32 to index
      %get3A_72 = arith.constant 16 : index
      %get3A_73 = tpu.vector_load %arg11[%get3A_71, %get3A_72] {strides = array<i32>} : memref<81x128xi32, #tpu.memory_space<vmem>>, vector<16xi32>,
      %get3A_74 = arith.index_cast %scan3A_50 : i32 to index
      %get3A_75 = arith.constant 16 : index
      %get3A_76 = tpu.vector_load %arg12[%get3A_74, %get3A_75] {strides = array<i32>} : memref<81x128xi32, #tpu.memory_space<vmem>>, vector<16xi32>,
      %gather3A_77 = tpu.vector_load_idx %arg9[%get3A_73] : memref<10240xf32, #tpu.memory_space<vmem>>[vector<16xi32>], vector<16xf32>,
      %gather3A_78 = tpu.vector_load_idx %arg10[%get3A_76] : memref<10240xf32, #tpu.memory_space<vmem>>[vector<16xi32>], vector<16xf32>,
      %add3A_79 = arith.addf %gather3A_77, %gather3A_78 : vector<16xf32>
      %ge3A_80 = arith.constant 0.000000e+00 : f32
      %ge3A_81 = vector.broadcast %ge3A_80 : f32 to vector<16xf32>
      %ge3A_82 = arith.cmpf oge, %add3A_79, %ge3A_81 : vector<16xf32>
      %mul3A_83 = arith.constant 2.000000e-01 : f32
      %mul3A_84 = vector.broadcast %mul3A_83 : f32 to vector<16xf32>
      %mul3A_85 = arith.mulf %mul3A_84, %add3A_79 : vector<16xf32>
      %select_n3A_86 = arith.select %ge3A_82, %add3A_79, %mul3A_85 : vector<16xi1>, vector<16xf32>
      %sub3A_87 = arith.subf %select_n3A_86, %get3A_37 : vector<16xf32>
      %exp3A_88 = math.exp %sub3A_87 : vector<16xf32>
      %swap3A_89 = arith.index_cast %scan3A_50 : i32 to index
      %swap3A_90 = arith.constant 16 : index
      %swap3A_91 = tpu.vector_load %arg13[%swap3A_89, %swap3A_90] {strides = array<i32>} : memref<81x128xf32, #tpu.memory_space<vmem>>, vector<16xf32>,
      tpu.vector_store %arg13[%swap3A_89, %swap3A_90], %exp3A_88 {strides = array<i32>} : memref<81x128xf32, #tpu.memory_space<vmem>>, vector<16xf32>,
      %shift_right_logical3A_92 = arith.constant 7 : i32
      %shift_right_logical3A_93 = vector.broadcast %shift_right_logical3A_92 : i32 to vector<16xi32>
      %shift_right_logical3A_94 = arith.shrui %get3A_76, %shift_right_logical3A_93 : vector<16xi32>
      %and3A_95 = arith.constant 127 : i32
      %and3A_96 = vector.broadcast %and3A_95 : i32 to vector<16xi32>
      %and3A_97 = arith.andi %get3A_76, %and3A_96 : vector<16xi32>
      tpu.vector_store_idx %arg14[%shift_right_logical3A_94, %and3A_97], %exp3A_88 {add = true} : memref<80x128xf32, #tpu.memory_space<vmem>>[vector<16xi32>, vector<16xi32>], vector<16xf32>,
      %get3A_98 = arith.index_cast %scan3A_50 : i32 to index
      %get3A_99 = arith.constant 32 : index
      %get3A_100 = tpu.vector_load %arg11[%get3A_98, %get3A_99] {strides = array<i32>} : memref<81x128xi32, #tpu.memory_space<vmem>>, vector<16xi32>,
      %get3A_101 = arith.index_cast %scan3A_50 : i32 to index
      %get3A_102 = arith.constant 32 : index
      %get3A_103 = tpu.vector_load %arg12[%get3A_101, %get3A_102] {strides = array<i32>} : memref<81x128xi32, #tpu.memory_space<vmem>>, vector<16xi32>,
      %gather3A_104 = tpu.vector_load_idx %arg9[%get3A_100] : memref<10240xf32, #tpu.memory_space<vmem>>[vector<16xi32>], vector<16xf32>,
      %gather3A_105 = tpu.vector_load_idx %arg10[%get3A_103] : memref<10240xf32, #tpu.memory_space<vmem>>[vector<16xi32>], vector<16xf32>,
      %add3A_106 = arith.addf %gather3A_104, %gather3A_105 : vector<16xf32>
      %ge3A_107 = arith.constant 0.000000e+00 : f32
      %ge3A_108 = vector.broadcast %ge3A_107 : f32 to vector<16xf32>
      %ge3A_109 = arith.cmpf oge, %add3A_106, %ge3A_108 : vector<16xf32>
      %mul3A_110 = arith.constant 2.000000e-01 : f32
      %mul3A_111 = vector.broadcast %mul3A_110 : f32 to vector<16xf32>
      %mul3A_112 = arith.mulf %mul3A_111, %add3A_106 : vector<16xf32>
      %select_n3A_113 = arith.select %ge3A_109, %add3A_106, %mul3A_112 : vector<16xi1>, vector<16xf32>
      %sub3A_114 = arith.subf %select_n3A_113, %get3A_37 : vector<16xf32>
      %exp3A_115 = math.exp %sub3A_114 : vector<16xf32>
      %swap3A_116 = arith.index_cast %scan3A_50 : i32 to index
      %swap3A_117 = arith.constant 32 : index
      %swap3A_118 = tpu.vector_load %arg13[%swap3A_116, %swap3A_117] {strides = array<i32>} : memref<81x128xf32, #tpu.memory_space<vmem>>, vector<16xf32>,
      tpu.vector_store %arg13[%swap3A_116, %swap3A_117], %exp3A_115 {strides = array<i32>} : memref<81x128xf32, #tpu.memory_space<vmem>>, vector<16xf32>,
      %shift_right_logical3A_119 = arith.constant 7 : i32
      %shift_right_logical3A_120 = vector.broadcast %shift_right_logical3A_119 : i32 to vector<16xi32>
      %shift_right_logical3A_121 = arith.shrui %get3A_103, %shift_right_logical3A_120 : vector<16xi32>
      %and3A_122 = arith.constant 127 : i32
      %and3A_123 = vector.broadcast %and3A_122 : i32 to vector<16xi32>
      %and3A_124 = arith.andi %get3A_103, %and3A_123 : vector<16xi32>
      tpu.vector_store_idx %arg14[%shift_right_logical3A_121, %and3A_124], %exp3A_115 {add = true} : memref<80x128xf32, #tpu.memory_space<vmem>>[vector<16xi32>, vector<16xi32>], vector<16xf32>,
      %get3A_125 = arith.index_cast %scan3A_50 : i32 to index
      %get3A_126 = arith.constant 48 : index
      %get3A_127 = tpu.vector_load %arg11[%get3A_125, %get3A_126] {strides = array<i32>} : memref<81x128xi32, #tpu.memory_space<vmem>>, vector<16xi32>,
      %get3A_128 = arith.index_cast %scan3A_50 : i32 to index
      %get3A_129 = arith.constant 48 : index
      %get3A_130 = tpu.vector_load %arg12[%get3A_128, %get3A_129] {strides = array<i32>} : memref<81x128xi32, #tpu.memory_space<vmem>>, vector<16xi32>,
      %gather3A_131 = tpu.vector_load_idx %arg9[%get3A_127] : memref<10240xf32, #tpu.memory_space<vmem>>[vector<16xi32>], vector<16xf32>,
      %gather3A_132 = tpu.vector_load_idx %arg10[%get3A_130] : memref<10240xf32, #tpu.memory_space<vmem>>[vector<16xi32>], vector<16xf32>,
      %add3A_133 = arith.addf %gather3A_131, %gather3A_132 : vector<16xf32>
      %ge3A_134 = arith.constant 0.000000e+00 : f32
      %ge3A_135 = vector.broadcast %ge3A_134 : f32 to vector<16xf32>
      %ge3A_136 = arith.cmpf oge, %add3A_133, %ge3A_135 : vector<16xf32>
      %mul3A_137 = arith.constant 2.000000e-01 : f32
      %mul3A_138 = vector.broadcast %mul3A_137 : f32 to vector<16xf32>
      %mul3A_139 = arith.mulf %mul3A_138, %add3A_133 : vector<16xf32>
      %select_n3A_140 = arith.select %ge3A_136, %add3A_133, %mul3A_139 : vector<16xi1>, vector<16xf32>
      %sub3A_141 = arith.subf %select_n3A_140, %get3A_37 : vector<16xf32>
      %exp3A_142 = math.exp %sub3A_141 : vector<16xf32>
      %swap3A_143 = arith.index_cast %scan3A_50 : i32 to index
      %swap3A_144 = arith.constant 48 : index
      %swap3A_145 = tpu.vector_load %arg13[%swap3A_143, %swap3A_144] {strides = array<i32>} : memref<81x128xf32, #tpu.memory_space<vmem>>, vector<16xf32>,
      tpu.vector_store %arg13[%swap3A_143, %swap3A_144], %exp3A_142 {strides = array<i32>} : memref<81x128xf32, #tpu.memory_space<vmem>>, vector<16xf32>,
      %shift_right_logical3A_146 = arith.constant 7 : i32
      %shift_right_logical3A_147 = vector.broadcast %shift_right_logical3A_146 : i32 to vector<16xi32>
      %shift_right_logical3A_148 = arith.shrui %get3A_130, %shift_right_logical3A_147 : vector<16xi32>
      %and3A_149 = arith.constant 127 : i32
      %and3A_150 = vector.broadcast %and3A_149 : i32 to vector<16xi32>
      %and3A_151 = arith.andi %get3A_130, %and3A_150 : vector<16xi32>
      tpu.vector_store_idx %arg14[%shift_right_logical3A_148, %and3A_151], %exp3A_142 {add = true} : memref<80x128xf32, #tpu.memory_space<vmem>>[vector<16xi32>, vector<16xi32>], vector<16xf32>,
      %get3A_152 = arith.index_cast %scan3A_50 : i32 to index
      %get3A_153 = arith.constant 64 : index
      %get3A_154 = tpu.vector_load %arg11[%get3A_152, %get3A_153] {strides = array<i32>} : memref<81x128xi32, #tpu.memory_space<vmem>>, vector<16xi32>,
      %get3A_155 = arith.index_cast %scan3A_50 : i32 to index
      %get3A_156 = arith.constant 64 : index
      %get3A_157 = tpu.vector_load %arg12[%get3A_155, %get3A_156] {strides = array<i32>} : memref<81x128xi32, #tpu.memory_space<vmem>>, vector<16xi32>,
      %gather3A_158 = tpu.vector_load_idx %arg9[%get3A_154] : memref<10240xf32, #tpu.memory_space<vmem>>[vector<16xi32>], vector<16xf32>,
      %gather3A_159 = tpu.vector_load_idx %arg10[%get3A_157] : memref<10240xf32, #tpu.memory_space<vmem>>[vector<16xi32>], vector<16xf32>,
      %add3A_160 = arith.addf %gather3A_158, %gather3A_159 : vector<16xf32>
      %ge3A_161 = arith.constant 0.000000e+00 : f32
      %ge3A_162 = vector.broadcast %ge3A_161 : f32 to vector<16xf32>
      %ge3A_163 = arith.cmpf oge, %add3A_160, %ge3A_162 : vector<16xf32>
      %mul3A_164 = arith.constant 2.000000e-01 : f32
      %mul3A_165 = vector.broadcast %mul3A_164 : f32 to vector<16xf32>
      %mul3A_166 = arith.mulf %mul3A_165, %add3A_160 : vector<16xf32>
      %select_n3A_167 = arith.select %ge3A_163, %add3A_160, %mul3A_166 : vector<16xi1>, vector<16xf32>
      %sub3A_168 = arith.subf %select_n3A_167, %get3A_37 : vector<16xf32>
      %exp3A_169 = math.exp %sub3A_168 : vector<16xf32>
      %swap3A_170 = arith.index_cast %scan3A_50 : i32 to index
      %swap3A_171 = arith.constant 64 : index
      %swap3A_172 = tpu.vector_load %arg13[%swap3A_170, %swap3A_171] {strides = array<i32>} : memref<81x128xf32, #tpu.memory_space<vmem>>, vector<16xf32>,
      tpu.vector_store %arg13[%swap3A_170, %swap3A_171], %exp3A_169 {strides = array<i32>} : memref<81x128xf32, #tpu.memory_space<vmem>>, vector<16xf32>,
      %shift_right_logical3A_173 = arith.constant 7 : i32
      %shift_right_logical3A_174 = vector.broadcast %shift_right_logical3A_173 : i32 to vector<16xi32>
      %shift_right_logical3A_175 = arith.shrui %get3A_157, %shift_right_logical3A_174 : vector<16xi32>
      %and3A_176 = arith.constant 127 : i32
      %and3A_177 = vector.broadcast %and3A_176 : i32 to vector<16xi32>
      %and3A_178 = arith.andi %get3A_157, %and3A_177 : vector<16xi32>
      tpu.vector_store_idx %arg14[%shift_right_logical3A_175, %and3A_178], %exp3A_169 {add = true} : memref<80x128xf32, #tpu.memory_space<vmem>>[vector<16xi32>, vector<16xi32>], vector<16xf32>,
      %get3A_179 = arith.index_cast %scan3A_50 : i32 to index
      %get3A_180 = arith.constant 80 : index
      %get3A_181 = tpu.vector_load %arg11[%get3A_179, %get3A_180] {strides = array<i32>} : memref<81x128xi32, #tpu.memory_space<vmem>>, vector<16xi32>,
      %get3A_182 = arith.index_cast %scan3A_50 : i32 to index
      %get3A_183 = arith.constant 80 : index
      %get3A_184 = tpu.vector_load %arg12[%get3A_182, %get3A_183] {strides = array<i32>} : memref<81x128xi32, #tpu.memory_space<vmem>>, vector<16xi32>,
      %gather3A_185 = tpu.vector_load_idx %arg9[%get3A_181] : memref<10240xf32, #tpu.memory_space<vmem>>[vector<16xi32>], vector<16xf32>,
      %gather3A_186 = tpu.vector_load_idx %arg10[%get3A_184] : memref<10240xf32, #tpu.memory_space<vmem>>[vector<16xi32>], vector<16xf32>,
      %add3A_187 = arith.addf %gather3A_185, %gather3A_186 : vector<16xf32>
      %ge3A_188 = arith.constant 0.000000e+00 : f32
      %ge3A_189 = vector.broadcast %ge3A_188 : f32 to vector<16xf32>
      %ge3A_190 = arith.cmpf oge, %add3A_187, %ge3A_189 : vector<16xf32>
      %mul3A_191 = arith.constant 2.000000e-01 : f32
      %mul3A_192 = vector.broadcast %mul3A_191 : f32 to vector<16xf32>
      %mul3A_193 = arith.mulf %mul3A_192, %add3A_187 : vector<16xf32>
      %select_n3A_194 = arith.select %ge3A_190, %add3A_187, %mul3A_193 : vector<16xi1>, vector<16xf32>
      %sub3A_195 = arith.subf %select_n3A_194, %get3A_37 : vector<16xf32>
      %exp3A_196 = math.exp %sub3A_195 : vector<16xf32>
      %swap3A_197 = arith.index_cast %scan3A_50 : i32 to index
      %swap3A_198 = arith.constant 80 : index
      %swap3A_199 = tpu.vector_load %arg13[%swap3A_197, %swap3A_198] {strides = array<i32>} : memref<81x128xf32, #tpu.memory_space<vmem>>, vector<16xf32>,
      tpu.vector_store %arg13[%swap3A_197, %swap3A_198], %exp3A_196 {strides = array<i32>} : memref<81x128xf32, #tpu.memory_space<vmem>>, vector<16xf32>,
      %shift_right_logical3A_200 = arith.constant 7 : i32
      %shift_right_logical3A_201 = vector.broadcast %shift_right_logical3A_200 : i32 to vector<16xi32>
      %shift_right_logical3A_202 = arith.shrui %get3A_184, %shift_right_logical3A_201 : vector<16xi32>
      %and3A_203 = arith.constant 127 : i32
      %and3A_204 = vector.broadcast %and3A_203 : i32 to vector<16xi32>
      %and3A_205 = arith.andi %get3A_184, %and3A_204 : vector<16xi32>
      tpu.vector_store_idx %arg14[%shift_right_logical3A_202, %and3A_205], %exp3A_196 {add = true} : memref<80x128xf32, #tpu.memory_space<vmem>>[vector<16xi32>, vector<16xi32>], vector<16xf32>,
      %get3A_206 = arith.index_cast %scan3A_50 : i32 to index
      %get3A_207 = arith.constant 96 : index
      %get3A_208 = tpu.vector_load %arg11[%get3A_206, %get3A_207] {strides = array<i32>} : memref<81x128xi32, #tpu.memory_space<vmem>>, vector<16xi32>,
      %get3A_209 = arith.index_cast %scan3A_50 : i32 to index
      %get3A_210 = arith.constant 96 : index
      %get3A_211 = tpu.vector_load %arg12[%get3A_209, %get3A_210] {strides = array<i32>} : memref<81x128xi32, #tpu.memory_space<vmem>>, vector<16xi32>,
      %gather3A_212 = tpu.vector_load_idx %arg9[%get3A_208] : memref<10240xf32, #tpu.memory_space<vmem>>[vector<16xi32>], vector<16xf32>,
      %gather3A_213 = tpu.vector_load_idx %arg10[%get3A_211] : memref<10240xf32, #tpu.memory_space<vmem>>[vector<16xi32>], vector<16xf32>,
      %add3A_214 = arith.addf %gather3A_212, %gather3A_213 : vector<16xf32>
      %ge3A_215 = arith.constant 0.000000e+00 : f32
      %ge3A_216 = vector.broadcast %ge3A_215 : f32 to vector<16xf32>
      %ge3A_217 = arith.cmpf oge, %add3A_214, %ge3A_216 : vector<16xf32>
      %mul3A_218 = arith.constant 2.000000e-01 : f32
      %mul3A_219 = vector.broadcast %mul3A_218 : f32 to vector<16xf32>
      %mul3A_220 = arith.mulf %mul3A_219, %add3A_214 : vector<16xf32>
      %select_n3A_221 = arith.select %ge3A_217, %add3A_214, %mul3A_220 : vector<16xi1>, vector<16xf32>
      %sub3A_222 = arith.subf %select_n3A_221, %get3A_37 : vector<16xf32>
      %exp3A_223 = math.exp %sub3A_222 : vector<16xf32>
      %swap3A_224 = arith.index_cast %scan3A_50 : i32 to index
      %swap3A_225 = arith.constant 96 : index
      %swap3A_226 = tpu.vector_load %arg13[%swap3A_224, %swap3A_225] {strides = array<i32>} : memref<81x128xf32, #tpu.memory_space<vmem>>, vector<16xf32>,
      tpu.vector_store %arg13[%swap3A_224, %swap3A_225], %exp3A_223 {strides = array<i32>} : memref<81x128xf32, #tpu.memory_space<vmem>>, vector<16xf32>,
      %shift_right_logical3A_227 = arith.constant 7 : i32
      %shift_right_logical3A_228 = vector.broadcast %shift_right_logical3A_227 : i32 to vector<16xi32>
      %shift_right_logical3A_229 = arith.shrui %get3A_211, %shift_right_logical3A_228 : vector<16xi32>
      %and3A_230 = arith.constant 127 : i32
      %and3A_231 = vector.broadcast %and3A_230 : i32 to vector<16xi32>
      %and3A_232 = arith.andi %get3A_211, %and3A_231 : vector<16xi32>
      tpu.vector_store_idx %arg14[%shift_right_logical3A_229, %and3A_232], %exp3A_223 {add = true} : memref<80x128xf32, #tpu.memory_space<vmem>>[vector<16xi32>, vector<16xi32>], vector<16xf32>,
      %get3A_233 = arith.index_cast %scan3A_50 : i32 to index
      %get3A_234 = arith.constant 112 : index
      %get3A_235 = tpu.vector_load %arg11[%get3A_233, %get3A_234] {strides = array<i32>} : memref<81x128xi32, #tpu.memory_space<vmem>>, vector<16xi32>,
      %get3A_236 = arith.index_cast %scan3A_50 : i32 to index
      %get3A_237 = arith.constant 112 : index
      %get3A_238 = tpu.vector_load %arg12[%get3A_236, %get3A_237] {strides = array<i32>} : memref<81x128xi32, #tpu.memory_space<vmem>>, vector<16xi32>,
      %gather3A_239 = tpu.vector_load_idx %arg9[%get3A_235] : memref<10240xf32, #tpu.memory_space<vmem>>[vector<16xi32>], vector<16xf32>,
      %gather3A_240 = tpu.vector_load_idx %arg10[%get3A_238] : memref<10240xf32, #tpu.memory_space<vmem>>[vector<16xi32>], vector<16xf32>,
      %add3A_241 = arith.addf %gather3A_239, %gather3A_240 : vector<16xf32>
      %ge3A_242 = arith.constant 0.000000e+00 : f32
      %ge3A_243 = vector.broadcast %ge3A_242 : f32 to vector<16xf32>
      %ge3A_244 = arith.cmpf oge, %add3A_241, %ge3A_243 : vector<16xf32>
      %mul3A_245 = arith.constant 2.000000e-01 : f32
      %mul3A_246 = vector.broadcast %mul3A_245 : f32 to vector<16xf32>
      %mul3A_247 = arith.mulf %mul3A_246, %add3A_241 : vector<16xf32>
      %select_n3A_248 = arith.select %ge3A_244, %add3A_241, %mul3A_247 : vector<16xi1>, vector<16xf32>
      %sub3A_249 = arith.subf %select_n3A_248, %get3A_37 : vector<16xf32>
      %exp3A_250 = math.exp %sub3A_249 : vector<16xf32>
      %swap3A_251 = arith.index_cast %scan3A_50 : i32 to index
      %swap3A_252 = arith.constant 112 : index
      %swap3A_253 = tpu.vector_load %arg13[%swap3A_251, %swap3A_252] {strides = array<i32>} : memref<81x128xf32, #tpu.memory_space<vmem>>, vector<16xf32>,
      tpu.vector_store %arg13[%swap3A_251, %swap3A_252], %exp3A_250 {strides = array<i32>} : memref<81x128xf32, #tpu.memory_space<vmem>>, vector<16xf32>,
      %shift_right_logical3A_254 = arith.constant 7 : i32
      %shift_right_logical3A_255 = vector.broadcast %shift_right_logical3A_254 : i32 to vector<16xi32>
      %shift_right_logical3A_256 = arith.shrui %get3A_238, %shift_right_logical3A_255 : vector<16xi32>
      %and3A_257 = arith.constant 127 : i32
      %and3A_258 = vector.broadcast %and3A_257 : i32 to vector<16xi32>
      %and3A_259 = arith.andi %get3A_238, %and3A_258 : vector<16xi32>
      tpu.vector_store_idx %arg14[%shift_right_logical3A_256, %and3A_259], %exp3A_250 {add = true} : memref<80x128xf32, #tpu.memory_space<vmem>>[vector<16xi32>, vector<16xi32>], vector<16xf32>,
    }
    %scan3A_43 = arith.constant 81 : i32
    "tpu.region"() ({
      %run_scoped3A = tpu.sem_alloc : memref<!tpu.dma_semaphore, #tpu.memory_space<semaphore_mem>>
      %dma_start3A = arith.constant 0 : i32
      %dma_start3A_50 = arith.constant 0 : i32
      %dma_start3A_51 = tpu.memref_slice %arg7[%add3A, %dma_start3A, %dma_start3A_50] : memref<32x81x128xf32, #tpu.memory_space<hbm>> -> memref<1x81x128xf32, #tpu.memory_space<hbm>>
      %dma_start3A_52 = tpu.memref_squeeze %dma_start3A_51 : memref<1x81x128xf32, #tpu.memory_space<hbm>> -> memref<81x128xf32, #tpu.memory_space<hbm>>
      %dma_start3A_53 = arith.constant 0 : i32
      %dma_start3A_54 = arith.constant 0 : i32
      %dma_start3A_55 = tpu.memref_slice %arg7[%add3A, %dma_start3A_53, %dma_start3A_54] : memref<32x81x128xf32, #tpu.memory_space<hbm>> -> memref<1x81x128xf32, #tpu.memory_space<hbm>>
      %dma_start3A_56 = tpu.memref_squeeze %dma_start3A_55 : memref<1x81x128xf32, #tpu.memory_space<hbm>> -> memref<81x128xf32, #tpu.memory_space<hbm>>
      tpu.enqueue_dma source(%arg13 : memref<81x128xf32, #tpu.memory_space<vmem>>) target(%dma_start3A_56 : memref<81x128xf32, #tpu.memory_space<hbm>>) target_semaphore(%run_scoped3A : memref<!tpu.dma_semaphore, #tpu.memory_space<semaphore_mem>>)
      %dma_wait3A = arith.constant 0 : i32
      %dma_wait3A_57 = arith.constant 0 : i32
      %dma_wait3A_58 = tpu.memref_slice %arg7[%add3A, %dma_wait3A, %dma_wait3A_57] : memref<32x81x128xf32, #tpu.memory_space<hbm>> -> memref<1x81x128xf32, #tpu.memory_space<hbm>>
      %dma_wait3A_59 = tpu.memref_squeeze %dma_wait3A_58 : memref<1x81x128xf32, #tpu.memory_space<hbm>> -> memref<81x128xf32, #tpu.memory_space<hbm>>
      %dma_wait3A_60 = arith.constant 0 : i32
      %dma_wait3A_61 = arith.constant 0 : i32
      %dma_wait3A_62 = tpu.memref_slice %arg7[%add3A, %dma_wait3A_60, %dma_wait3A_61] : memref<32x81x128xf32, #tpu.memory_space<hbm>> -> memref<1x81x128xf32, #tpu.memory_space<hbm>>
      %dma_wait3A_63 = tpu.memref_squeeze %dma_wait3A_62 : memref<1x81x128xf32, #tpu.memory_space<hbm>> -> memref<81x128xf32, #tpu.memory_space<hbm>>
      tpu.wait_dma2 semaphore(%run_scoped3A : memref<!tpu.dma_semaphore, #tpu.memory_space<semaphore_mem>>) src(%arg13 : memref<81x128xf32, #tpu.memory_space<vmem>>) dst(%dma_wait3A_63 : memref<81x128xf32, #tpu.memory_space<hbm>>)
      tpu.yield
    }) : () -> ()
    "tpu.region"() ({
      %run_scoped3A = tpu.sem_alloc : memref<!tpu.dma_semaphore, #tpu.memory_space<semaphore_mem>>
      %dma_start3A = arith.constant 0 : i32
      %dma_start3A_50 = arith.constant 0 : i32
      %dma_start3A_51 = tpu.memref_slice %arg17[%dma_start3A, %dma_start3A_50] : memref<80x128xf32, #tpu.memory_space<vmem_shared>> -> memref<80x128xf32, #tpu.memory_space<vmem_shared>>
      tpu.enqueue_indirect_dma source(%arg14 : memref<80x128xf32, #tpu.memory_space<vmem>>) target(%dma_start3A_51 : memref<80x128xf32, #tpu.memory_space<vmem_shared>>) offsets(%arg16 : memref<80xi32, #tpu.memory_space<vmem>>) semaphore(%run_scoped3A : memref<!tpu.dma_semaphore, #tpu.memory_space<semaphore_mem>>) {add = true}
      %dma_wait3A = arith.constant 0 : i32
      %dma_wait3A_52 = arith.constant 0 : i32
      %dma_wait3A_53 = tpu.memref_slice %arg17[%dma_wait3A, %dma_wait3A_52] : memref<80x128xf32, #tpu.memory_space<vmem_shared>> -> memref<80x128xf32, #tpu.memory_space<vmem_shared>>
      tpu.wait_indirect_dma semaphore(%run_scoped3A : memref<!tpu.dma_semaphore, #tpu.memory_space<semaphore_mem>>) src(%arg14 : memref<80x128xf32, #tpu.memory_space<vmem>>) dst(%dma_wait3A_53 : memref<80x128xf32, #tpu.memory_space<vmem_shared>>)
      tpu.yield
    }) : () -> ()
    %barrier3A_44 = arith.constant 0 : index
    tpu.barrier barrier_id(%barrier3A_44)
    %eq3A_45 = arith.constant 0 : i32
    %eq3A_46 = arith.cmpi eq, %arg1, %eq3A_45 : i32
    %convert_element_type3A_47 = arith.extui %eq3A_46 : i1 to i32
    %cond3A_48 = arith.constant 0 : i32
    %cond3A_49 = arith.cmpi ne, %convert_element_type3A_47, %cond3A_48 : i32
    scf.if %cond3A_49 {
      "tpu.region"() ({
        %run_scoped3A = tpu.sem_alloc : memref<!tpu.dma_semaphore, #tpu.memory_space<semaphore_mem>>
        %dma_start3A = arith.constant 0 : i32
        %dma_start3A_50 = arith.constant 0 : i32
        %dma_start3A_51 = tpu.memref_slice %arg8[%arg0, %dma_start3A, %dma_start3A_50] : memref<2x80x128xf32, #tpu.memory_space<hbm>> -> memref<1x80x128xf32, #tpu.memory_space<hbm>>
        %dma_start3A_52 = tpu.memref_squeeze %dma_start3A_51 : memref<1x80x128xf32, #tpu.memory_space<hbm>> -> memref<80x128xf32, #tpu.memory_space<hbm>>
        tpu.enqueue_dma source(%arg17 : memref<80x128xf32, #tpu.memory_space<vmem_shared>>) target(%dma_start3A_52 : memref<80x128xf32, #tpu.memory_space<hbm>>) target_semaphore(%run_scoped3A : memref<!tpu.dma_semaphore, #tpu.memory_space<semaphore_mem>>)
        %dma_wait3A = arith.constant 0 : i32
        %dma_wait3A_53 = arith.constant 0 : i32
        %dma_wait3A_54 = tpu.memref_slice %arg8[%arg0, %dma_wait3A, %dma_wait3A_53] : memref<2x80x128xf32, #tpu.memory_space<hbm>> -> memref<1x80x128xf32, #tpu.memory_space<hbm>>
        %dma_wait3A_55 = tpu.memref_squeeze %dma_wait3A_54 : memref<1x80x128xf32, #tpu.memory_space<hbm>> -> memref<80x128xf32, #tpu.memory_space<hbm>>
        tpu.wait_dma2 semaphore(%run_scoped3A : memref<!tpu.dma_semaphore, #tpu.memory_space<semaphore_mem>>) src(%arg17 : memref<80x128xf32, #tpu.memory_space<vmem_shared>>) dst(%dma_wait3A_55 : memref<80x128xf32, #tpu.memory_space<hbm>>)
        tpu.yield
      }) : () -> ()
    } else {
    }
    return
  }
}

#map = affine_map<(d0, d1) -> (0, 0, 0)>
#map1 = affine_map<(d0, d1) -> (0, 0)>
module attributes {stable_mosaic.version = 14 : i64} {
  func.func @_sc_scatter(%arg0: i32, %arg1: i32, %arg2: memref<32x162x64xi32, #tpu.memory_space<hbm>>, %arg3: memref<32x162x64xi32, #tpu.memory_space<hbm>>, %arg4: memref<32x162x64xf32, #tpu.memory_space<hbm>>, %arg5: memref<2x80x128xf32, #tpu.memory_space<hbm>>, %arg6: memref<10240x128xf32, #tpu.memory_space<hbm>>, %arg7: memref<10240x128xf32, #tpu.memory_space<hbm>>, %arg8: memref<2x10240x128xf32, #tpu.memory_space<hbm>>, %arg9: memref<80x128xf32, #tpu.memory_space<vmem>>, %arg10: memref<8x128xf32, #tpu.memory_space<vmem>>, %arg11: memref<6x64xi32, #tpu.memory_space<vmem>>, %arg12: memref<6x64xi32, #tpu.memory_space<vmem>>, %arg13: memref<6x64xf32, #tpu.memory_space<vmem>>, %arg14: memref<3x64x128xf32, #tpu.memory_space<vmem>>, %arg15: memref<10240x128xf32, #tpu.memory_space<vmem_shared>>, %arg16: memref<!tpu.dma_semaphore, #tpu.memory_space<semaphore_mem>>, %arg17: memref<!tpu.dma_semaphore, #tpu.memory_space<semaphore_mem>>, %arg18: memref<!tpu.dma_semaphore, #tpu.memory_space<semaphore_mem>>, %arg19: memref<!tpu.dma_semaphore, #tpu.memory_space<semaphore_mem>>, %arg20: memref<!tpu.dma_semaphore, #tpu.memory_space<semaphore_mem>>, %arg21: memref<!tpu.dma_semaphore, #tpu.memory_space<semaphore_mem>>) attributes {dimension_semantics = [#tpu.dimension_semantics<core_parallel>, #tpu.dimension_semantics<subcore_parallel>], iteration_bounds = array<i64: 2, 16>, scalar_prefetch = 0 : i64, scratch_operands = 13 : i64, tpu.core_type = #tpu.core_type<sc_vector_subcore>, window_params = [{transform_indices = #map}, {transform_indices = #map}, {transform_indices = #map}, {transform_indices = #map}, {transform_indices = #map1}, {transform_indices = #map1}, {transform_indices = #map}]} {
    %mul3A = arith.constant 16 : i32
    %mul3A_0 = arith.muli %arg0, %mul3A : i32
    %add3A = arith.addi %mul3A_0, %arg1 : i32
    %mul3A_1 = arith.constant 640 : i32
    %mul3A_2 = arith.muli %arg1, %mul3A_1 : i32
    "tpu.region"() ({
      %run_scoped3A_15 = tpu.sem_alloc : memref<!tpu.dma_semaphore, #tpu.memory_space<semaphore_mem>>
      %dma_start3A = arith.constant 0 : i32
      %dma_start3A_16 = tpu.memref_slice %arg15[%mul3A_2, %dma_start3A] : memref<10240x128xf32, #tpu.memory_space<vmem_shared>> -> memref<640x128xf32, #tpu.memory_space<vmem_shared>>
      %dma_start3A_17 = arith.constant 0 : i32
      %dma_start3A_18 = tpu.memref_slice %arg7[%mul3A_2, %dma_start3A_17] : memref<10240x128xf32, #tpu.memory_space<hbm>> -> memref<640x128xf32, #tpu.memory_space<hbm>>
      tpu.enqueue_dma source(%dma_start3A_18 : memref<640x128xf32, #tpu.memory_space<hbm>>) target(%dma_start3A_16 : memref<640x128xf32, #tpu.memory_space<vmem_shared>>) target_semaphore(%run_scoped3A_15 : memref<!tpu.dma_semaphore, #tpu.memory_space<semaphore_mem>>)
      %dma_wait3A = arith.constant 0 : i32
      %dma_wait3A_19 = tpu.memref_slice %arg15[%mul3A_2, %dma_wait3A] : memref<10240x128xf32, #tpu.memory_space<vmem_shared>> -> memref<640x128xf32, #tpu.memory_space<vmem_shared>>
      %dma_wait3A_20 = arith.constant 0 : i32
      %dma_wait3A_21 = tpu.memref_slice %arg7[%mul3A_2, %dma_wait3A_20] : memref<10240x128xf32, #tpu.memory_space<hbm>> -> memref<640x128xf32, #tpu.memory_space<hbm>>
      tpu.wait_dma2 semaphore(%run_scoped3A_15 : memref<!tpu.dma_semaphore, #tpu.memory_space<semaphore_mem>>) src(%dma_wait3A_21 : memref<640x128xf32, #tpu.memory_space<hbm>>) dst(%dma_wait3A_19 : memref<640x128xf32, #tpu.memory_space<vmem_shared>>)
      tpu.yield
    }) : () -> ()
    %run_scoped3A = arith.constant 0 : i32
    "tpu.region"() ({
      %run_scoped3A_15 = tpu.sem_alloc : memref<!tpu.dma_semaphore, #tpu.memory_space<semaphore_mem>>
      %dma_start3A = arith.constant 0 : i32
      %dma_start3A_16 = arith.constant 0 : i32
      %dma_start3A_17 = tpu.memref_slice %arg5[%run_scoped3A, %dma_start3A, %dma_start3A_16] : memref<2x80x128xf32, #tpu.memory_space<hbm>> -> memref<1x80x128xf32, #tpu.memory_space<hbm>>
      %dma_start3A_18 = tpu.memref_squeeze %dma_start3A_17 : memref<1x80x128xf32, #tpu.memory_space<hbm>> -> memref<80x128xf32, #tpu.memory_space<hbm>>
      %dma_start3A_19 = arith.constant 0 : i32
      %dma_start3A_20 = arith.constant 0 : i32
      %dma_start3A_21 = tpu.memref_slice %arg5[%run_scoped3A, %dma_start3A_19, %dma_start3A_20] : memref<2x80x128xf32, #tpu.memory_space<hbm>> -> memref<1x80x128xf32, #tpu.memory_space<hbm>>
      %dma_start3A_22 = tpu.memref_squeeze %dma_start3A_21 : memref<1x80x128xf32, #tpu.memory_space<hbm>> -> memref<80x128xf32, #tpu.memory_space<hbm>>
      tpu.enqueue_dma source(%dma_start3A_22 : memref<80x128xf32, #tpu.memory_space<hbm>>) target(%arg9 : memref<80x128xf32, #tpu.memory_space<vmem>>) target_semaphore(%run_scoped3A_15 : memref<!tpu.dma_semaphore, #tpu.memory_space<semaphore_mem>>)
      %dma_wait3A = arith.constant 0 : i32
      %dma_wait3A_23 = arith.constant 0 : i32
      %dma_wait3A_24 = tpu.memref_slice %arg5[%run_scoped3A, %dma_wait3A, %dma_wait3A_23] : memref<2x80x128xf32, #tpu.memory_space<hbm>> -> memref<1x80x128xf32, #tpu.memory_space<hbm>>
      %dma_wait3A_25 = tpu.memref_squeeze %dma_wait3A_24 : memref<1x80x128xf32, #tpu.memory_space<hbm>> -> memref<80x128xf32, #tpu.memory_space<hbm>>
      %dma_wait3A_26 = arith.constant 0 : i32
      %dma_wait3A_27 = arith.constant 0 : i32
      %dma_wait3A_28 = tpu.memref_slice %arg5[%run_scoped3A, %dma_wait3A_26, %dma_wait3A_27] : memref<2x80x128xf32, #tpu.memory_space<hbm>> -> memref<1x80x128xf32, #tpu.memory_space<hbm>>
      %dma_wait3A_29 = tpu.memref_squeeze %dma_wait3A_28 : memref<1x80x128xf32, #tpu.memory_space<hbm>> -> memref<80x128xf32, #tpu.memory_space<hbm>>
      tpu.wait_dma2 semaphore(%run_scoped3A_15 : memref<!tpu.dma_semaphore, #tpu.memory_space<semaphore_mem>>) src(%dma_wait3A_29 : memref<80x128xf32, #tpu.memory_space<hbm>>) dst(%arg9 : memref<80x128xf32, #tpu.memory_space<vmem>>)
      tpu.yield
    }) : () -> ()
    %scan3A = arith.constant 0 : i32
    %scan3A_3 = arith.constant 0 : i32
    %scan3A_4 = arith.constant 10 : i32
    %scan3A_5 = arith.addi %scan3A_3, %scan3A_4 : i32
    %scan3A_6 = arith.constant 1 : i32
    scf.for %scan3A_15 = %scan3A_3 to %scan3A_5 step %scan3A_6  : i32 {
      %mul3A_16 = arith.constant 8 : i32
      %mul3A_17 = arith.muli %scan3A_15, %mul3A_16 : i32
      %run_scoped3A_18 = arith.constant 1 : i32
      "tpu.region"() ({
        %run_scoped3A_1233 = tpu.sem_alloc : memref<!tpu.dma_semaphore, #tpu.memory_space<semaphore_mem>>
        %dma_start3A = arith.constant 0 : i32
        %dma_start3A_1234 = arith.constant 0 : i32
        %dma_start3A_1235 = tpu.memref_slice %arg5[%run_scoped3A_18, %dma_start3A, %dma_start3A_1234] : memref<2x80x128xf32, #tpu.memory_space<hbm>> -> memref<1x80x128xf32, #tpu.memory_space<hbm>>
        %dma_start3A_1236 = tpu.memref_squeeze %dma_start3A_1235 : memref<1x80x128xf32, #tpu.memory_space<hbm>> -> memref<80x128xf32, #tpu.memory_space<hbm>>
        %dma_start3A_1237 = arith.constant 0 : i32
        %dma_start3A_1238 = tpu.memref_slice %dma_start3A_1236[%mul3A_17, %dma_start3A_1237] : memref<80x128xf32, #tpu.memory_space<hbm>> -> memref<8x128xf32, #tpu.memory_space<hbm>>
        %dma_start3A_1239 = arith.constant 0 : i32
        %dma_start3A_1240 = arith.constant 0 : i32
        %dma_start3A_1241 = tpu.memref_slice %arg5[%run_scoped3A_18, %dma_start3A_1239, %dma_start3A_1240] : memref<2x80x128xf32, #tpu.memory_space<hbm>> -> memref<1x80x128xf32, #tpu.memory_space<hbm>>
        %dma_start3A_1242 = tpu.memref_squeeze %dma_start3A_1241 : memref<1x80x128xf32, #tpu.memory_space<hbm>> -> memref<80x128xf32, #tpu.memory_space<hbm>>
        %dma_start3A_1243 = arith.constant 0 : i32
        %dma_start3A_1244 = tpu.memref_slice %dma_start3A_1242[%mul3A_17, %dma_start3A_1243] : memref<80x128xf32, #tpu.memory_space<hbm>> -> memref<8x128xf32, #tpu.memory_space<hbm>>
        tpu.enqueue_dma source(%dma_start3A_1244 : memref<8x128xf32, #tpu.memory_space<hbm>>) target(%arg10 : memref<8x128xf32, #tpu.memory_space<vmem>>) target_semaphore(%run_scoped3A_1233 : memref<!tpu.dma_semaphore, #tpu.memory_space<semaphore_mem>>)
        %dma_wait3A = arith.constant 0 : i32
        %dma_wait3A_1245 = arith.constant 0 : i32
        %dma_wait3A_1246 = tpu.memref_slice %arg5[%run_scoped3A_18, %dma_wait3A, %dma_wait3A_1245] : memref<2x80x128xf32, #tpu.memory_space<hbm>> -> memref<1x80x128xf32, #tpu.memory_space<hbm>>
        %dma_wait3A_1247 = tpu.memref_squeeze %dma_wait3A_1246 : memref<1x80x128xf32, #tpu.memory_space<hbm>> -> memref<80x128xf32, #tpu.memory_space<hbm>>
        %dma_wait3A_1248 = arith.constant 0 : i32
        %dma_wait3A_1249 = tpu.memref_slice %dma_wait3A_1247[%mul3A_17, %dma_wait3A_1248] : memref<80x128xf32, #tpu.memory_space<hbm>> -> memref<8x128xf32, #tpu.memory_space<hbm>>
        %dma_wait3A_1250 = arith.constant 0 : i32
        %dma_wait3A_1251 = arith.constant 0 : i32
        %dma_wait3A_1252 = tpu.memref_slice %arg5[%run_scoped3A_18, %dma_wait3A_1250, %dma_wait3A_1251] : memref<2x80x128xf32, #tpu.memory_space<hbm>> -> memref<1x80x128xf32, #tpu.memory_space<hbm>>
        %dma_wait3A_1253 = tpu.memref_squeeze %dma_wait3A_1252 : memref<1x80x128xf32, #tpu.memory_space<hbm>> -> memref<80x128xf32, #tpu.memory_space<hbm>>
        %dma_wait3A_1254 = arith.constant 0 : i32
        %dma_wait3A_1255 = tpu.memref_slice %dma_wait3A_1253[%mul3A_17, %dma_wait3A_1254] : memref<80x128xf32, #tpu.memory_space<hbm>> -> memref<8x128xf32, #tpu.memory_space<hbm>>
        tpu.wait_dma2 semaphore(%run_scoped3A_1233 : memref<!tpu.dma_semaphore, #tpu.memory_space<semaphore_mem>>) src(%dma_wait3A_1255 : memref<8x128xf32, #tpu.memory_space<hbm>>) dst(%arg10 : memref<8x128xf32, #tpu.memory_space<vmem>>)
        tpu.yield
      }) : () -> ()
      %mul3A_19 = arith.constant 8 : i32
      %mul3A_20 = arith.muli %scan3A_15, %mul3A_19 : i32
      %add3A_21 = arith.constant 0 : i32
      %add3A_22 = arith.addi %mul3A_20, %add3A_21 : i32
      %get3A = arith.index_cast %add3A_22 : i32 to index
      %get3A_23 = arith.constant 0 : index
      %get3A_24 = tpu.vector_load %arg9[%get3A, %get3A_23] {strides = array<i32>} : memref<80x128xf32, #tpu.memory_space<vmem>>, vector<16xf32>,
      %get3A_25 = arith.constant 0 : i32
      %get3A_26 = arith.index_cast %get3A_25 : i32 to index
      %get3A_27 = arith.constant 0 : index
      %get3A_28 = tpu.vector_load %arg10[%get3A_26, %get3A_27] {strides = array<i32>} : memref<8x128xf32, #tpu.memory_space<vmem>>, vector<16xf32>,
      %add3A_29 = arith.addf %get3A_24, %get3A_28 : vector<16xf32>
      %mul3A_30 = arith.constant 8 : i32
      %mul3A_31 = arith.muli %scan3A_15, %mul3A_30 : i32
      %add3A_32 = arith.constant 0 : i32
      %add3A_33 = arith.addi %mul3A_31, %add3A_32 : i32
      %swap3A = arith.index_cast %add3A_33 : i32 to index
      %swap3A_34 = arith.constant 0 : index
      %swap3A_35 = tpu.vector_load %arg9[%swap3A, %swap3A_34] {strides = array<i32>} : memref<80x128xf32, #tpu.memory_space<vmem>>, vector<16xf32>,
      tpu.vector_store %arg9[%swap3A, %swap3A_34], %add3A_29 {strides = array<i32>} : memref<80x128xf32, #tpu.memory_space<vmem>>, vector<16xf32>,
      %mul3A_36 = arith.constant 8 : i32
      %mul3A_37 = arith.muli %scan3A_15, %mul3A_36 : i32
      %add3A_38 = arith.constant 0 : i32
      %add3A_39 = arith.addi %mul3A_37, %add3A_38 : i32
      %get3A_40 = arith.index_cast %add3A_39 : i32 to index
      %get3A_41 = arith.constant 16 : index
      %get3A_42 = tpu.vector_load %arg9[%get3A_40, %get3A_41] {strides = array<i32>} : memref<80x128xf32, #tpu.memory_space<vmem>>, vector<16xf32>,
      %get3A_43 = arith.constant 0 : i32
      %get3A_44 = arith.index_cast %get3A_43 : i32 to index
      %get3A_45 = arith.constant 16 : index
      %get3A_46 = tpu.vector_load %arg10[%get3A_44, %get3A_45] {strides = array<i32>} : memref<8x128xf32, #tpu.memory_space<vmem>>, vector<16xf32>,
      %add3A_47 = arith.addf %get3A_42, %get3A_46 : vector<16xf32>
      %mul3A_48 = arith.constant 8 : i32
      %mul3A_49 = arith.muli %scan3A_15, %mul3A_48 : i32
      %add3A_50 = arith.constant 0 : i32
      %add3A_51 = arith.addi %mul3A_49, %add3A_50 : i32
      %swap3A_52 = arith.index_cast %add3A_51 : i32 to index
      %swap3A_53 = arith.constant 16 : index
      %swap3A_54 = tpu.vector_load %arg9[%swap3A_52, %swap3A_53] {strides = array<i32>} : memref<80x128xf32, #tpu.memory_space<vmem>>, vector<16xf32>,
      tpu.vector_store %arg9[%swap3A_52, %swap3A_53], %add3A_47 {strides = array<i32>} : memref<80x128xf32, #tpu.memory_space<vmem>>, vector<16xf32>,
      %mul3A_55 = arith.constant 8 : i32
      %mul3A_56 = arith.muli %scan3A_15, %mul3A_55 : i32
      %add3A_57 = arith.constant 0 : i32
      %add3A_58 = arith.addi %mul3A_56, %add3A_57 : i32
      %get3A_59 = arith.index_cast %add3A_58 : i32 to index
      %get3A_60 = arith.constant 32 : index
      %get3A_61 = tpu.vector_load %arg9[%get3A_59, %get3A_60] {strides = array<i32>} : memref<80x128xf32, #tpu.memory_space<vmem>>, vector<16xf32>,
      %get3A_62 = arith.constant 0 : i32
      %get3A_63 = arith.index_cast %get3A_62 : i32 to index
      %get3A_64 = arith.constant 32 : index
      %get3A_65 = tpu.vector_load %arg10[%get3A_63, %get3A_64] {strides = array<i32>} : memref<8x128xf32, #tpu.memory_space<vmem>>, vector<16xf32>,
      %add3A_66 = arith.addf %get3A_61, %get3A_65 : vector<16xf32>
      %mul3A_67 = arith.constant 8 : i32
      %mul3A_68 = arith.muli %scan3A_15, %mul3A_67 : i32
      %add3A_69 = arith.constant 0 : i32
      %add3A_70 = arith.addi %mul3A_68, %add3A_69 : i32
      %swap3A_71 = arith.index_cast %add3A_70 : i32 to index
      %swap3A_72 = arith.constant 32 : index
      %swap3A_73 = tpu.vector_load %arg9[%swap3A_71, %swap3A_72] {strides = array<i32>} : memref<80x128xf32, #tpu.memory_space<vmem>>, vector<16xf32>,
      tpu.vector_store %arg9[%swap3A_71, %swap3A_72], %add3A_66 {strides = array<i32>} : memref<80x128xf32, #tpu.memory_space<vmem>>, vector<16xf32>,
      %mul3A_74 = arith.constant 8 : i32
      %mul3A_75 = arith.muli %scan3A_15, %mul3A_74 : i32
      %add3A_76 = arith.constant 0 : i32
      %add3A_77 = arith.addi %mul3A_75, %add3A_76 : i32
      %get3A_78 = arith.index_cast %add3A_77 : i32 to index
      %get3A_79 = arith.constant 48 : index
      %get3A_80 = tpu.vector_load %arg9[%get3A_78, %get3A_79] {strides = array<i32>} : memref<80x128xf32, #tpu.memory_space<vmem>>, vector<16xf32>,
      %get3A_81 = arith.constant 0 : i32
      %get3A_82 = arith.index_cast %get3A_81 : i32 to index
      %get3A_83 = arith.constant 48 : index
      %get3A_84 = tpu.vector_load %arg10[%get3A_82, %get3A_83] {strides = array<i32>} : memref<8x128xf32, #tpu.memory_space<vmem>>, vector<16xf32>,
      %add3A_85 = arith.addf %get3A_80, %get3A_84 : vector<16xf32>
      %mul3A_86 = arith.constant 8 : i32
      %mul3A_87 = arith.muli %scan3A_15, %mul3A_86 : i32
      %add3A_88 = arith.constant 0 : i32
      %add3A_89 = arith.addi %mul3A_87, %add3A_88 : i32
      %swap3A_90 = arith.index_cast %add3A_89 : i32 to index
      %swap3A_91 = arith.constant 48 : index
      %swap3A_92 = tpu.vector_load %arg9[%swap3A_90, %swap3A_91] {strides = array<i32>} : memref<80x128xf32, #tpu.memory_space<vmem>>, vector<16xf32>,
      tpu.vector_store %arg9[%swap3A_90, %swap3A_91], %add3A_85 {strides = array<i32>} : memref<80x128xf32, #tpu.memory_space<vmem>>, vector<16xf32>,
      %mul3A_93 = arith.constant 8 : i32
      %mul3A_94 = arith.muli %scan3A_15, %mul3A_93 : i32
      %add3A_95 = arith.constant 0 : i32
      %add3A_96 = arith.addi %mul3A_94, %add3A_95 : i32
      %get3A_97 = arith.index_cast %add3A_96 : i32 to index
      %get3A_98 = arith.constant 64 : index
      %get3A_99 = tpu.vector_load %arg9[%get3A_97, %get3A_98] {strides = array<i32>} : memref<80x128xf32, #tpu.memory_space<vmem>>, vector<16xf32>,
      %get3A_100 = arith.constant 0 : i32
      %get3A_101 = arith.index_cast %get3A_100 : i32 to index
      %get3A_102 = arith.constant 64 : index
      %get3A_103 = tpu.vector_load %arg10[%get3A_101, %get3A_102] {strides = array<i32>} : memref<8x128xf32, #tpu.memory_space<vmem>>, vector<16xf32>,
      %add3A_104 = arith.addf %get3A_99, %get3A_103 : vector<16xf32>
      %mul3A_105 = arith.constant 8 : i32
      %mul3A_106 = arith.muli %scan3A_15, %mul3A_105 : i32
      %add3A_107 = arith.constant 0 : i32
      %add3A_108 = arith.addi %mul3A_106, %add3A_107 : i32
      %swap3A_109 = arith.index_cast %add3A_108 : i32 to index
      %swap3A_110 = arith.constant 64 : index
      %swap3A_111 = tpu.vector_load %arg9[%swap3A_109, %swap3A_110] {strides = array<i32>} : memref<80x128xf32, #tpu.memory_space<vmem>>, vector<16xf32>,
      tpu.vector_store %arg9[%swap3A_109, %swap3A_110], %add3A_104 {strides = array<i32>} : memref<80x128xf32, #tpu.memory_space<vmem>>, vector<16xf32>,
      %mul3A_112 = arith.constant 8 : i32
      %mul3A_113 = arith.muli %scan3A_15, %mul3A_112 : i32
      %add3A_114 = arith.constant 0 : i32
      %add3A_115 = arith.addi %mul3A_113, %add3A_114 : i32
      %get3A_116 = arith.index_cast %add3A_115 : i32 to index
      %get3A_117 = arith.constant 80 : index
      %get3A_118 = tpu.vector_load %arg9[%get3A_116, %get3A_117] {strides = array<i32>} : memref<80x128xf32, #tpu.memory_space<vmem>>, vector<16xf32>,
      %get3A_119 = arith.constant 0 : i32
      %get3A_120 = arith.index_cast %get3A_119 : i32 to index
      %get3A_121 = arith.constant 80 : index
      %get3A_122 = tpu.vector_load %arg10[%get3A_120, %get3A_121] {strides = array<i32>} : memref<8x128xf32, #tpu.memory_space<vmem>>, vector<16xf32>,
      %add3A_123 = arith.addf %get3A_118, %get3A_122 : vector<16xf32>
      %mul3A_124 = arith.constant 8 : i32
      %mul3A_125 = arith.muli %scan3A_15, %mul3A_124 : i32
      %add3A_126 = arith.constant 0 : i32
      %add3A_127 = arith.addi %mul3A_125, %add3A_126 : i32
      %swap3A_128 = arith.index_cast %add3A_127 : i32 to index
      %swap3A_129 = arith.constant 80 : index
      %swap3A_130 = tpu.vector_load %arg9[%swap3A_128, %swap3A_129] {strides = array<i32>} : memref<80x128xf32, #tpu.memory_space<vmem>>, vector<16xf32>,
      tpu.vector_store %arg9[%swap3A_128, %swap3A_129], %add3A_123 {strides = array<i32>} : memref<80x128xf32, #tpu.memory_space<vmem>>, vector<16xf32>,
      %mul3A_131 = arith.constant 8 : i32
      %mul3A_132 = arith.muli %scan3A_15, %mul3A_131 : i32
      %add3A_133 = arith.constant 0 : i32
      %add3A_134 = arith.addi %mul3A_132, %add3A_133 : i32
      %get3A_135 = arith.index_cast %add3A_134 : i32 to index
      %get3A_136 = arith.constant 96 : index
      %get3A_137 = tpu.vector_load %arg9[%get3A_135, %get3A_136] {strides = array<i32>} : memref<80x128xf32, #tpu.memory_space<vmem>>, vector<16xf32>,
      %get3A_138 = arith.constant 0 : i32
      %get3A_139 = arith.index_cast %get3A_138 : i32 to index
      %get3A_140 = arith.constant 96 : index
      %get3A_141 = tpu.vector_load %arg10[%get3A_139, %get3A_140] {strides = array<i32>} : memref<8x128xf32, #tpu.memory_space<vmem>>, vector<16xf32>,
      %add3A_142 = arith.addf %get3A_137, %get3A_141 : vector<16xf32>
      %mul3A_143 = arith.constant 8 : i32
      %mul3A_144 = arith.muli %scan3A_15, %mul3A_143 : i32
      %add3A_145 = arith.constant 0 : i32
      %add3A_146 = arith.addi %mul3A_144, %add3A_145 : i32
      %swap3A_147 = arith.index_cast %add3A_146 : i32 to index
      %swap3A_148 = arith.constant 96 : index
      %swap3A_149 = tpu.vector_load %arg9[%swap3A_147, %swap3A_148] {strides = array<i32>} : memref<80x128xf32, #tpu.memory_space<vmem>>, vector<16xf32>,
      tpu.vector_store %arg9[%swap3A_147, %swap3A_148], %add3A_142 {strides = array<i32>} : memref<80x128xf32, #tpu.memory_space<vmem>>, vector<16xf32>,
      %mul3A_150 = arith.constant 8 : i32
      %mul3A_151 = arith.muli %scan3A_15, %mul3A_150 : i32
      %add3A_152 = arith.constant 0 : i32
      %add3A_153 = arith.addi %mul3A_151, %add3A_152 : i32
      %get3A_154 = arith.index_cast %add3A_153 : i32 to index
      %get3A_155 = arith.constant 112 : index
      %get3A_156 = tpu.vector_load %arg9[%get3A_154, %get3A_155] {strides = array<i32>} : memref<80x128xf32, #tpu.memory_space<vmem>>, vector<16xf32>,
      %get3A_157 = arith.constant 0 : i32
      %get3A_158 = arith.index_cast %get3A_157 : i32 to index
      %get3A_159 = arith.constant 112 : index
      %get3A_160 = tpu.vector_load %arg10[%get3A_158, %get3A_159] {strides = array<i32>} : memref<8x128xf32, #tpu.memory_space<vmem>>, vector<16xf32>,
      %add3A_161 = arith.addf %get3A_156, %get3A_160 : vector<16xf32>
      %mul3A_162 = arith.constant 8 : i32
      %mul3A_163 = arith.muli %scan3A_15, %mul3A_162 : i32
      %add3A_164 = arith.constant 0 : i32
      %add3A_165 = arith.addi %mul3A_163, %add3A_164 : i32
      %swap3A_166 = arith.index_cast %add3A_165 : i32 to index
      %swap3A_167 = arith.constant 112 : index
      %swap3A_168 = tpu.vector_load %arg9[%swap3A_166, %swap3A_167] {strides = array<i32>} : memref<80x128xf32, #tpu.memory_space<vmem>>, vector<16xf32>,
      tpu.vector_store %arg9[%swap3A_166, %swap3A_167], %add3A_161 {strides = array<i32>} : memref<80x128xf32, #tpu.memory_space<vmem>>, vector<16xf32>,
      %mul3A_169 = arith.constant 8 : i32
      %mul3A_170 = arith.muli %scan3A_15, %mul3A_169 : i32
      %add3A_171 = arith.constant 1 : i32
      %add3A_172 = arith.addi %mul3A_170, %add3A_171 : i32
      %get3A_173 = arith.index_cast %add3A_172 : i32 to index
      %get3A_174 = arith.constant 0 : index
      %get3A_175 = tpu.vector_load %arg9[%get3A_173, %get3A_174] {strides = array<i32>} : memref<80x128xf32, #tpu.memory_space<vmem>>, vector<16xf32>,
      %get3A_176 = arith.constant 1 : i32
      %get3A_177 = arith.index_cast %get3A_176 : i32 to index
      %get3A_178 = arith.constant 0 : index
      %get3A_179 = tpu.vector_load %arg10[%get3A_177, %get3A_178] {strides = array<i32>} : memref<8x128xf32, #tpu.memory_space<vmem>>, vector<16xf32>,
      %add3A_180 = arith.addf %get3A_175, %get3A_179 : vector<16xf32>
      %mul3A_181 = arith.constant 8 : i32
      %mul3A_182 = arith.muli %scan3A_15, %mul3A_181 : i32
      %add3A_183 = arith.constant 1 : i32
      %add3A_184 = arith.addi %mul3A_182, %add3A_183 : i32
      %swap3A_185 = arith.index_cast %add3A_184 : i32 to index
      %swap3A_186 = arith.constant 0 : index
      %swap3A_187 = tpu.vector_load %arg9[%swap3A_185, %swap3A_186] {strides = array<i32>} : memref<80x128xf32, #tpu.memory_space<vmem>>, vector<16xf32>,
      tpu.vector_store %arg9[%swap3A_185, %swap3A_186], %add3A_180 {strides = array<i32>} : memref<80x128xf32, #tpu.memory_space<vmem>>, vector<16xf32>,
      %mul3A_188 = arith.constant 8 : i32
      %mul3A_189 = arith.muli %scan3A_15, %mul3A_188 : i32
      %add3A_190 = arith.constant 1 : i32
      %add3A_191 = arith.addi %mul3A_189, %add3A_190 : i32
      %get3A_192 = arith.index_cast %add3A_191 : i32 to index
      %get3A_193 = arith.constant 16 : index
      %get3A_194 = tpu.vector_load %arg9[%get3A_192, %get3A_193] {strides = array<i32>} : memref<80x128xf32, #tpu.memory_space<vmem>>, vector<16xf32>,
      %get3A_195 = arith.constant 1 : i32
      %get3A_196 = arith.index_cast %get3A_195 : i32 to index
      %get3A_197 = arith.constant 16 : index
      %get3A_198 = tpu.vector_load %arg10[%get3A_196, %get3A_197] {strides = array<i32>} : memref<8x128xf32, #tpu.memory_space<vmem>>, vector<16xf32>,
      %add3A_199 = arith.addf %get3A_194, %get3A_198 : vector<16xf32>
      %mul3A_200 = arith.constant 8 : i32
      %mul3A_201 = arith.muli %scan3A_15, %mul3A_200 : i32
      %add3A_202 = arith.constant 1 : i32
      %add3A_203 = arith.addi %mul3A_201, %add3A_202 : i32
      %swap3A_204 = arith.index_cast %add3A_203 : i32 to index
      %swap3A_205 = arith.constant 16 : index
      %swap3A_206 = tpu.vector_load %arg9[%swap3A_204, %swap3A_205] {strides = array<i32>} : memref<80x128xf32, #tpu.memory_space<vmem>>, vector<16xf32>,
      tpu.vector_store %arg9[%swap3A_204, %swap3A_205], %add3A_199 {strides = array<i32>} : memref<80x128xf32, #tpu.memory_space<vmem>>, vector<16xf32>,
      %mul3A_207 = arith.constant 8 : i32
      %mul3A_208 = arith.muli %scan3A_15, %mul3A_207 : i32
      %add3A_209 = arith.constant 1 : i32
      %add3A_210 = arith.addi %mul3A_208, %add3A_209 : i32
      %get3A_211 = arith.index_cast %add3A_210 : i32 to index
      %get3A_212 = arith.constant 32 : index
      %get3A_213 = tpu.vector_load %arg9[%get3A_211, %get3A_212] {strides = array<i32>} : memref<80x128xf32, #tpu.memory_space<vmem>>, vector<16xf32>,
      %get3A_214 = arith.constant 1 : i32
      %get3A_215 = arith.index_cast %get3A_214 : i32 to index
      %get3A_216 = arith.constant 32 : index
      %get3A_217 = tpu.vector_load %arg10[%get3A_215, %get3A_216] {strides = array<i32>} : memref<8x128xf32, #tpu.memory_space<vmem>>, vector<16xf32>,
      %add3A_218 = arith.addf %get3A_213, %get3A_217 : vector<16xf32>
      %mul3A_219 = arith.constant 8 : i32
      %mul3A_220 = arith.muli %scan3A_15, %mul3A_219 : i32
      %add3A_221 = arith.constant 1 : i32
      %add3A_222 = arith.addi %mul3A_220, %add3A_221 : i32
      %swap3A_223 = arith.index_cast %add3A_222 : i32 to index
      %swap3A_224 = arith.constant 32 : index
      %swap3A_225 = tpu.vector_load %arg9[%swap3A_223, %swap3A_224] {strides = array<i32>} : memref<80x128xf32, #tpu.memory_space<vmem>>, vector<16xf32>,
      tpu.vector_store %arg9[%swap3A_223, %swap3A_224], %add3A_218 {strides = array<i32>} : memref<80x128xf32, #tpu.memory_space<vmem>>, vector<16xf32>,
      %mul3A_226 = arith.constant 8 : i32
      %mul3A_227 = arith.muli %scan3A_15, %mul3A_226 : i32
      %add3A_228 = arith.constant 1 : i32
      %add3A_229 = arith.addi %mul3A_227, %add3A_228 : i32
      %get3A_230 = arith.index_cast %add3A_229 : i32 to index
      %get3A_231 = arith.constant 48 : index
      %get3A_232 = tpu.vector_load %arg9[%get3A_230, %get3A_231] {strides = array<i32>} : memref<80x128xf32, #tpu.memory_space<vmem>>, vector<16xf32>,
      %get3A_233 = arith.constant 1 : i32
      %get3A_234 = arith.index_cast %get3A_233 : i32 to index
      %get3A_235 = arith.constant 48 : index
      %get3A_236 = tpu.vector_load %arg10[%get3A_234, %get3A_235] {strides = array<i32>} : memref<8x128xf32, #tpu.memory_space<vmem>>, vector<16xf32>,
      %add3A_237 = arith.addf %get3A_232, %get3A_236 : vector<16xf32>
      %mul3A_238 = arith.constant 8 : i32
      %mul3A_239 = arith.muli %scan3A_15, %mul3A_238 : i32
      %add3A_240 = arith.constant 1 : i32
      %add3A_241 = arith.addi %mul3A_239, %add3A_240 : i32
      %swap3A_242 = arith.index_cast %add3A_241 : i32 to index
      %swap3A_243 = arith.constant 48 : index
      %swap3A_244 = tpu.vector_load %arg9[%swap3A_242, %swap3A_243] {strides = array<i32>} : memref<80x128xf32, #tpu.memory_space<vmem>>, vector<16xf32>,
      tpu.vector_store %arg9[%swap3A_242, %swap3A_243], %add3A_237 {strides = array<i32>} : memref<80x128xf32, #tpu.memory_space<vmem>>, vector<16xf32>,
      %mul3A_245 = arith.constant 8 : i32
      %mul3A_246 = arith.muli %scan3A_15, %mul3A_245 : i32
      %add3A_247 = arith.constant 1 : i32
      %add3A_248 = arith.addi %mul3A_246, %add3A_247 : i32
      %get3A_249 = arith.index_cast %add3A_248 : i32 to index
      %get3A_250 = arith.constant 64 : index
      %get3A_251 = tpu.vector_load %arg9[%get3A_249, %get3A_250] {strides = array<i32>} : memref<80x128xf32, #tpu.memory_space<vmem>>, vector<16xf32>,
      %get3A_252 = arith.constant 1 : i32
      %get3A_253 = arith.index_cast %get3A_252 : i32 to index
      %get3A_254 = arith.constant 64 : index
      %get3A_255 = tpu.vector_load %arg10[%get3A_253, %get3A_254] {strides = array<i32>} : memref<8x128xf32, #tpu.memory_space<vmem>>, vector<16xf32>,
      %add3A_256 = arith.addf %get3A_251, %get3A_255 : vector<16xf32>
      %mul3A_257 = arith.constant 8 : i32
      %mul3A_258 = arith.muli %scan3A_15, %mul3A_257 : i32
      %add3A_259 = arith.constant 1 : i32
      %add3A_260 = arith.addi %mul3A_258, %add3A_259 : i32
      %swap3A_261 = arith.index_cast %add3A_260 : i32 to index
      %swap3A_262 = arith.constant 64 : index
      %swap3A_263 = tpu.vector_load %arg9[%swap3A_261, %swap3A_262] {strides = array<i32>} : memref<80x128xf32, #tpu.memory_space<vmem>>, vector<16xf32>,
      tpu.vector_store %arg9[%swap3A_261, %swap3A_262], %add3A_256 {strides = array<i32>} : memref<80x128xf32, #tpu.memory_space<vmem>>, vector<16xf32>,
      %mul3A_264 = arith.constant 8 : i32
      %mul3A_265 = arith.muli %scan3A_15, %mul3A_264 : i32
      %add3A_266 = arith.constant 1 : i32
      %add3A_267 = arith.addi %mul3A_265, %add3A_266 : i32
      %get3A_268 = arith.index_cast %add3A_267 : i32 to index
      %get3A_269 = arith.constant 80 : index
      %get3A_270 = tpu.vector_load %arg9[%get3A_268, %get3A_269] {strides = array<i32>} : memref<80x128xf32, #tpu.memory_space<vmem>>, vector<16xf32>,
      %get3A_271 = arith.constant 1 : i32
      %get3A_272 = arith.index_cast %get3A_271 : i32 to index
      %get3A_273 = arith.constant 80 : index
      %get3A_274 = tpu.vector_load %arg10[%get3A_272, %get3A_273] {strides = array<i32>} : memref<8x128xf32, #tpu.memory_space<vmem>>, vector<16xf32>,
      %add3A_275 = arith.addf %get3A_270, %get3A_274 : vector<16xf32>
      %mul3A_276 = arith.constant 8 : i32
      %mul3A_277 = arith.muli %scan3A_15, %mul3A_276 : i32
      %add3A_278 = arith.constant 1 : i32
      %add3A_279 = arith.addi %mul3A_277, %add3A_278 : i32
      %swap3A_280 = arith.index_cast %add3A_279 : i32 to index
      %swap3A_281 = arith.constant 80 : index
      %swap3A_282 = tpu.vector_load %arg9[%swap3A_280, %swap3A_281] {strides = array<i32>} : memref<80x128xf32, #tpu.memory_space<vmem>>, vector<16xf32>,
      tpu.vector_store %arg9[%swap3A_280, %swap3A_281], %add3A_275 {strides = array<i32>} : memref<80x128xf32, #tpu.memory_space<vmem>>, vector<16xf32>,
      %mul3A_283 = arith.constant 8 : i32
      %mul3A_284 = arith.muli %scan3A_15, %mul3A_283 : i32
      %add3A_285 = arith.constant 1 : i32
      %add3A_286 = arith.addi %mul3A_284, %add3A_285 : i32
      %get3A_287 = arith.index_cast %add3A_286 : i32 to index
      %get3A_288 = arith.constant 96 : index
      %get3A_289 = tpu.vector_load %arg9[%get3A_287, %get3A_288] {strides = array<i32>} : memref<80x128xf32, #tpu.memory_space<vmem>>, vector<16xf32>,
      %get3A_290 = arith.constant 1 : i32
      %get3A_291 = arith.index_cast %get3A_290 : i32 to index
      %get3A_292 = arith.constant 96 : index
      %get3A_293 = tpu.vector_load %arg10[%get3A_291, %get3A_292] {strides = array<i32>} : memref<8x128xf32, #tpu.memory_space<vmem>>, vector<16xf32>,
      %add3A_294 = arith.addf %get3A_289, %get3A_293 : vector<16xf32>
      %mul3A_295 = arith.constant 8 : i32
      %mul3A_296 = arith.muli %scan3A_15, %mul3A_295 : i32
      %add3A_297 = arith.constant 1 : i32
      %add3A_298 = arith.addi %mul3A_296, %add3A_297 : i32
      %swap3A_299 = arith.index_cast %add3A_298 : i32 to index
      %swap3A_300 = arith.constant 96 : index
      %swap3A_301 = tpu.vector_load %arg9[%swap3A_299, %swap3A_300] {strides = array<i32>} : memref<80x128xf32, #tpu.memory_space<vmem>>, vector<16xf32>,
      tpu.vector_store %arg9[%swap3A_299, %swap3A_300], %add3A_294 {strides = array<i32>} : memref<80x128xf32, #tpu.memory_space<vmem>>, vector<16xf32>,
      %mul3A_302 = arith.constant 8 : i32
      %mul3A_303 = arith.muli %scan3A_15, %mul3A_302 : i32
      %add3A_304 = arith.constant 1 : i32
      %add3A_305 = arith.addi %mul3A_303, %add3A_304 : i32
      %get3A_306 = arith.index_cast %add3A_305 : i32 to index
      %get3A_307 = arith.constant 112 : index
      %get3A_308 = tpu.vector_load %arg9[%get3A_306, %get3A_307] {strides = array<i32>} : memref<80x128xf32, #tpu.memory_space<vmem>>, vector<16xf32>,
      %get3A_309 = arith.constant 1 : i32
      %get3A_310 = arith.index_cast %get3A_309 : i32 to index
      %get3A_311 = arith.constant 112 : index
      %get3A_312 = tpu.vector_load %arg10[%get3A_310, %get3A_311] {strides = array<i32>} : memref<8x128xf32, #tpu.memory_space<vmem>>, vector<16xf32>,
      %add3A_313 = arith.addf %get3A_308, %get3A_312 : vector<16xf32>
      %mul3A_314 = arith.constant 8 : i32
      %mul3A_315 = arith.muli %scan3A_15, %mul3A_314 : i32
      %add3A_316 = arith.constant 1 : i32
      %add3A_317 = arith.addi %mul3A_315, %add3A_316 : i32
      %swap3A_318 = arith.index_cast %add3A_317 : i32 to index
      %swap3A_319 = arith.constant 112 : index
      %swap3A_320 = tpu.vector_load %arg9[%swap3A_318, %swap3A_319] {strides = array<i32>} : memref<80x128xf32, #tpu.memory_space<vmem>>, vector<16xf32>,
      tpu.vector_store %arg9[%swap3A_318, %swap3A_319], %add3A_313 {strides = array<i32>} : memref<80x128xf32, #tpu.memory_space<vmem>>, vector<16xf32>,
      %mul3A_321 = arith.constant 8 : i32
      %mul3A_322 = arith.muli %scan3A_15, %mul3A_321 : i32
      %add3A_323 = arith.constant 2 : i32
      %add3A_324 = arith.addi %mul3A_322, %add3A_323 : i32
      %get3A_325 = arith.index_cast %add3A_324 : i32 to index
      %get3A_326 = arith.constant 0 : index
      %get3A_327 = tpu.vector_load %arg9[%get3A_325, %get3A_326] {strides = array<i32>} : memref<80x128xf32, #tpu.memory_space<vmem>>, vector<16xf32>,
      %get3A_328 = arith.constant 2 : i32
      %get3A_329 = arith.index_cast %get3A_328 : i32 to index
      %get3A_330 = arith.constant 0 : index
      %get3A_331 = tpu.vector_load %arg10[%get3A_329, %get3A_330] {strides = array<i32>} : memref<8x128xf32, #tpu.memory_space<vmem>>, vector<16xf32>,
      %add3A_332 = arith.addf %get3A_327, %get3A_331 : vector<16xf32>
      %mul3A_333 = arith.constant 8 : i32
      %mul3A_334 = arith.muli %scan3A_15, %mul3A_333 : i32
      %add3A_335 = arith.constant 2 : i32
      %add3A_336 = arith.addi %mul3A_334, %add3A_335 : i32
      %swap3A_337 = arith.index_cast %add3A_336 : i32 to index
      %swap3A_338 = arith.constant 0 : index
      %swap3A_339 = tpu.vector_load %arg9[%swap3A_337, %swap3A_338] {strides = array<i32>} : memref<80x128xf32, #tpu.memory_space<vmem>>, vector<16xf32>,
      tpu.vector_store %arg9[%swap3A_337, %swap3A_338], %add3A_332 {strides = array<i32>} : memref<80x128xf32, #tpu.memory_space<vmem>>, vector<16xf32>,
      %mul3A_340 = arith.constant 8 : i32
      %mul3A_341 = arith.muli %scan3A_15, %mul3A_340 : i32
      %add3A_342 = arith.constant 2 : i32
      %add3A_343 = arith.addi %mul3A_341, %add3A_342 : i32
      %get3A_344 = arith.index_cast %add3A_343 : i32 to index
      %get3A_345 = arith.constant 16 : index
      %get3A_346 = tpu.vector_load %arg9[%get3A_344, %get3A_345] {strides = array<i32>} : memref<80x128xf32, #tpu.memory_space<vmem>>, vector<16xf32>,
      %get3A_347 = arith.constant 2 : i32
      %get3A_348 = arith.index_cast %get3A_347 : i32 to index
      %get3A_349 = arith.constant 16 : index
      %get3A_350 = tpu.vector_load %arg10[%get3A_348, %get3A_349] {strides = array<i32>} : memref<8x128xf32, #tpu.memory_space<vmem>>, vector<16xf32>,
      %add3A_351 = arith.addf %get3A_346, %get3A_350 : vector<16xf32>
      %mul3A_352 = arith.constant 8 : i32
      %mul3A_353 = arith.muli %scan3A_15, %mul3A_352 : i32
      %add3A_354 = arith.constant 2 : i32
      %add3A_355 = arith.addi %mul3A_353, %add3A_354 : i32
      %swap3A_356 = arith.index_cast %add3A_355 : i32 to index
      %swap3A_357 = arith.constant 16 : index
      %swap3A_358 = tpu.vector_load %arg9[%swap3A_356, %swap3A_357] {strides = array<i32>} : memref<80x128xf32, #tpu.memory_space<vmem>>, vector<16xf32>,
      tpu.vector_store %arg9[%swap3A_356, %swap3A_357], %add3A_351 {strides = array<i32>} : memref<80x128xf32, #tpu.memory_space<vmem>>, vector<16xf32>,
      %mul3A_359 = arith.constant 8 : i32
      %mul3A_360 = arith.muli %scan3A_15, %mul3A_359 : i32
      %add3A_361 = arith.constant 2 : i32
      %add3A_362 = arith.addi %mul3A_360, %add3A_361 : i32
      %get3A_363 = arith.index_cast %add3A_362 : i32 to index
      %get3A_364 = arith.constant 32 : index
      %get3A_365 = tpu.vector_load %arg9[%get3A_363, %get3A_364] {strides = array<i32>} : memref<80x128xf32, #tpu.memory_space<vmem>>, vector<16xf32>,
      %get3A_366 = arith.constant 2 : i32
      %get3A_367 = arith.index_cast %get3A_366 : i32 to index
      %get3A_368 = arith.constant 32 : index
      %get3A_369 = tpu.vector_load %arg10[%get3A_367, %get3A_368] {strides = array<i32>} : memref<8x128xf32, #tpu.memory_space<vmem>>, vector<16xf32>,
      %add3A_370 = arith.addf %get3A_365, %get3A_369 : vector<16xf32>
      %mul3A_371 = arith.constant 8 : i32
      %mul3A_372 = arith.muli %scan3A_15, %mul3A_371 : i32
      %add3A_373 = arith.constant 2 : i32
      %add3A_374 = arith.addi %mul3A_372, %add3A_373 : i32
      %swap3A_375 = arith.index_cast %add3A_374 : i32 to index
      %swap3A_376 = arith.constant 32 : index
      %swap3A_377 = tpu.vector_load %arg9[%swap3A_375, %swap3A_376] {strides = array<i32>} : memref<80x128xf32, #tpu.memory_space<vmem>>, vector<16xf32>,
      tpu.vector_store %arg9[%swap3A_375, %swap3A_376], %add3A_370 {strides = array<i32>} : memref<80x128xf32, #tpu.memory_space<vmem>>, vector<16xf32>,
      %mul3A_378 = arith.constant 8 : i32
      %mul3A_379 = arith.muli %scan3A_15, %mul3A_378 : i32
      %add3A_380 = arith.constant 2 : i32
      %add3A_381 = arith.addi %mul3A_379, %add3A_380 : i32
      %get3A_382 = arith.index_cast %add3A_381 : i32 to index
      %get3A_383 = arith.constant 48 : index
      %get3A_384 = tpu.vector_load %arg9[%get3A_382, %get3A_383] {strides = array<i32>} : memref<80x128xf32, #tpu.memory_space<vmem>>, vector<16xf32>,
      %get3A_385 = arith.constant 2 : i32
      %get3A_386 = arith.index_cast %get3A_385 : i32 to index
      %get3A_387 = arith.constant 48 : index
      %get3A_388 = tpu.vector_load %arg10[%get3A_386, %get3A_387] {strides = array<i32>} : memref<8x128xf32, #tpu.memory_space<vmem>>, vector<16xf32>,
      %add3A_389 = arith.addf %get3A_384, %get3A_388 : vector<16xf32>
      %mul3A_390 = arith.constant 8 : i32
      %mul3A_391 = arith.muli %scan3A_15, %mul3A_390 : i32
      %add3A_392 = arith.constant 2 : i32
      %add3A_393 = arith.addi %mul3A_391, %add3A_392 : i32
      %swap3A_394 = arith.index_cast %add3A_393 : i32 to index
      %swap3A_395 = arith.constant 48 : index
      %swap3A_396 = tpu.vector_load %arg9[%swap3A_394, %swap3A_395] {strides = array<i32>} : memref<80x128xf32, #tpu.memory_space<vmem>>, vector<16xf32>,
      tpu.vector_store %arg9[%swap3A_394, %swap3A_395], %add3A_389 {strides = array<i32>} : memref<80x128xf32, #tpu.memory_space<vmem>>, vector<16xf32>,
      %mul3A_397 = arith.constant 8 : i32
      %mul3A_398 = arith.muli %scan3A_15, %mul3A_397 : i32
      %add3A_399 = arith.constant 2 : i32
      %add3A_400 = arith.addi %mul3A_398, %add3A_399 : i32
      %get3A_401 = arith.index_cast %add3A_400 : i32 to index
      %get3A_402 = arith.constant 64 : index
      %get3A_403 = tpu.vector_load %arg9[%get3A_401, %get3A_402] {strides = array<i32>} : memref<80x128xf32, #tpu.memory_space<vmem>>, vector<16xf32>,
      %get3A_404 = arith.constant 2 : i32
      %get3A_405 = arith.index_cast %get3A_404 : i32 to index
      %get3A_406 = arith.constant 64 : index
      %get3A_407 = tpu.vector_load %arg10[%get3A_405, %get3A_406] {strides = array<i32>} : memref<8x128xf32, #tpu.memory_space<vmem>>, vector<16xf32>,
      %add3A_408 = arith.addf %get3A_403, %get3A_407 : vector<16xf32>
      %mul3A_409 = arith.constant 8 : i32
      %mul3A_410 = arith.muli %scan3A_15, %mul3A_409 : i32
      %add3A_411 = arith.constant 2 : i32
      %add3A_412 = arith.addi %mul3A_410, %add3A_411 : i32
      %swap3A_413 = arith.index_cast %add3A_412 : i32 to index
      %swap3A_414 = arith.constant 64 : index
      %swap3A_415 = tpu.vector_load %arg9[%swap3A_413, %swap3A_414] {strides = array<i32>} : memref<80x128xf32, #tpu.memory_space<vmem>>, vector<16xf32>,
      tpu.vector_store %arg9[%swap3A_413, %swap3A_414], %add3A_408 {strides = array<i32>} : memref<80x128xf32, #tpu.memory_space<vmem>>, vector<16xf32>,
      %mul3A_416 = arith.constant 8 : i32
      %mul3A_417 = arith.muli %scan3A_15, %mul3A_416 : i32
      %add3A_418 = arith.constant 2 : i32
      %add3A_419 = arith.addi %mul3A_417, %add3A_418 : i32
      %get3A_420 = arith.index_cast %add3A_419 : i32 to index
      %get3A_421 = arith.constant 80 : index
      %get3A_422 = tpu.vector_load %arg9[%get3A_420, %get3A_421] {strides = array<i32>} : memref<80x128xf32, #tpu.memory_space<vmem>>, vector<16xf32>,
      %get3A_423 = arith.constant 2 : i32
      %get3A_424 = arith.index_cast %get3A_423 : i32 to index
      %get3A_425 = arith.constant 80 : index
      %get3A_426 = tpu.vector_load %arg10[%get3A_424, %get3A_425] {strides = array<i32>} : memref<8x128xf32, #tpu.memory_space<vmem>>, vector<16xf32>,
      %add3A_427 = arith.addf %get3A_422, %get3A_426 : vector<16xf32>
      %mul3A_428 = arith.constant 8 : i32
      %mul3A_429 = arith.muli %scan3A_15, %mul3A_428 : i32
      %add3A_430 = arith.constant 2 : i32
      %add3A_431 = arith.addi %mul3A_429, %add3A_430 : i32
      %swap3A_432 = arith.index_cast %add3A_431 : i32 to index
      %swap3A_433 = arith.constant 80 : index
      %swap3A_434 = tpu.vector_load %arg9[%swap3A_432, %swap3A_433] {strides = array<i32>} : memref<80x128xf32, #tpu.memory_space<vmem>>, vector<16xf32>,
      tpu.vector_store %arg9[%swap3A_432, %swap3A_433], %add3A_427 {strides = array<i32>} : memref<80x128xf32, #tpu.memory_space<vmem>>, vector<16xf32>,
      %mul3A_435 = arith.constant 8 : i32
      %mul3A_436 = arith.muli %scan3A_15, %mul3A_435 : i32
      %add3A_437 = arith.constant 2 : i32
      %add3A_438 = arith.addi %mul3A_436, %add3A_437 : i32
      %get3A_439 = arith.index_cast %add3A_438 : i32 to index
      %get3A_440 = arith.constant 96 : index
      %get3A_441 = tpu.vector_load %arg9[%get3A_439, %get3A_440] {strides = array<i32>} : memref<80x128xf32, #tpu.memory_space<vmem>>, vector<16xf32>,
      %get3A_442 = arith.constant 2 : i32
      %get3A_443 = arith.index_cast %get3A_442 : i32 to index
      %get3A_444 = arith.constant 96 : index
      %get3A_445 = tpu.vector_load %arg10[%get3A_443, %get3A_444] {strides = array<i32>} : memref<8x128xf32, #tpu.memory_space<vmem>>, vector<16xf32>,
      %add3A_446 = arith.addf %get3A_441, %get3A_445 : vector<16xf32>
      %mul3A_447 = arith.constant 8 : i32
      %mul3A_448 = arith.muli %scan3A_15, %mul3A_447 : i32
      %add3A_449 = arith.constant 2 : i32
      %add3A_450 = arith.addi %mul3A_448, %add3A_449 : i32
      %swap3A_451 = arith.index_cast %add3A_450 : i32 to index
      %swap3A_452 = arith.constant 96 : index
      %swap3A_453 = tpu.vector_load %arg9[%swap3A_451, %swap3A_452] {strides = array<i32>} : memref<80x128xf32, #tpu.memory_space<vmem>>, vector<16xf32>,
      tpu.vector_store %arg9[%swap3A_451, %swap3A_452], %add3A_446 {strides = array<i32>} : memref<80x128xf32, #tpu.memory_space<vmem>>, vector<16xf32>,
      %mul3A_454 = arith.constant 8 : i32
      %mul3A_455 = arith.muli %scan3A_15, %mul3A_454 : i32
      %add3A_456 = arith.constant 2 : i32
      %add3A_457 = arith.addi %mul3A_455, %add3A_456 : i32
      %get3A_458 = arith.index_cast %add3A_457 : i32 to index
      %get3A_459 = arith.constant 112 : index
      %get3A_460 = tpu.vector_load %arg9[%get3A_458, %get3A_459] {strides = array<i32>} : memref<80x128xf32, #tpu.memory_space<vmem>>, vector<16xf32>,
      %get3A_461 = arith.constant 2 : i32
      %get3A_462 = arith.index_cast %get3A_461 : i32 to index
      %get3A_463 = arith.constant 112 : index
      %get3A_464 = tpu.vector_load %arg10[%get3A_462, %get3A_463] {strides = array<i32>} : memref<8x128xf32, #tpu.memory_space<vmem>>, vector<16xf32>,
      %add3A_465 = arith.addf %get3A_460, %get3A_464 : vector<16xf32>
      %mul3A_466 = arith.constant 8 : i32
      %mul3A_467 = arith.muli %scan3A_15, %mul3A_466 : i32
      %add3A_468 = arith.constant 2 : i32
      %add3A_469 = arith.addi %mul3A_467, %add3A_468 : i32
      %swap3A_470 = arith.index_cast %add3A_469 : i32 to index
      %swap3A_471 = arith.constant 112 : index
      %swap3A_472 = tpu.vector_load %arg9[%swap3A_470, %swap3A_471] {strides = array<i32>} : memref<80x128xf32, #tpu.memory_space<vmem>>, vector<16xf32>,
      tpu.vector_store %arg9[%swap3A_470, %swap3A_471], %add3A_465 {strides = array<i32>} : memref<80x128xf32, #tpu.memory_space<vmem>>, vector<16xf32>,
      %mul3A_473 = arith.constant 8 : i32
      %mul3A_474 = arith.muli %scan3A_15, %mul3A_473 : i32
      %add3A_475 = arith.constant 3 : i32
      %add3A_476 = arith.addi %mul3A_474, %add3A_475 : i32
      %get3A_477 = arith.index_cast %add3A_476 : i32 to index
      %get3A_478 = arith.constant 0 : index
      %get3A_479 = tpu.vector_load %arg9[%get3A_477, %get3A_478] {strides = array<i32>} : memref<80x128xf32, #tpu.memory_space<vmem>>, vector<16xf32>,
      %get3A_480 = arith.constant 3 : i32
      %get3A_481 = arith.index_cast %get3A_480 : i32 to index
      %get3A_482 = arith.constant 0 : index
      %get3A_483 = tpu.vector_load %arg10[%get3A_481, %get3A_482] {strides = array<i32>} : memref<8x128xf32, #tpu.memory_space<vmem>>, vector<16xf32>,
      %add3A_484 = arith.addf %get3A_479, %get3A_483 : vector<16xf32>
      %mul3A_485 = arith.constant 8 : i32
      %mul3A_486 = arith.muli %scan3A_15, %mul3A_485 : i32
      %add3A_487 = arith.constant 3 : i32
      %add3A_488 = arith.addi %mul3A_486, %add3A_487 : i32
      %swap3A_489 = arith.index_cast %add3A_488 : i32 to index
      %swap3A_490 = arith.constant 0 : index
      %swap3A_491 = tpu.vector_load %arg9[%swap3A_489, %swap3A_490] {strides = array<i32>} : memref<80x128xf32, #tpu.memory_space<vmem>>, vector<16xf32>,
      tpu.vector_store %arg9[%swap3A_489, %swap3A_490], %add3A_484 {strides = array<i32>} : memref<80x128xf32, #tpu.memory_space<vmem>>, vector<16xf32>,
      %mul3A_492 = arith.constant 8 : i32
      %mul3A_493 = arith.muli %scan3A_15, %mul3A_492 : i32
      %add3A_494 = arith.constant 3 : i32
      %add3A_495 = arith.addi %mul3A_493, %add3A_494 : i32
      %get3A_496 = arith.index_cast %add3A_495 : i32 to index
      %get3A_497 = arith.constant 16 : index
      %get3A_498 = tpu.vector_load %arg9[%get3A_496, %get3A_497] {strides = array<i32>} : memref<80x128xf32, #tpu.memory_space<vmem>>, vector<16xf32>,
      %get3A_499 = arith.constant 3 : i32
      %get3A_500 = arith.index_cast %get3A_499 : i32 to index
      %get3A_501 = arith.constant 16 : index
      %get3A_502 = tpu.vector_load %arg10[%get3A_500, %get3A_501] {strides = array<i32>} : memref<8x128xf32, #tpu.memory_space<vmem>>, vector<16xf32>,
      %add3A_503 = arith.addf %get3A_498, %get3A_502 : vector<16xf32>
      %mul3A_504 = arith.constant 8 : i32
      %mul3A_505 = arith.muli %scan3A_15, %mul3A_504 : i32
      %add3A_506 = arith.constant 3 : i32
      %add3A_507 = arith.addi %mul3A_505, %add3A_506 : i32
      %swap3A_508 = arith.index_cast %add3A_507 : i32 to index
      %swap3A_509 = arith.constant 16 : index
      %swap3A_510 = tpu.vector_load %arg9[%swap3A_508, %swap3A_509] {strides = array<i32>} : memref<80x128xf32, #tpu.memory_space<vmem>>, vector<16xf32>,
      tpu.vector_store %arg9[%swap3A_508, %swap3A_509], %add3A_503 {strides = array<i32>} : memref<80x128xf32, #tpu.memory_space<vmem>>, vector<16xf32>,
      %mul3A_511 = arith.constant 8 : i32
      %mul3A_512 = arith.muli %scan3A_15, %mul3A_511 : i32
      %add3A_513 = arith.constant 3 : i32
      %add3A_514 = arith.addi %mul3A_512, %add3A_513 : i32
      %get3A_515 = arith.index_cast %add3A_514 : i32 to index
      %get3A_516 = arith.constant 32 : index
      %get3A_517 = tpu.vector_load %arg9[%get3A_515, %get3A_516] {strides = array<i32>} : memref<80x128xf32, #tpu.memory_space<vmem>>, vector<16xf32>,
      %get3A_518 = arith.constant 3 : i32
      %get3A_519 = arith.index_cast %get3A_518 : i32 to index
      %get3A_520 = arith.constant 32 : index
      %get3A_521 = tpu.vector_load %arg10[%get3A_519, %get3A_520] {strides = array<i32>} : memref<8x128xf32, #tpu.memory_space<vmem>>, vector<16xf32>,
      %add3A_522 = arith.addf %get3A_517, %get3A_521 : vector<16xf32>
      %mul3A_523 = arith.constant 8 : i32
      %mul3A_524 = arith.muli %scan3A_15, %mul3A_523 : i32
      %add3A_525 = arith.constant 3 : i32
      %add3A_526 = arith.addi %mul3A_524, %add3A_525 : i32
      %swap3A_527 = arith.index_cast %add3A_526 : i32 to index
      %swap3A_528 = arith.constant 32 : index
      %swap3A_529 = tpu.vector_load %arg9[%swap3A_527, %swap3A_528] {strides = array<i32>} : memref<80x128xf32, #tpu.memory_space<vmem>>, vector<16xf32>,
      tpu.vector_store %arg9[%swap3A_527, %swap3A_528], %add3A_522 {strides = array<i32>} : memref<80x128xf32, #tpu.memory_space<vmem>>, vector<16xf32>,
      %mul3A_530 = arith.constant 8 : i32
      %mul3A_531 = arith.muli %scan3A_15, %mul3A_530 : i32
      %add3A_532 = arith.constant 3 : i32
      %add3A_533 = arith.addi %mul3A_531, %add3A_532 : i32
      %get3A_534 = arith.index_cast %add3A_533 : i32 to index
      %get3A_535 = arith.constant 48 : index
      %get3A_536 = tpu.vector_load %arg9[%get3A_534, %get3A_535] {strides = array<i32>} : memref<80x128xf32, #tpu.memory_space<vmem>>, vector<16xf32>,
      %get3A_537 = arith.constant 3 : i32
      %get3A_538 = arith.index_cast %get3A_537 : i32 to index
      %get3A_539 = arith.constant 48 : index
      %get3A_540 = tpu.vector_load %arg10[%get3A_538, %get3A_539] {strides = array<i32>} : memref<8x128xf32, #tpu.memory_space<vmem>>, vector<16xf32>,
      %add3A_541 = arith.addf %get3A_536, %get3A_540 : vector<16xf32>
      %mul3A_542 = arith.constant 8 : i32
      %mul3A_543 = arith.muli %scan3A_15, %mul3A_542 : i32
      %add3A_544 = arith.constant 3 : i32
      %add3A_545 = arith.addi %mul3A_543, %add3A_544 : i32
      %swap3A_546 = arith.index_cast %add3A_545 : i32 to index
      %swap3A_547 = arith.constant 48 : index
      %swap3A_548 = tpu.vector_load %arg9[%swap3A_546, %swap3A_547] {strides = array<i32>} : memref<80x128xf32, #tpu.memory_space<vmem>>, vector<16xf32>,
      tpu.vector_store %arg9[%swap3A_546, %swap3A_547], %add3A_541 {strides = array<i32>} : memref<80x128xf32, #tpu.memory_space<vmem>>, vector<16xf32>,
      %mul3A_549 = arith.constant 8 : i32
      %mul3A_550 = arith.muli %scan3A_15, %mul3A_549 : i32
      %add3A_551 = arith.constant 3 : i32
      %add3A_552 = arith.addi %mul3A_550, %add3A_551 : i32
      %get3A_553 = arith.index_cast %add3A_552 : i32 to index
      %get3A_554 = arith.constant 64 : index
      %get3A_555 = tpu.vector_load %arg9[%get3A_553, %get3A_554] {strides = array<i32>} : memref<80x128xf32, #tpu.memory_space<vmem>>, vector<16xf32>,
      %get3A_556 = arith.constant 3 : i32
      %get3A_557 = arith.index_cast %get3A_556 : i32 to index
      %get3A_558 = arith.constant 64 : index
      %get3A_559 = tpu.vector_load %arg10[%get3A_557, %get3A_558] {strides = array<i32>} : memref<8x128xf32, #tpu.memory_space<vmem>>, vector<16xf32>,
      %add3A_560 = arith.addf %get3A_555, %get3A_559 : vector<16xf32>
      %mul3A_561 = arith.constant 8 : i32
      %mul3A_562 = arith.muli %scan3A_15, %mul3A_561 : i32
      %add3A_563 = arith.constant 3 : i32
      %add3A_564 = arith.addi %mul3A_562, %add3A_563 : i32
      %swap3A_565 = arith.index_cast %add3A_564 : i32 to index
      %swap3A_566 = arith.constant 64 : index
      %swap3A_567 = tpu.vector_load %arg9[%swap3A_565, %swap3A_566] {strides = array<i32>} : memref<80x128xf32, #tpu.memory_space<vmem>>, vector<16xf32>,
      tpu.vector_store %arg9[%swap3A_565, %swap3A_566], %add3A_560 {strides = array<i32>} : memref<80x128xf32, #tpu.memory_space<vmem>>, vector<16xf32>,
      %mul3A_568 = arith.constant 8 : i32
      %mul3A_569 = arith.muli %scan3A_15, %mul3A_568 : i32
      %add3A_570 = arith.constant 3 : i32
      %add3A_571 = arith.addi %mul3A_569, %add3A_570 : i32
      %get3A_572 = arith.index_cast %add3A_571 : i32 to index
      %get3A_573 = arith.constant 80 : index
      %get3A_574 = tpu.vector_load %arg9[%get3A_572, %get3A_573] {strides = array<i32>} : memref<80x128xf32, #tpu.memory_space<vmem>>, vector<16xf32>,
      %get3A_575 = arith.constant 3 : i32
      %get3A_576 = arith.index_cast %get3A_575 : i32 to index
      %get3A_577 = arith.constant 80 : index
      %get3A_578 = tpu.vector_load %arg10[%get3A_576, %get3A_577] {strides = array<i32>} : memref<8x128xf32, #tpu.memory_space<vmem>>, vector<16xf32>,
      %add3A_579 = arith.addf %get3A_574, %get3A_578 : vector<16xf32>
      %mul3A_580 = arith.constant 8 : i32
      %mul3A_581 = arith.muli %scan3A_15, %mul3A_580 : i32
      %add3A_582 = arith.constant 3 : i32
      %add3A_583 = arith.addi %mul3A_581, %add3A_582 : i32
      %swap3A_584 = arith.index_cast %add3A_583 : i32 to index
      %swap3A_585 = arith.constant 80 : index
      %swap3A_586 = tpu.vector_load %arg9[%swap3A_584, %swap3A_585] {strides = array<i32>} : memref<80x128xf32, #tpu.memory_space<vmem>>, vector<16xf32>,
      tpu.vector_store %arg9[%swap3A_584, %swap3A_585], %add3A_579 {strides = array<i32>} : memref<80x128xf32, #tpu.memory_space<vmem>>, vector<16xf32>,
      %mul3A_587 = arith.constant 8 : i32
      %mul3A_588 = arith.muli %scan3A_15, %mul3A_587 : i32
      %add3A_589 = arith.constant 3 : i32
      %add3A_590 = arith.addi %mul3A_588, %add3A_589 : i32
      %get3A_591 = arith.index_cast %add3A_590 : i32 to index
      %get3A_592 = arith.constant 96 : index
      %get3A_593 = tpu.vector_load %arg9[%get3A_591, %get3A_592] {strides = array<i32>} : memref<80x128xf32, #tpu.memory_space<vmem>>, vector<16xf32>,
      %get3A_594 = arith.constant 3 : i32
      %get3A_595 = arith.index_cast %get3A_594 : i32 to index
      %get3A_596 = arith.constant 96 : index
      %get3A_597 = tpu.vector_load %arg10[%get3A_595, %get3A_596] {strides = array<i32>} : memref<8x128xf32, #tpu.memory_space<vmem>>, vector<16xf32>,
      %add3A_598 = arith.addf %get3A_593, %get3A_597 : vector<16xf32>
      %mul3A_599 = arith.constant 8 : i32
      %mul3A_600 = arith.muli %scan3A_15, %mul3A_599 : i32
      %add3A_601 = arith.constant 3 : i32
      %add3A_602 = arith.addi %mul3A_600, %add3A_601 : i32
      %swap3A_603 = arith.index_cast %add3A_602 : i32 to index
      %swap3A_604 = arith.constant 96 : index
      %swap3A_605 = tpu.vector_load %arg9[%swap3A_603, %swap3A_604] {strides = array<i32>} : memref<80x128xf32, #tpu.memory_space<vmem>>, vector<16xf32>,
      tpu.vector_store %arg9[%swap3A_603, %swap3A_604], %add3A_598 {strides = array<i32>} : memref<80x128xf32, #tpu.memory_space<vmem>>, vector<16xf32>,
      %mul3A_606 = arith.constant 8 : i32
      %mul3A_607 = arith.muli %scan3A_15, %mul3A_606 : i32
      %add3A_608 = arith.constant 3 : i32
      %add3A_609 = arith.addi %mul3A_607, %add3A_608 : i32
      %get3A_610 = arith.index_cast %add3A_609 : i32 to index
      %get3A_611 = arith.constant 112 : index
      %get3A_612 = tpu.vector_load %arg9[%get3A_610, %get3A_611] {strides = array<i32>} : memref<80x128xf32, #tpu.memory_space<vmem>>, vector<16xf32>,
      %get3A_613 = arith.constant 3 : i32
      %get3A_614 = arith.index_cast %get3A_613 : i32 to index
      %get3A_615 = arith.constant 112 : index
      %get3A_616 = tpu.vector_load %arg10[%get3A_614, %get3A_615] {strides = array<i32>} : memref<8x128xf32, #tpu.memory_space<vmem>>, vector<16xf32>,
      %add3A_617 = arith.addf %get3A_612, %get3A_616 : vector<16xf32>
      %mul3A_618 = arith.constant 8 : i32
      %mul3A_619 = arith.muli %scan3A_15, %mul3A_618 : i32
      %add3A_620 = arith.constant 3 : i32
      %add3A_621 = arith.addi %mul3A_619, %add3A_620 : i32
      %swap3A_622 = arith.index_cast %add3A_621 : i32 to index
      %swap3A_623 = arith.constant 112 : index
      %swap3A_624 = tpu.vector_load %arg9[%swap3A_622, %swap3A_623] {strides = array<i32>} : memref<80x128xf32, #tpu.memory_space<vmem>>, vector<16xf32>,
      tpu.vector_store %arg9[%swap3A_622, %swap3A_623], %add3A_617 {strides = array<i32>} : memref<80x128xf32, #tpu.memory_space<vmem>>, vector<16xf32>,
      %mul3A_625 = arith.constant 8 : i32
      %mul3A_626 = arith.muli %scan3A_15, %mul3A_625 : i32
      %add3A_627 = arith.constant 4 : i32
      %add3A_628 = arith.addi %mul3A_626, %add3A_627 : i32
      %get3A_629 = arith.index_cast %add3A_628 : i32 to index
      %get3A_630 = arith.constant 0 : index
      %get3A_631 = tpu.vector_load %arg9[%get3A_629, %get3A_630] {strides = array<i32>} : memref<80x128xf32, #tpu.memory_space<vmem>>, vector<16xf32>,
      %get3A_632 = arith.constant 4 : i32
      %get3A_633 = arith.index_cast %get3A_632 : i32 to index
      %get3A_634 = arith.constant 0 : index
      %get3A_635 = tpu.vector_load %arg10[%get3A_633, %get3A_634] {strides = array<i32>} : memref<8x128xf32, #tpu.memory_space<vmem>>, vector<16xf32>,
      %add3A_636 = arith.addf %get3A_631, %get3A_635 : vector<16xf32>
      %mul3A_637 = arith.constant 8 : i32
      %mul3A_638 = arith.muli %scan3A_15, %mul3A_637 : i32
      %add3A_639 = arith.constant 4 : i32
      %add3A_640 = arith.addi %mul3A_638, %add3A_639 : i32
      %swap3A_641 = arith.index_cast %add3A_640 : i32 to index
      %swap3A_642 = arith.constant 0 : index
      %swap3A_643 = tpu.vector_load %arg9[%swap3A_641, %swap3A_642] {strides = array<i32>} : memref<80x128xf32, #tpu.memory_space<vmem>>, vector<16xf32>,
      tpu.vector_store %arg9[%swap3A_641, %swap3A_642], %add3A_636 {strides = array<i32>} : memref<80x128xf32, #tpu.memory_space<vmem>>, vector<16xf32>,
      %mul3A_644 = arith.constant 8 : i32
      %mul3A_645 = arith.muli %scan3A_15, %mul3A_644 : i32
      %add3A_646 = arith.constant 4 : i32
      %add3A_647 = arith.addi %mul3A_645, %add3A_646 : i32
      %get3A_648 = arith.index_cast %add3A_647 : i32 to index
      %get3A_649 = arith.constant 16 : index
      %get3A_650 = tpu.vector_load %arg9[%get3A_648, %get3A_649] {strides = array<i32>} : memref<80x128xf32, #tpu.memory_space<vmem>>, vector<16xf32>,
      %get3A_651 = arith.constant 4 : i32
      %get3A_652 = arith.index_cast %get3A_651 : i32 to index
      %get3A_653 = arith.constant 16 : index
      %get3A_654 = tpu.vector_load %arg10[%get3A_652, %get3A_653] {strides = array<i32>} : memref<8x128xf32, #tpu.memory_space<vmem>>, vector<16xf32>,
      %add3A_655 = arith.addf %get3A_650, %get3A_654 : vector<16xf32>
      %mul3A_656 = arith.constant 8 : i32
      %mul3A_657 = arith.muli %scan3A_15, %mul3A_656 : i32
      %add3A_658 = arith.constant 4 : i32
      %add3A_659 = arith.addi %mul3A_657, %add3A_658 : i32
      %swap3A_660 = arith.index_cast %add3A_659 : i32 to index
      %swap3A_661 = arith.constant 16 : index
      %swap3A_662 = tpu.vector_load %arg9[%swap3A_660, %swap3A_661] {strides = array<i32>} : memref<80x128xf32, #tpu.memory_space<vmem>>, vector<16xf32>,
      tpu.vector_store %arg9[%swap3A_660, %swap3A_661], %add3A_655 {strides = array<i32>} : memref<80x128xf32, #tpu.memory_space<vmem>>, vector<16xf32>,
      %mul3A_663 = arith.constant 8 : i32
      %mul3A_664 = arith.muli %scan3A_15, %mul3A_663 : i32
      %add3A_665 = arith.constant 4 : i32
      %add3A_666 = arith.addi %mul3A_664, %add3A_665 : i32
      %get3A_667 = arith.index_cast %add3A_666 : i32 to index
      %get3A_668 = arith.constant 32 : index
      %get3A_669 = tpu.vector_load %arg9[%get3A_667, %get3A_668] {strides = array<i32>} : memref<80x128xf32, #tpu.memory_space<vmem>>, vector<16xf32>,
      %get3A_670 = arith.constant 4 : i32
      %get3A_671 = arith.index_cast %get3A_670 : i32 to index
      %get3A_672 = arith.constant 32 : index
      %get3A_673 = tpu.vector_load %arg10[%get3A_671, %get3A_672] {strides = array<i32>} : memref<8x128xf32, #tpu.memory_space<vmem>>, vector<16xf32>,
      %add3A_674 = arith.addf %get3A_669, %get3A_673 : vector<16xf32>
      %mul3A_675 = arith.constant 8 : i32
      %mul3A_676 = arith.muli %scan3A_15, %mul3A_675 : i32
      %add3A_677 = arith.constant 4 : i32
      %add3A_678 = arith.addi %mul3A_676, %add3A_677 : i32
      %swap3A_679 = arith.index_cast %add3A_678 : i32 to index
      %swap3A_680 = arith.constant 32 : index
      %swap3A_681 = tpu.vector_load %arg9[%swap3A_679, %swap3A_680] {strides = array<i32>} : memref<80x128xf32, #tpu.memory_space<vmem>>, vector<16xf32>,
      tpu.vector_store %arg9[%swap3A_679, %swap3A_680], %add3A_674 {strides = array<i32>} : memref<80x128xf32, #tpu.memory_space<vmem>>, vector<16xf32>,
      %mul3A_682 = arith.constant 8 : i32
      %mul3A_683 = arith.muli %scan3A_15, %mul3A_682 : i32
      %add3A_684 = arith.constant 4 : i32
      %add3A_685 = arith.addi %mul3A_683, %add3A_684 : i32
      %get3A_686 = arith.index_cast %add3A_685 : i32 to index
      %get3A_687 = arith.constant 48 : index
      %get3A_688 = tpu.vector_load %arg9[%get3A_686, %get3A_687] {strides = array<i32>} : memref<80x128xf32, #tpu.memory_space<vmem>>, vector<16xf32>,
      %get3A_689 = arith.constant 4 : i32
      %get3A_690 = arith.index_cast %get3A_689 : i32 to index
      %get3A_691 = arith.constant 48 : index
      %get3A_692 = tpu.vector_load %arg10[%get3A_690, %get3A_691] {strides = array<i32>} : memref<8x128xf32, #tpu.memory_space<vmem>>, vector<16xf32>,
      %add3A_693 = arith.addf %get3A_688, %get3A_692 : vector<16xf32>
      %mul3A_694 = arith.constant 8 : i32
      %mul3A_695 = arith.muli %scan3A_15, %mul3A_694 : i32
      %add3A_696 = arith.constant 4 : i32
      %add3A_697 = arith.addi %mul3A_695, %add3A_696 : i32
      %swap3A_698 = arith.index_cast %add3A_697 : i32 to index
      %swap3A_699 = arith.constant 48 : index
      %swap3A_700 = tpu.vector_load %arg9[%swap3A_698, %swap3A_699] {strides = array<i32>} : memref<80x128xf32, #tpu.memory_space<vmem>>, vector<16xf32>,
      tpu.vector_store %arg9[%swap3A_698, %swap3A_699], %add3A_693 {strides = array<i32>} : memref<80x128xf32, #tpu.memory_space<vmem>>, vector<16xf32>,
      %mul3A_701 = arith.constant 8 : i32
      %mul3A_702 = arith.muli %scan3A_15, %mul3A_701 : i32
      %add3A_703 = arith.constant 4 : i32
      %add3A_704 = arith.addi %mul3A_702, %add3A_703 : i32
      %get3A_705 = arith.index_cast %add3A_704 : i32 to index
      %get3A_706 = arith.constant 64 : index
      %get3A_707 = tpu.vector_load %arg9[%get3A_705, %get3A_706] {strides = array<i32>} : memref<80x128xf32, #tpu.memory_space<vmem>>, vector<16xf32>,
      %get3A_708 = arith.constant 4 : i32
      %get3A_709 = arith.index_cast %get3A_708 : i32 to index
      %get3A_710 = arith.constant 64 : index
      %get3A_711 = tpu.vector_load %arg10[%get3A_709, %get3A_710] {strides = array<i32>} : memref<8x128xf32, #tpu.memory_space<vmem>>, vector<16xf32>,
      %add3A_712 = arith.addf %get3A_707, %get3A_711 : vector<16xf32>
      %mul3A_713 = arith.constant 8 : i32
      %mul3A_714 = arith.muli %scan3A_15, %mul3A_713 : i32
      %add3A_715 = arith.constant 4 : i32
      %add3A_716 = arith.addi %mul3A_714, %add3A_715 : i32
      %swap3A_717 = arith.index_cast %add3A_716 : i32 to index
      %swap3A_718 = arith.constant 64 : index
      %swap3A_719 = tpu.vector_load %arg9[%swap3A_717, %swap3A_718] {strides = array<i32>} : memref<80x128xf32, #tpu.memory_space<vmem>>, vector<16xf32>,
      tpu.vector_store %arg9[%swap3A_717, %swap3A_718], %add3A_712 {strides = array<i32>} : memref<80x128xf32, #tpu.memory_space<vmem>>, vector<16xf32>,
      %mul3A_720 = arith.constant 8 : i32
      %mul3A_721 = arith.muli %scan3A_15, %mul3A_720 : i32
      %add3A_722 = arith.constant 4 : i32
      %add3A_723 = arith.addi %mul3A_721, %add3A_722 : i32
      %get3A_724 = arith.index_cast %add3A_723 : i32 to index
      %get3A_725 = arith.constant 80 : index
      %get3A_726 = tpu.vector_load %arg9[%get3A_724, %get3A_725] {strides = array<i32>} : memref<80x128xf32, #tpu.memory_space<vmem>>, vector<16xf32>,
      %get3A_727 = arith.constant 4 : i32
      %get3A_728 = arith.index_cast %get3A_727 : i32 to index
      %get3A_729 = arith.constant 80 : index
      %get3A_730 = tpu.vector_load %arg10[%get3A_728, %get3A_729] {strides = array<i32>} : memref<8x128xf32, #tpu.memory_space<vmem>>, vector<16xf32>,
      %add3A_731 = arith.addf %get3A_726, %get3A_730 : vector<16xf32>
      %mul3A_732 = arith.constant 8 : i32
      %mul3A_733 = arith.muli %scan3A_15, %mul3A_732 : i32
      %add3A_734 = arith.constant 4 : i32
      %add3A_735 = arith.addi %mul3A_733, %add3A_734 : i32
      %swap3A_736 = arith.index_cast %add3A_735 : i32 to index
      %swap3A_737 = arith.constant 80 : index
      %swap3A_738 = tpu.vector_load %arg9[%swap3A_736, %swap3A_737] {strides = array<i32>} : memref<80x128xf32, #tpu.memory_space<vmem>>, vector<16xf32>,
      tpu.vector_store %arg9[%swap3A_736, %swap3A_737], %add3A_731 {strides = array<i32>} : memref<80x128xf32, #tpu.memory_space<vmem>>, vector<16xf32>,
      %mul3A_739 = arith.constant 8 : i32
      %mul3A_740 = arith.muli %scan3A_15, %mul3A_739 : i32
      %add3A_741 = arith.constant 4 : i32
      %add3A_742 = arith.addi %mul3A_740, %add3A_741 : i32
      %get3A_743 = arith.index_cast %add3A_742 : i32 to index
      %get3A_744 = arith.constant 96 : index
      %get3A_745 = tpu.vector_load %arg9[%get3A_743, %get3A_744] {strides = array<i32>} : memref<80x128xf32, #tpu.memory_space<vmem>>, vector<16xf32>,
      %get3A_746 = arith.constant 4 : i32
      %get3A_747 = arith.index_cast %get3A_746 : i32 to index
      %get3A_748 = arith.constant 96 : index
      %get3A_749 = tpu.vector_load %arg10[%get3A_747, %get3A_748] {strides = array<i32>} : memref<8x128xf32, #tpu.memory_space<vmem>>, vector<16xf32>,
      %add3A_750 = arith.addf %get3A_745, %get3A_749 : vector<16xf32>
      %mul3A_751 = arith.constant 8 : i32
      %mul3A_752 = arith.muli %scan3A_15, %mul3A_751 : i32
      %add3A_753 = arith.constant 4 : i32
      %add3A_754 = arith.addi %mul3A_752, %add3A_753 : i32
      %swap3A_755 = arith.index_cast %add3A_754 : i32 to index
      %swap3A_756 = arith.constant 96 : index
      %swap3A_757 = tpu.vector_load %arg9[%swap3A_755, %swap3A_756] {strides = array<i32>} : memref<80x128xf32, #tpu.memory_space<vmem>>, vector<16xf32>,
      tpu.vector_store %arg9[%swap3A_755, %swap3A_756], %add3A_750 {strides = array<i32>} : memref<80x128xf32, #tpu.memory_space<vmem>>, vector<16xf32>,
      %mul3A_758 = arith.constant 8 : i32
      %mul3A_759 = arith.muli %scan3A_15, %mul3A_758 : i32
      %add3A_760 = arith.constant 4 : i32
      %add3A_761 = arith.addi %mul3A_759, %add3A_760 : i32
      %get3A_762 = arith.index_cast %add3A_761 : i32 to index
      %get3A_763 = arith.constant 112 : index
      %get3A_764 = tpu.vector_load %arg9[%get3A_762, %get3A_763] {strides = array<i32>} : memref<80x128xf32, #tpu.memory_space<vmem>>, vector<16xf32>,
      %get3A_765 = arith.constant 4 : i32
      %get3A_766 = arith.index_cast %get3A_765 : i32 to index
      %get3A_767 = arith.constant 112 : index
      %get3A_768 = tpu.vector_load %arg10[%get3A_766, %get3A_767] {strides = array<i32>} : memref<8x128xf32, #tpu.memory_space<vmem>>, vector<16xf32>,
      %add3A_769 = arith.addf %get3A_764, %get3A_768 : vector<16xf32>
      %mul3A_770 = arith.constant 8 : i32
      %mul3A_771 = arith.muli %scan3A_15, %mul3A_770 : i32
      %add3A_772 = arith.constant 4 : i32
      %add3A_773 = arith.addi %mul3A_771, %add3A_772 : i32
      %swap3A_774 = arith.index_cast %add3A_773 : i32 to index
      %swap3A_775 = arith.constant 112 : index
      %swap3A_776 = tpu.vector_load %arg9[%swap3A_774, %swap3A_775] {strides = array<i32>} : memref<80x128xf32, #tpu.memory_space<vmem>>, vector<16xf32>,
      tpu.vector_store %arg9[%swap3A_774, %swap3A_775], %add3A_769 {strides = array<i32>} : memref<80x128xf32, #tpu.memory_space<vmem>>, vector<16xf32>,
      %mul3A_777 = arith.constant 8 : i32
      %mul3A_778 = arith.muli %scan3A_15, %mul3A_777 : i32
      %add3A_779 = arith.constant 5 : i32
      %add3A_780 = arith.addi %mul3A_778, %add3A_779 : i32
      %get3A_781 = arith.index_cast %add3A_780 : i32 to index
      %get3A_782 = arith.constant 0 : index
      %get3A_783 = tpu.vector_load %arg9[%get3A_781, %get3A_782] {strides = array<i32>} : memref<80x128xf32, #tpu.memory_space<vmem>>, vector<16xf32>,
      %get3A_784 = arith.constant 5 : i32
      %get3A_785 = arith.index_cast %get3A_784 : i32 to index
      %get3A_786 = arith.constant 0 : index
      %get3A_787 = tpu.vector_load %arg10[%get3A_785, %get3A_786] {strides = array<i32>} : memref<8x128xf32, #tpu.memory_space<vmem>>, vector<16xf32>,
      %add3A_788 = arith.addf %get3A_783, %get3A_787 : vector<16xf32>
      %mul3A_789 = arith.constant 8 : i32
      %mul3A_790 = arith.muli %scan3A_15, %mul3A_789 : i32
      %add3A_791 = arith.constant 5 : i32
      %add3A_792 = arith.addi %mul3A_790, %add3A_791 : i32
      %swap3A_793 = arith.index_cast %add3A_792 : i32 to index
      %swap3A_794 = arith.constant 0 : index
      %swap3A_795 = tpu.vector_load %arg9[%swap3A_793, %swap3A_794] {strides = array<i32>} : memref<80x128xf32, #tpu.memory_space<vmem>>, vector<16xf32>,
      tpu.vector_store %arg9[%swap3A_793, %swap3A_794], %add3A_788 {strides = array<i32>} : memref<80x128xf32, #tpu.memory_space<vmem>>, vector<16xf32>,
      %mul3A_796 = arith.constant 8 : i32
      %mul3A_797 = arith.muli %scan3A_15, %mul3A_796 : i32
      %add3A_798 = arith.constant 5 : i32
      %add3A_799 = arith.addi %mul3A_797, %add3A_798 : i32
      %get3A_800 = arith.index_cast %add3A_799 : i32 to index
      %get3A_801 = arith.constant 16 : index
      %get3A_802 = tpu.vector_load %arg9[%get3A_800, %get3A_801] {strides = array<i32>} : memref<80x128xf32, #tpu.memory_space<vmem>>, vector<16xf32>,
      %get3A_803 = arith.constant 5 : i32
      %get3A_804 = arith.index_cast %get3A_803 : i32 to index
      %get3A_805 = arith.constant 16 : index
      %get3A_806 = tpu.vector_load %arg10[%get3A_804, %get3A_805] {strides = array<i32>} : memref<8x128xf32, #tpu.memory_space<vmem>>, vector<16xf32>,
      %add3A_807 = arith.addf %get3A_802, %get3A_806 : vector<16xf32>
      %mul3A_808 = arith.constant 8 : i32
      %mul3A_809 = arith.muli %scan3A_15, %mul3A_808 : i32
      %add3A_810 = arith.constant 5 : i32
      %add3A_811 = arith.addi %mul3A_809, %add3A_810 : i32
      %swap3A_812 = arith.index_cast %add3A_811 : i32 to index
      %swap3A_813 = arith.constant 16 : index
      %swap3A_814 = tpu.vector_load %arg9[%swap3A_812, %swap3A_813] {strides = array<i32>} : memref<80x128xf32, #tpu.memory_space<vmem>>, vector<16xf32>,
      tpu.vector_store %arg9[%swap3A_812, %swap3A_813], %add3A_807 {strides = array<i32>} : memref<80x128xf32, #tpu.memory_space<vmem>>, vector<16xf32>,
      %mul3A_815 = arith.constant 8 : i32
      %mul3A_816 = arith.muli %scan3A_15, %mul3A_815 : i32
      %add3A_817 = arith.constant 5 : i32
      %add3A_818 = arith.addi %mul3A_816, %add3A_817 : i32
      %get3A_819 = arith.index_cast %add3A_818 : i32 to index
      %get3A_820 = arith.constant 32 : index
      %get3A_821 = tpu.vector_load %arg9[%get3A_819, %get3A_820] {strides = array<i32>} : memref<80x128xf32, #tpu.memory_space<vmem>>, vector<16xf32>,
      %get3A_822 = arith.constant 5 : i32
      %get3A_823 = arith.index_cast %get3A_822 : i32 to index
      %get3A_824 = arith.constant 32 : index
      %get3A_825 = tpu.vector_load %arg10[%get3A_823, %get3A_824] {strides = array<i32>} : memref<8x128xf32, #tpu.memory_space<vmem>>, vector<16xf32>,
      %add3A_826 = arith.addf %get3A_821, %get3A_825 : vector<16xf32>
      %mul3A_827 = arith.constant 8 : i32
      %mul3A_828 = arith.muli %scan3A_15, %mul3A_827 : i32
      %add3A_829 = arith.constant 5 : i32
      %add3A_830 = arith.addi %mul3A_828, %add3A_829 : i32
      %swap3A_831 = arith.index_cast %add3A_830 : i32 to index
      %swap3A_832 = arith.constant 32 : index
      %swap3A_833 = tpu.vector_load %arg9[%swap3A_831, %swap3A_832] {strides = array<i32>} : memref<80x128xf32, #tpu.memory_space<vmem>>, vector<16xf32>,
      tpu.vector_store %arg9[%swap3A_831, %swap3A_832], %add3A_826 {strides = array<i32>} : memref<80x128xf32, #tpu.memory_space<vmem>>, vector<16xf32>,
      %mul3A_834 = arith.constant 8 : i32
      %mul3A_835 = arith.muli %scan3A_15, %mul3A_834 : i32
      %add3A_836 = arith.constant 5 : i32
      %add3A_837 = arith.addi %mul3A_835, %add3A_836 : i32
      %get3A_838 = arith.index_cast %add3A_837 : i32 to index
      %get3A_839 = arith.constant 48 : index
      %get3A_840 = tpu.vector_load %arg9[%get3A_838, %get3A_839] {strides = array<i32>} : memref<80x128xf32, #tpu.memory_space<vmem>>, vector<16xf32>,
      %get3A_841 = arith.constant 5 : i32
      %get3A_842 = arith.index_cast %get3A_841 : i32 to index
      %get3A_843 = arith.constant 48 : index
      %get3A_844 = tpu.vector_load %arg10[%get3A_842, %get3A_843] {strides = array<i32>} : memref<8x128xf32, #tpu.memory_space<vmem>>, vector<16xf32>,
      %add3A_845 = arith.addf %get3A_840, %get3A_844 : vector<16xf32>
      %mul3A_846 = arith.constant 8 : i32
      %mul3A_847 = arith.muli %scan3A_15, %mul3A_846 : i32
      %add3A_848 = arith.constant 5 : i32
      %add3A_849 = arith.addi %mul3A_847, %add3A_848 : i32
      %swap3A_850 = arith.index_cast %add3A_849 : i32 to index
      %swap3A_851 = arith.constant 48 : index
      %swap3A_852 = tpu.vector_load %arg9[%swap3A_850, %swap3A_851] {strides = array<i32>} : memref<80x128xf32, #tpu.memory_space<vmem>>, vector<16xf32>,
      tpu.vector_store %arg9[%swap3A_850, %swap3A_851], %add3A_845 {strides = array<i32>} : memref<80x128xf32, #tpu.memory_space<vmem>>, vector<16xf32>,
      %mul3A_853 = arith.constant 8 : i32
      %mul3A_854 = arith.muli %scan3A_15, %mul3A_853 : i32
      %add3A_855 = arith.constant 5 : i32
      %add3A_856 = arith.addi %mul3A_854, %add3A_855 : i32
      %get3A_857 = arith.index_cast %add3A_856 : i32 to index
      %get3A_858 = arith.constant 64 : index
      %get3A_859 = tpu.vector_load %arg9[%get3A_857, %get3A_858] {strides = array<i32>} : memref<80x128xf32, #tpu.memory_space<vmem>>, vector<16xf32>,
      %get3A_860 = arith.constant 5 : i32
      %get3A_861 = arith.index_cast %get3A_860 : i32 to index
      %get3A_862 = arith.constant 64 : index
      %get3A_863 = tpu.vector_load %arg10[%get3A_861, %get3A_862] {strides = array<i32>} : memref<8x128xf32, #tpu.memory_space<vmem>>, vector<16xf32>,
      %add3A_864 = arith.addf %get3A_859, %get3A_863 : vector<16xf32>
      %mul3A_865 = arith.constant 8 : i32
      %mul3A_866 = arith.muli %scan3A_15, %mul3A_865 : i32
      %add3A_867 = arith.constant 5 : i32
      %add3A_868 = arith.addi %mul3A_866, %add3A_867 : i32
      %swap3A_869 = arith.index_cast %add3A_868 : i32 to index
      %swap3A_870 = arith.constant 64 : index
      %swap3A_871 = tpu.vector_load %arg9[%swap3A_869, %swap3A_870] {strides = array<i32>} : memref<80x128xf32, #tpu.memory_space<vmem>>, vector<16xf32>,
      tpu.vector_store %arg9[%swap3A_869, %swap3A_870], %add3A_864 {strides = array<i32>} : memref<80x128xf32, #tpu.memory_space<vmem>>, vector<16xf32>,
      %mul3A_872 = arith.constant 8 : i32
      %mul3A_873 = arith.muli %scan3A_15, %mul3A_872 : i32
      %add3A_874 = arith.constant 5 : i32
      %add3A_875 = arith.addi %mul3A_873, %add3A_874 : i32
      %get3A_876 = arith.index_cast %add3A_875 : i32 to index
      %get3A_877 = arith.constant 80 : index
      %get3A_878 = tpu.vector_load %arg9[%get3A_876, %get3A_877] {strides = array<i32>} : memref<80x128xf32, #tpu.memory_space<vmem>>, vector<16xf32>,
      %get3A_879 = arith.constant 5 : i32
      %get3A_880 = arith.index_cast %get3A_879 : i32 to index
      %get3A_881 = arith.constant 80 : index
      %get3A_882 = tpu.vector_load %arg10[%get3A_880, %get3A_881] {strides = array<i32>} : memref<8x128xf32, #tpu.memory_space<vmem>>, vector<16xf32>,
      %add3A_883 = arith.addf %get3A_878, %get3A_882 : vector<16xf32>
      %mul3A_884 = arith.constant 8 : i32
      %mul3A_885 = arith.muli %scan3A_15, %mul3A_884 : i32
      %add3A_886 = arith.constant 5 : i32
      %add3A_887 = arith.addi %mul3A_885, %add3A_886 : i32
      %swap3A_888 = arith.index_cast %add3A_887 : i32 to index
      %swap3A_889 = arith.constant 80 : index
      %swap3A_890 = tpu.vector_load %arg9[%swap3A_888, %swap3A_889] {strides = array<i32>} : memref<80x128xf32, #tpu.memory_space<vmem>>, vector<16xf32>,
      tpu.vector_store %arg9[%swap3A_888, %swap3A_889], %add3A_883 {strides = array<i32>} : memref<80x128xf32, #tpu.memory_space<vmem>>, vector<16xf32>,
      %mul3A_891 = arith.constant 8 : i32
      %mul3A_892 = arith.muli %scan3A_15, %mul3A_891 : i32
      %add3A_893 = arith.constant 5 : i32
      %add3A_894 = arith.addi %mul3A_892, %add3A_893 : i32
      %get3A_895 = arith.index_cast %add3A_894 : i32 to index
      %get3A_896 = arith.constant 96 : index
      %get3A_897 = tpu.vector_load %arg9[%get3A_895, %get3A_896] {strides = array<i32>} : memref<80x128xf32, #tpu.memory_space<vmem>>, vector<16xf32>,
      %get3A_898 = arith.constant 5 : i32
      %get3A_899 = arith.index_cast %get3A_898 : i32 to index
      %get3A_900 = arith.constant 96 : index
      %get3A_901 = tpu.vector_load %arg10[%get3A_899, %get3A_900] {strides = array<i32>} : memref<8x128xf32, #tpu.memory_space<vmem>>, vector<16xf32>,
      %add3A_902 = arith.addf %get3A_897, %get3A_901 : vector<16xf32>
      %mul3A_903 = arith.constant 8 : i32
      %mul3A_904 = arith.muli %scan3A_15, %mul3A_903 : i32
      %add3A_905 = arith.constant 5 : i32
      %add3A_906 = arith.addi %mul3A_904, %add3A_905 : i32
      %swap3A_907 = arith.index_cast %add3A_906 : i32 to index
      %swap3A_908 = arith.constant 96 : index
      %swap3A_909 = tpu.vector_load %arg9[%swap3A_907, %swap3A_908] {strides = array<i32>} : memref<80x128xf32, #tpu.memory_space<vmem>>, vector<16xf32>,
      tpu.vector_store %arg9[%swap3A_907, %swap3A_908], %add3A_902 {strides = array<i32>} : memref<80x128xf32, #tpu.memory_space<vmem>>, vector<16xf32>,
      %mul3A_910 = arith.constant 8 : i32
      %mul3A_911 = arith.muli %scan3A_15, %mul3A_910 : i32
      %add3A_912 = arith.constant 5 : i32
      %add3A_913 = arith.addi %mul3A_911, %add3A_912 : i32
      %get3A_914 = arith.index_cast %add3A_913 : i32 to index
      %get3A_915 = arith.constant 112 : index
      %get3A_916 = tpu.vector_load %arg9[%get3A_914, %get3A_915] {strides = array<i32>} : memref<80x128xf32, #tpu.memory_space<vmem>>, vector<16xf32>,
      %get3A_917 = arith.constant 5 : i32
      %get3A_918 = arith.index_cast %get3A_917 : i32 to index
      %get3A_919 = arith.constant 112 : index
      %get3A_920 = tpu.vector_load %arg10[%get3A_918, %get3A_919] {strides = array<i32>} : memref<8x128xf32, #tpu.memory_space<vmem>>, vector<16xf32>,
      %add3A_921 = arith.addf %get3A_916, %get3A_920 : vector<16xf32>
      %mul3A_922 = arith.constant 8 : i32
      %mul3A_923 = arith.muli %scan3A_15, %mul3A_922 : i32
      %add3A_924 = arith.constant 5 : i32
      %add3A_925 = arith.addi %mul3A_923, %add3A_924 : i32
      %swap3A_926 = arith.index_cast %add3A_925 : i32 to index
      %swap3A_927 = arith.constant 112 : index
      %swap3A_928 = tpu.vector_load %arg9[%swap3A_926, %swap3A_927] {strides = array<i32>} : memref<80x128xf32, #tpu.memory_space<vmem>>, vector<16xf32>,
      tpu.vector_store %arg9[%swap3A_926, %swap3A_927], %add3A_921 {strides = array<i32>} : memref<80x128xf32, #tpu.memory_space<vmem>>, vector<16xf32>,
      %mul3A_929 = arith.constant 8 : i32
      %mul3A_930 = arith.muli %scan3A_15, %mul3A_929 : i32
      %add3A_931 = arith.constant 6 : i32
      %add3A_932 = arith.addi %mul3A_930, %add3A_931 : i32
      %get3A_933 = arith.index_cast %add3A_932 : i32 to index
      %get3A_934 = arith.constant 0 : index
      %get3A_935 = tpu.vector_load %arg9[%get3A_933, %get3A_934] {strides = array<i32>} : memref<80x128xf32, #tpu.memory_space<vmem>>, vector<16xf32>,
      %get3A_936 = arith.constant 6 : i32
      %get3A_937 = arith.index_cast %get3A_936 : i32 to index
      %get3A_938 = arith.constant 0 : index
      %get3A_939 = tpu.vector_load %arg10[%get3A_937, %get3A_938] {strides = array<i32>} : memref<8x128xf32, #tpu.memory_space<vmem>>, vector<16xf32>,
      %add3A_940 = arith.addf %get3A_935, %get3A_939 : vector<16xf32>
      %mul3A_941 = arith.constant 8 : i32
      %mul3A_942 = arith.muli %scan3A_15, %mul3A_941 : i32
      %add3A_943 = arith.constant 6 : i32
      %add3A_944 = arith.addi %mul3A_942, %add3A_943 : i32
      %swap3A_945 = arith.index_cast %add3A_944 : i32 to index
      %swap3A_946 = arith.constant 0 : index
      %swap3A_947 = tpu.vector_load %arg9[%swap3A_945, %swap3A_946] {strides = array<i32>} : memref<80x128xf32, #tpu.memory_space<vmem>>, vector<16xf32>,
      tpu.vector_store %arg9[%swap3A_945, %swap3A_946], %add3A_940 {strides = array<i32>} : memref<80x128xf32, #tpu.memory_space<vmem>>, vector<16xf32>,
      %mul3A_948 = arith.constant 8 : i32
      %mul3A_949 = arith.muli %scan3A_15, %mul3A_948 : i32
      %add3A_950 = arith.constant 6 : i32
      %add3A_951 = arith.addi %mul3A_949, %add3A_950 : i32
      %get3A_952 = arith.index_cast %add3A_951 : i32 to index
      %get3A_953 = arith.constant 16 : index
      %get3A_954 = tpu.vector_load %arg9[%get3A_952, %get3A_953] {strides = array<i32>} : memref<80x128xf32, #tpu.memory_space<vmem>>, vector<16xf32>,
      %get3A_955 = arith.constant 6 : i32
      %get3A_956 = arith.index_cast %get3A_955 : i32 to index
      %get3A_957 = arith.constant 16 : index
      %get3A_958 = tpu.vector_load %arg10[%get3A_956, %get3A_957] {strides = array<i32>} : memref<8x128xf32, #tpu.memory_space<vmem>>, vector<16xf32>,
      %add3A_959 = arith.addf %get3A_954, %get3A_958 : vector<16xf32>
      %mul3A_960 = arith.constant 8 : i32
      %mul3A_961 = arith.muli %scan3A_15, %mul3A_960 : i32
      %add3A_962 = arith.constant 6 : i32
      %add3A_963 = arith.addi %mul3A_961, %add3A_962 : i32
      %swap3A_964 = arith.index_cast %add3A_963 : i32 to index
      %swap3A_965 = arith.constant 16 : index
      %swap3A_966 = tpu.vector_load %arg9[%swap3A_964, %swap3A_965] {strides = array<i32>} : memref<80x128xf32, #tpu.memory_space<vmem>>, vector<16xf32>,
      tpu.vector_store %arg9[%swap3A_964, %swap3A_965], %add3A_959 {strides = array<i32>} : memref<80x128xf32, #tpu.memory_space<vmem>>, vector<16xf32>,
      %mul3A_967 = arith.constant 8 : i32
      %mul3A_968 = arith.muli %scan3A_15, %mul3A_967 : i32
      %add3A_969 = arith.constant 6 : i32
      %add3A_970 = arith.addi %mul3A_968, %add3A_969 : i32
      %get3A_971 = arith.index_cast %add3A_970 : i32 to index
      %get3A_972 = arith.constant 32 : index
      %get3A_973 = tpu.vector_load %arg9[%get3A_971, %get3A_972] {strides = array<i32>} : memref<80x128xf32, #tpu.memory_space<vmem>>, vector<16xf32>,
      %get3A_974 = arith.constant 6 : i32
      %get3A_975 = arith.index_cast %get3A_974 : i32 to index
      %get3A_976 = arith.constant 32 : index
      %get3A_977 = tpu.vector_load %arg10[%get3A_975, %get3A_976] {strides = array<i32>} : memref<8x128xf32, #tpu.memory_space<vmem>>, vector<16xf32>,
      %add3A_978 = arith.addf %get3A_973, %get3A_977 : vector<16xf32>
      %mul3A_979 = arith.constant 8 : i32
      %mul3A_980 = arith.muli %scan3A_15, %mul3A_979 : i32
      %add3A_981 = arith.constant 6 : i32
      %add3A_982 = arith.addi %mul3A_980, %add3A_981 : i32
      %swap3A_983 = arith.index_cast %add3A_982 : i32 to index
      %swap3A_984 = arith.constant 32 : index
      %swap3A_985 = tpu.vector_load %arg9[%swap3A_983, %swap3A_984] {strides = array<i32>} : memref<80x128xf32, #tpu.memory_space<vmem>>, vector<16xf32>,
      tpu.vector_store %arg9[%swap3A_983, %swap3A_984], %add3A_978 {strides = array<i32>} : memref<80x128xf32, #tpu.memory_space<vmem>>, vector<16xf32>,
      %mul3A_986 = arith.constant 8 : i32
      %mul3A_987 = arith.muli %scan3A_15, %mul3A_986 : i32
      %add3A_988 = arith.constant 6 : i32
      %add3A_989 = arith.addi %mul3A_987, %add3A_988 : i32
      %get3A_990 = arith.index_cast %add3A_989 : i32 to index
      %get3A_991 = arith.constant 48 : index
      %get3A_992 = tpu.vector_load %arg9[%get3A_990, %get3A_991] {strides = array<i32>} : memref<80x128xf32, #tpu.memory_space<vmem>>, vector<16xf32>,
      %get3A_993 = arith.constant 6 : i32
      %get3A_994 = arith.index_cast %get3A_993 : i32 to index
      %get3A_995 = arith.constant 48 : index
      %get3A_996 = tpu.vector_load %arg10[%get3A_994, %get3A_995] {strides = array<i32>} : memref<8x128xf32, #tpu.memory_space<vmem>>, vector<16xf32>,
      %add3A_997 = arith.addf %get3A_992, %get3A_996 : vector<16xf32>
      %mul3A_998 = arith.constant 8 : i32
      %mul3A_999 = arith.muli %scan3A_15, %mul3A_998 : i32
      %add3A_1000 = arith.constant 6 : i32
      %add3A_1001 = arith.addi %mul3A_999, %add3A_1000 : i32
      %swap3A_1002 = arith.index_cast %add3A_1001 : i32 to index
      %swap3A_1003 = arith.constant 48 : index
      %swap3A_1004 = tpu.vector_load %arg9[%swap3A_1002, %swap3A_1003] {strides = array<i32>} : memref<80x128xf32, #tpu.memory_space<vmem>>, vector<16xf32>,
      tpu.vector_store %arg9[%swap3A_1002, %swap3A_1003], %add3A_997 {strides = array<i32>} : memref<80x128xf32, #tpu.memory_space<vmem>>, vector<16xf32>,
      %mul3A_1005 = arith.constant 8 : i32
      %mul3A_1006 = arith.muli %scan3A_15, %mul3A_1005 : i32
      %add3A_1007 = arith.constant 6 : i32
      %add3A_1008 = arith.addi %mul3A_1006, %add3A_1007 : i32
      %get3A_1009 = arith.index_cast %add3A_1008 : i32 to index
      %get3A_1010 = arith.constant 64 : index
      %get3A_1011 = tpu.vector_load %arg9[%get3A_1009, %get3A_1010] {strides = array<i32>} : memref<80x128xf32, #tpu.memory_space<vmem>>, vector<16xf32>,
      %get3A_1012 = arith.constant 6 : i32
      %get3A_1013 = arith.index_cast %get3A_1012 : i32 to index
      %get3A_1014 = arith.constant 64 : index
      %get3A_1015 = tpu.vector_load %arg10[%get3A_1013, %get3A_1014] {strides = array<i32>} : memref<8x128xf32, #tpu.memory_space<vmem>>, vector<16xf32>,
      %add3A_1016 = arith.addf %get3A_1011, %get3A_1015 : vector<16xf32>
      %mul3A_1017 = arith.constant 8 : i32
      %mul3A_1018 = arith.muli %scan3A_15, %mul3A_1017 : i32
      %add3A_1019 = arith.constant 6 : i32
      %add3A_1020 = arith.addi %mul3A_1018, %add3A_1019 : i32
      %swap3A_1021 = arith.index_cast %add3A_1020 : i32 to index
      %swap3A_1022 = arith.constant 64 : index
      %swap3A_1023 = tpu.vector_load %arg9[%swap3A_1021, %swap3A_1022] {strides = array<i32>} : memref<80x128xf32, #tpu.memory_space<vmem>>, vector<16xf32>,
      tpu.vector_store %arg9[%swap3A_1021, %swap3A_1022], %add3A_1016 {strides = array<i32>} : memref<80x128xf32, #tpu.memory_space<vmem>>, vector<16xf32>,
      %mul3A_1024 = arith.constant 8 : i32
      %mul3A_1025 = arith.muli %scan3A_15, %mul3A_1024 : i32
      %add3A_1026 = arith.constant 6 : i32
      %add3A_1027 = arith.addi %mul3A_1025, %add3A_1026 : i32
      %get3A_1028 = arith.index_cast %add3A_1027 : i32 to index
      %get3A_1029 = arith.constant 80 : index
      %get3A_1030 = tpu.vector_load %arg9[%get3A_1028, %get3A_1029] {strides = array<i32>} : memref<80x128xf32, #tpu.memory_space<vmem>>, vector<16xf32>,
      %get3A_1031 = arith.constant 6 : i32
      %get3A_1032 = arith.index_cast %get3A_1031 : i32 to index
      %get3A_1033 = arith.constant 80 : index
      %get3A_1034 = tpu.vector_load %arg10[%get3A_1032, %get3A_1033] {strides = array<i32>} : memref<8x128xf32, #tpu.memory_space<vmem>>, vector<16xf32>,
      %add3A_1035 = arith.addf %get3A_1030, %get3A_1034 : vector<16xf32>
      %mul3A_1036 = arith.constant 8 : i32
      %mul3A_1037 = arith.muli %scan3A_15, %mul3A_1036 : i32
      %add3A_1038 = arith.constant 6 : i32
      %add3A_1039 = arith.addi %mul3A_1037, %add3A_1038 : i32
      %swap3A_1040 = arith.index_cast %add3A_1039 : i32 to index
      %swap3A_1041 = arith.constant 80 : index
      %swap3A_1042 = tpu.vector_load %arg9[%swap3A_1040, %swap3A_1041] {strides = array<i32>} : memref<80x128xf32, #tpu.memory_space<vmem>>, vector<16xf32>,
      tpu.vector_store %arg9[%swap3A_1040, %swap3A_1041], %add3A_1035 {strides = array<i32>} : memref<80x128xf32, #tpu.memory_space<vmem>>, vector<16xf32>,
      %mul3A_1043 = arith.constant 8 : i32
      %mul3A_1044 = arith.muli %scan3A_15, %mul3A_1043 : i32
      %add3A_1045 = arith.constant 6 : i32
      %add3A_1046 = arith.addi %mul3A_1044, %add3A_1045 : i32
      %get3A_1047 = arith.index_cast %add3A_1046 : i32 to index
      %get3A_1048 = arith.constant 96 : index
      %get3A_1049 = tpu.vector_load %arg9[%get3A_1047, %get3A_1048] {strides = array<i32>} : memref<80x128xf32, #tpu.memory_space<vmem>>, vector<16xf32>,
      %get3A_1050 = arith.constant 6 : i32
      %get3A_1051 = arith.index_cast %get3A_1050 : i32 to index
      %get3A_1052 = arith.constant 96 : index
      %get3A_1053 = tpu.vector_load %arg10[%get3A_1051, %get3A_1052] {strides = array<i32>} : memref<8x128xf32, #tpu.memory_space<vmem>>, vector<16xf32>,
      %add3A_1054 = arith.addf %get3A_1049, %get3A_1053 : vector<16xf32>
      %mul3A_1055 = arith.constant 8 : i32
      %mul3A_1056 = arith.muli %scan3A_15, %mul3A_1055 : i32
      %add3A_1057 = arith.constant 6 : i32
      %add3A_1058 = arith.addi %mul3A_1056, %add3A_1057 : i32
      %swap3A_1059 = arith.index_cast %add3A_1058 : i32 to index
      %swap3A_1060 = arith.constant 96 : index
      %swap3A_1061 = tpu.vector_load %arg9[%swap3A_1059, %swap3A_1060] {strides = array<i32>} : memref<80x128xf32, #tpu.memory_space<vmem>>, vector<16xf32>,
      tpu.vector_store %arg9[%swap3A_1059, %swap3A_1060], %add3A_1054 {strides = array<i32>} : memref<80x128xf32, #tpu.memory_space<vmem>>, vector<16xf32>,
      %mul3A_1062 = arith.constant 8 : i32
      %mul3A_1063 = arith.muli %scan3A_15, %mul3A_1062 : i32
      %add3A_1064 = arith.constant 6 : i32
      %add3A_1065 = arith.addi %mul3A_1063, %add3A_1064 : i32
      %get3A_1066 = arith.index_cast %add3A_1065 : i32 to index
      %get3A_1067 = arith.constant 112 : index
      %get3A_1068 = tpu.vector_load %arg9[%get3A_1066, %get3A_1067] {strides = array<i32>} : memref<80x128xf32, #tpu.memory_space<vmem>>, vector<16xf32>,
      %get3A_1069 = arith.constant 6 : i32
      %get3A_1070 = arith.index_cast %get3A_1069 : i32 to index
      %get3A_1071 = arith.constant 112 : index
      %get3A_1072 = tpu.vector_load %arg10[%get3A_1070, %get3A_1071] {strides = array<i32>} : memref<8x128xf32, #tpu.memory_space<vmem>>, vector<16xf32>,
      %add3A_1073 = arith.addf %get3A_1068, %get3A_1072 : vector<16xf32>
      %mul3A_1074 = arith.constant 8 : i32
      %mul3A_1075 = arith.muli %scan3A_15, %mul3A_1074 : i32
      %add3A_1076 = arith.constant 6 : i32
      %add3A_1077 = arith.addi %mul3A_1075, %add3A_1076 : i32
      %swap3A_1078 = arith.index_cast %add3A_1077 : i32 to index
      %swap3A_1079 = arith.constant 112 : index
      %swap3A_1080 = tpu.vector_load %arg9[%swap3A_1078, %swap3A_1079] {strides = array<i32>} : memref<80x128xf32, #tpu.memory_space<vmem>>, vector<16xf32>,
      tpu.vector_store %arg9[%swap3A_1078, %swap3A_1079], %add3A_1073 {strides = array<i32>} : memref<80x128xf32, #tpu.memory_space<vmem>>, vector<16xf32>,
      %mul3A_1081 = arith.constant 8 : i32
      %mul3A_1082 = arith.muli %scan3A_15, %mul3A_1081 : i32
      %add3A_1083 = arith.constant 7 : i32
      %add3A_1084 = arith.addi %mul3A_1082, %add3A_1083 : i32
      %get3A_1085 = arith.index_cast %add3A_1084 : i32 to index
      %get3A_1086 = arith.constant 0 : index
      %get3A_1087 = tpu.vector_load %arg9[%get3A_1085, %get3A_1086] {strides = array<i32>} : memref<80x128xf32, #tpu.memory_space<vmem>>, vector<16xf32>,
      %get3A_1088 = arith.constant 7 : i32
      %get3A_1089 = arith.index_cast %get3A_1088 : i32 to index
      %get3A_1090 = arith.constant 0 : index
      %get3A_1091 = tpu.vector_load %arg10[%get3A_1089, %get3A_1090] {strides = array<i32>} : memref<8x128xf32, #tpu.memory_space<vmem>>, vector<16xf32>,
      %add3A_1092 = arith.addf %get3A_1087, %get3A_1091 : vector<16xf32>
      %mul3A_1093 = arith.constant 8 : i32
      %mul3A_1094 = arith.muli %scan3A_15, %mul3A_1093 : i32
      %add3A_1095 = arith.constant 7 : i32
      %add3A_1096 = arith.addi %mul3A_1094, %add3A_1095 : i32
      %swap3A_1097 = arith.index_cast %add3A_1096 : i32 to index
      %swap3A_1098 = arith.constant 0 : index
      %swap3A_1099 = tpu.vector_load %arg9[%swap3A_1097, %swap3A_1098] {strides = array<i32>} : memref<80x128xf32, #tpu.memory_space<vmem>>, vector<16xf32>,
      tpu.vector_store %arg9[%swap3A_1097, %swap3A_1098], %add3A_1092 {strides = array<i32>} : memref<80x128xf32, #tpu.memory_space<vmem>>, vector<16xf32>,
      %mul3A_1100 = arith.constant 8 : i32
      %mul3A_1101 = arith.muli %scan3A_15, %mul3A_1100 : i32
      %add3A_1102 = arith.constant 7 : i32
      %add3A_1103 = arith.addi %mul3A_1101, %add3A_1102 : i32
      %get3A_1104 = arith.index_cast %add3A_1103 : i32 to index
      %get3A_1105 = arith.constant 16 : index
      %get3A_1106 = tpu.vector_load %arg9[%get3A_1104, %get3A_1105] {strides = array<i32>} : memref<80x128xf32, #tpu.memory_space<vmem>>, vector<16xf32>,
      %get3A_1107 = arith.constant 7 : i32
      %get3A_1108 = arith.index_cast %get3A_1107 : i32 to index
      %get3A_1109 = arith.constant 16 : index
      %get3A_1110 = tpu.vector_load %arg10[%get3A_1108, %get3A_1109] {strides = array<i32>} : memref<8x128xf32, #tpu.memory_space<vmem>>, vector<16xf32>,
      %add3A_1111 = arith.addf %get3A_1106, %get3A_1110 : vector<16xf32>
      %mul3A_1112 = arith.constant 8 : i32
      %mul3A_1113 = arith.muli %scan3A_15, %mul3A_1112 : i32
      %add3A_1114 = arith.constant 7 : i32
      %add3A_1115 = arith.addi %mul3A_1113, %add3A_1114 : i32
      %swap3A_1116 = arith.index_cast %add3A_1115 : i32 to index
      %swap3A_1117 = arith.constant 16 : index
      %swap3A_1118 = tpu.vector_load %arg9[%swap3A_1116, %swap3A_1117] {strides = array<i32>} : memref<80x128xf32, #tpu.memory_space<vmem>>, vector<16xf32>,
      tpu.vector_store %arg9[%swap3A_1116, %swap3A_1117], %add3A_1111 {strides = array<i32>} : memref<80x128xf32, #tpu.memory_space<vmem>>, vector<16xf32>,
      %mul3A_1119 = arith.constant 8 : i32
      %mul3A_1120 = arith.muli %scan3A_15, %mul3A_1119 : i32
      %add3A_1121 = arith.constant 7 : i32
      %add3A_1122 = arith.addi %mul3A_1120, %add3A_1121 : i32
      %get3A_1123 = arith.index_cast %add3A_1122 : i32 to index
      %get3A_1124 = arith.constant 32 : index
      %get3A_1125 = tpu.vector_load %arg9[%get3A_1123, %get3A_1124] {strides = array<i32>} : memref<80x128xf32, #tpu.memory_space<vmem>>, vector<16xf32>,
      %get3A_1126 = arith.constant 7 : i32
      %get3A_1127 = arith.index_cast %get3A_1126 : i32 to index
      %get3A_1128 = arith.constant 32 : index
      %get3A_1129 = tpu.vector_load %arg10[%get3A_1127, %get3A_1128] {strides = array<i32>} : memref<8x128xf32, #tpu.memory_space<vmem>>, vector<16xf32>,
      %add3A_1130 = arith.addf %get3A_1125, %get3A_1129 : vector<16xf32>
      %mul3A_1131 = arith.constant 8 : i32
      %mul3A_1132 = arith.muli %scan3A_15, %mul3A_1131 : i32
      %add3A_1133 = arith.constant 7 : i32
      %add3A_1134 = arith.addi %mul3A_1132, %add3A_1133 : i32
      %swap3A_1135 = arith.index_cast %add3A_1134 : i32 to index
      %swap3A_1136 = arith.constant 32 : index
      %swap3A_1137 = tpu.vector_load %arg9[%swap3A_1135, %swap3A_1136] {strides = array<i32>} : memref<80x128xf32, #tpu.memory_space<vmem>>, vector<16xf32>,
      tpu.vector_store %arg9[%swap3A_1135, %swap3A_1136], %add3A_1130 {strides = array<i32>} : memref<80x128xf32, #tpu.memory_space<vmem>>, vector<16xf32>,
      %mul3A_1138 = arith.constant 8 : i32
      %mul3A_1139 = arith.muli %scan3A_15, %mul3A_1138 : i32
      %add3A_1140 = arith.constant 7 : i32
      %add3A_1141 = arith.addi %mul3A_1139, %add3A_1140 : i32
      %get3A_1142 = arith.index_cast %add3A_1141 : i32 to index
      %get3A_1143 = arith.constant 48 : index
      %get3A_1144 = tpu.vector_load %arg9[%get3A_1142, %get3A_1143] {strides = array<i32>} : memref<80x128xf32, #tpu.memory_space<vmem>>, vector<16xf32>,
      %get3A_1145 = arith.constant 7 : i32
      %get3A_1146 = arith.index_cast %get3A_1145 : i32 to index
      %get3A_1147 = arith.constant 48 : index
      %get3A_1148 = tpu.vector_load %arg10[%get3A_1146, %get3A_1147] {strides = array<i32>} : memref<8x128xf32, #tpu.memory_space<vmem>>, vector<16xf32>,
      %add3A_1149 = arith.addf %get3A_1144, %get3A_1148 : vector<16xf32>
      %mul3A_1150 = arith.constant 8 : i32
      %mul3A_1151 = arith.muli %scan3A_15, %mul3A_1150 : i32
      %add3A_1152 = arith.constant 7 : i32
      %add3A_1153 = arith.addi %mul3A_1151, %add3A_1152 : i32
      %swap3A_1154 = arith.index_cast %add3A_1153 : i32 to index
      %swap3A_1155 = arith.constant 48 : index
      %swap3A_1156 = tpu.vector_load %arg9[%swap3A_1154, %swap3A_1155] {strides = array<i32>} : memref<80x128xf32, #tpu.memory_space<vmem>>, vector<16xf32>,
      tpu.vector_store %arg9[%swap3A_1154, %swap3A_1155], %add3A_1149 {strides = array<i32>} : memref<80x128xf32, #tpu.memory_space<vmem>>, vector<16xf32>,
      %mul3A_1157 = arith.constant 8 : i32
      %mul3A_1158 = arith.muli %scan3A_15, %mul3A_1157 : i32
      %add3A_1159 = arith.constant 7 : i32
      %add3A_1160 = arith.addi %mul3A_1158, %add3A_1159 : i32
      %get3A_1161 = arith.index_cast %add3A_1160 : i32 to index
      %get3A_1162 = arith.constant 64 : index
      %get3A_1163 = tpu.vector_load %arg9[%get3A_1161, %get3A_1162] {strides = array<i32>} : memref<80x128xf32, #tpu.memory_space<vmem>>, vector<16xf32>,
      %get3A_1164 = arith.constant 7 : i32
      %get3A_1165 = arith.index_cast %get3A_1164 : i32 to index
      %get3A_1166 = arith.constant 64 : index
      %get3A_1167 = tpu.vector_load %arg10[%get3A_1165, %get3A_1166] {strides = array<i32>} : memref<8x128xf32, #tpu.memory_space<vmem>>, vector<16xf32>,
      %add3A_1168 = arith.addf %get3A_1163, %get3A_1167 : vector<16xf32>
      %mul3A_1169 = arith.constant 8 : i32
      %mul3A_1170 = arith.muli %scan3A_15, %mul3A_1169 : i32
      %add3A_1171 = arith.constant 7 : i32
      %add3A_1172 = arith.addi %mul3A_1170, %add3A_1171 : i32
      %swap3A_1173 = arith.index_cast %add3A_1172 : i32 to index
      %swap3A_1174 = arith.constant 64 : index
      %swap3A_1175 = tpu.vector_load %arg9[%swap3A_1173, %swap3A_1174] {strides = array<i32>} : memref<80x128xf32, #tpu.memory_space<vmem>>, vector<16xf32>,
      tpu.vector_store %arg9[%swap3A_1173, %swap3A_1174], %add3A_1168 {strides = array<i32>} : memref<80x128xf32, #tpu.memory_space<vmem>>, vector<16xf32>,
      %mul3A_1176 = arith.constant 8 : i32
      %mul3A_1177 = arith.muli %scan3A_15, %mul3A_1176 : i32
      %add3A_1178 = arith.constant 7 : i32
      %add3A_1179 = arith.addi %mul3A_1177, %add3A_1178 : i32
      %get3A_1180 = arith.index_cast %add3A_1179 : i32 to index
      %get3A_1181 = arith.constant 80 : index
      %get3A_1182 = tpu.vector_load %arg9[%get3A_1180, %get3A_1181] {strides = array<i32>} : memref<80x128xf32, #tpu.memory_space<vmem>>, vector<16xf32>,
      %get3A_1183 = arith.constant 7 : i32
      %get3A_1184 = arith.index_cast %get3A_1183 : i32 to index
      %get3A_1185 = arith.constant 80 : index
      %get3A_1186 = tpu.vector_load %arg10[%get3A_1184, %get3A_1185] {strides = array<i32>} : memref<8x128xf32, #tpu.memory_space<vmem>>, vector<16xf32>,
      %add3A_1187 = arith.addf %get3A_1182, %get3A_1186 : vector<16xf32>
      %mul3A_1188 = arith.constant 8 : i32
      %mul3A_1189 = arith.muli %scan3A_15, %mul3A_1188 : i32
      %add3A_1190 = arith.constant 7 : i32
      %add3A_1191 = arith.addi %mul3A_1189, %add3A_1190 : i32
      %swap3A_1192 = arith.index_cast %add3A_1191 : i32 to index
      %swap3A_1193 = arith.constant 80 : index
      %swap3A_1194 = tpu.vector_load %arg9[%swap3A_1192, %swap3A_1193] {strides = array<i32>} : memref<80x128xf32, #tpu.memory_space<vmem>>, vector<16xf32>,
      tpu.vector_store %arg9[%swap3A_1192, %swap3A_1193], %add3A_1187 {strides = array<i32>} : memref<80x128xf32, #tpu.memory_space<vmem>>, vector<16xf32>,
      %mul3A_1195 = arith.constant 8 : i32
      %mul3A_1196 = arith.muli %scan3A_15, %mul3A_1195 : i32
      %add3A_1197 = arith.constant 7 : i32
      %add3A_1198 = arith.addi %mul3A_1196, %add3A_1197 : i32
      %get3A_1199 = arith.index_cast %add3A_1198 : i32 to index
      %get3A_1200 = arith.constant 96 : index
      %get3A_1201 = tpu.vector_load %arg9[%get3A_1199, %get3A_1200] {strides = array<i32>} : memref<80x128xf32, #tpu.memory_space<vmem>>, vector<16xf32>,
      %get3A_1202 = arith.constant 7 : i32
      %get3A_1203 = arith.index_cast %get3A_1202 : i32 to index
      %get3A_1204 = arith.constant 96 : index
      %get3A_1205 = tpu.vector_load %arg10[%get3A_1203, %get3A_1204] {strides = array<i32>} : memref<8x128xf32, #tpu.memory_space<vmem>>, vector<16xf32>,
      %add3A_1206 = arith.addf %get3A_1201, %get3A_1205 : vector<16xf32>
      %mul3A_1207 = arith.constant 8 : i32
      %mul3A_1208 = arith.muli %scan3A_15, %mul3A_1207 : i32
      %add3A_1209 = arith.constant 7 : i32
      %add3A_1210 = arith.addi %mul3A_1208, %add3A_1209 : i32
      %swap3A_1211 = arith.index_cast %add3A_1210 : i32 to index
      %swap3A_1212 = arith.constant 96 : index
      %swap3A_1213 = tpu.vector_load %arg9[%swap3A_1211, %swap3A_1212] {strides = array<i32>} : memref<80x128xf32, #tpu.memory_space<vmem>>, vector<16xf32>,
      tpu.vector_store %arg9[%swap3A_1211, %swap3A_1212], %add3A_1206 {strides = array<i32>} : memref<80x128xf32, #tpu.memory_space<vmem>>, vector<16xf32>,
      %mul3A_1214 = arith.constant 8 : i32
      %mul3A_1215 = arith.muli %scan3A_15, %mul3A_1214 : i32
      %add3A_1216 = arith.constant 7 : i32
      %add3A_1217 = arith.addi %mul3A_1215, %add3A_1216 : i32
      %get3A_1218 = arith.index_cast %add3A_1217 : i32 to index
      %get3A_1219 = arith.constant 112 : index
      %get3A_1220 = tpu.vector_load %arg9[%get3A_1218, %get3A_1219] {strides = array<i32>} : memref<80x128xf32, #tpu.memory_space<vmem>>, vector<16xf32>,
      %get3A_1221 = arith.constant 7 : i32
      %get3A_1222 = arith.index_cast %get3A_1221 : i32 to index
      %get3A_1223 = arith.constant 112 : index
      %get3A_1224 = tpu.vector_load %arg10[%get3A_1222, %get3A_1223] {strides = array<i32>} : memref<8x128xf32, #tpu.memory_space<vmem>>, vector<16xf32>,
      %add3A_1225 = arith.addf %get3A_1220, %get3A_1224 : vector<16xf32>
      %mul3A_1226 = arith.constant 8 : i32
      %mul3A_1227 = arith.muli %scan3A_15, %mul3A_1226 : i32
      %add3A_1228 = arith.constant 7 : i32
      %add3A_1229 = arith.addi %mul3A_1227, %add3A_1228 : i32
      %swap3A_1230 = arith.index_cast %add3A_1229 : i32 to index
      %swap3A_1231 = arith.constant 112 : index
      %swap3A_1232 = tpu.vector_load %arg9[%swap3A_1230, %swap3A_1231] {strides = array<i32>} : memref<80x128xf32, #tpu.memory_space<vmem>>, vector<16xf32>,
      tpu.vector_store %arg9[%swap3A_1230, %swap3A_1231], %add3A_1225 {strides = array<i32>} : memref<80x128xf32, #tpu.memory_space<vmem>>, vector<16xf32>,
    }
    %scan3A_7 = arith.constant 10 : i32
    %barrier3A = arith.constant 0 : index
    tpu.barrier barrier_id(%barrier3A)
    %scan3A_8 = arith.constant 0 : i32
    %scan3A_9 = arith.constant 0 : i32
    %scan3A_10 = arith.constant 27 : i32
    %scan3A_11 = arith.addi %scan3A_9, %scan3A_10 : i32
    %scan3A_12 = arith.constant 1 : i32
    scf.for %scan3A_15 = %scan3A_9 to %scan3A_11 step %scan3A_12  : i32 {
      %mul3A_16 = arith.constant 6 : i32
      %mul3A_17 = arith.muli %scan3A_15, %mul3A_16 : i32
      "tpu.region"() ({
        %run_scoped3A_902 = tpu.sem_alloc : memref<!tpu.dma_semaphore, #tpu.memory_space<semaphore_mem>>
        %dma_start3A_903 = arith.constant 0 : i32
        %dma_start3A_904 = arith.constant 0 : i32
        %dma_start3A_905 = tpu.memref_slice %arg2[%add3A, %dma_start3A_903, %dma_start3A_904] : memref<32x162x64xi32, #tpu.memory_space<hbm>> -> memref<1x162x64xi32, #tpu.memory_space<hbm>>
        %dma_start3A_906 = tpu.memref_squeeze %dma_start3A_905 : memref<1x162x64xi32, #tpu.memory_space<hbm>> -> memref<162x64xi32, #tpu.memory_space<hbm>>
        %dma_start3A_907 = arith.constant 0 : i32
        %dma_start3A_908 = tpu.memref_slice %dma_start3A_906[%mul3A_17, %dma_start3A_907] : memref<162x64xi32, #tpu.memory_space<hbm>> -> memref<6x64xi32, #tpu.memory_space<hbm>>
        %dma_start3A_909 = arith.constant 0 : i32
        %dma_start3A_910 = arith.constant 0 : i32
        %dma_start3A_911 = tpu.memref_slice %arg2[%add3A, %dma_start3A_909, %dma_start3A_910] : memref<32x162x64xi32, #tpu.memory_space<hbm>> -> memref<1x162x64xi32, #tpu.memory_space<hbm>>
        %dma_start3A_912 = tpu.memref_squeeze %dma_start3A_911 : memref<1x162x64xi32, #tpu.memory_space<hbm>> -> memref<162x64xi32, #tpu.memory_space<hbm>>
        %dma_start3A_913 = arith.constant 0 : i32
        %dma_start3A_914 = tpu.memref_slice %dma_start3A_912[%mul3A_17, %dma_start3A_913] : memref<162x64xi32, #tpu.memory_space<hbm>> -> memref<6x64xi32, #tpu.memory_space<hbm>>
        tpu.enqueue_dma source(%dma_start3A_914 : memref<6x64xi32, #tpu.memory_space<hbm>>) target(%arg11 : memref<6x64xi32, #tpu.memory_space<vmem>>) target_semaphore(%run_scoped3A_902 : memref<!tpu.dma_semaphore, #tpu.memory_space<semaphore_mem>>)
        %dma_wait3A_915 = arith.constant 0 : i32
        %dma_wait3A_916 = arith.constant 0 : i32
        %dma_wait3A_917 = tpu.memref_slice %arg2[%add3A, %dma_wait3A_915, %dma_wait3A_916] : memref<32x162x64xi32, #tpu.memory_space<hbm>> -> memref<1x162x64xi32, #tpu.memory_space<hbm>>
        %dma_wait3A_918 = tpu.memref_squeeze %dma_wait3A_917 : memref<1x162x64xi32, #tpu.memory_space<hbm>> -> memref<162x64xi32, #tpu.memory_space<hbm>>
        %dma_wait3A_919 = arith.constant 0 : i32
        %dma_wait3A_920 = tpu.memref_slice %dma_wait3A_918[%mul3A_17, %dma_wait3A_919] : memref<162x64xi32, #tpu.memory_space<hbm>> -> memref<6x64xi32, #tpu.memory_space<hbm>>
        %dma_wait3A_921 = arith.constant 0 : i32
        %dma_wait3A_922 = arith.constant 0 : i32
        %dma_wait3A_923 = tpu.memref_slice %arg2[%add3A, %dma_wait3A_921, %dma_wait3A_922] : memref<32x162x64xi32, #tpu.memory_space<hbm>> -> memref<1x162x64xi32, #tpu.memory_space<hbm>>
        %dma_wait3A_924 = tpu.memref_squeeze %dma_wait3A_923 : memref<1x162x64xi32, #tpu.memory_space<hbm>> -> memref<162x64xi32, #tpu.memory_space<hbm>>
        %dma_wait3A_925 = arith.constant 0 : i32
        %dma_wait3A_926 = tpu.memref_slice %dma_wait3A_924[%mul3A_17, %dma_wait3A_925] : memref<162x64xi32, #tpu.memory_space<hbm>> -> memref<6x64xi32, #tpu.memory_space<hbm>>
        tpu.wait_dma2 semaphore(%run_scoped3A_902 : memref<!tpu.dma_semaphore, #tpu.memory_space<semaphore_mem>>) src(%dma_wait3A_926 : memref<6x64xi32, #tpu.memory_space<hbm>>) dst(%arg11 : memref<6x64xi32, #tpu.memory_space<vmem>>)
        tpu.yield
      }) : () -> ()
      %mul3A_18 = arith.constant 6 : i32
      %mul3A_19 = arith.muli %scan3A_15, %mul3A_18 : i32
      "tpu.region"() ({
        %run_scoped3A_902 = tpu.sem_alloc : memref<!tpu.dma_semaphore, #tpu.memory_space<semaphore_mem>>
        %dma_start3A_903 = arith.constant 0 : i32
        %dma_start3A_904 = arith.constant 0 : i32
        %dma_start3A_905 = tpu.memref_slice %arg3[%add3A, %dma_start3A_903, %dma_start3A_904] : memref<32x162x64xi32, #tpu.memory_space<hbm>> -> memref<1x162x64xi32, #tpu.memory_space<hbm>>
        %dma_start3A_906 = tpu.memref_squeeze %dma_start3A_905 : memref<1x162x64xi32, #tpu.memory_space<hbm>> -> memref<162x64xi32, #tpu.memory_space<hbm>>
        %dma_start3A_907 = arith.constant 0 : i32
        %dma_start3A_908 = tpu.memref_slice %dma_start3A_906[%mul3A_19, %dma_start3A_907] : memref<162x64xi32, #tpu.memory_space<hbm>> -> memref<6x64xi32, #tpu.memory_space<hbm>>
        %dma_start3A_909 = arith.constant 0 : i32
        %dma_start3A_910 = arith.constant 0 : i32
        %dma_start3A_911 = tpu.memref_slice %arg3[%add3A, %dma_start3A_909, %dma_start3A_910] : memref<32x162x64xi32, #tpu.memory_space<hbm>> -> memref<1x162x64xi32, #tpu.memory_space<hbm>>
        %dma_start3A_912 = tpu.memref_squeeze %dma_start3A_911 : memref<1x162x64xi32, #tpu.memory_space<hbm>> -> memref<162x64xi32, #tpu.memory_space<hbm>>
        %dma_start3A_913 = arith.constant 0 : i32
        %dma_start3A_914 = tpu.memref_slice %dma_start3A_912[%mul3A_19, %dma_start3A_913] : memref<162x64xi32, #tpu.memory_space<hbm>> -> memref<6x64xi32, #tpu.memory_space<hbm>>
        tpu.enqueue_dma source(%dma_start3A_914 : memref<6x64xi32, #tpu.memory_space<hbm>>) target(%arg12 : memref<6x64xi32, #tpu.memory_space<vmem>>) target_semaphore(%run_scoped3A_902 : memref<!tpu.dma_semaphore, #tpu.memory_space<semaphore_mem>>)
        %dma_wait3A_915 = arith.constant 0 : i32
        %dma_wait3A_916 = arith.constant 0 : i32
        %dma_wait3A_917 = tpu.memref_slice %arg3[%add3A, %dma_wait3A_915, %dma_wait3A_916] : memref<32x162x64xi32, #tpu.memory_space<hbm>> -> memref<1x162x64xi32, #tpu.memory_space<hbm>>
        %dma_wait3A_918 = tpu.memref_squeeze %dma_wait3A_917 : memref<1x162x64xi32, #tpu.memory_space<hbm>> -> memref<162x64xi32, #tpu.memory_space<hbm>>
        %dma_wait3A_919 = arith.constant 0 : i32
        %dma_wait3A_920 = tpu.memref_slice %dma_wait3A_918[%mul3A_19, %dma_wait3A_919] : memref<162x64xi32, #tpu.memory_space<hbm>> -> memref<6x64xi32, #tpu.memory_space<hbm>>
        %dma_wait3A_921 = arith.constant 0 : i32
        %dma_wait3A_922 = arith.constant 0 : i32
        %dma_wait3A_923 = tpu.memref_slice %arg3[%add3A, %dma_wait3A_921, %dma_wait3A_922] : memref<32x162x64xi32, #tpu.memory_space<hbm>> -> memref<1x162x64xi32, #tpu.memory_space<hbm>>
        %dma_wait3A_924 = tpu.memref_squeeze %dma_wait3A_923 : memref<1x162x64xi32, #tpu.memory_space<hbm>> -> memref<162x64xi32, #tpu.memory_space<hbm>>
        %dma_wait3A_925 = arith.constant 0 : i32
        %dma_wait3A_926 = tpu.memref_slice %dma_wait3A_924[%mul3A_19, %dma_wait3A_925] : memref<162x64xi32, #tpu.memory_space<hbm>> -> memref<6x64xi32, #tpu.memory_space<hbm>>
        tpu.wait_dma2 semaphore(%run_scoped3A_902 : memref<!tpu.dma_semaphore, #tpu.memory_space<semaphore_mem>>) src(%dma_wait3A_926 : memref<6x64xi32, #tpu.memory_space<hbm>>) dst(%arg12 : memref<6x64xi32, #tpu.memory_space<vmem>>)
        tpu.yield
      }) : () -> ()
      %mul3A_20 = arith.constant 6 : i32
      %mul3A_21 = arith.muli %scan3A_15, %mul3A_20 : i32
      "tpu.region"() ({
        %run_scoped3A_902 = tpu.sem_alloc : memref<!tpu.dma_semaphore, #tpu.memory_space<semaphore_mem>>
        %dma_start3A_903 = arith.constant 0 : i32
        %dma_start3A_904 = arith.constant 0 : i32
        %dma_start3A_905 = tpu.memref_slice %arg4[%add3A, %dma_start3A_903, %dma_start3A_904] : memref<32x162x64xf32, #tpu.memory_space<hbm>> -> memref<1x162x64xf32, #tpu.memory_space<hbm>>
        %dma_start3A_906 = tpu.memref_squeeze %dma_start3A_905 : memref<1x162x64xf32, #tpu.memory_space<hbm>> -> memref<162x64xf32, #tpu.memory_space<hbm>>
        %dma_start3A_907 = arith.constant 0 : i32
        %dma_start3A_908 = tpu.memref_slice %dma_start3A_906[%mul3A_21, %dma_start3A_907] : memref<162x64xf32, #tpu.memory_space<hbm>> -> memref<6x64xf32, #tpu.memory_space<hbm>>
        %dma_start3A_909 = arith.constant 0 : i32
        %dma_start3A_910 = arith.constant 0 : i32
        %dma_start3A_911 = tpu.memref_slice %arg4[%add3A, %dma_start3A_909, %dma_start3A_910] : memref<32x162x64xf32, #tpu.memory_space<hbm>> -> memref<1x162x64xf32, #tpu.memory_space<hbm>>
        %dma_start3A_912 = tpu.memref_squeeze %dma_start3A_911 : memref<1x162x64xf32, #tpu.memory_space<hbm>> -> memref<162x64xf32, #tpu.memory_space<hbm>>
        %dma_start3A_913 = arith.constant 0 : i32
        %dma_start3A_914 = tpu.memref_slice %dma_start3A_912[%mul3A_21, %dma_start3A_913] : memref<162x64xf32, #tpu.memory_space<hbm>> -> memref<6x64xf32, #tpu.memory_space<hbm>>
        tpu.enqueue_dma source(%dma_start3A_914 : memref<6x64xf32, #tpu.memory_space<hbm>>) target(%arg13 : memref<6x64xf32, #tpu.memory_space<vmem>>) target_semaphore(%run_scoped3A_902 : memref<!tpu.dma_semaphore, #tpu.memory_space<semaphore_mem>>)
        %dma_wait3A_915 = arith.constant 0 : i32
        %dma_wait3A_916 = arith.constant 0 : i32
        %dma_wait3A_917 = tpu.memref_slice %arg4[%add3A, %dma_wait3A_915, %dma_wait3A_916] : memref<32x162x64xf32, #tpu.memory_space<hbm>> -> memref<1x162x64xf32, #tpu.memory_space<hbm>>
        %dma_wait3A_918 = tpu.memref_squeeze %dma_wait3A_917 : memref<1x162x64xf32, #tpu.memory_space<hbm>> -> memref<162x64xf32, #tpu.memory_space<hbm>>
        %dma_wait3A_919 = arith.constant 0 : i32
        %dma_wait3A_920 = tpu.memref_slice %dma_wait3A_918[%mul3A_21, %dma_wait3A_919] : memref<162x64xf32, #tpu.memory_space<hbm>> -> memref<6x64xf32, #tpu.memory_space<hbm>>
        %dma_wait3A_921 = arith.constant 0 : i32
        %dma_wait3A_922 = arith.constant 0 : i32
        %dma_wait3A_923 = tpu.memref_slice %arg4[%add3A, %dma_wait3A_921, %dma_wait3A_922] : memref<32x162x64xf32, #tpu.memory_space<hbm>> -> memref<1x162x64xf32, #tpu.memory_space<hbm>>
        %dma_wait3A_924 = tpu.memref_squeeze %dma_wait3A_923 : memref<1x162x64xf32, #tpu.memory_space<hbm>> -> memref<162x64xf32, #tpu.memory_space<hbm>>
        %dma_wait3A_925 = arith.constant 0 : i32
        %dma_wait3A_926 = tpu.memref_slice %dma_wait3A_924[%mul3A_21, %dma_wait3A_925] : memref<162x64xf32, #tpu.memory_space<hbm>> -> memref<6x64xf32, #tpu.memory_space<hbm>>
        tpu.wait_dma2 semaphore(%run_scoped3A_902 : memref<!tpu.dma_semaphore, #tpu.memory_space<semaphore_mem>>) src(%dma_wait3A_926 : memref<6x64xf32, #tpu.memory_space<hbm>>) dst(%arg13 : memref<6x64xf32, #tpu.memory_space<vmem>>)
        tpu.yield
      }) : () -> ()
      %get3A = arith.constant 0 : i32
      %get3A_22 = arith.index_cast %get3A : i32 to index
      %get3A_23 = arith.constant 0 : index
      %get3A_24 = tpu.vector_load %arg12[%get3A_22, %get3A_23] {strides = array<i32>} : memref<6x64xi32, #tpu.memory_space<vmem>>, vector<16xi32>,
      %shift_right_logical3A = arith.constant 7 : i32
      %shift_right_logical3A_25 = vector.broadcast %shift_right_logical3A : i32 to vector<16xi32>
      %shift_right_logical3A_26 = arith.shrui %get3A_24, %shift_right_logical3A_25 : vector<16xi32>
      %and3A = arith.constant 127 : i32
      %and3A_27 = vector.broadcast %and3A : i32 to vector<16xi32>
      %and3A_28 = arith.andi %get3A_24, %and3A_27 : vector<16xi32>
      %gather3A = tpu.vector_load_idx %arg9[%shift_right_logical3A_26, %and3A_28] : memref<80x128xf32, #tpu.memory_space<vmem>>[vector<16xi32>, vector<16xi32>], vector<16xf32>,
      %get3A_29 = arith.constant 0 : i32
      %get3A_30 = arith.index_cast %get3A_29 : i32 to index
      %get3A_31 = arith.constant 0 : index
      %get3A_32 = tpu.vector_load %arg13[%get3A_30, %get3A_31] {strides = array<i32>} : memref<6x64xf32, #tpu.memory_space<vmem>>, vector<16xf32>,
      %add3A_33 = arith.constant 1.000000e-16 : f32
      %add3A_34 = vector.broadcast %add3A_33 : f32 to vector<16xf32>
      %add3A_35 = arith.addf %gather3A, %add3A_34 : vector<16xf32>
      %div3A = arith.divf %get3A_32, %add3A_35 : vector<16xf32>
      %swap3A = arith.constant 0 : i32
      %swap3A_36 = arith.index_cast %swap3A : i32 to index
      %swap3A_37 = arith.constant 0 : index
      %swap3A_38 = tpu.vector_load %arg13[%swap3A_36, %swap3A_37] {strides = array<i32>} : memref<6x64xf32, #tpu.memory_space<vmem>>, vector<16xf32>,
      tpu.vector_store %arg13[%swap3A_36, %swap3A_37], %div3A {strides = array<i32>} : memref<6x64xf32, #tpu.memory_space<vmem>>, vector<16xf32>,
      %get3A_39 = arith.constant 0 : i32
      %get3A_40 = arith.index_cast %get3A_39 : i32 to index
      %get3A_41 = arith.constant 16 : index
      %get3A_42 = tpu.vector_load %arg12[%get3A_40, %get3A_41] {strides = array<i32>} : memref<6x64xi32, #tpu.memory_space<vmem>>, vector<16xi32>,
      %shift_right_logical3A_43 = arith.constant 7 : i32
      %shift_right_logical3A_44 = vector.broadcast %shift_right_logical3A_43 : i32 to vector<16xi32>
      %shift_right_logical3A_45 = arith.shrui %get3A_42, %shift_right_logical3A_44 : vector<16xi32>
      %and3A_46 = arith.constant 127 : i32
      %and3A_47 = vector.broadcast %and3A_46 : i32 to vector<16xi32>
      %and3A_48 = arith.andi %get3A_42, %and3A_47 : vector<16xi32>
      %gather3A_49 = tpu.vector_load_idx %arg9[%shift_right_logical3A_45, %and3A_48] : memref<80x128xf32, #tpu.memory_space<vmem>>[vector<16xi32>, vector<16xi32>], vector<16xf32>,
      %get3A_50 = arith.constant 0 : i32
      %get3A_51 = arith.index_cast %get3A_50 : i32 to index
      %get3A_52 = arith.constant 16 : index
      %get3A_53 = tpu.vector_load %arg13[%get3A_51, %get3A_52] {strides = array<i32>} : memref<6x64xf32, #tpu.memory_space<vmem>>, vector<16xf32>,
      %add3A_54 = arith.constant 1.000000e-16 : f32
      %add3A_55 = vector.broadcast %add3A_54 : f32 to vector<16xf32>
      %add3A_56 = arith.addf %gather3A_49, %add3A_55 : vector<16xf32>
      %div3A_57 = arith.divf %get3A_53, %add3A_56 : vector<16xf32>
      %swap3A_58 = arith.constant 0 : i32
      %swap3A_59 = arith.index_cast %swap3A_58 : i32 to index
      %swap3A_60 = arith.constant 16 : index
      %swap3A_61 = tpu.vector_load %arg13[%swap3A_59, %swap3A_60] {strides = array<i32>} : memref<6x64xf32, #tpu.memory_space<vmem>>, vector<16xf32>,
      tpu.vector_store %arg13[%swap3A_59, %swap3A_60], %div3A_57 {strides = array<i32>} : memref<6x64xf32, #tpu.memory_space<vmem>>, vector<16xf32>,
      %get3A_62 = arith.constant 0 : i32
      %get3A_63 = arith.index_cast %get3A_62 : i32 to index
      %get3A_64 = arith.constant 32 : index
      %get3A_65 = tpu.vector_load %arg12[%get3A_63, %get3A_64] {strides = array<i32>} : memref<6x64xi32, #tpu.memory_space<vmem>>, vector<16xi32>,
      %shift_right_logical3A_66 = arith.constant 7 : i32
      %shift_right_logical3A_67 = vector.broadcast %shift_right_logical3A_66 : i32 to vector<16xi32>
      %shift_right_logical3A_68 = arith.shrui %get3A_65, %shift_right_logical3A_67 : vector<16xi32>
      %and3A_69 = arith.constant 127 : i32
      %and3A_70 = vector.broadcast %and3A_69 : i32 to vector<16xi32>
      %and3A_71 = arith.andi %get3A_65, %and3A_70 : vector<16xi32>
      %gather3A_72 = tpu.vector_load_idx %arg9[%shift_right_logical3A_68, %and3A_71] : memref<80x128xf32, #tpu.memory_space<vmem>>[vector<16xi32>, vector<16xi32>], vector<16xf32>,
      %get3A_73 = arith.constant 0 : i32
      %get3A_74 = arith.index_cast %get3A_73 : i32 to index
      %get3A_75 = arith.constant 32 : index
      %get3A_76 = tpu.vector_load %arg13[%get3A_74, %get3A_75] {strides = array<i32>} : memref<6x64xf32, #tpu.memory_space<vmem>>, vector<16xf32>,
      %add3A_77 = arith.constant 1.000000e-16 : f32
      %add3A_78 = vector.broadcast %add3A_77 : f32 to vector<16xf32>
      %add3A_79 = arith.addf %gather3A_72, %add3A_78 : vector<16xf32>
      %div3A_80 = arith.divf %get3A_76, %add3A_79 : vector<16xf32>
      %swap3A_81 = arith.constant 0 : i32
      %swap3A_82 = arith.index_cast %swap3A_81 : i32 to index
      %swap3A_83 = arith.constant 32 : index
      %swap3A_84 = tpu.vector_load %arg13[%swap3A_82, %swap3A_83] {strides = array<i32>} : memref<6x64xf32, #tpu.memory_space<vmem>>, vector<16xf32>,
      tpu.vector_store %arg13[%swap3A_82, %swap3A_83], %div3A_80 {strides = array<i32>} : memref<6x64xf32, #tpu.memory_space<vmem>>, vector<16xf32>,
      %get3A_85 = arith.constant 0 : i32
      %get3A_86 = arith.index_cast %get3A_85 : i32 to index
      %get3A_87 = arith.constant 48 : index
      %get3A_88 = tpu.vector_load %arg12[%get3A_86, %get3A_87] {strides = array<i32>} : memref<6x64xi32, #tpu.memory_space<vmem>>, vector<16xi32>,
      %shift_right_logical3A_89 = arith.constant 7 : i32
      %shift_right_logical3A_90 = vector.broadcast %shift_right_logical3A_89 : i32 to vector<16xi32>
      %shift_right_logical3A_91 = arith.shrui %get3A_88, %shift_right_logical3A_90 : vector<16xi32>
      %and3A_92 = arith.constant 127 : i32
      %and3A_93 = vector.broadcast %and3A_92 : i32 to vector<16xi32>
      %and3A_94 = arith.andi %get3A_88, %and3A_93 : vector<16xi32>
      %gather3A_95 = tpu.vector_load_idx %arg9[%shift_right_logical3A_91, %and3A_94] : memref<80x128xf32, #tpu.memory_space<vmem>>[vector<16xi32>, vector<16xi32>], vector<16xf32>,
      %get3A_96 = arith.constant 0 : i32
      %get3A_97 = arith.index_cast %get3A_96 : i32 to index
      %get3A_98 = arith.constant 48 : index
      %get3A_99 = tpu.vector_load %arg13[%get3A_97, %get3A_98] {strides = array<i32>} : memref<6x64xf32, #tpu.memory_space<vmem>>, vector<16xf32>,
      %add3A_100 = arith.constant 1.000000e-16 : f32
      %add3A_101 = vector.broadcast %add3A_100 : f32 to vector<16xf32>
      %add3A_102 = arith.addf %gather3A_95, %add3A_101 : vector<16xf32>
      %div3A_103 = arith.divf %get3A_99, %add3A_102 : vector<16xf32>
      %swap3A_104 = arith.constant 0 : i32
      %swap3A_105 = arith.index_cast %swap3A_104 : i32 to index
      %swap3A_106 = arith.constant 48 : index
      %swap3A_107 = tpu.vector_load %arg13[%swap3A_105, %swap3A_106] {strides = array<i32>} : memref<6x64xf32, #tpu.memory_space<vmem>>, vector<16xf32>,
      tpu.vector_store %arg13[%swap3A_105, %swap3A_106], %div3A_103 {strides = array<i32>} : memref<6x64xf32, #tpu.memory_space<vmem>>, vector<16xf32>,
      %get3A_108 = arith.constant 1 : i32
      %get3A_109 = arith.index_cast %get3A_108 : i32 to index
      %get3A_110 = arith.constant 0 : index
      %get3A_111 = tpu.vector_load %arg12[%get3A_109, %get3A_110] {strides = array<i32>} : memref<6x64xi32, #tpu.memory_space<vmem>>, vector<16xi32>,
      %shift_right_logical3A_112 = arith.constant 7 : i32
      %shift_right_logical3A_113 = vector.broadcast %shift_right_logical3A_112 : i32 to vector<16xi32>
      %shift_right_logical3A_114 = arith.shrui %get3A_111, %shift_right_logical3A_113 : vector<16xi32>
      %and3A_115 = arith.constant 127 : i32
      %and3A_116 = vector.broadcast %and3A_115 : i32 to vector<16xi32>
      %and3A_117 = arith.andi %get3A_111, %and3A_116 : vector<16xi32>
      %gather3A_118 = tpu.vector_load_idx %arg9[%shift_right_logical3A_114, %and3A_117] : memref<80x128xf32, #tpu.memory_space<vmem>>[vector<16xi32>, vector<16xi32>], vector<16xf32>,
      %get3A_119 = arith.constant 1 : i32
      %get3A_120 = arith.index_cast %get3A_119 : i32 to index
      %get3A_121 = arith.constant 0 : index
      %get3A_122 = tpu.vector_load %arg13[%get3A_120, %get3A_121] {strides = array<i32>} : memref<6x64xf32, #tpu.memory_space<vmem>>, vector<16xf32>,
      %add3A_123 = arith.constant 1.000000e-16 : f32
      %add3A_124 = vector.broadcast %add3A_123 : f32 to vector<16xf32>
      %add3A_125 = arith.addf %gather3A_118, %add3A_124 : vector<16xf32>
      %div3A_126 = arith.divf %get3A_122, %add3A_125 : vector<16xf32>
      %swap3A_127 = arith.constant 1 : i32
      %swap3A_128 = arith.index_cast %swap3A_127 : i32 to index
      %swap3A_129 = arith.constant 0 : index
      %swap3A_130 = tpu.vector_load %arg13[%swap3A_128, %swap3A_129] {strides = array<i32>} : memref<6x64xf32, #tpu.memory_space<vmem>>, vector<16xf32>,
      tpu.vector_store %arg13[%swap3A_128, %swap3A_129], %div3A_126 {strides = array<i32>} : memref<6x64xf32, #tpu.memory_space<vmem>>, vector<16xf32>,
      %get3A_131 = arith.constant 1 : i32
      %get3A_132 = arith.index_cast %get3A_131 : i32 to index
      %get3A_133 = arith.constant 16 : index
      %get3A_134 = tpu.vector_load %arg12[%get3A_132, %get3A_133] {strides = array<i32>} : memref<6x64xi32, #tpu.memory_space<vmem>>, vector<16xi32>,
      %shift_right_logical3A_135 = arith.constant 7 : i32
      %shift_right_logical3A_136 = vector.broadcast %shift_right_logical3A_135 : i32 to vector<16xi32>
      %shift_right_logical3A_137 = arith.shrui %get3A_134, %shift_right_logical3A_136 : vector<16xi32>
      %and3A_138 = arith.constant 127 : i32
      %and3A_139 = vector.broadcast %and3A_138 : i32 to vector<16xi32>
      %and3A_140 = arith.andi %get3A_134, %and3A_139 : vector<16xi32>
      %gather3A_141 = tpu.vector_load_idx %arg9[%shift_right_logical3A_137, %and3A_140] : memref<80x128xf32, #tpu.memory_space<vmem>>[vector<16xi32>, vector<16xi32>], vector<16xf32>,
      %get3A_142 = arith.constant 1 : i32
      %get3A_143 = arith.index_cast %get3A_142 : i32 to index
      %get3A_144 = arith.constant 16 : index
      %get3A_145 = tpu.vector_load %arg13[%get3A_143, %get3A_144] {strides = array<i32>} : memref<6x64xf32, #tpu.memory_space<vmem>>, vector<16xf32>,
      %add3A_146 = arith.constant 1.000000e-16 : f32
      %add3A_147 = vector.broadcast %add3A_146 : f32 to vector<16xf32>
      %add3A_148 = arith.addf %gather3A_141, %add3A_147 : vector<16xf32>
      %div3A_149 = arith.divf %get3A_145, %add3A_148 : vector<16xf32>
      %swap3A_150 = arith.constant 1 : i32
      %swap3A_151 = arith.index_cast %swap3A_150 : i32 to index
      %swap3A_152 = arith.constant 16 : index
      %swap3A_153 = tpu.vector_load %arg13[%swap3A_151, %swap3A_152] {strides = array<i32>} : memref<6x64xf32, #tpu.memory_space<vmem>>, vector<16xf32>,
      tpu.vector_store %arg13[%swap3A_151, %swap3A_152], %div3A_149 {strides = array<i32>} : memref<6x64xf32, #tpu.memory_space<vmem>>, vector<16xf32>,
      %get3A_154 = arith.constant 1 : i32
      %get3A_155 = arith.index_cast %get3A_154 : i32 to index
      %get3A_156 = arith.constant 32 : index
      %get3A_157 = tpu.vector_load %arg12[%get3A_155, %get3A_156] {strides = array<i32>} : memref<6x64xi32, #tpu.memory_space<vmem>>, vector<16xi32>,
      %shift_right_logical3A_158 = arith.constant 7 : i32
      %shift_right_logical3A_159 = vector.broadcast %shift_right_logical3A_158 : i32 to vector<16xi32>
      %shift_right_logical3A_160 = arith.shrui %get3A_157, %shift_right_logical3A_159 : vector<16xi32>
      %and3A_161 = arith.constant 127 : i32
      %and3A_162 = vector.broadcast %and3A_161 : i32 to vector<16xi32>
      %and3A_163 = arith.andi %get3A_157, %and3A_162 : vector<16xi32>
      %gather3A_164 = tpu.vector_load_idx %arg9[%shift_right_logical3A_160, %and3A_163] : memref<80x128xf32, #tpu.memory_space<vmem>>[vector<16xi32>, vector<16xi32>], vector<16xf32>,
      %get3A_165 = arith.constant 1 : i32
      %get3A_166 = arith.index_cast %get3A_165 : i32 to index
      %get3A_167 = arith.constant 32 : index
      %get3A_168 = tpu.vector_load %arg13[%get3A_166, %get3A_167] {strides = array<i32>} : memref<6x64xf32, #tpu.memory_space<vmem>>, vector<16xf32>,
      %add3A_169 = arith.constant 1.000000e-16 : f32
      %add3A_170 = vector.broadcast %add3A_169 : f32 to vector<16xf32>
      %add3A_171 = arith.addf %gather3A_164, %add3A_170 : vector<16xf32>
      %div3A_172 = arith.divf %get3A_168, %add3A_171 : vector<16xf32>
      %swap3A_173 = arith.constant 1 : i32
      %swap3A_174 = arith.index_cast %swap3A_173 : i32 to index
      %swap3A_175 = arith.constant 32 : index
      %swap3A_176 = tpu.vector_load %arg13[%swap3A_174, %swap3A_175] {strides = array<i32>} : memref<6x64xf32, #tpu.memory_space<vmem>>, vector<16xf32>,
      tpu.vector_store %arg13[%swap3A_174, %swap3A_175], %div3A_172 {strides = array<i32>} : memref<6x64xf32, #tpu.memory_space<vmem>>, vector<16xf32>,
      %get3A_177 = arith.constant 1 : i32
      %get3A_178 = arith.index_cast %get3A_177 : i32 to index
      %get3A_179 = arith.constant 48 : index
      %get3A_180 = tpu.vector_load %arg12[%get3A_178, %get3A_179] {strides = array<i32>} : memref<6x64xi32, #tpu.memory_space<vmem>>, vector<16xi32>,
      %shift_right_logical3A_181 = arith.constant 7 : i32
      %shift_right_logical3A_182 = vector.broadcast %shift_right_logical3A_181 : i32 to vector<16xi32>
      %shift_right_logical3A_183 = arith.shrui %get3A_180, %shift_right_logical3A_182 : vector<16xi32>
      %and3A_184 = arith.constant 127 : i32
      %and3A_185 = vector.broadcast %and3A_184 : i32 to vector<16xi32>
      %and3A_186 = arith.andi %get3A_180, %and3A_185 : vector<16xi32>
      %gather3A_187 = tpu.vector_load_idx %arg9[%shift_right_logical3A_183, %and3A_186] : memref<80x128xf32, #tpu.memory_space<vmem>>[vector<16xi32>, vector<16xi32>], vector<16xf32>,
      %get3A_188 = arith.constant 1 : i32
      %get3A_189 = arith.index_cast %get3A_188 : i32 to index
      %get3A_190 = arith.constant 48 : index
      %get3A_191 = tpu.vector_load %arg13[%get3A_189, %get3A_190] {strides = array<i32>} : memref<6x64xf32, #tpu.memory_space<vmem>>, vector<16xf32>,
      %add3A_192 = arith.constant 1.000000e-16 : f32
      %add3A_193 = vector.broadcast %add3A_192 : f32 to vector<16xf32>
      %add3A_194 = arith.addf %gather3A_187, %add3A_193 : vector<16xf32>
      %div3A_195 = arith.divf %get3A_191, %add3A_194 : vector<16xf32>
      %swap3A_196 = arith.constant 1 : i32
      %swap3A_197 = arith.index_cast %swap3A_196 : i32 to index
      %swap3A_198 = arith.constant 48 : index
      %swap3A_199 = tpu.vector_load %arg13[%swap3A_197, %swap3A_198] {strides = array<i32>} : memref<6x64xf32, #tpu.memory_space<vmem>>, vector<16xf32>,
      tpu.vector_store %arg13[%swap3A_197, %swap3A_198], %div3A_195 {strides = array<i32>} : memref<6x64xf32, #tpu.memory_space<vmem>>, vector<16xf32>,
      %get3A_200 = arith.constant 2 : i32
      %get3A_201 = arith.index_cast %get3A_200 : i32 to index
      %get3A_202 = arith.constant 0 : index
      %get3A_203 = tpu.vector_load %arg12[%get3A_201, %get3A_202] {strides = array<i32>} : memref<6x64xi32, #tpu.memory_space<vmem>>, vector<16xi32>,
      %shift_right_logical3A_204 = arith.constant 7 : i32
      %shift_right_logical3A_205 = vector.broadcast %shift_right_logical3A_204 : i32 to vector<16xi32>
      %shift_right_logical3A_206 = arith.shrui %get3A_203, %shift_right_logical3A_205 : vector<16xi32>
      %and3A_207 = arith.constant 127 : i32
      %and3A_208 = vector.broadcast %and3A_207 : i32 to vector<16xi32>
      %and3A_209 = arith.andi %get3A_203, %and3A_208 : vector<16xi32>
      %gather3A_210 = tpu.vector_load_idx %arg9[%shift_right_logical3A_206, %and3A_209] : memref<80x128xf32, #tpu.memory_space<vmem>>[vector<16xi32>, vector<16xi32>], vector<16xf32>,
      %get3A_211 = arith.constant 2 : i32
      %get3A_212 = arith.index_cast %get3A_211 : i32 to index
      %get3A_213 = arith.constant 0 : index
      %get3A_214 = tpu.vector_load %arg13[%get3A_212, %get3A_213] {strides = array<i32>} : memref<6x64xf32, #tpu.memory_space<vmem>>, vector<16xf32>,
      %add3A_215 = arith.constant 1.000000e-16 : f32
      %add3A_216 = vector.broadcast %add3A_215 : f32 to vector<16xf32>
      %add3A_217 = arith.addf %gather3A_210, %add3A_216 : vector<16xf32>
      %div3A_218 = arith.divf %get3A_214, %add3A_217 : vector<16xf32>
      %swap3A_219 = arith.constant 2 : i32
      %swap3A_220 = arith.index_cast %swap3A_219 : i32 to index
      %swap3A_221 = arith.constant 0 : index
      %swap3A_222 = tpu.vector_load %arg13[%swap3A_220, %swap3A_221] {strides = array<i32>} : memref<6x64xf32, #tpu.memory_space<vmem>>, vector<16xf32>,
      tpu.vector_store %arg13[%swap3A_220, %swap3A_221], %div3A_218 {strides = array<i32>} : memref<6x64xf32, #tpu.memory_space<vmem>>, vector<16xf32>,
      %get3A_223 = arith.constant 2 : i32
      %get3A_224 = arith.index_cast %get3A_223 : i32 to index
      %get3A_225 = arith.constant 16 : index
      %get3A_226 = tpu.vector_load %arg12[%get3A_224, %get3A_225] {strides = array<i32>} : memref<6x64xi32, #tpu.memory_space<vmem>>, vector<16xi32>,
      %shift_right_logical3A_227 = arith.constant 7 : i32
      %shift_right_logical3A_228 = vector.broadcast %shift_right_logical3A_227 : i32 to vector<16xi32>
      %shift_right_logical3A_229 = arith.shrui %get3A_226, %shift_right_logical3A_228 : vector<16xi32>
      %and3A_230 = arith.constant 127 : i32
      %and3A_231 = vector.broadcast %and3A_230 : i32 to vector<16xi32>
      %and3A_232 = arith.andi %get3A_226, %and3A_231 : vector<16xi32>
      %gather3A_233 = tpu.vector_load_idx %arg9[%shift_right_logical3A_229, %and3A_232] : memref<80x128xf32, #tpu.memory_space<vmem>>[vector<16xi32>, vector<16xi32>], vector<16xf32>,
      %get3A_234 = arith.constant 2 : i32
      %get3A_235 = arith.index_cast %get3A_234 : i32 to index
      %get3A_236 = arith.constant 16 : index
      %get3A_237 = tpu.vector_load %arg13[%get3A_235, %get3A_236] {strides = array<i32>} : memref<6x64xf32, #tpu.memory_space<vmem>>, vector<16xf32>,
      %add3A_238 = arith.constant 1.000000e-16 : f32
      %add3A_239 = vector.broadcast %add3A_238 : f32 to vector<16xf32>
      %add3A_240 = arith.addf %gather3A_233, %add3A_239 : vector<16xf32>
      %div3A_241 = arith.divf %get3A_237, %add3A_240 : vector<16xf32>
      %swap3A_242 = arith.constant 2 : i32
      %swap3A_243 = arith.index_cast %swap3A_242 : i32 to index
      %swap3A_244 = arith.constant 16 : index
      %swap3A_245 = tpu.vector_load %arg13[%swap3A_243, %swap3A_244] {strides = array<i32>} : memref<6x64xf32, #tpu.memory_space<vmem>>, vector<16xf32>,
      tpu.vector_store %arg13[%swap3A_243, %swap3A_244], %div3A_241 {strides = array<i32>} : memref<6x64xf32, #tpu.memory_space<vmem>>, vector<16xf32>,
      %get3A_246 = arith.constant 2 : i32
      %get3A_247 = arith.index_cast %get3A_246 : i32 to index
      %get3A_248 = arith.constant 32 : index
      %get3A_249 = tpu.vector_load %arg12[%get3A_247, %get3A_248] {strides = array<i32>} : memref<6x64xi32, #tpu.memory_space<vmem>>, vector<16xi32>,
      %shift_right_logical3A_250 = arith.constant 7 : i32
      %shift_right_logical3A_251 = vector.broadcast %shift_right_logical3A_250 : i32 to vector<16xi32>
      %shift_right_logical3A_252 = arith.shrui %get3A_249, %shift_right_logical3A_251 : vector<16xi32>
      %and3A_253 = arith.constant 127 : i32
      %and3A_254 = vector.broadcast %and3A_253 : i32 to vector<16xi32>
      %and3A_255 = arith.andi %get3A_249, %and3A_254 : vector<16xi32>
      %gather3A_256 = tpu.vector_load_idx %arg9[%shift_right_logical3A_252, %and3A_255] : memref<80x128xf32, #tpu.memory_space<vmem>>[vector<16xi32>, vector<16xi32>], vector<16xf32>,
      %get3A_257 = arith.constant 2 : i32
      %get3A_258 = arith.index_cast %get3A_257 : i32 to index
      %get3A_259 = arith.constant 32 : index
      %get3A_260 = tpu.vector_load %arg13[%get3A_258, %get3A_259] {strides = array<i32>} : memref<6x64xf32, #tpu.memory_space<vmem>>, vector<16xf32>,
      %add3A_261 = arith.constant 1.000000e-16 : f32
      %add3A_262 = vector.broadcast %add3A_261 : f32 to vector<16xf32>
      %add3A_263 = arith.addf %gather3A_256, %add3A_262 : vector<16xf32>
      %div3A_264 = arith.divf %get3A_260, %add3A_263 : vector<16xf32>
      %swap3A_265 = arith.constant 2 : i32
      %swap3A_266 = arith.index_cast %swap3A_265 : i32 to index
      %swap3A_267 = arith.constant 32 : index
      %swap3A_268 = tpu.vector_load %arg13[%swap3A_266, %swap3A_267] {strides = array<i32>} : memref<6x64xf32, #tpu.memory_space<vmem>>, vector<16xf32>,
      tpu.vector_store %arg13[%swap3A_266, %swap3A_267], %div3A_264 {strides = array<i32>} : memref<6x64xf32, #tpu.memory_space<vmem>>, vector<16xf32>,
      %get3A_269 = arith.constant 2 : i32
      %get3A_270 = arith.index_cast %get3A_269 : i32 to index
      %get3A_271 = arith.constant 48 : index
      %get3A_272 = tpu.vector_load %arg12[%get3A_270, %get3A_271] {strides = array<i32>} : memref<6x64xi32, #tpu.memory_space<vmem>>, vector<16xi32>,
      %shift_right_logical3A_273 = arith.constant 7 : i32
      %shift_right_logical3A_274 = vector.broadcast %shift_right_logical3A_273 : i32 to vector<16xi32>
      %shift_right_logical3A_275 = arith.shrui %get3A_272, %shift_right_logical3A_274 : vector<16xi32>
      %and3A_276 = arith.constant 127 : i32
      %and3A_277 = vector.broadcast %and3A_276 : i32 to vector<16xi32>
      %and3A_278 = arith.andi %get3A_272, %and3A_277 : vector<16xi32>
      %gather3A_279 = tpu.vector_load_idx %arg9[%shift_right_logical3A_275, %and3A_278] : memref<80x128xf32, #tpu.memory_space<vmem>>[vector<16xi32>, vector<16xi32>], vector<16xf32>,
      %get3A_280 = arith.constant 2 : i32
      %get3A_281 = arith.index_cast %get3A_280 : i32 to index
      %get3A_282 = arith.constant 48 : index
      %get3A_283 = tpu.vector_load %arg13[%get3A_281, %get3A_282] {strides = array<i32>} : memref<6x64xf32, #tpu.memory_space<vmem>>, vector<16xf32>,
      %add3A_284 = arith.constant 1.000000e-16 : f32
      %add3A_285 = vector.broadcast %add3A_284 : f32 to vector<16xf32>
      %add3A_286 = arith.addf %gather3A_279, %add3A_285 : vector<16xf32>
      %div3A_287 = arith.divf %get3A_283, %add3A_286 : vector<16xf32>
      %swap3A_288 = arith.constant 2 : i32
      %swap3A_289 = arith.index_cast %swap3A_288 : i32 to index
      %swap3A_290 = arith.constant 48 : index
      %swap3A_291 = tpu.vector_load %arg13[%swap3A_289, %swap3A_290] {strides = array<i32>} : memref<6x64xf32, #tpu.memory_space<vmem>>, vector<16xf32>,
      tpu.vector_store %arg13[%swap3A_289, %swap3A_290], %div3A_287 {strides = array<i32>} : memref<6x64xf32, #tpu.memory_space<vmem>>, vector<16xf32>,
      %get3A_292 = arith.constant 3 : i32
      %get3A_293 = arith.index_cast %get3A_292 : i32 to index
      %get3A_294 = arith.constant 0 : index
      %get3A_295 = tpu.vector_load %arg12[%get3A_293, %get3A_294] {strides = array<i32>} : memref<6x64xi32, #tpu.memory_space<vmem>>, vector<16xi32>,
      %shift_right_logical3A_296 = arith.constant 7 : i32
      %shift_right_logical3A_297 = vector.broadcast %shift_right_logical3A_296 : i32 to vector<16xi32>
      %shift_right_logical3A_298 = arith.shrui %get3A_295, %shift_right_logical3A_297 : vector<16xi32>
      %and3A_299 = arith.constant 127 : i32
      %and3A_300 = vector.broadcast %and3A_299 : i32 to vector<16xi32>
      %and3A_301 = arith.andi %get3A_295, %and3A_300 : vector<16xi32>
      %gather3A_302 = tpu.vector_load_idx %arg9[%shift_right_logical3A_298, %and3A_301] : memref<80x128xf32, #tpu.memory_space<vmem>>[vector<16xi32>, vector<16xi32>], vector<16xf32>,
      %get3A_303 = arith.constant 3 : i32
      %get3A_304 = arith.index_cast %get3A_303 : i32 to index
      %get3A_305 = arith.constant 0 : index
      %get3A_306 = tpu.vector_load %arg13[%get3A_304, %get3A_305] {strides = array<i32>} : memref<6x64xf32, #tpu.memory_space<vmem>>, vector<16xf32>,
      %add3A_307 = arith.constant 1.000000e-16 : f32
      %add3A_308 = vector.broadcast %add3A_307 : f32 to vector<16xf32>
      %add3A_309 = arith.addf %gather3A_302, %add3A_308 : vector<16xf32>
      %div3A_310 = arith.divf %get3A_306, %add3A_309 : vector<16xf32>
      %swap3A_311 = arith.constant 3 : i32
      %swap3A_312 = arith.index_cast %swap3A_311 : i32 to index
      %swap3A_313 = arith.constant 0 : index
      %swap3A_314 = tpu.vector_load %arg13[%swap3A_312, %swap3A_313] {strides = array<i32>} : memref<6x64xf32, #tpu.memory_space<vmem>>, vector<16xf32>,
      tpu.vector_store %arg13[%swap3A_312, %swap3A_313], %div3A_310 {strides = array<i32>} : memref<6x64xf32, #tpu.memory_space<vmem>>, vector<16xf32>,
      %get3A_315 = arith.constant 3 : i32
      %get3A_316 = arith.index_cast %get3A_315 : i32 to index
      %get3A_317 = arith.constant 16 : index
      %get3A_318 = tpu.vector_load %arg12[%get3A_316, %get3A_317] {strides = array<i32>} : memref<6x64xi32, #tpu.memory_space<vmem>>, vector<16xi32>,
      %shift_right_logical3A_319 = arith.constant 7 : i32
      %shift_right_logical3A_320 = vector.broadcast %shift_right_logical3A_319 : i32 to vector<16xi32>
      %shift_right_logical3A_321 = arith.shrui %get3A_318, %shift_right_logical3A_320 : vector<16xi32>
      %and3A_322 = arith.constant 127 : i32
      %and3A_323 = vector.broadcast %and3A_322 : i32 to vector<16xi32>
      %and3A_324 = arith.andi %get3A_318, %and3A_323 : vector<16xi32>
      %gather3A_325 = tpu.vector_load_idx %arg9[%shift_right_logical3A_321, %and3A_324] : memref<80x128xf32, #tpu.memory_space<vmem>>[vector<16xi32>, vector<16xi32>], vector<16xf32>,
      %get3A_326 = arith.constant 3 : i32
      %get3A_327 = arith.index_cast %get3A_326 : i32 to index
      %get3A_328 = arith.constant 16 : index
      %get3A_329 = tpu.vector_load %arg13[%get3A_327, %get3A_328] {strides = array<i32>} : memref<6x64xf32, #tpu.memory_space<vmem>>, vector<16xf32>,
      %add3A_330 = arith.constant 1.000000e-16 : f32
      %add3A_331 = vector.broadcast %add3A_330 : f32 to vector<16xf32>
      %add3A_332 = arith.addf %gather3A_325, %add3A_331 : vector<16xf32>
      %div3A_333 = arith.divf %get3A_329, %add3A_332 : vector<16xf32>
      %swap3A_334 = arith.constant 3 : i32
      %swap3A_335 = arith.index_cast %swap3A_334 : i32 to index
      %swap3A_336 = arith.constant 16 : index
      %swap3A_337 = tpu.vector_load %arg13[%swap3A_335, %swap3A_336] {strides = array<i32>} : memref<6x64xf32, #tpu.memory_space<vmem>>, vector<16xf32>,
      tpu.vector_store %arg13[%swap3A_335, %swap3A_336], %div3A_333 {strides = array<i32>} : memref<6x64xf32, #tpu.memory_space<vmem>>, vector<16xf32>,
      %get3A_338 = arith.constant 3 : i32
      %get3A_339 = arith.index_cast %get3A_338 : i32 to index
      %get3A_340 = arith.constant 32 : index
      %get3A_341 = tpu.vector_load %arg12[%get3A_339, %get3A_340] {strides = array<i32>} : memref<6x64xi32, #tpu.memory_space<vmem>>, vector<16xi32>,
      %shift_right_logical3A_342 = arith.constant 7 : i32
      %shift_right_logical3A_343 = vector.broadcast %shift_right_logical3A_342 : i32 to vector<16xi32>
      %shift_right_logical3A_344 = arith.shrui %get3A_341, %shift_right_logical3A_343 : vector<16xi32>
      %and3A_345 = arith.constant 127 : i32
      %and3A_346 = vector.broadcast %and3A_345 : i32 to vector<16xi32>
      %and3A_347 = arith.andi %get3A_341, %and3A_346 : vector<16xi32>
      %gather3A_348 = tpu.vector_load_idx %arg9[%shift_right_logical3A_344, %and3A_347] : memref<80x128xf32, #tpu.memory_space<vmem>>[vector<16xi32>, vector<16xi32>], vector<16xf32>,
      %get3A_349 = arith.constant 3 : i32
      %get3A_350 = arith.index_cast %get3A_349 : i32 to index
      %get3A_351 = arith.constant 32 : index
      %get3A_352 = tpu.vector_load %arg13[%get3A_350, %get3A_351] {strides = array<i32>} : memref<6x64xf32, #tpu.memory_space<vmem>>, vector<16xf32>,
      %add3A_353 = arith.constant 1.000000e-16 : f32
      %add3A_354 = vector.broadcast %add3A_353 : f32 to vector<16xf32>
      %add3A_355 = arith.addf %gather3A_348, %add3A_354 : vector<16xf32>
      %div3A_356 = arith.divf %get3A_352, %add3A_355 : vector<16xf32>
      %swap3A_357 = arith.constant 3 : i32
      %swap3A_358 = arith.index_cast %swap3A_357 : i32 to index
      %swap3A_359 = arith.constant 32 : index
      %swap3A_360 = tpu.vector_load %arg13[%swap3A_358, %swap3A_359] {strides = array<i32>} : memref<6x64xf32, #tpu.memory_space<vmem>>, vector<16xf32>,
      tpu.vector_store %arg13[%swap3A_358, %swap3A_359], %div3A_356 {strides = array<i32>} : memref<6x64xf32, #tpu.memory_space<vmem>>, vector<16xf32>,
      %get3A_361 = arith.constant 3 : i32
      %get3A_362 = arith.index_cast %get3A_361 : i32 to index
      %get3A_363 = arith.constant 48 : index
      %get3A_364 = tpu.vector_load %arg12[%get3A_362, %get3A_363] {strides = array<i32>} : memref<6x64xi32, #tpu.memory_space<vmem>>, vector<16xi32>,
      %shift_right_logical3A_365 = arith.constant 7 : i32
      %shift_right_logical3A_366 = vector.broadcast %shift_right_logical3A_365 : i32 to vector<16xi32>
      %shift_right_logical3A_367 = arith.shrui %get3A_364, %shift_right_logical3A_366 : vector<16xi32>
      %and3A_368 = arith.constant 127 : i32
      %and3A_369 = vector.broadcast %and3A_368 : i32 to vector<16xi32>
      %and3A_370 = arith.andi %get3A_364, %and3A_369 : vector<16xi32>
      %gather3A_371 = tpu.vector_load_idx %arg9[%shift_right_logical3A_367, %and3A_370] : memref<80x128xf32, #tpu.memory_space<vmem>>[vector<16xi32>, vector<16xi32>], vector<16xf32>,
      %get3A_372 = arith.constant 3 : i32
      %get3A_373 = arith.index_cast %get3A_372 : i32 to index
      %get3A_374 = arith.constant 48 : index
      %get3A_375 = tpu.vector_load %arg13[%get3A_373, %get3A_374] {strides = array<i32>} : memref<6x64xf32, #tpu.memory_space<vmem>>, vector<16xf32>,
      %add3A_376 = arith.constant 1.000000e-16 : f32
      %add3A_377 = vector.broadcast %add3A_376 : f32 to vector<16xf32>
      %add3A_378 = arith.addf %gather3A_371, %add3A_377 : vector<16xf32>
      %div3A_379 = arith.divf %get3A_375, %add3A_378 : vector<16xf32>
      %swap3A_380 = arith.constant 3 : i32
      %swap3A_381 = arith.index_cast %swap3A_380 : i32 to index
      %swap3A_382 = arith.constant 48 : index
      %swap3A_383 = tpu.vector_load %arg13[%swap3A_381, %swap3A_382] {strides = array<i32>} : memref<6x64xf32, #tpu.memory_space<vmem>>, vector<16xf32>,
      tpu.vector_store %arg13[%swap3A_381, %swap3A_382], %div3A_379 {strides = array<i32>} : memref<6x64xf32, #tpu.memory_space<vmem>>, vector<16xf32>,
      %get3A_384 = arith.constant 4 : i32
      %get3A_385 = arith.index_cast %get3A_384 : i32 to index
      %get3A_386 = arith.constant 0 : index
      %get3A_387 = tpu.vector_load %arg12[%get3A_385, %get3A_386] {strides = array<i32>} : memref<6x64xi32, #tpu.memory_space<vmem>>, vector<16xi32>,
      %shift_right_logical3A_388 = arith.constant 7 : i32
      %shift_right_logical3A_389 = vector.broadcast %shift_right_logical3A_388 : i32 to vector<16xi32>
      %shift_right_logical3A_390 = arith.shrui %get3A_387, %shift_right_logical3A_389 : vector<16xi32>
      %and3A_391 = arith.constant 127 : i32
      %and3A_392 = vector.broadcast %and3A_391 : i32 to vector<16xi32>
      %and3A_393 = arith.andi %get3A_387, %and3A_392 : vector<16xi32>
      %gather3A_394 = tpu.vector_load_idx %arg9[%shift_right_logical3A_390, %and3A_393] : memref<80x128xf32, #tpu.memory_space<vmem>>[vector<16xi32>, vector<16xi32>], vector<16xf32>,
      %get3A_395 = arith.constant 4 : i32
      %get3A_396 = arith.index_cast %get3A_395 : i32 to index
      %get3A_397 = arith.constant 0 : index
      %get3A_398 = tpu.vector_load %arg13[%get3A_396, %get3A_397] {strides = array<i32>} : memref<6x64xf32, #tpu.memory_space<vmem>>, vector<16xf32>,
      %add3A_399 = arith.constant 1.000000e-16 : f32
      %add3A_400 = vector.broadcast %add3A_399 : f32 to vector<16xf32>
      %add3A_401 = arith.addf %gather3A_394, %add3A_400 : vector<16xf32>
      %div3A_402 = arith.divf %get3A_398, %add3A_401 : vector<16xf32>
      %swap3A_403 = arith.constant 4 : i32
      %swap3A_404 = arith.index_cast %swap3A_403 : i32 to index
      %swap3A_405 = arith.constant 0 : index
      %swap3A_406 = tpu.vector_load %arg13[%swap3A_404, %swap3A_405] {strides = array<i32>} : memref<6x64xf32, #tpu.memory_space<vmem>>, vector<16xf32>,
      tpu.vector_store %arg13[%swap3A_404, %swap3A_405], %div3A_402 {strides = array<i32>} : memref<6x64xf32, #tpu.memory_space<vmem>>, vector<16xf32>,
      %get3A_407 = arith.constant 4 : i32
      %get3A_408 = arith.index_cast %get3A_407 : i32 to index
      %get3A_409 = arith.constant 16 : index
      %get3A_410 = tpu.vector_load %arg12[%get3A_408, %get3A_409] {strides = array<i32>} : memref<6x64xi32, #tpu.memory_space<vmem>>, vector<16xi32>,
      %shift_right_logical3A_411 = arith.constant 7 : i32
      %shift_right_logical3A_412 = vector.broadcast %shift_right_logical3A_411 : i32 to vector<16xi32>
      %shift_right_logical3A_413 = arith.shrui %get3A_410, %shift_right_logical3A_412 : vector<16xi32>
      %and3A_414 = arith.constant 127 : i32
      %and3A_415 = vector.broadcast %and3A_414 : i32 to vector<16xi32>
      %and3A_416 = arith.andi %get3A_410, %and3A_415 : vector<16xi32>
      %gather3A_417 = tpu.vector_load_idx %arg9[%shift_right_logical3A_413, %and3A_416] : memref<80x128xf32, #tpu.memory_space<vmem>>[vector<16xi32>, vector<16xi32>], vector<16xf32>,
      %get3A_418 = arith.constant 4 : i32
      %get3A_419 = arith.index_cast %get3A_418 : i32 to index
      %get3A_420 = arith.constant 16 : index
      %get3A_421 = tpu.vector_load %arg13[%get3A_419, %get3A_420] {strides = array<i32>} : memref<6x64xf32, #tpu.memory_space<vmem>>, vector<16xf32>,
      %add3A_422 = arith.constant 1.000000e-16 : f32
      %add3A_423 = vector.broadcast %add3A_422 : f32 to vector<16xf32>
      %add3A_424 = arith.addf %gather3A_417, %add3A_423 : vector<16xf32>
      %div3A_425 = arith.divf %get3A_421, %add3A_424 : vector<16xf32>
      %swap3A_426 = arith.constant 4 : i32
      %swap3A_427 = arith.index_cast %swap3A_426 : i32 to index
      %swap3A_428 = arith.constant 16 : index
      %swap3A_429 = tpu.vector_load %arg13[%swap3A_427, %swap3A_428] {strides = array<i32>} : memref<6x64xf32, #tpu.memory_space<vmem>>, vector<16xf32>,
      tpu.vector_store %arg13[%swap3A_427, %swap3A_428], %div3A_425 {strides = array<i32>} : memref<6x64xf32, #tpu.memory_space<vmem>>, vector<16xf32>,
      %get3A_430 = arith.constant 4 : i32
      %get3A_431 = arith.index_cast %get3A_430 : i32 to index
      %get3A_432 = arith.constant 32 : index
      %get3A_433 = tpu.vector_load %arg12[%get3A_431, %get3A_432] {strides = array<i32>} : memref<6x64xi32, #tpu.memory_space<vmem>>, vector<16xi32>,
      %shift_right_logical3A_434 = arith.constant 7 : i32
      %shift_right_logical3A_435 = vector.broadcast %shift_right_logical3A_434 : i32 to vector<16xi32>
      %shift_right_logical3A_436 = arith.shrui %get3A_433, %shift_right_logical3A_435 : vector<16xi32>
      %and3A_437 = arith.constant 127 : i32
      %and3A_438 = vector.broadcast %and3A_437 : i32 to vector<16xi32>
      %and3A_439 = arith.andi %get3A_433, %and3A_438 : vector<16xi32>
      %gather3A_440 = tpu.vector_load_idx %arg9[%shift_right_logical3A_436, %and3A_439] : memref<80x128xf32, #tpu.memory_space<vmem>>[vector<16xi32>, vector<16xi32>], vector<16xf32>,
      %get3A_441 = arith.constant 4 : i32
      %get3A_442 = arith.index_cast %get3A_441 : i32 to index
      %get3A_443 = arith.constant 32 : index
      %get3A_444 = tpu.vector_load %arg13[%get3A_442, %get3A_443] {strides = array<i32>} : memref<6x64xf32, #tpu.memory_space<vmem>>, vector<16xf32>,
      %add3A_445 = arith.constant 1.000000e-16 : f32
      %add3A_446 = vector.broadcast %add3A_445 : f32 to vector<16xf32>
      %add3A_447 = arith.addf %gather3A_440, %add3A_446 : vector<16xf32>
      %div3A_448 = arith.divf %get3A_444, %add3A_447 : vector<16xf32>
      %swap3A_449 = arith.constant 4 : i32
      %swap3A_450 = arith.index_cast %swap3A_449 : i32 to index
      %swap3A_451 = arith.constant 32 : index
      %swap3A_452 = tpu.vector_load %arg13[%swap3A_450, %swap3A_451] {strides = array<i32>} : memref<6x64xf32, #tpu.memory_space<vmem>>, vector<16xf32>,
      tpu.vector_store %arg13[%swap3A_450, %swap3A_451], %div3A_448 {strides = array<i32>} : memref<6x64xf32, #tpu.memory_space<vmem>>, vector<16xf32>,
      %get3A_453 = arith.constant 4 : i32
      %get3A_454 = arith.index_cast %get3A_453 : i32 to index
      %get3A_455 = arith.constant 48 : index
      %get3A_456 = tpu.vector_load %arg12[%get3A_454, %get3A_455] {strides = array<i32>} : memref<6x64xi32, #tpu.memory_space<vmem>>, vector<16xi32>,
      %shift_right_logical3A_457 = arith.constant 7 : i32
      %shift_right_logical3A_458 = vector.broadcast %shift_right_logical3A_457 : i32 to vector<16xi32>
      %shift_right_logical3A_459 = arith.shrui %get3A_456, %shift_right_logical3A_458 : vector<16xi32>
      %and3A_460 = arith.constant 127 : i32
      %and3A_461 = vector.broadcast %and3A_460 : i32 to vector<16xi32>
      %and3A_462 = arith.andi %get3A_456, %and3A_461 : vector<16xi32>
      %gather3A_463 = tpu.vector_load_idx %arg9[%shift_right_logical3A_459, %and3A_462] : memref<80x128xf32, #tpu.memory_space<vmem>>[vector<16xi32>, vector<16xi32>], vector<16xf32>,
      %get3A_464 = arith.constant 4 : i32
      %get3A_465 = arith.index_cast %get3A_464 : i32 to index
      %get3A_466 = arith.constant 48 : index
      %get3A_467 = tpu.vector_load %arg13[%get3A_465, %get3A_466] {strides = array<i32>} : memref<6x64xf32, #tpu.memory_space<vmem>>, vector<16xf32>,
      %add3A_468 = arith.constant 1.000000e-16 : f32
      %add3A_469 = vector.broadcast %add3A_468 : f32 to vector<16xf32>
      %add3A_470 = arith.addf %gather3A_463, %add3A_469 : vector<16xf32>
      %div3A_471 = arith.divf %get3A_467, %add3A_470 : vector<16xf32>
      %swap3A_472 = arith.constant 4 : i32
      %swap3A_473 = arith.index_cast %swap3A_472 : i32 to index
      %swap3A_474 = arith.constant 48 : index
      %swap3A_475 = tpu.vector_load %arg13[%swap3A_473, %swap3A_474] {strides = array<i32>} : memref<6x64xf32, #tpu.memory_space<vmem>>, vector<16xf32>,
      tpu.vector_store %arg13[%swap3A_473, %swap3A_474], %div3A_471 {strides = array<i32>} : memref<6x64xf32, #tpu.memory_space<vmem>>, vector<16xf32>,
      %get3A_476 = arith.constant 5 : i32
      %get3A_477 = arith.index_cast %get3A_476 : i32 to index
      %get3A_478 = arith.constant 0 : index
      %get3A_479 = tpu.vector_load %arg12[%get3A_477, %get3A_478] {strides = array<i32>} : memref<6x64xi32, #tpu.memory_space<vmem>>, vector<16xi32>,
      %shift_right_logical3A_480 = arith.constant 7 : i32
      %shift_right_logical3A_481 = vector.broadcast %shift_right_logical3A_480 : i32 to vector<16xi32>
      %shift_right_logical3A_482 = arith.shrui %get3A_479, %shift_right_logical3A_481 : vector<16xi32>
      %and3A_483 = arith.constant 127 : i32
      %and3A_484 = vector.broadcast %and3A_483 : i32 to vector<16xi32>
      %and3A_485 = arith.andi %get3A_479, %and3A_484 : vector<16xi32>
      %gather3A_486 = tpu.vector_load_idx %arg9[%shift_right_logical3A_482, %and3A_485] : memref<80x128xf32, #tpu.memory_space<vmem>>[vector<16xi32>, vector<16xi32>], vector<16xf32>,
      %get3A_487 = arith.constant 5 : i32
      %get3A_488 = arith.index_cast %get3A_487 : i32 to index
      %get3A_489 = arith.constant 0 : index
      %get3A_490 = tpu.vector_load %arg13[%get3A_488, %get3A_489] {strides = array<i32>} : memref<6x64xf32, #tpu.memory_space<vmem>>, vector<16xf32>,
      %add3A_491 = arith.constant 1.000000e-16 : f32
      %add3A_492 = vector.broadcast %add3A_491 : f32 to vector<16xf32>
      %add3A_493 = arith.addf %gather3A_486, %add3A_492 : vector<16xf32>
      %div3A_494 = arith.divf %get3A_490, %add3A_493 : vector<16xf32>
      %swap3A_495 = arith.constant 5 : i32
      %swap3A_496 = arith.index_cast %swap3A_495 : i32 to index
      %swap3A_497 = arith.constant 0 : index
      %swap3A_498 = tpu.vector_load %arg13[%swap3A_496, %swap3A_497] {strides = array<i32>} : memref<6x64xf32, #tpu.memory_space<vmem>>, vector<16xf32>,
      tpu.vector_store %arg13[%swap3A_496, %swap3A_497], %div3A_494 {strides = array<i32>} : memref<6x64xf32, #tpu.memory_space<vmem>>, vector<16xf32>,
      %get3A_499 = arith.constant 5 : i32
      %get3A_500 = arith.index_cast %get3A_499 : i32 to index
      %get3A_501 = arith.constant 16 : index
      %get3A_502 = tpu.vector_load %arg12[%get3A_500, %get3A_501] {strides = array<i32>} : memref<6x64xi32, #tpu.memory_space<vmem>>, vector<16xi32>,
      %shift_right_logical3A_503 = arith.constant 7 : i32
      %shift_right_logical3A_504 = vector.broadcast %shift_right_logical3A_503 : i32 to vector<16xi32>
      %shift_right_logical3A_505 = arith.shrui %get3A_502, %shift_right_logical3A_504 : vector<16xi32>
      %and3A_506 = arith.constant 127 : i32
      %and3A_507 = vector.broadcast %and3A_506 : i32 to vector<16xi32>
      %and3A_508 = arith.andi %get3A_502, %and3A_507 : vector<16xi32>
      %gather3A_509 = tpu.vector_load_idx %arg9[%shift_right_logical3A_505, %and3A_508] : memref<80x128xf32, #tpu.memory_space<vmem>>[vector<16xi32>, vector<16xi32>], vector<16xf32>,
      %get3A_510 = arith.constant 5 : i32
      %get3A_511 = arith.index_cast %get3A_510 : i32 to index
      %get3A_512 = arith.constant 16 : index
      %get3A_513 = tpu.vector_load %arg13[%get3A_511, %get3A_512] {strides = array<i32>} : memref<6x64xf32, #tpu.memory_space<vmem>>, vector<16xf32>,
      %add3A_514 = arith.constant 1.000000e-16 : f32
      %add3A_515 = vector.broadcast %add3A_514 : f32 to vector<16xf32>
      %add3A_516 = arith.addf %gather3A_509, %add3A_515 : vector<16xf32>
      %div3A_517 = arith.divf %get3A_513, %add3A_516 : vector<16xf32>
      %swap3A_518 = arith.constant 5 : i32
      %swap3A_519 = arith.index_cast %swap3A_518 : i32 to index
      %swap3A_520 = arith.constant 16 : index
      %swap3A_521 = tpu.vector_load %arg13[%swap3A_519, %swap3A_520] {strides = array<i32>} : memref<6x64xf32, #tpu.memory_space<vmem>>, vector<16xf32>,
      tpu.vector_store %arg13[%swap3A_519, %swap3A_520], %div3A_517 {strides = array<i32>} : memref<6x64xf32, #tpu.memory_space<vmem>>, vector<16xf32>,
      %get3A_522 = arith.constant 5 : i32
      %get3A_523 = arith.index_cast %get3A_522 : i32 to index
      %get3A_524 = arith.constant 32 : index
      %get3A_525 = tpu.vector_load %arg12[%get3A_523, %get3A_524] {strides = array<i32>} : memref<6x64xi32, #tpu.memory_space<vmem>>, vector<16xi32>,
      %shift_right_logical3A_526 = arith.constant 7 : i32
      %shift_right_logical3A_527 = vector.broadcast %shift_right_logical3A_526 : i32 to vector<16xi32>
      %shift_right_logical3A_528 = arith.shrui %get3A_525, %shift_right_logical3A_527 : vector<16xi32>
      %and3A_529 = arith.constant 127 : i32
      %and3A_530 = vector.broadcast %and3A_529 : i32 to vector<16xi32>
      %and3A_531 = arith.andi %get3A_525, %and3A_530 : vector<16xi32>
      %gather3A_532 = tpu.vector_load_idx %arg9[%shift_right_logical3A_528, %and3A_531] : memref<80x128xf32, #tpu.memory_space<vmem>>[vector<16xi32>, vector<16xi32>], vector<16xf32>,
      %get3A_533 = arith.constant 5 : i32
      %get3A_534 = arith.index_cast %get3A_533 : i32 to index
      %get3A_535 = arith.constant 32 : index
      %get3A_536 = tpu.vector_load %arg13[%get3A_534, %get3A_535] {strides = array<i32>} : memref<6x64xf32, #tpu.memory_space<vmem>>, vector<16xf32>,
      %add3A_537 = arith.constant 1.000000e-16 : f32
      %add3A_538 = vector.broadcast %add3A_537 : f32 to vector<16xf32>
      %add3A_539 = arith.addf %gather3A_532, %add3A_538 : vector<16xf32>
      %div3A_540 = arith.divf %get3A_536, %add3A_539 : vector<16xf32>
      %swap3A_541 = arith.constant 5 : i32
      %swap3A_542 = arith.index_cast %swap3A_541 : i32 to index
      %swap3A_543 = arith.constant 32 : index
      %swap3A_544 = tpu.vector_load %arg13[%swap3A_542, %swap3A_543] {strides = array<i32>} : memref<6x64xf32, #tpu.memory_space<vmem>>, vector<16xf32>,
      tpu.vector_store %arg13[%swap3A_542, %swap3A_543], %div3A_540 {strides = array<i32>} : memref<6x64xf32, #tpu.memory_space<vmem>>, vector<16xf32>,
      %get3A_545 = arith.constant 5 : i32
      %get3A_546 = arith.index_cast %get3A_545 : i32 to index
      %get3A_547 = arith.constant 48 : index
      %get3A_548 = tpu.vector_load %arg12[%get3A_546, %get3A_547] {strides = array<i32>} : memref<6x64xi32, #tpu.memory_space<vmem>>, vector<16xi32>,
      %shift_right_logical3A_549 = arith.constant 7 : i32
      %shift_right_logical3A_550 = vector.broadcast %shift_right_logical3A_549 : i32 to vector<16xi32>
      %shift_right_logical3A_551 = arith.shrui %get3A_548, %shift_right_logical3A_550 : vector<16xi32>
      %and3A_552 = arith.constant 127 : i32
      %and3A_553 = vector.broadcast %and3A_552 : i32 to vector<16xi32>
      %and3A_554 = arith.andi %get3A_548, %and3A_553 : vector<16xi32>
      %gather3A_555 = tpu.vector_load_idx %arg9[%shift_right_logical3A_551, %and3A_554] : memref<80x128xf32, #tpu.memory_space<vmem>>[vector<16xi32>, vector<16xi32>], vector<16xf32>,
      %get3A_556 = arith.constant 5 : i32
      %get3A_557 = arith.index_cast %get3A_556 : i32 to index
      %get3A_558 = arith.constant 48 : index
      %get3A_559 = tpu.vector_load %arg13[%get3A_557, %get3A_558] {strides = array<i32>} : memref<6x64xf32, #tpu.memory_space<vmem>>, vector<16xf32>,
      %add3A_560 = arith.constant 1.000000e-16 : f32
      %add3A_561 = vector.broadcast %add3A_560 : f32 to vector<16xf32>
      %add3A_562 = arith.addf %gather3A_555, %add3A_561 : vector<16xf32>
      %div3A_563 = arith.divf %get3A_559, %add3A_562 : vector<16xf32>
      %swap3A_564 = arith.constant 5 : i32
      %swap3A_565 = arith.index_cast %swap3A_564 : i32 to index
      %swap3A_566 = arith.constant 48 : index
      %swap3A_567 = tpu.vector_load %arg13[%swap3A_565, %swap3A_566] {strides = array<i32>} : memref<6x64xf32, #tpu.memory_space<vmem>>, vector<16xf32>,
      tpu.vector_store %arg13[%swap3A_565, %swap3A_566], %div3A_563 {strides = array<i32>} : memref<6x64xf32, #tpu.memory_space<vmem>>, vector<16xf32>,
      %dma_start3A = arith.constant 0 : i32
      %dma_start3A_568 = arith.constant 0 : i32
      %dma_start3A_569 = arith.constant 0 : i32
      %dma_start3A_570 = arith.constant 0 : i32
      %dma_start3A_571 = tpu.memref_slice %arg14[%dma_start3A_568, %dma_start3A_569, %dma_start3A_570] : memref<3x64x128xf32, #tpu.memory_space<vmem>> -> memref<1x64x128xf32, #tpu.memory_space<vmem>>
      %dma_start3A_572 = tpu.memref_squeeze %dma_start3A_571 : memref<1x64x128xf32, #tpu.memory_space<vmem>> -> memref<64x128xf32, #tpu.memory_space<vmem>>
      %dma_start3A_573 = arith.constant 0 : i32
      %dma_start3A_574 = tpu.memref_slice %arg11[%dma_start3A, %dma_start3A_573] : memref<6x64xi32, #tpu.memory_space<vmem>> -> memref<1x64xi32, #tpu.memory_space<vmem>>
      %dma_start3A_575 = tpu.memref_squeeze %dma_start3A_574 : memref<1x64xi32, #tpu.memory_space<vmem>> -> memref<64xi32, #tpu.memory_space<vmem>>
      %dma_start3A_576 = arith.constant 0 : i32
      %dma_start3A_577 = arith.constant 0 : i32
      %dma_start3A_578 = tpu.memref_slice %arg6[%dma_start3A_576, %dma_start3A_577] : memref<10240x128xf32, #tpu.memory_space<hbm>> -> memref<10240x128xf32, #tpu.memory_space<hbm>>
      tpu.enqueue_indirect_dma source(%dma_start3A_578 : memref<10240x128xf32, #tpu.memory_space<hbm>>) target(%dma_start3A_572 : memref<64x128xf32, #tpu.memory_space<vmem>>) offsets(%dma_start3A_575 : memref<64xi32, #tpu.memory_space<vmem>>) semaphore(%arg16 : memref<!tpu.dma_semaphore, #tpu.memory_space<semaphore_mem>>)
      %dma_start3A_579 = arith.constant 1 : i32
      %dma_start3A_580 = arith.constant 1 : i32
      %dma_start3A_581 = arith.constant 0 : i32
      %dma_start3A_582 = arith.constant 0 : i32
      %dma_start3A_583 = tpu.memref_slice %arg14[%dma_start3A_580, %dma_start3A_581, %dma_start3A_582] : memref<3x64x128xf32, #tpu.memory_space<vmem>> -> memref<1x64x128xf32, #tpu.memory_space<vmem>>
      %dma_start3A_584 = tpu.memref_squeeze %dma_start3A_583 : memref<1x64x128xf32, #tpu.memory_space<vmem>> -> memref<64x128xf32, #tpu.memory_space<vmem>>
      %dma_start3A_585 = arith.constant 0 : i32
      %dma_start3A_586 = tpu.memref_slice %arg11[%dma_start3A_579, %dma_start3A_585] : memref<6x64xi32, #tpu.memory_space<vmem>> -> memref<1x64xi32, #tpu.memory_space<vmem>>
      %dma_start3A_587 = tpu.memref_squeeze %dma_start3A_586 : memref<1x64xi32, #tpu.memory_space<vmem>> -> memref<64xi32, #tpu.memory_space<vmem>>
      %dma_start3A_588 = arith.constant 0 : i32
      %dma_start3A_589 = arith.constant 0 : i32
      %dma_start3A_590 = tpu.memref_slice %arg6[%dma_start3A_588, %dma_start3A_589] : memref<10240x128xf32, #tpu.memory_space<hbm>> -> memref<10240x128xf32, #tpu.memory_space<hbm>>
      tpu.enqueue_indirect_dma source(%dma_start3A_590 : memref<10240x128xf32, #tpu.memory_space<hbm>>) target(%dma_start3A_584 : memref<64x128xf32, #tpu.memory_space<vmem>>) offsets(%dma_start3A_587 : memref<64xi32, #tpu.memory_space<vmem>>) semaphore(%arg17 : memref<!tpu.dma_semaphore, #tpu.memory_space<semaphore_mem>>)
      %dma_wait3A = arith.constant 0 : i32
      %dma_wait3A_591 = arith.constant 0 : i32
      %dma_wait3A_592 = arith.constant 0 : i32
      %dma_wait3A_593 = arith.constant 0 : i32
      %dma_wait3A_594 = tpu.memref_slice %arg14[%dma_wait3A_591, %dma_wait3A_592, %dma_wait3A_593] : memref<3x64x128xf32, #tpu.memory_space<vmem>> -> memref<1x64x128xf32, #tpu.memory_space<vmem>>
      %dma_wait3A_595 = tpu.memref_squeeze %dma_wait3A_594 : memref<1x64x128xf32, #tpu.memory_space<vmem>> -> memref<64x128xf32, #tpu.memory_space<vmem>>
      %dma_wait3A_596 = arith.constant 0 : i32
      %dma_wait3A_597 = tpu.memref_slice %arg11[%dma_wait3A, %dma_wait3A_596] : memref<6x64xi32, #tpu.memory_space<vmem>> -> memref<1x64xi32, #tpu.memory_space<vmem>>
      %dma_wait3A_598 = tpu.memref_squeeze %dma_wait3A_597 : memref<1x64xi32, #tpu.memory_space<vmem>> -> memref<64xi32, #tpu.memory_space<vmem>>
      %dma_wait3A_599 = arith.constant 0 : i32
      %dma_wait3A_600 = arith.constant 0 : i32
      %dma_wait3A_601 = tpu.memref_slice %arg6[%dma_wait3A_599, %dma_wait3A_600] : memref<10240x128xf32, #tpu.memory_space<hbm>> -> memref<10240x128xf32, #tpu.memory_space<hbm>>
      tpu.wait_indirect_dma semaphore(%arg16 : memref<!tpu.dma_semaphore, #tpu.memory_space<semaphore_mem>>) src(%dma_wait3A_601 : memref<10240x128xf32, #tpu.memory_space<hbm>>) dst(%dma_wait3A_595 : memref<64x128xf32, #tpu.memory_space<vmem>>)
      %scan3A_602 = arith.constant 0 : i32
      %scan3A_603 = arith.constant 0 : i32
      %scan3A_604 = arith.constant 0 : i32
      %scan3A_605 = arith.constant 0 : i32
      %scan3A_606 = arith.constant 32 : i32
      %scan3A_607 = arith.addi %scan3A_605, %scan3A_606 : i32
      %scan3A_608 = arith.constant 1 : i32
      scf.for %scan3A_902 = %scan3A_605 to %scan3A_607 step %scan3A_608  : i32 {
        %mul3A_903 = arith.constant 2 : i32
        %mul3A_904 = arith.muli %scan3A_902, %mul3A_903 : i32
        %add3A_905 = arith.constant 0 : i32
        %add3A_906 = arith.addi %mul3A_904, %add3A_905 : i32
        %broadcast_in_dim3A = vector.broadcast %add3A_906 : i32 to vector<16xi32>
        %gather3A_907 = arith.constant 0 : i32
        %gather3A_908 = tpu.memref_slice %arg13[%scan3A_603, %gather3A_907] : memref<6x64xf32, #tpu.memory_space<vmem>> -> memref<1x64xf32, #tpu.memory_space<vmem>>
        %gather3A_909 = tpu.memref_squeeze %gather3A_908 : memref<1x64xf32, #tpu.memory_space<vmem>> -> memref<64xf32, #tpu.memory_space<vmem>>
        %gather3A_910 = tpu.vector_load_idx %gather3A_909[%broadcast_in_dim3A] : memref<64xf32, #tpu.memory_space<vmem>>[vector<16xi32>], vector<16xf32>,
        %get3A_911 = arith.constant 0 : i32
        %get3A_912 = arith.constant 0 : i32
        %get3A_913 = tpu.memref_slice %arg14[%scan3A_604, %get3A_911, %get3A_912] : memref<3x64x128xf32, #tpu.memory_space<vmem>> -> memref<1x64x128xf32, #tpu.memory_space<vmem>>
        %get3A_914 = tpu.memref_squeeze %get3A_913 : memref<1x64x128xf32, #tpu.memory_space<vmem>> -> memref<64x128xf32, #tpu.memory_space<vmem>>
        %get3A_915 = arith.index_cast %add3A_906 : i32 to index
        %get3A_916 = arith.constant 0 : index
        %get3A_917 = tpu.vector_load %get3A_914[%get3A_915, %get3A_916] {strides = array<i32>} : memref<64x128xf32, #tpu.memory_space<vmem>>, vector<16xf32>,
        %mul3A_918 = arith.mulf %get3A_917, %gather3A_910 : vector<16xf32>
        %swap3A_919 = arith.constant 0 : i32
        %swap3A_920 = arith.constant 0 : i32
        %swap3A_921 = tpu.memref_slice %arg14[%scan3A_604, %swap3A_919, %swap3A_920] : memref<3x64x128xf32, #tpu.memory_space<vmem>> -> memref<1x64x128xf32, #tpu.memory_space<vmem>>
        %swap3A_922 = tpu.memref_squeeze %swap3A_921 : memref<1x64x128xf32, #tpu.memory_space<vmem>> -> memref<64x128xf32, #tpu.memory_space<vmem>>
        %swap3A_923 = arith.index_cast %add3A_906 : i32 to index
        %swap3A_924 = arith.constant 0 : index
        %swap3A_925 = tpu.vector_load %swap3A_922[%swap3A_923, %swap3A_924] {strides = array<i32>} : memref<64x128xf32, #tpu.memory_space<vmem>>, vector<16xf32>,
        tpu.vector_store %swap3A_922[%swap3A_923, %swap3A_924], %mul3A_918 {strides = array<i32>} : memref<64x128xf32, #tpu.memory_space<vmem>>, vector<16xf32>,
        %get3A_926 = arith.constant 0 : i32
        %get3A_927 = arith.constant 0 : i32
        %get3A_928 = tpu.memref_slice %arg14[%scan3A_604, %get3A_926, %get3A_927] : memref<3x64x128xf32, #tpu.memory_space<vmem>> -> memref<1x64x128xf32, #tpu.memory_space<vmem>>
        %get3A_929 = tpu.memref_squeeze %get3A_928 : memref<1x64x128xf32, #tpu.memory_space<vmem>> -> memref<64x128xf32, #tpu.memory_space<vmem>>
        %get3A_930 = arith.index_cast %add3A_906 : i32 to index
        %get3A_931 = arith.constant 16 : index
        %get3A_932 = tpu.vector_load %get3A_929[%get3A_930, %get3A_931] {strides = array<i32>} : memref<64x128xf32, #tpu.memory_space<vmem>>, vector<16xf32>,
        %mul3A_933 = arith.mulf %get3A_932, %gather3A_910 : vector<16xf32>
        %swap3A_934 = arith.constant 0 : i32
        %swap3A_935 = arith.constant 0 : i32
        %swap3A_936 = tpu.memref_slice %arg14[%scan3A_604, %swap3A_934, %swap3A_935] : memref<3x64x128xf32, #tpu.memory_space<vmem>> -> memref<1x64x128xf32, #tpu.memory_space<vmem>>
        %swap3A_937 = tpu.memref_squeeze %swap3A_936 : memref<1x64x128xf32, #tpu.memory_space<vmem>> -> memref<64x128xf32, #tpu.memory_space<vmem>>
        %swap3A_938 = arith.index_cast %add3A_906 : i32 to index
        %swap3A_939 = arith.constant 16 : index
        %swap3A_940 = tpu.vector_load %swap3A_937[%swap3A_938, %swap3A_939] {strides = array<i32>} : memref<64x128xf32, #tpu.memory_space<vmem>>, vector<16xf32>,
        tpu.vector_store %swap3A_937[%swap3A_938, %swap3A_939], %mul3A_933 {strides = array<i32>} : memref<64x128xf32, #tpu.memory_space<vmem>>, vector<16xf32>,
        %get3A_941 = arith.constant 0 : i32
        %get3A_942 = arith.constant 0 : i32
        %get3A_943 = tpu.memref_slice %arg14[%scan3A_604, %get3A_941, %get3A_942] : memref<3x64x128xf32, #tpu.memory_space<vmem>> -> memref<1x64x128xf32, #tpu.memory_space<vmem>>
        %get3A_944 = tpu.memref_squeeze %get3A_943 : memref<1x64x128xf32, #tpu.memory_space<vmem>> -> memref<64x128xf32, #tpu.memory_space<vmem>>
        %get3A_945 = arith.index_cast %add3A_906 : i32 to index
        %get3A_946 = arith.constant 32 : index
        %get3A_947 = tpu.vector_load %get3A_944[%get3A_945, %get3A_946] {strides = array<i32>} : memref<64x128xf32, #tpu.memory_space<vmem>>, vector<16xf32>,
        %mul3A_948 = arith.mulf %get3A_947, %gather3A_910 : vector<16xf32>
        %swap3A_949 = arith.constant 0 : i32
        %swap3A_950 = arith.constant 0 : i32
        %swap3A_951 = tpu.memref_slice %arg14[%scan3A_604, %swap3A_949, %swap3A_950] : memref<3x64x128xf32, #tpu.memory_space<vmem>> -> memref<1x64x128xf32, #tpu.memory_space<vmem>>
        %swap3A_952 = tpu.memref_squeeze %swap3A_951 : memref<1x64x128xf32, #tpu.memory_space<vmem>> -> memref<64x128xf32, #tpu.memory_space<vmem>>
        %swap3A_953 = arith.index_cast %add3A_906 : i32 to index
        %swap3A_954 = arith.constant 32 : index
        %swap3A_955 = tpu.vector_load %swap3A_952[%swap3A_953, %swap3A_954] {strides = array<i32>} : memref<64x128xf32, #tpu.memory_space<vmem>>, vector<16xf32>,
        tpu.vector_store %swap3A_952[%swap3A_953, %swap3A_954], %mul3A_948 {strides = array<i32>} : memref<64x128xf32, #tpu.memory_space<vmem>>, vector<16xf32>,
        %get3A_956 = arith.constant 0 : i32
        %get3A_957 = arith.constant 0 : i32
        %get3A_958 = tpu.memref_slice %arg14[%scan3A_604, %get3A_956, %get3A_957] : memref<3x64x128xf32, #tpu.memory_space<vmem>> -> memref<1x64x128xf32, #tpu.memory_space<vmem>>
        %get3A_959 = tpu.memref_squeeze %get3A_958 : memref<1x64x128xf32, #tpu.memory_space<vmem>> -> memref<64x128xf32, #tpu.memory_space<vmem>>
        %get3A_960 = arith.index_cast %add3A_906 : i32 to index
        %get3A_961 = arith.constant 48 : index
        %get3A_962 = tpu.vector_load %get3A_959[%get3A_960, %get3A_961] {strides = array<i32>} : memref<64x128xf32, #tpu.memory_space<vmem>>, vector<16xf32>,
        %mul3A_963 = arith.mulf %get3A_962, %gather3A_910 : vector<16xf32>
        %swap3A_964 = arith.constant 0 : i32
        %swap3A_965 = arith.constant 0 : i32
        %swap3A_966 = tpu.memref_slice %arg14[%scan3A_604, %swap3A_964, %swap3A_965] : memref<3x64x128xf32, #tpu.memory_space<vmem>> -> memref<1x64x128xf32, #tpu.memory_space<vmem>>
        %swap3A_967 = tpu.memref_squeeze %swap3A_966 : memref<1x64x128xf32, #tpu.memory_space<vmem>> -> memref<64x128xf32, #tpu.memory_space<vmem>>
        %swap3A_968 = arith.index_cast %add3A_906 : i32 to index
        %swap3A_969 = arith.constant 48 : index
        %swap3A_970 = tpu.vector_load %swap3A_967[%swap3A_968, %swap3A_969] {strides = array<i32>} : memref<64x128xf32, #tpu.memory_space<vmem>>, vector<16xf32>,
        tpu.vector_store %swap3A_967[%swap3A_968, %swap3A_969], %mul3A_963 {strides = array<i32>} : memref<64x128xf32, #tpu.memory_space<vmem>>, vector<16xf32>,
        %get3A_971 = arith.constant 0 : i32
        %get3A_972 = arith.constant 0 : i32
        %get3A_973 = tpu.memref_slice %arg14[%scan3A_604, %get3A_971, %get3A_972] : memref<3x64x128xf32, #tpu.memory_space<vmem>> -> memref<1x64x128xf32, #tpu.memory_space<vmem>>
        %get3A_974 = tpu.memref_squeeze %get3A_973 : memref<1x64x128xf32, #tpu.memory_space<vmem>> -> memref<64x128xf32, #tpu.memory_space<vmem>>
        %get3A_975 = arith.index_cast %add3A_906 : i32 to index
        %get3A_976 = arith.constant 64 : index
        %get3A_977 = tpu.vector_load %get3A_974[%get3A_975, %get3A_976] {strides = array<i32>} : memref<64x128xf32, #tpu.memory_space<vmem>>, vector<16xf32>,
        %mul3A_978 = arith.mulf %get3A_977, %gather3A_910 : vector<16xf32>
        %swap3A_979 = arith.constant 0 : i32
        %swap3A_980 = arith.constant 0 : i32
        %swap3A_981 = tpu.memref_slice %arg14[%scan3A_604, %swap3A_979, %swap3A_980] : memref<3x64x128xf32, #tpu.memory_space<vmem>> -> memref<1x64x128xf32, #tpu.memory_space<vmem>>
        %swap3A_982 = tpu.memref_squeeze %swap3A_981 : memref<1x64x128xf32, #tpu.memory_space<vmem>> -> memref<64x128xf32, #tpu.memory_space<vmem>>
        %swap3A_983 = arith.index_cast %add3A_906 : i32 to index
        %swap3A_984 = arith.constant 64 : index
        %swap3A_985 = tpu.vector_load %swap3A_982[%swap3A_983, %swap3A_984] {strides = array<i32>} : memref<64x128xf32, #tpu.memory_space<vmem>>, vector<16xf32>,
        tpu.vector_store %swap3A_982[%swap3A_983, %swap3A_984], %mul3A_978 {strides = array<i32>} : memref<64x128xf32, #tpu.memory_space<vmem>>, vector<16xf32>,
        %get3A_986 = arith.constant 0 : i32
        %get3A_987 = arith.constant 0 : i32
        %get3A_988 = tpu.memref_slice %arg14[%scan3A_604, %get3A_986, %get3A_987] : memref<3x64x128xf32, #tpu.memory_space<vmem>> -> memref<1x64x128xf32, #tpu.memory_space<vmem>>
        %get3A_989 = tpu.memref_squeeze %get3A_988 : memref<1x64x128xf32, #tpu.memory_space<vmem>> -> memref<64x128xf32, #tpu.memory_space<vmem>>
        %get3A_990 = arith.index_cast %add3A_906 : i32 to index
        %get3A_991 = arith.constant 80 : index
        %get3A_992 = tpu.vector_load %get3A_989[%get3A_990, %get3A_991] {strides = array<i32>} : memref<64x128xf32, #tpu.memory_space<vmem>>, vector<16xf32>,
        %mul3A_993 = arith.mulf %get3A_992, %gather3A_910 : vector<16xf32>
        %swap3A_994 = arith.constant 0 : i32
        %swap3A_995 = arith.constant 0 : i32
        %swap3A_996 = tpu.memref_slice %arg14[%scan3A_604, %swap3A_994, %swap3A_995] : memref<3x64x128xf32, #tpu.memory_space<vmem>> -> memref<1x64x128xf32, #tpu.memory_space<vmem>>
        %swap3A_997 = tpu.memref_squeeze %swap3A_996 : memref<1x64x128xf32, #tpu.memory_space<vmem>> -> memref<64x128xf32, #tpu.memory_space<vmem>>
        %swap3A_998 = arith.index_cast %add3A_906 : i32 to index
        %swap3A_999 = arith.constant 80 : index
        %swap3A_1000 = tpu.vector_load %swap3A_997[%swap3A_998, %swap3A_999] {strides = array<i32>} : memref<64x128xf32, #tpu.memory_space<vmem>>, vector<16xf32>,
        tpu.vector_store %swap3A_997[%swap3A_998, %swap3A_999], %mul3A_993 {strides = array<i32>} : memref<64x128xf32, #tpu.memory_space<vmem>>, vector<16xf32>,
        %get3A_1001 = arith.constant 0 : i32
        %get3A_1002 = arith.constant 0 : i32
        %get3A_1003 = tpu.memref_slice %arg14[%scan3A_604, %get3A_1001, %get3A_1002] : memref<3x64x128xf32, #tpu.memory_space<vmem>> -> memref<1x64x128xf32, #tpu.memory_space<vmem>>
        %get3A_1004 = tpu.memref_squeeze %get3A_1003 : memref<1x64x128xf32, #tpu.memory_space<vmem>> -> memref<64x128xf32, #tpu.memory_space<vmem>>
        %get3A_1005 = arith.index_cast %add3A_906 : i32 to index
        %get3A_1006 = arith.constant 96 : index
        %get3A_1007 = tpu.vector_load %get3A_1004[%get3A_1005, %get3A_1006] {strides = array<i32>} : memref<64x128xf32, #tpu.memory_space<vmem>>, vector<16xf32>,
        %mul3A_1008 = arith.mulf %get3A_1007, %gather3A_910 : vector<16xf32>
        %swap3A_1009 = arith.constant 0 : i32
        %swap3A_1010 = arith.constant 0 : i32
        %swap3A_1011 = tpu.memref_slice %arg14[%scan3A_604, %swap3A_1009, %swap3A_1010] : memref<3x64x128xf32, #tpu.memory_space<vmem>> -> memref<1x64x128xf32, #tpu.memory_space<vmem>>
        %swap3A_1012 = tpu.memref_squeeze %swap3A_1011 : memref<1x64x128xf32, #tpu.memory_space<vmem>> -> memref<64x128xf32, #tpu.memory_space<vmem>>
        %swap3A_1013 = arith.index_cast %add3A_906 : i32 to index
        %swap3A_1014 = arith.constant 96 : index
        %swap3A_1015 = tpu.vector_load %swap3A_1012[%swap3A_1013, %swap3A_1014] {strides = array<i32>} : memref<64x128xf32, #tpu.memory_space<vmem>>, vector<16xf32>,
        tpu.vector_store %swap3A_1012[%swap3A_1013, %swap3A_1014], %mul3A_1008 {strides = array<i32>} : memref<64x128xf32, #tpu.memory_space<vmem>>, vector<16xf32>,
        %get3A_1016 = arith.constant 0 : i32
        %get3A_1017 = arith.constant 0 : i32
        %get3A_1018 = tpu.memref_slice %arg14[%scan3A_604, %get3A_1016, %get3A_1017] : memref<3x64x128xf32, #tpu.memory_space<vmem>> -> memref<1x64x128xf32, #tpu.memory_space<vmem>>
        %get3A_1019 = tpu.memref_squeeze %get3A_1018 : memref<1x64x128xf32, #tpu.memory_space<vmem>> -> memref<64x128xf32, #tpu.memory_space<vmem>>
        %get3A_1020 = arith.index_cast %add3A_906 : i32 to index
        %get3A_1021 = arith.constant 112 : index
        %get3A_1022 = tpu.vector_load %get3A_1019[%get3A_1020, %get3A_1021] {strides = array<i32>} : memref<64x128xf32, #tpu.memory_space<vmem>>, vector<16xf32>,
        %mul3A_1023 = arith.mulf %get3A_1022, %gather3A_910 : vector<16xf32>
        %swap3A_1024 = arith.constant 0 : i32
        %swap3A_1025 = arith.constant 0 : i32
        %swap3A_1026 = tpu.memref_slice %arg14[%scan3A_604, %swap3A_1024, %swap3A_1025] : memref<3x64x128xf32, #tpu.memory_space<vmem>> -> memref<1x64x128xf32, #tpu.memory_space<vmem>>
        %swap3A_1027 = tpu.memref_squeeze %swap3A_1026 : memref<1x64x128xf32, #tpu.memory_space<vmem>> -> memref<64x128xf32, #tpu.memory_space<vmem>>
        %swap3A_1028 = arith.index_cast %add3A_906 : i32 to index
        %swap3A_1029 = arith.constant 112 : index
        %swap3A_1030 = tpu.vector_load %swap3A_1027[%swap3A_1028, %swap3A_1029] {strides = array<i32>} : memref<64x128xf32, #tpu.memory_space<vmem>>, vector<16xf32>,
        tpu.vector_store %swap3A_1027[%swap3A_1028, %swap3A_1029], %mul3A_1023 {strides = array<i32>} : memref<64x128xf32, #tpu.memory_space<vmem>>, vector<16xf32>,
        %mul3A_1031 = arith.constant 2 : i32
        %mul3A_1032 = arith.muli %scan3A_902, %mul3A_1031 : i32
        %add3A_1033 = arith.constant 1 : i32
        %add3A_1034 = arith.addi %mul3A_1032, %add3A_1033 : i32
        %broadcast_in_dim3A_1035 = vector.broadcast %add3A_1034 : i32 to vector<16xi32>
        %gather3A_1036 = arith.constant 0 : i32
        %gather3A_1037 = tpu.memref_slice %arg13[%scan3A_603, %gather3A_1036] : memref<6x64xf32, #tpu.memory_space<vmem>> -> memref<1x64xf32, #tpu.memory_space<vmem>>
        %gather3A_1038 = tpu.memref_squeeze %gather3A_1037 : memref<1x64xf32, #tpu.memory_space<vmem>> -> memref<64xf32, #tpu.memory_space<vmem>>
        %gather3A_1039 = tpu.vector_load_idx %gather3A_1038[%broadcast_in_dim3A_1035] : memref<64xf32, #tpu.memory_space<vmem>>[vector<16xi32>], vector<16xf32>,
        %get3A_1040 = arith.constant 0 : i32
        %get3A_1041 = arith.constant 0 : i32
        %get3A_1042 = tpu.memref_slice %arg14[%scan3A_604, %get3A_1040, %get3A_1041] : memref<3x64x128xf32, #tpu.memory_space<vmem>> -> memref<1x64x128xf32, #tpu.memory_space<vmem>>
        %get3A_1043 = tpu.memref_squeeze %get3A_1042 : memref<1x64x128xf32, #tpu.memory_space<vmem>> -> memref<64x128xf32, #tpu.memory_space<vmem>>
        %get3A_1044 = arith.index_cast %add3A_1034 : i32 to index
        %get3A_1045 = arith.constant 0 : index
        %get3A_1046 = tpu.vector_load %get3A_1043[%get3A_1044, %get3A_1045] {strides = array<i32>} : memref<64x128xf32, #tpu.memory_space<vmem>>, vector<16xf32>,
        %mul3A_1047 = arith.mulf %get3A_1046, %gather3A_1039 : vector<16xf32>
        %swap3A_1048 = arith.constant 0 : i32
        %swap3A_1049 = arith.constant 0 : i32
        %swap3A_1050 = tpu.memref_slice %arg14[%scan3A_604, %swap3A_1048, %swap3A_1049] : memref<3x64x128xf32, #tpu.memory_space<vmem>> -> memref<1x64x128xf32, #tpu.memory_space<vmem>>
        %swap3A_1051 = tpu.memref_squeeze %swap3A_1050 : memref<1x64x128xf32, #tpu.memory_space<vmem>> -> memref<64x128xf32, #tpu.memory_space<vmem>>
        %swap3A_1052 = arith.index_cast %add3A_1034 : i32 to index
        %swap3A_1053 = arith.constant 0 : index
        %swap3A_1054 = tpu.vector_load %swap3A_1051[%swap3A_1052, %swap3A_1053] {strides = array<i32>} : memref<64x128xf32, #tpu.memory_space<vmem>>, vector<16xf32>,
        tpu.vector_store %swap3A_1051[%swap3A_1052, %swap3A_1053], %mul3A_1047 {strides = array<i32>} : memref<64x128xf32, #tpu.memory_space<vmem>>, vector<16xf32>,
        %get3A_1055 = arith.constant 0 : i32
        %get3A_1056 = arith.constant 0 : i32
        %get3A_1057 = tpu.memref_slice %arg14[%scan3A_604, %get3A_1055, %get3A_1056] : memref<3x64x128xf32, #tpu.memory_space<vmem>> -> memref<1x64x128xf32, #tpu.memory_space<vmem>>
        %get3A_1058 = tpu.memref_squeeze %get3A_1057 : memref<1x64x128xf32, #tpu.memory_space<vmem>> -> memref<64x128xf32, #tpu.memory_space<vmem>>
        %get3A_1059 = arith.index_cast %add3A_1034 : i32 to index
        %get3A_1060 = arith.constant 16 : index
        %get3A_1061 = tpu.vector_load %get3A_1058[%get3A_1059, %get3A_1060] {strides = array<i32>} : memref<64x128xf32, #tpu.memory_space<vmem>>, vector<16xf32>,
        %mul3A_1062 = arith.mulf %get3A_1061, %gather3A_1039 : vector<16xf32>
        %swap3A_1063 = arith.constant 0 : i32
        %swap3A_1064 = arith.constant 0 : i32
        %swap3A_1065 = tpu.memref_slice %arg14[%scan3A_604, %swap3A_1063, %swap3A_1064] : memref<3x64x128xf32, #tpu.memory_space<vmem>> -> memref<1x64x128xf32, #tpu.memory_space<vmem>>
        %swap3A_1066 = tpu.memref_squeeze %swap3A_1065 : memref<1x64x128xf32, #tpu.memory_space<vmem>> -> memref<64x128xf32, #tpu.memory_space<vmem>>
        %swap3A_1067 = arith.index_cast %add3A_1034 : i32 to index
        %swap3A_1068 = arith.constant 16 : index
        %swap3A_1069 = tpu.vector_load %swap3A_1066[%swap3A_1067, %swap3A_1068] {strides = array<i32>} : memref<64x128xf32, #tpu.memory_space<vmem>>, vector<16xf32>,
        tpu.vector_store %swap3A_1066[%swap3A_1067, %swap3A_1068], %mul3A_1062 {strides = array<i32>} : memref<64x128xf32, #tpu.memory_space<vmem>>, vector<16xf32>,
        %get3A_1070 = arith.constant 0 : i32
        %get3A_1071 = arith.constant 0 : i32
        %get3A_1072 = tpu.memref_slice %arg14[%scan3A_604, %get3A_1070, %get3A_1071] : memref<3x64x128xf32, #tpu.memory_space<vmem>> -> memref<1x64x128xf32, #tpu.memory_space<vmem>>
        %get3A_1073 = tpu.memref_squeeze %get3A_1072 : memref<1x64x128xf32, #tpu.memory_space<vmem>> -> memref<64x128xf32, #tpu.memory_space<vmem>>
        %get3A_1074 = arith.index_cast %add3A_1034 : i32 to index
        %get3A_1075 = arith.constant 32 : index
        %get3A_1076 = tpu.vector_load %get3A_1073[%get3A_1074, %get3A_1075] {strides = array<i32>} : memref<64x128xf32, #tpu.memory_space<vmem>>, vector<16xf32>,
        %mul3A_1077 = arith.mulf %get3A_1076, %gather3A_1039 : vector<16xf32>
        %swap3A_1078 = arith.constant 0 : i32
        %swap3A_1079 = arith.constant 0 : i32
        %swap3A_1080 = tpu.memref_slice %arg14[%scan3A_604, %swap3A_1078, %swap3A_1079] : memref<3x64x128xf32, #tpu.memory_space<vmem>> -> memref<1x64x128xf32, #tpu.memory_space<vmem>>
        %swap3A_1081 = tpu.memref_squeeze %swap3A_1080 : memref<1x64x128xf32, #tpu.memory_space<vmem>> -> memref<64x128xf32, #tpu.memory_space<vmem>>
        %swap3A_1082 = arith.index_cast %add3A_1034 : i32 to index
        %swap3A_1083 = arith.constant 32 : index
        %swap3A_1084 = tpu.vector_load %swap3A_1081[%swap3A_1082, %swap3A_1083] {strides = array<i32>} : memref<64x128xf32, #tpu.memory_space<vmem>>, vector<16xf32>,
        tpu.vector_store %swap3A_1081[%swap3A_1082, %swap3A_1083], %mul3A_1077 {strides = array<i32>} : memref<64x128xf32, #tpu.memory_space<vmem>>, vector<16xf32>,
        %get3A_1085 = arith.constant 0 : i32
        %get3A_1086 = arith.constant 0 : i32
        %get3A_1087 = tpu.memref_slice %arg14[%scan3A_604, %get3A_1085, %get3A_1086] : memref<3x64x128xf32, #tpu.memory_space<vmem>> -> memref<1x64x128xf32, #tpu.memory_space<vmem>>
        %get3A_1088 = tpu.memref_squeeze %get3A_1087 : memref<1x64x128xf32, #tpu.memory_space<vmem>> -> memref<64x128xf32, #tpu.memory_space<vmem>>
        %get3A_1089 = arith.index_cast %add3A_1034 : i32 to index
        %get3A_1090 = arith.constant 48 : index
        %get3A_1091 = tpu.vector_load %get3A_1088[%get3A_1089, %get3A_1090] {strides = array<i32>} : memref<64x128xf32, #tpu.memory_space<vmem>>, vector<16xf32>,
        %mul3A_1092 = arith.mulf %get3A_1091, %gather3A_1039 : vector<16xf32>
        %swap3A_1093 = arith.constant 0 : i32
        %swap3A_1094 = arith.constant 0 : i32
        %swap3A_1095 = tpu.memref_slice %arg14[%scan3A_604, %swap3A_1093, %swap3A_1094] : memref<3x64x128xf32, #tpu.memory_space<vmem>> -> memref<1x64x128xf32, #tpu.memory_space<vmem>>
        %swap3A_1096 = tpu.memref_squeeze %swap3A_1095 : memref<1x64x128xf32, #tpu.memory_space<vmem>> -> memref<64x128xf32, #tpu.memory_space<vmem>>
        %swap3A_1097 = arith.index_cast %add3A_1034 : i32 to index
        %swap3A_1098 = arith.constant 48 : index
        %swap3A_1099 = tpu.vector_load %swap3A_1096[%swap3A_1097, %swap3A_1098] {strides = array<i32>} : memref<64x128xf32, #tpu.memory_space<vmem>>, vector<16xf32>,
        tpu.vector_store %swap3A_1096[%swap3A_1097, %swap3A_1098], %mul3A_1092 {strides = array<i32>} : memref<64x128xf32, #tpu.memory_space<vmem>>, vector<16xf32>,
        %get3A_1100 = arith.constant 0 : i32
        %get3A_1101 = arith.constant 0 : i32
        %get3A_1102 = tpu.memref_slice %arg14[%scan3A_604, %get3A_1100, %get3A_1101] : memref<3x64x128xf32, #tpu.memory_space<vmem>> -> memref<1x64x128xf32, #tpu.memory_space<vmem>>
        %get3A_1103 = tpu.memref_squeeze %get3A_1102 : memref<1x64x128xf32, #tpu.memory_space<vmem>> -> memref<64x128xf32, #tpu.memory_space<vmem>>
        %get3A_1104 = arith.index_cast %add3A_1034 : i32 to index
        %get3A_1105 = arith.constant 64 : index
        %get3A_1106 = tpu.vector_load %get3A_1103[%get3A_1104, %get3A_1105] {strides = array<i32>} : memref<64x128xf32, #tpu.memory_space<vmem>>, vector<16xf32>,
        %mul3A_1107 = arith.mulf %get3A_1106, %gather3A_1039 : vector<16xf32>
        %swap3A_1108 = arith.constant 0 : i32
        %swap3A_1109 = arith.constant 0 : i32
        %swap3A_1110 = tpu.memref_slice %arg14[%scan3A_604, %swap3A_1108, %swap3A_1109] : memref<3x64x128xf32, #tpu.memory_space<vmem>> -> memref<1x64x128xf32, #tpu.memory_space<vmem>>
        %swap3A_1111 = tpu.memref_squeeze %swap3A_1110 : memref<1x64x128xf32, #tpu.memory_space<vmem>> -> memref<64x128xf32, #tpu.memory_space<vmem>>
        %swap3A_1112 = arith.index_cast %add3A_1034 : i32 to index
        %swap3A_1113 = arith.constant 64 : index
        %swap3A_1114 = tpu.vector_load %swap3A_1111[%swap3A_1112, %swap3A_1113] {strides = array<i32>} : memref<64x128xf32, #tpu.memory_space<vmem>>, vector<16xf32>,
        tpu.vector_store %swap3A_1111[%swap3A_1112, %swap3A_1113], %mul3A_1107 {strides = array<i32>} : memref<64x128xf32, #tpu.memory_space<vmem>>, vector<16xf32>,
        %get3A_1115 = arith.constant 0 : i32
        %get3A_1116 = arith.constant 0 : i32
        %get3A_1117 = tpu.memref_slice %arg14[%scan3A_604, %get3A_1115, %get3A_1116] : memref<3x64x128xf32, #tpu.memory_space<vmem>> -> memref<1x64x128xf32, #tpu.memory_space<vmem>>
        %get3A_1118 = tpu.memref_squeeze %get3A_1117 : memref<1x64x128xf32, #tpu.memory_space<vmem>> -> memref<64x128xf32, #tpu.memory_space<vmem>>
        %get3A_1119 = arith.index_cast %add3A_1034 : i32 to index
        %get3A_1120 = arith.constant 80 : index
        %get3A_1121 = tpu.vector_load %get3A_1118[%get3A_1119, %get3A_1120] {strides = array<i32>} : memref<64x128xf32, #tpu.memory_space<vmem>>, vector<16xf32>,
        %mul3A_1122 = arith.mulf %get3A_1121, %gather3A_1039 : vector<16xf32>
        %swap3A_1123 = arith.constant 0 : i32
        %swap3A_1124 = arith.constant 0 : i32
        %swap3A_1125 = tpu.memref_slice %arg14[%scan3A_604, %swap3A_1123, %swap3A_1124] : memref<3x64x128xf32, #tpu.memory_space<vmem>> -> memref<1x64x128xf32, #tpu.memory_space<vmem>>
        %swap3A_1126 = tpu.memref_squeeze %swap3A_1125 : memref<1x64x128xf32, #tpu.memory_space<vmem>> -> memref<64x128xf32, #tpu.memory_space<vmem>>
        %swap3A_1127 = arith.index_cast %add3A_1034 : i32 to index
        %swap3A_1128 = arith.constant 80 : index
        %swap3A_1129 = tpu.vector_load %swap3A_1126[%swap3A_1127, %swap3A_1128] {strides = array<i32>} : memref<64x128xf32, #tpu.memory_space<vmem>>, vector<16xf32>,
        tpu.vector_store %swap3A_1126[%swap3A_1127, %swap3A_1128], %mul3A_1122 {strides = array<i32>} : memref<64x128xf32, #tpu.memory_space<vmem>>, vector<16xf32>,
        %get3A_1130 = arith.constant 0 : i32
        %get3A_1131 = arith.constant 0 : i32
        %get3A_1132 = tpu.memref_slice %arg14[%scan3A_604, %get3A_1130, %get3A_1131] : memref<3x64x128xf32, #tpu.memory_space<vmem>> -> memref<1x64x128xf32, #tpu.memory_space<vmem>>
        %get3A_1133 = tpu.memref_squeeze %get3A_1132 : memref<1x64x128xf32, #tpu.memory_space<vmem>> -> memref<64x128xf32, #tpu.memory_space<vmem>>
        %get3A_1134 = arith.index_cast %add3A_1034 : i32 to index
        %get3A_1135 = arith.constant 96 : index
        %get3A_1136 = tpu.vector_load %get3A_1133[%get3A_1134, %get3A_1135] {strides = array<i32>} : memref<64x128xf32, #tpu.memory_space<vmem>>, vector<16xf32>,
        %mul3A_1137 = arith.mulf %get3A_1136, %gather3A_1039 : vector<16xf32>
        %swap3A_1138 = arith.constant 0 : i32
        %swap3A_1139 = arith.constant 0 : i32
        %swap3A_1140 = tpu.memref_slice %arg14[%scan3A_604, %swap3A_1138, %swap3A_1139] : memref<3x64x128xf32, #tpu.memory_space<vmem>> -> memref<1x64x128xf32, #tpu.memory_space<vmem>>
        %swap3A_1141 = tpu.memref_squeeze %swap3A_1140 : memref<1x64x128xf32, #tpu.memory_space<vmem>> -> memref<64x128xf32, #tpu.memory_space<vmem>>
        %swap3A_1142 = arith.index_cast %add3A_1034 : i32 to index
        %swap3A_1143 = arith.constant 96 : index
        %swap3A_1144 = tpu.vector_load %swap3A_1141[%swap3A_1142, %swap3A_1143] {strides = array<i32>} : memref<64x128xf32, #tpu.memory_space<vmem>>, vector<16xf32>,
        tpu.vector_store %swap3A_1141[%swap3A_1142, %swap3A_1143], %mul3A_1137 {strides = array<i32>} : memref<64x128xf32, #tpu.memory_space<vmem>>, vector<16xf32>,
        %get3A_1145 = arith.constant 0 : i32
        %get3A_1146 = arith.constant 0 : i32
        %get3A_1147 = tpu.memref_slice %arg14[%scan3A_604, %get3A_1145, %get3A_1146] : memref<3x64x128xf32, #tpu.memory_space<vmem>> -> memref<1x64x128xf32, #tpu.memory_space<vmem>>
        %get3A_1148 = tpu.memref_squeeze %get3A_1147 : memref<1x64x128xf32, #tpu.memory_space<vmem>> -> memref<64x128xf32, #tpu.memory_space<vmem>>
        %get3A_1149 = arith.index_cast %add3A_1034 : i32 to index
        %get3A_1150 = arith.constant 112 : index
        %get3A_1151 = tpu.vector_load %get3A_1148[%get3A_1149, %get3A_1150] {strides = array<i32>} : memref<64x128xf32, #tpu.memory_space<vmem>>, vector<16xf32>,
        %mul3A_1152 = arith.mulf %get3A_1151, %gather3A_1039 : vector<16xf32>
        %swap3A_1153 = arith.constant 0 : i32
        %swap3A_1154 = arith.constant 0 : i32
        %swap3A_1155 = tpu.memref_slice %arg14[%scan3A_604, %swap3A_1153, %swap3A_1154] : memref<3x64x128xf32, #tpu.memory_space<vmem>> -> memref<1x64x128xf32, #tpu.memory_space<vmem>>
        %swap3A_1156 = tpu.memref_squeeze %swap3A_1155 : memref<1x64x128xf32, #tpu.memory_space<vmem>> -> memref<64x128xf32, #tpu.memory_space<vmem>>
        %swap3A_1157 = arith.index_cast %add3A_1034 : i32 to index
        %swap3A_1158 = arith.constant 112 : index
        %swap3A_1159 = tpu.vector_load %swap3A_1156[%swap3A_1157, %swap3A_1158] {strides = array<i32>} : memref<64x128xf32, #tpu.memory_space<vmem>>, vector<16xf32>,
        tpu.vector_store %swap3A_1156[%swap3A_1157, %swap3A_1158], %mul3A_1152 {strides = array<i32>} : memref<64x128xf32, #tpu.memory_space<vmem>>, vector<16xf32>,
      }
      %scan3A_609 = arith.constant 32 : i32
      %dma_start3A_610 = arith.constant 0 : i32
      %dma_start3A_611 = arith.constant 0 : i32
      %dma_start3A_612 = arith.constant 0 : i32
      %dma_start3A_613 = arith.constant 0 : i32
      %dma_start3A_614 = tpu.memref_slice %arg14[%dma_start3A_610, %dma_start3A_612, %dma_start3A_613] : memref<3x64x128xf32, #tpu.memory_space<vmem>> -> memref<1x64x128xf32, #tpu.memory_space<vmem>>
      %dma_start3A_615 = tpu.memref_squeeze %dma_start3A_614 : memref<1x64x128xf32, #tpu.memory_space<vmem>> -> memref<64x128xf32, #tpu.memory_space<vmem>>
      %dma_start3A_616 = arith.constant 0 : i32
      %dma_start3A_617 = tpu.memref_slice %arg12[%dma_start3A_611, %dma_start3A_616] : memref<6x64xi32, #tpu.memory_space<vmem>> -> memref<1x64xi32, #tpu.memory_space<vmem>>
      %dma_start3A_618 = tpu.memref_squeeze %dma_start3A_617 : memref<1x64xi32, #tpu.memory_space<vmem>> -> memref<64xi32, #tpu.memory_space<vmem>>
      %dma_start3A_619 = arith.constant 0 : i32
      %dma_start3A_620 = arith.constant 0 : i32
      %dma_start3A_621 = tpu.memref_slice %arg15[%dma_start3A_619, %dma_start3A_620] : memref<10240x128xf32, #tpu.memory_space<vmem_shared>> -> memref<10240x128xf32, #tpu.memory_space<vmem_shared>>
      tpu.enqueue_indirect_dma source(%dma_start3A_615 : memref<64x128xf32, #tpu.memory_space<vmem>>) target(%dma_start3A_621 : memref<10240x128xf32, #tpu.memory_space<vmem_shared>>) offsets(%dma_start3A_618 : memref<64xi32, #tpu.memory_space<vmem>>) semaphore(%arg19 : memref<!tpu.dma_semaphore, #tpu.memory_space<semaphore_mem>>) {add = true}
      %dma_start3A_622 = arith.constant 2 : i32
      %dma_start3A_623 = arith.constant 2 : i32
      %dma_start3A_624 = arith.constant 0 : i32
      %dma_start3A_625 = arith.constant 0 : i32
      %dma_start3A_626 = tpu.memref_slice %arg14[%dma_start3A_623, %dma_start3A_624, %dma_start3A_625] : memref<3x64x128xf32, #tpu.memory_space<vmem>> -> memref<1x64x128xf32, #tpu.memory_space<vmem>>
      %dma_start3A_627 = tpu.memref_squeeze %dma_start3A_626 : memref<1x64x128xf32, #tpu.memory_space<vmem>> -> memref<64x128xf32, #tpu.memory_space<vmem>>
      %dma_start3A_628 = arith.constant 0 : i32
      %dma_start3A_629 = tpu.memref_slice %arg11[%dma_start3A_622, %dma_start3A_628] : memref<6x64xi32, #tpu.memory_space<vmem>> -> memref<1x64xi32, #tpu.memory_space<vmem>>
      %dma_start3A_630 = tpu.memref_squeeze %dma_start3A_629 : memref<1x64xi32, #tpu.memory_space<vmem>> -> memref<64xi32, #tpu.memory_space<vmem>>
      %dma_start3A_631 = arith.constant 0 : i32
      %dma_start3A_632 = arith.constant 0 : i32
      %dma_start3A_633 = tpu.memref_slice %arg6[%dma_start3A_631, %dma_start3A_632] : memref<10240x128xf32, #tpu.memory_space<hbm>> -> memref<10240x128xf32, #tpu.memory_space<hbm>>
      tpu.enqueue_indirect_dma source(%dma_start3A_633 : memref<10240x128xf32, #tpu.memory_space<hbm>>) target(%dma_start3A_627 : memref<64x128xf32, #tpu.memory_space<vmem>>) offsets(%dma_start3A_630 : memref<64xi32, #tpu.memory_space<vmem>>) semaphore(%arg18 : memref<!tpu.dma_semaphore, #tpu.memory_space<semaphore_mem>>)
      %dma_wait3A_634 = arith.constant 1 : i32
      %dma_wait3A_635 = arith.constant 1 : i32
      %dma_wait3A_636 = arith.constant 0 : i32
      %dma_wait3A_637 = arith.constant 0 : i32
      %dma_wait3A_638 = tpu.memref_slice %arg14[%dma_wait3A_635, %dma_wait3A_636, %dma_wait3A_637] : memref<3x64x128xf32, #tpu.memory_space<vmem>> -> memref<1x64x128xf32, #tpu.memory_space<vmem>>
      %dma_wait3A_639 = tpu.memref_squeeze %dma_wait3A_638 : memref<1x64x128xf32, #tpu.memory_space<vmem>> -> memref<64x128xf32, #tpu.memory_space<vmem>>
      %dma_wait3A_640 = arith.constant 0 : i32
      %dma_wait3A_641 = tpu.memref_slice %arg11[%dma_wait3A_634, %dma_wait3A_640] : memref<6x64xi32, #tpu.memory_space<vmem>> -> memref<1x64xi32, #tpu.memory_space<vmem>>
      %dma_wait3A_642 = tpu.memref_squeeze %dma_wait3A_641 : memref<1x64xi32, #tpu.memory_space<vmem>> -> memref<64xi32, #tpu.memory_space<vmem>>
      %dma_wait3A_643 = arith.constant 0 : i32
      %dma_wait3A_644 = arith.constant 0 : i32
      %dma_wait3A_645 = tpu.memref_slice %arg6[%dma_wait3A_643, %dma_wait3A_644] : memref<10240x128xf32, #tpu.memory_space<hbm>> -> memref<10240x128xf32, #tpu.memory_space<hbm>>
      tpu.wait_indirect_dma semaphore(%arg17 : memref<!tpu.dma_semaphore, #tpu.memory_space<semaphore_mem>>) src(%dma_wait3A_645 : memref<10240x128xf32, #tpu.memory_space<hbm>>) dst(%dma_wait3A_639 : memref<64x128xf32, #tpu.memory_space<vmem>>)
      %scan3A_646 = arith.constant 0 : i32
      %scan3A_647 = arith.constant 1 : i32
      %scan3A_648 = arith.constant 1 : i32
      %scan3A_649 = arith.constant 0 : i32
      %scan3A_650 = arith.constant 32 : i32
      %scan3A_651 = arith.addi %scan3A_649, %scan3A_650 : i32
      %scan3A_652 = arith.constant 1 : i32
      scf.for %scan3A_902 = %scan3A_649 to %scan3A_651 step %scan3A_652  : i32 {
        %mul3A_903 = arith.constant 2 : i32
        %mul3A_904 = arith.muli %scan3A_902, %mul3A_903 : i32
        %add3A_905 = arith.constant 0 : i32
        %add3A_906 = arith.addi %mul3A_904, %add3A_905 : i32
        %broadcast_in_dim3A = vector.broadcast %add3A_906 : i32 to vector<16xi32>
        %gather3A_907 = arith.constant 0 : i32
        %gather3A_908 = tpu.memref_slice %arg13[%scan3A_647, %gather3A_907] : memref<6x64xf32, #tpu.memory_space<vmem>> -> memref<1x64xf32, #tpu.memory_space<vmem>>
        %gather3A_909 = tpu.memref_squeeze %gather3A_908 : memref<1x64xf32, #tpu.memory_space<vmem>> -> memref<64xf32, #tpu.memory_space<vmem>>
        %gather3A_910 = tpu.vector_load_idx %gather3A_909[%broadcast_in_dim3A] : memref<64xf32, #tpu.memory_space<vmem>>[vector<16xi32>], vector<16xf32>,
        %get3A_911 = arith.constant 0 : i32
        %get3A_912 = arith.constant 0 : i32
        %get3A_913 = tpu.memref_slice %arg14[%scan3A_648, %get3A_911, %get3A_912] : memref<3x64x128xf32, #tpu.memory_space<vmem>> -> memref<1x64x128xf32, #tpu.memory_space<vmem>>
        %get3A_914 = tpu.memref_squeeze %get3A_913 : memref<1x64x128xf32, #tpu.memory_space<vmem>> -> memref<64x128xf32, #tpu.memory_space<vmem>>
        %get3A_915 = arith.index_cast %add3A_906 : i32 to index
        %get3A_916 = arith.constant 0 : index
        %get3A_917 = tpu.vector_load %get3A_914[%get3A_915, %get3A_916] {strides = array<i32>} : memref<64x128xf32, #tpu.memory_space<vmem>>, vector<16xf32>,
        %mul3A_918 = arith.mulf %get3A_917, %gather3A_910 : vector<16xf32>
        %swap3A_919 = arith.constant 0 : i32
        %swap3A_920 = arith.constant 0 : i32
        %swap3A_921 = tpu.memref_slice %arg14[%scan3A_648, %swap3A_919, %swap3A_920] : memref<3x64x128xf32, #tpu.memory_space<vmem>> -> memref<1x64x128xf32, #tpu.memory_space<vmem>>
        %swap3A_922 = tpu.memref_squeeze %swap3A_921 : memref<1x64x128xf32, #tpu.memory_space<vmem>> -> memref<64x128xf32, #tpu.memory_space<vmem>>
        %swap3A_923 = arith.index_cast %add3A_906 : i32 to index
        %swap3A_924 = arith.constant 0 : index
        %swap3A_925 = tpu.vector_load %swap3A_922[%swap3A_923, %swap3A_924] {strides = array<i32>} : memref<64x128xf32, #tpu.memory_space<vmem>>, vector<16xf32>,
        tpu.vector_store %swap3A_922[%swap3A_923, %swap3A_924], %mul3A_918 {strides = array<i32>} : memref<64x128xf32, #tpu.memory_space<vmem>>, vector<16xf32>,
        %get3A_926 = arith.constant 0 : i32
        %get3A_927 = arith.constant 0 : i32
        %get3A_928 = tpu.memref_slice %arg14[%scan3A_648, %get3A_926, %get3A_927] : memref<3x64x128xf32, #tpu.memory_space<vmem>> -> memref<1x64x128xf32, #tpu.memory_space<vmem>>
        %get3A_929 = tpu.memref_squeeze %get3A_928 : memref<1x64x128xf32, #tpu.memory_space<vmem>> -> memref<64x128xf32, #tpu.memory_space<vmem>>
        %get3A_930 = arith.index_cast %add3A_906 : i32 to index
        %get3A_931 = arith.constant 16 : index
        %get3A_932 = tpu.vector_load %get3A_929[%get3A_930, %get3A_931] {strides = array<i32>} : memref<64x128xf32, #tpu.memory_space<vmem>>, vector<16xf32>,
        %mul3A_933 = arith.mulf %get3A_932, %gather3A_910 : vector<16xf32>
        %swap3A_934 = arith.constant 0 : i32
        %swap3A_935 = arith.constant 0 : i32
        %swap3A_936 = tpu.memref_slice %arg14[%scan3A_648, %swap3A_934, %swap3A_935] : memref<3x64x128xf32, #tpu.memory_space<vmem>> -> memref<1x64x128xf32, #tpu.memory_space<vmem>>
        %swap3A_937 = tpu.memref_squeeze %swap3A_936 : memref<1x64x128xf32, #tpu.memory_space<vmem>> -> memref<64x128xf32, #tpu.memory_space<vmem>>
        %swap3A_938 = arith.index_cast %add3A_906 : i32 to index
        %swap3A_939 = arith.constant 16 : index
        %swap3A_940 = tpu.vector_load %swap3A_937[%swap3A_938, %swap3A_939] {strides = array<i32>} : memref<64x128xf32, #tpu.memory_space<vmem>>, vector<16xf32>,
        tpu.vector_store %swap3A_937[%swap3A_938, %swap3A_939], %mul3A_933 {strides = array<i32>} : memref<64x128xf32, #tpu.memory_space<vmem>>, vector<16xf32>,
        %get3A_941 = arith.constant 0 : i32
        %get3A_942 = arith.constant 0 : i32
        %get3A_943 = tpu.memref_slice %arg14[%scan3A_648, %get3A_941, %get3A_942] : memref<3x64x128xf32, #tpu.memory_space<vmem>> -> memref<1x64x128xf32, #tpu.memory_space<vmem>>
        %get3A_944 = tpu.memref_squeeze %get3A_943 : memref<1x64x128xf32, #tpu.memory_space<vmem>> -> memref<64x128xf32, #tpu.memory_space<vmem>>
        %get3A_945 = arith.index_cast %add3A_906 : i32 to index
        %get3A_946 = arith.constant 32 : index
        %get3A_947 = tpu.vector_load %get3A_944[%get3A_945, %get3A_946] {strides = array<i32>} : memref<64x128xf32, #tpu.memory_space<vmem>>, vector<16xf32>,
        %mul3A_948 = arith.mulf %get3A_947, %gather3A_910 : vector<16xf32>
        %swap3A_949 = arith.constant 0 : i32
        %swap3A_950 = arith.constant 0 : i32
        %swap3A_951 = tpu.memref_slice %arg14[%scan3A_648, %swap3A_949, %swap3A_950] : memref<3x64x128xf32, #tpu.memory_space<vmem>> -> memref<1x64x128xf32, #tpu.memory_space<vmem>>
        %swap3A_952 = tpu.memref_squeeze %swap3A_951 : memref<1x64x128xf32, #tpu.memory_space<vmem>> -> memref<64x128xf32, #tpu.memory_space<vmem>>
        %swap3A_953 = arith.index_cast %add3A_906 : i32 to index
        %swap3A_954 = arith.constant 32 : index
        %swap3A_955 = tpu.vector_load %swap3A_952[%swap3A_953, %swap3A_954] {strides = array<i32>} : memref<64x128xf32, #tpu.memory_space<vmem>>, vector<16xf32>,
        tpu.vector_store %swap3A_952[%swap3A_953, %swap3A_954], %mul3A_948 {strides = array<i32>} : memref<64x128xf32, #tpu.memory_space<vmem>>, vector<16xf32>,
        %get3A_956 = arith.constant 0 : i32
        %get3A_957 = arith.constant 0 : i32
        %get3A_958 = tpu.memref_slice %arg14[%scan3A_648, %get3A_956, %get3A_957] : memref<3x64x128xf32, #tpu.memory_space<vmem>> -> memref<1x64x128xf32, #tpu.memory_space<vmem>>
        %get3A_959 = tpu.memref_squeeze %get3A_958 : memref<1x64x128xf32, #tpu.memory_space<vmem>> -> memref<64x128xf32, #tpu.memory_space<vmem>>
        %get3A_960 = arith.index_cast %add3A_906 : i32 to index
        %get3A_961 = arith.constant 48 : index
        %get3A_962 = tpu.vector_load %get3A_959[%get3A_960, %get3A_961] {strides = array<i32>} : memref<64x128xf32, #tpu.memory_space<vmem>>, vector<16xf32>,
        %mul3A_963 = arith.mulf %get3A_962, %gather3A_910 : vector<16xf32>
        %swap3A_964 = arith.constant 0 : i32
        %swap3A_965 = arith.constant 0 : i32
        %swap3A_966 = tpu.memref_slice %arg14[%scan3A_648, %swap3A_964, %swap3A_965] : memref<3x64x128xf32, #tpu.memory_space<vmem>> -> memref<1x64x128xf32, #tpu.memory_space<vmem>>
        %swap3A_967 = tpu.memref_squeeze %swap3A_966 : memref<1x64x128xf32, #tpu.memory_space<vmem>> -> memref<64x128xf32, #tpu.memory_space<vmem>>
        %swap3A_968 = arith.index_cast %add3A_906 : i32 to index
        %swap3A_969 = arith.constant 48 : index
        %swap3A_970 = tpu.vector_load %swap3A_967[%swap3A_968, %swap3A_969] {strides = array<i32>} : memref<64x128xf32, #tpu.memory_space<vmem>>, vector<16xf32>,
        tpu.vector_store %swap3A_967[%swap3A_968, %swap3A_969], %mul3A_963 {strides = array<i32>} : memref<64x128xf32, #tpu.memory_space<vmem>>, vector<16xf32>,
        %get3A_971 = arith.constant 0 : i32
        %get3A_972 = arith.constant 0 : i32
        %get3A_973 = tpu.memref_slice %arg14[%scan3A_648, %get3A_971, %get3A_972] : memref<3x64x128xf32, #tpu.memory_space<vmem>> -> memref<1x64x128xf32, #tpu.memory_space<vmem>>
        %get3A_974 = tpu.memref_squeeze %get3A_973 : memref<1x64x128xf32, #tpu.memory_space<vmem>> -> memref<64x128xf32, #tpu.memory_space<vmem>>
        %get3A_975 = arith.index_cast %add3A_906 : i32 to index
        %get3A_976 = arith.constant 64 : index
        %get3A_977 = tpu.vector_load %get3A_974[%get3A_975, %get3A_976] {strides = array<i32>} : memref<64x128xf32, #tpu.memory_space<vmem>>, vector<16xf32>,
        %mul3A_978 = arith.mulf %get3A_977, %gather3A_910 : vector<16xf32>
        %swap3A_979 = arith.constant 0 : i32
        %swap3A_980 = arith.constant 0 : i32
        %swap3A_981 = tpu.memref_slice %arg14[%scan3A_648, %swap3A_979, %swap3A_980] : memref<3x64x128xf32, #tpu.memory_space<vmem>> -> memref<1x64x128xf32, #tpu.memory_space<vmem>>
        %swap3A_982 = tpu.memref_squeeze %swap3A_981 : memref<1x64x128xf32, #tpu.memory_space<vmem>> -> memref<64x128xf32, #tpu.memory_space<vmem>>
        %swap3A_983 = arith.index_cast %add3A_906 : i32 to index
        %swap3A_984 = arith.constant 64 : index
        %swap3A_985 = tpu.vector_load %swap3A_982[%swap3A_983, %swap3A_984] {strides = array<i32>} : memref<64x128xf32, #tpu.memory_space<vmem>>, vector<16xf32>,
        tpu.vector_store %swap3A_982[%swap3A_983, %swap3A_984], %mul3A_978 {strides = array<i32>} : memref<64x128xf32, #tpu.memory_space<vmem>>, vector<16xf32>,
        %get3A_986 = arith.constant 0 : i32
        %get3A_987 = arith.constant 0 : i32
        %get3A_988 = tpu.memref_slice %arg14[%scan3A_648, %get3A_986, %get3A_987] : memref<3x64x128xf32, #tpu.memory_space<vmem>> -> memref<1x64x128xf32, #tpu.memory_space<vmem>>
        %get3A_989 = tpu.memref_squeeze %get3A_988 : memref<1x64x128xf32, #tpu.memory_space<vmem>> -> memref<64x128xf32, #tpu.memory_space<vmem>>
        %get3A_990 = arith.index_cast %add3A_906 : i32 to index
        %get3A_991 = arith.constant 80 : index
        %get3A_992 = tpu.vector_load %get3A_989[%get3A_990, %get3A_991] {strides = array<i32>} : memref<64x128xf32, #tpu.memory_space<vmem>>, vector<16xf32>,
        %mul3A_993 = arith.mulf %get3A_992, %gather3A_910 : vector<16xf32>
        %swap3A_994 = arith.constant 0 : i32
        %swap3A_995 = arith.constant 0 : i32
        %swap3A_996 = tpu.memref_slice %arg14[%scan3A_648, %swap3A_994, %swap3A_995] : memref<3x64x128xf32, #tpu.memory_space<vmem>> -> memref<1x64x128xf32, #tpu.memory_space<vmem>>
        %swap3A_997 = tpu.memref_squeeze %swap3A_996 : memref<1x64x128xf32, #tpu.memory_space<vmem>> -> memref<64x128xf32, #tpu.memory_space<vmem>>
        %swap3A_998 = arith.index_cast %add3A_906 : i32 to index
        %swap3A_999 = arith.constant 80 : index
        %swap3A_1000 = tpu.vector_load %swap3A_997[%swap3A_998, %swap3A_999] {strides = array<i32>} : memref<64x128xf32, #tpu.memory_space<vmem>>, vector<16xf32>,
        tpu.vector_store %swap3A_997[%swap3A_998, %swap3A_999], %mul3A_993 {strides = array<i32>} : memref<64x128xf32, #tpu.memory_space<vmem>>, vector<16xf32>,
        %get3A_1001 = arith.constant 0 : i32
        %get3A_1002 = arith.constant 0 : i32
        %get3A_1003 = tpu.memref_slice %arg14[%scan3A_648, %get3A_1001, %get3A_1002] : memref<3x64x128xf32, #tpu.memory_space<vmem>> -> memref<1x64x128xf32, #tpu.memory_space<vmem>>
        %get3A_1004 = tpu.memref_squeeze %get3A_1003 : memref<1x64x128xf32, #tpu.memory_space<vmem>> -> memref<64x128xf32, #tpu.memory_space<vmem>>
        %get3A_1005 = arith.index_cast %add3A_906 : i32 to index
        %get3A_1006 = arith.constant 96 : index
        %get3A_1007 = tpu.vector_load %get3A_1004[%get3A_1005, %get3A_1006] {strides = array<i32>} : memref<64x128xf32, #tpu.memory_space<vmem>>, vector<16xf32>,
        %mul3A_1008 = arith.mulf %get3A_1007, %gather3A_910 : vector<16xf32>
        %swap3A_1009 = arith.constant 0 : i32
        %swap3A_1010 = arith.constant 0 : i32
        %swap3A_1011 = tpu.memref_slice %arg14[%scan3A_648, %swap3A_1009, %swap3A_1010] : memref<3x64x128xf32, #tpu.memory_space<vmem>> -> memref<1x64x128xf32, #tpu.memory_space<vmem>>
        %swap3A_1012 = tpu.memref_squeeze %swap3A_1011 : memref<1x64x128xf32, #tpu.memory_space<vmem>> -> memref<64x128xf32, #tpu.memory_space<vmem>>
        %swap3A_1013 = arith.index_cast %add3A_906 : i32 to index
        %swap3A_1014 = arith.constant 96 : index
        %swap3A_1015 = tpu.vector_load %swap3A_1012[%swap3A_1013, %swap3A_1014] {strides = array<i32>} : memref<64x128xf32, #tpu.memory_space<vmem>>, vector<16xf32>,
        tpu.vector_store %swap3A_1012[%swap3A_1013, %swap3A_1014], %mul3A_1008 {strides = array<i32>} : memref<64x128xf32, #tpu.memory_space<vmem>>, vector<16xf32>,
        %get3A_1016 = arith.constant 0 : i32
        %get3A_1017 = arith.constant 0 : i32
        %get3A_1018 = tpu.memref_slice %arg14[%scan3A_648, %get3A_1016, %get3A_1017] : memref<3x64x128xf32, #tpu.memory_space<vmem>> -> memref<1x64x128xf32, #tpu.memory_space<vmem>>
        %get3A_1019 = tpu.memref_squeeze %get3A_1018 : memref<1x64x128xf32, #tpu.memory_space<vmem>> -> memref<64x128xf32, #tpu.memory_space<vmem>>
        %get3A_1020 = arith.index_cast %add3A_906 : i32 to index
        %get3A_1021 = arith.constant 112 : index
        %get3A_1022 = tpu.vector_load %get3A_1019[%get3A_1020, %get3A_1021] {strides = array<i32>} : memref<64x128xf32, #tpu.memory_space<vmem>>, vector<16xf32>,
        %mul3A_1023 = arith.mulf %get3A_1022, %gather3A_910 : vector<16xf32>
        %swap3A_1024 = arith.constant 0 : i32
        %swap3A_1025 = arith.constant 0 : i32
        %swap3A_1026 = tpu.memref_slice %arg14[%scan3A_648, %swap3A_1024, %swap3A_1025] : memref<3x64x128xf32, #tpu.memory_space<vmem>> -> memref<1x64x128xf32, #tpu.memory_space<vmem>>
        %swap3A_1027 = tpu.memref_squeeze %swap3A_1026 : memref<1x64x128xf32, #tpu.memory_space<vmem>> -> memref<64x128xf32, #tpu.memory_space<vmem>>
        %swap3A_1028 = arith.index_cast %add3A_906 : i32 to index
        %swap3A_1029 = arith.constant 112 : index
        %swap3A_1030 = tpu.vector_load %swap3A_1027[%swap3A_1028, %swap3A_1029] {strides = array<i32>} : memref<64x128xf32, #tpu.memory_space<vmem>>, vector<16xf32>,
        tpu.vector_store %swap3A_1027[%swap3A_1028, %swap3A_1029], %mul3A_1023 {strides = array<i32>} : memref<64x128xf32, #tpu.memory_space<vmem>>, vector<16xf32>,
        %mul3A_1031 = arith.constant 2 : i32
        %mul3A_1032 = arith.muli %scan3A_902, %mul3A_1031 : i32
        %add3A_1033 = arith.constant 1 : i32
        %add3A_1034 = arith.addi %mul3A_1032, %add3A_1033 : i32
        %broadcast_in_dim3A_1035 = vector.broadcast %add3A_1034 : i32 to vector<16xi32>
        %gather3A_1036 = arith.constant 0 : i32
        %gather3A_1037 = tpu.memref_slice %arg13[%scan3A_647, %gather3A_1036] : memref<6x64xf32, #tpu.memory_space<vmem>> -> memref<1x64xf32, #tpu.memory_space<vmem>>
        %gather3A_1038 = tpu.memref_squeeze %gather3A_1037 : memref<1x64xf32, #tpu.memory_space<vmem>> -> memref<64xf32, #tpu.memory_space<vmem>>
        %gather3A_1039 = tpu.vector_load_idx %gather3A_1038[%broadcast_in_dim3A_1035] : memref<64xf32, #tpu.memory_space<vmem>>[vector<16xi32>], vector<16xf32>,
        %get3A_1040 = arith.constant 0 : i32
        %get3A_1041 = arith.constant 0 : i32
        %get3A_1042 = tpu.memref_slice %arg14[%scan3A_648, %get3A_1040, %get3A_1041] : memref<3x64x128xf32, #tpu.memory_space<vmem>> -> memref<1x64x128xf32, #tpu.memory_space<vmem>>
        %get3A_1043 = tpu.memref_squeeze %get3A_1042 : memref<1x64x128xf32, #tpu.memory_space<vmem>> -> memref<64x128xf32, #tpu.memory_space<vmem>>
        %get3A_1044 = arith.index_cast %add3A_1034 : i32 to index
        %get3A_1045 = arith.constant 0 : index
        %get3A_1046 = tpu.vector_load %get3A_1043[%get3A_1044, %get3A_1045] {strides = array<i32>} : memref<64x128xf32, #tpu.memory_space<vmem>>, vector<16xf32>,
        %mul3A_1047 = arith.mulf %get3A_1046, %gather3A_1039 : vector<16xf32>
        %swap3A_1048 = arith.constant 0 : i32
        %swap3A_1049 = arith.constant 0 : i32
        %swap3A_1050 = tpu.memref_slice %arg14[%scan3A_648, %swap3A_1048, %swap3A_1049] : memref<3x64x128xf32, #tpu.memory_space<vmem>> -> memref<1x64x128xf32, #tpu.memory_space<vmem>>
        %swap3A_1051 = tpu.memref_squeeze %swap3A_1050 : memref<1x64x128xf32, #tpu.memory_space<vmem>> -> memref<64x128xf32, #tpu.memory_space<vmem>>
        %swap3A_1052 = arith.index_cast %add3A_1034 : i32 to index
        %swap3A_1053 = arith.constant 0 : index
        %swap3A_1054 = tpu.vector_load %swap3A_1051[%swap3A_1052, %swap3A_1053] {strides = array<i32>} : memref<64x128xf32, #tpu.memory_space<vmem>>, vector<16xf32>,
        tpu.vector_store %swap3A_1051[%swap3A_1052, %swap3A_1053], %mul3A_1047 {strides = array<i32>} : memref<64x128xf32, #tpu.memory_space<vmem>>, vector<16xf32>,
        %get3A_1055 = arith.constant 0 : i32
        %get3A_1056 = arith.constant 0 : i32
        %get3A_1057 = tpu.memref_slice %arg14[%scan3A_648, %get3A_1055, %get3A_1056] : memref<3x64x128xf32, #tpu.memory_space<vmem>> -> memref<1x64x128xf32, #tpu.memory_space<vmem>>
        %get3A_1058 = tpu.memref_squeeze %get3A_1057 : memref<1x64x128xf32, #tpu.memory_space<vmem>> -> memref<64x128xf32, #tpu.memory_space<vmem>>
        %get3A_1059 = arith.index_cast %add3A_1034 : i32 to index
        %get3A_1060 = arith.constant 16 : index
        %get3A_1061 = tpu.vector_load %get3A_1058[%get3A_1059, %get3A_1060] {strides = array<i32>} : memref<64x128xf32, #tpu.memory_space<vmem>>, vector<16xf32>,
        %mul3A_1062 = arith.mulf %get3A_1061, %gather3A_1039 : vector<16xf32>
        %swap3A_1063 = arith.constant 0 : i32
        %swap3A_1064 = arith.constant 0 : i32
        %swap3A_1065 = tpu.memref_slice %arg14[%scan3A_648, %swap3A_1063, %swap3A_1064] : memref<3x64x128xf32, #tpu.memory_space<vmem>> -> memref<1x64x128xf32, #tpu.memory_space<vmem>>
        %swap3A_1066 = tpu.memref_squeeze %swap3A_1065 : memref<1x64x128xf32, #tpu.memory_space<vmem>> -> memref<64x128xf32, #tpu.memory_space<vmem>>
        %swap3A_1067 = arith.index_cast %add3A_1034 : i32 to index
        %swap3A_1068 = arith.constant 16 : index
        %swap3A_1069 = tpu.vector_load %swap3A_1066[%swap3A_1067, %swap3A_1068] {strides = array<i32>} : memref<64x128xf32, #tpu.memory_space<vmem>>, vector<16xf32>,
        tpu.vector_store %swap3A_1066[%swap3A_1067, %swap3A_1068], %mul3A_1062 {strides = array<i32>} : memref<64x128xf32, #tpu.memory_space<vmem>>, vector<16xf32>,
        %get3A_1070 = arith.constant 0 : i32
        %get3A_1071 = arith.constant 0 : i32
        %get3A_1072 = tpu.memref_slice %arg14[%scan3A_648, %get3A_1070, %get3A_1071] : memref<3x64x128xf32, #tpu.memory_space<vmem>> -> memref<1x64x128xf32, #tpu.memory_space<vmem>>
        %get3A_1073 = tpu.memref_squeeze %get3A_1072 : memref<1x64x128xf32, #tpu.memory_space<vmem>> -> memref<64x128xf32, #tpu.memory_space<vmem>>
        %get3A_1074 = arith.index_cast %add3A_1034 : i32 to index
        %get3A_1075 = arith.constant 32 : index
        %get3A_1076 = tpu.vector_load %get3A_1073[%get3A_1074, %get3A_1075] {strides = array<i32>} : memref<64x128xf32, #tpu.memory_space<vmem>>, vector<16xf32>,
        %mul3A_1077 = arith.mulf %get3A_1076, %gather3A_1039 : vector<16xf32>
        %swap3A_1078 = arith.constant 0 : i32
        %swap3A_1079 = arith.constant 0 : i32
        %swap3A_1080 = tpu.memref_slice %arg14[%scan3A_648, %swap3A_1078, %swap3A_1079] : memref<3x64x128xf32, #tpu.memory_space<vmem>> -> memref<1x64x128xf32, #tpu.memory_space<vmem>>
        %swap3A_1081 = tpu.memref_squeeze %swap3A_1080 : memref<1x64x128xf32, #tpu.memory_space<vmem>> -> memref<64x128xf32, #tpu.memory_space<vmem>>
        %swap3A_1082 = arith.index_cast %add3A_1034 : i32 to index
        %swap3A_1083 = arith.constant 32 : index
        %swap3A_1084 = tpu.vector_load %swap3A_1081[%swap3A_1082, %swap3A_1083] {strides = array<i32>} : memref<64x128xf32, #tpu.memory_space<vmem>>, vector<16xf32>,
        tpu.vector_store %swap3A_1081[%swap3A_1082, %swap3A_1083], %mul3A_1077 {strides = array<i32>} : memref<64x128xf32, #tpu.memory_space<vmem>>, vector<16xf32>,
        %get3A_1085 = arith.constant 0 : i32
        %get3A_1086 = arith.constant 0 : i32
        %get3A_1087 = tpu.memref_slice %arg14[%scan3A_648, %get3A_1085, %get3A_1086] : memref<3x64x128xf32, #tpu.memory_space<vmem>> -> memref<1x64x128xf32, #tpu.memory_space<vmem>>
        %get3A_1088 = tpu.memref_squeeze %get3A_1087 : memref<1x64x128xf32, #tpu.memory_space<vmem>> -> memref<64x128xf32, #tpu.memory_space<vmem>>
        %get3A_1089 = arith.index_cast %add3A_1034 : i32 to index
        %get3A_1090 = arith.constant 48 : index
        %get3A_1091 = tpu.vector_load %get3A_1088[%get3A_1089, %get3A_1090] {strides = array<i32>} : memref<64x128xf32, #tpu.memory_space<vmem>>, vector<16xf32>,
        %mul3A_1092 = arith.mulf %get3A_1091, %gather3A_1039 : vector<16xf32>
        %swap3A_1093 = arith.constant 0 : i32
        %swap3A_1094 = arith.constant 0 : i32
        %swap3A_1095 = tpu.memref_slice %arg14[%scan3A_648, %swap3A_1093, %swap3A_1094] : memref<3x64x128xf32, #tpu.memory_space<vmem>> -> memref<1x64x128xf32, #tpu.memory_space<vmem>>
        %swap3A_1096 = tpu.memref_squeeze %swap3A_1095 : memref<1x64x128xf32, #tpu.memory_space<vmem>> -> memref<64x128xf32, #tpu.memory_space<vmem>>
        %swap3A_1097 = arith.index_cast %add3A_1034 : i32 to index
        %swap3A_1098 = arith.constant 48 : index
        %swap3A_1099 = tpu.vector_load %swap3A_1096[%swap3A_1097, %swap3A_1098] {strides = array<i32>} : memref<64x128xf32, #tpu.memory_space<vmem>>, vector<16xf32>,
        tpu.vector_store %swap3A_1096[%swap3A_1097, %swap3A_1098], %mul3A_1092 {strides = array<i32>} : memref<64x128xf32, #tpu.memory_space<vmem>>, vector<16xf32>,
        %get3A_1100 = arith.constant 0 : i32
        %get3A_1101 = arith.constant 0 : i32
        %get3A_1102 = tpu.memref_slice %arg14[%scan3A_648, %get3A_1100, %get3A_1101] : memref<3x64x128xf32, #tpu.memory_space<vmem>> -> memref<1x64x128xf32, #tpu.memory_space<vmem>>
        %get3A_1103 = tpu.memref_squeeze %get3A_1102 : memref<1x64x128xf32, #tpu.memory_space<vmem>> -> memref<64x128xf32, #tpu.memory_space<vmem>>
        %get3A_1104 = arith.index_cast %add3A_1034 : i32 to index
        %get3A_1105 = arith.constant 64 : index
        %get3A_1106 = tpu.vector_load %get3A_1103[%get3A_1104, %get3A_1105] {strides = array<i32>} : memref<64x128xf32, #tpu.memory_space<vmem>>, vector<16xf32>,
        %mul3A_1107 = arith.mulf %get3A_1106, %gather3A_1039 : vector<16xf32>
        %swap3A_1108 = arith.constant 0 : i32
        %swap3A_1109 = arith.constant 0 : i32
        %swap3A_1110 = tpu.memref_slice %arg14[%scan3A_648, %swap3A_1108, %swap3A_1109] : memref<3x64x128xf32, #tpu.memory_space<vmem>> -> memref<1x64x128xf32, #tpu.memory_space<vmem>>
        %swap3A_1111 = tpu.memref_squeeze %swap3A_1110 : memref<1x64x128xf32, #tpu.memory_space<vmem>> -> memref<64x128xf32, #tpu.memory_space<vmem>>
        %swap3A_1112 = arith.index_cast %add3A_1034 : i32 to index
        %swap3A_1113 = arith.constant 64 : index
        %swap3A_1114 = tpu.vector_load %swap3A_1111[%swap3A_1112, %swap3A_1113] {strides = array<i32>} : memref<64x128xf32, #tpu.memory_space<vmem>>, vector<16xf32>,
        tpu.vector_store %swap3A_1111[%swap3A_1112, %swap3A_1113], %mul3A_1107 {strides = array<i32>} : memref<64x128xf32, #tpu.memory_space<vmem>>, vector<16xf32>,
        %get3A_1115 = arith.constant 0 : i32
        %get3A_1116 = arith.constant 0 : i32
        %get3A_1117 = tpu.memref_slice %arg14[%scan3A_648, %get3A_1115, %get3A_1116] : memref<3x64x128xf32, #tpu.memory_space<vmem>> -> memref<1x64x128xf32, #tpu.memory_space<vmem>>
        %get3A_1118 = tpu.memref_squeeze %get3A_1117 : memref<1x64x128xf32, #tpu.memory_space<vmem>> -> memref<64x128xf32, #tpu.memory_space<vmem>>
        %get3A_1119 = arith.index_cast %add3A_1034 : i32 to index
        %get3A_1120 = arith.constant 80 : index
        %get3A_1121 = tpu.vector_load %get3A_1118[%get3A_1119, %get3A_1120] {strides = array<i32>} : memref<64x128xf32, #tpu.memory_space<vmem>>, vector<16xf32>,
        %mul3A_1122 = arith.mulf %get3A_1121, %gather3A_1039 : vector<16xf32>
        %swap3A_1123 = arith.constant 0 : i32
        %swap3A_1124 = arith.constant 0 : i32
        %swap3A_1125 = tpu.memref_slice %arg14[%scan3A_648, %swap3A_1123, %swap3A_1124] : memref<3x64x128xf32, #tpu.memory_space<vmem>> -> memref<1x64x128xf32, #tpu.memory_space<vmem>>
        %swap3A_1126 = tpu.memref_squeeze %swap3A_1125 : memref<1x64x128xf32, #tpu.memory_space<vmem>> -> memref<64x128xf32, #tpu.memory_space<vmem>>
        %swap3A_1127 = arith.index_cast %add3A_1034 : i32 to index
        %swap3A_1128 = arith.constant 80 : index
        %swap3A_1129 = tpu.vector_load %swap3A_1126[%swap3A_1127, %swap3A_1128] {strides = array<i32>} : memref<64x128xf32, #tpu.memory_space<vmem>>, vector<16xf32>,
        tpu.vector_store %swap3A_1126[%swap3A_1127, %swap3A_1128], %mul3A_1122 {strides = array<i32>} : memref<64x128xf32, #tpu.memory_space<vmem>>, vector<16xf32>,
        %get3A_1130 = arith.constant 0 : i32
        %get3A_1131 = arith.constant 0 : i32
        %get3A_1132 = tpu.memref_slice %arg14[%scan3A_648, %get3A_1130, %get3A_1131] : memref<3x64x128xf32, #tpu.memory_space<vmem>> -> memref<1x64x128xf32, #tpu.memory_space<vmem>>
        %get3A_1133 = tpu.memref_squeeze %get3A_1132 : memref<1x64x128xf32, #tpu.memory_space<vmem>> -> memref<64x128xf32, #tpu.memory_space<vmem>>
        %get3A_1134 = arith.index_cast %add3A_1034 : i32 to index
        %get3A_1135 = arith.constant 96 : index
        %get3A_1136 = tpu.vector_load %get3A_1133[%get3A_1134, %get3A_1135] {strides = array<i32>} : memref<64x128xf32, #tpu.memory_space<vmem>>, vector<16xf32>,
        %mul3A_1137 = arith.mulf %get3A_1136, %gather3A_1039 : vector<16xf32>
        %swap3A_1138 = arith.constant 0 : i32
        %swap3A_1139 = arith.constant 0 : i32
        %swap3A_1140 = tpu.memref_slice %arg14[%scan3A_648, %swap3A_1138, %swap3A_1139] : memref<3x64x128xf32, #tpu.memory_space<vmem>> -> memref<1x64x128xf32, #tpu.memory_space<vmem>>
        %swap3A_1141 = tpu.memref_squeeze %swap3A_1140 : memref<1x64x128xf32, #tpu.memory_space<vmem>> -> memref<64x128xf32, #tpu.memory_space<vmem>>
        %swap3A_1142 = arith.index_cast %add3A_1034 : i32 to index
        %swap3A_1143 = arith.constant 96 : index
        %swap3A_1144 = tpu.vector_load %swap3A_1141[%swap3A_1142, %swap3A_1143] {strides = array<i32>} : memref<64x128xf32, #tpu.memory_space<vmem>>, vector<16xf32>,
        tpu.vector_store %swap3A_1141[%swap3A_1142, %swap3A_1143], %mul3A_1137 {strides = array<i32>} : memref<64x128xf32, #tpu.memory_space<vmem>>, vector<16xf32>,
        %get3A_1145 = arith.constant 0 : i32
        %get3A_1146 = arith.constant 0 : i32
        %get3A_1147 = tpu.memref_slice %arg14[%scan3A_648, %get3A_1145, %get3A_1146] : memref<3x64x128xf32, #tpu.memory_space<vmem>> -> memref<1x64x128xf32, #tpu.memory_space<vmem>>
        %get3A_1148 = tpu.memref_squeeze %get3A_1147 : memref<1x64x128xf32, #tpu.memory_space<vmem>> -> memref<64x128xf32, #tpu.memory_space<vmem>>
        %get3A_1149 = arith.index_cast %add3A_1034 : i32 to index
        %get3A_1150 = arith.constant 112 : index
        %get3A_1151 = tpu.vector_load %get3A_1148[%get3A_1149, %get3A_1150] {strides = array<i32>} : memref<64x128xf32, #tpu.memory_space<vmem>>, vector<16xf32>,
        %mul3A_1152 = arith.mulf %get3A_1151, %gather3A_1039 : vector<16xf32>
        %swap3A_1153 = arith.constant 0 : i32
        %swap3A_1154 = arith.constant 0 : i32
        %swap3A_1155 = tpu.memref_slice %arg14[%scan3A_648, %swap3A_1153, %swap3A_1154] : memref<3x64x128xf32, #tpu.memory_space<vmem>> -> memref<1x64x128xf32, #tpu.memory_space<vmem>>
        %swap3A_1156 = tpu.memref_squeeze %swap3A_1155 : memref<1x64x128xf32, #tpu.memory_space<vmem>> -> memref<64x128xf32, #tpu.memory_space<vmem>>
        %swap3A_1157 = arith.index_cast %add3A_1034 : i32 to index
        %swap3A_1158 = arith.constant 112 : index
        %swap3A_1159 = tpu.vector_load %swap3A_1156[%swap3A_1157, %swap3A_1158] {strides = array<i32>} : memref<64x128xf32, #tpu.memory_space<vmem>>, vector<16xf32>,
        tpu.vector_store %swap3A_1156[%swap3A_1157, %swap3A_1158], %mul3A_1152 {strides = array<i32>} : memref<64x128xf32, #tpu.memory_space<vmem>>, vector<16xf32>,
      }
      %scan3A_653 = arith.constant 32 : i32
      %dma_start3A_654 = arith.constant 1 : i32
      %dma_start3A_655 = arith.constant 1 : i32
      %dma_start3A_656 = arith.constant 0 : i32
      %dma_start3A_657 = arith.constant 0 : i32
      %dma_start3A_658 = tpu.memref_slice %arg14[%dma_start3A_654, %dma_start3A_656, %dma_start3A_657] : memref<3x64x128xf32, #tpu.memory_space<vmem>> -> memref<1x64x128xf32, #tpu.memory_space<vmem>>
      %dma_start3A_659 = tpu.memref_squeeze %dma_start3A_658 : memref<1x64x128xf32, #tpu.memory_space<vmem>> -> memref<64x128xf32, #tpu.memory_space<vmem>>
      %dma_start3A_660 = arith.constant 0 : i32
      %dma_start3A_661 = tpu.memref_slice %arg12[%dma_start3A_655, %dma_start3A_660] : memref<6x64xi32, #tpu.memory_space<vmem>> -> memref<1x64xi32, #tpu.memory_space<vmem>>
      %dma_start3A_662 = tpu.memref_squeeze %dma_start3A_661 : memref<1x64xi32, #tpu.memory_space<vmem>> -> memref<64xi32, #tpu.memory_space<vmem>>
      %dma_start3A_663 = arith.constant 0 : i32
      %dma_start3A_664 = arith.constant 0 : i32
      %dma_start3A_665 = tpu.memref_slice %arg15[%dma_start3A_663, %dma_start3A_664] : memref<10240x128xf32, #tpu.memory_space<vmem_shared>> -> memref<10240x128xf32, #tpu.memory_space<vmem_shared>>
      tpu.enqueue_indirect_dma source(%dma_start3A_659 : memref<64x128xf32, #tpu.memory_space<vmem>>) target(%dma_start3A_665 : memref<10240x128xf32, #tpu.memory_space<vmem_shared>>) offsets(%dma_start3A_662 : memref<64xi32, #tpu.memory_space<vmem>>) semaphore(%arg20 : memref<!tpu.dma_semaphore, #tpu.memory_space<semaphore_mem>>) {add = true}
      %dma_wait3A_666 = arith.constant 0 : i32
      %dma_wait3A_667 = arith.constant 0 : i32
      %dma_wait3A_668 = arith.constant 0 : i32
      %dma_wait3A_669 = arith.constant 0 : i32
      %dma_wait3A_670 = tpu.memref_slice %arg14[%dma_wait3A_666, %dma_wait3A_668, %dma_wait3A_669] : memref<3x64x128xf32, #tpu.memory_space<vmem>> -> memref<1x64x128xf32, #tpu.memory_space<vmem>>
      %dma_wait3A_671 = tpu.memref_squeeze %dma_wait3A_670 : memref<1x64x128xf32, #tpu.memory_space<vmem>> -> memref<64x128xf32, #tpu.memory_space<vmem>>
      %dma_wait3A_672 = arith.constant 0 : i32
      %dma_wait3A_673 = tpu.memref_slice %arg12[%dma_wait3A_667, %dma_wait3A_672] : memref<6x64xi32, #tpu.memory_space<vmem>> -> memref<1x64xi32, #tpu.memory_space<vmem>>
      %dma_wait3A_674 = tpu.memref_squeeze %dma_wait3A_673 : memref<1x64xi32, #tpu.memory_space<vmem>> -> memref<64xi32, #tpu.memory_space<vmem>>
      %dma_wait3A_675 = arith.constant 0 : i32
      %dma_wait3A_676 = arith.constant 0 : i32
      %dma_wait3A_677 = tpu.memref_slice %arg15[%dma_wait3A_675, %dma_wait3A_676] : memref<10240x128xf32, #tpu.memory_space<vmem_shared>> -> memref<10240x128xf32, #tpu.memory_space<vmem_shared>>
      tpu.wait_indirect_dma semaphore(%arg19 : memref<!tpu.dma_semaphore, #tpu.memory_space<semaphore_mem>>) src(%dma_wait3A_671 : memref<64x128xf32, #tpu.memory_space<vmem>>) dst(%dma_wait3A_677 : memref<10240x128xf32, #tpu.memory_space<vmem_shared>>)
      %dma_start3A_678 = arith.constant 3 : i32
      %dma_start3A_679 = arith.constant 0 : i32
      %dma_start3A_680 = arith.constant 0 : i32
      %dma_start3A_681 = arith.constant 0 : i32
      %dma_start3A_682 = tpu.memref_slice %arg14[%dma_start3A_679, %dma_start3A_680, %dma_start3A_681] : memref<3x64x128xf32, #tpu.memory_space<vmem>> -> memref<1x64x128xf32, #tpu.memory_space<vmem>>
      %dma_start3A_683 = tpu.memref_squeeze %dma_start3A_682 : memref<1x64x128xf32, #tpu.memory_space<vmem>> -> memref<64x128xf32, #tpu.memory_space<vmem>>
      %dma_start3A_684 = arith.constant 0 : i32
      %dma_start3A_685 = tpu.memref_slice %arg11[%dma_start3A_678, %dma_start3A_684] : memref<6x64xi32, #tpu.memory_space<vmem>> -> memref<1x64xi32, #tpu.memory_space<vmem>>
      %dma_start3A_686 = tpu.memref_squeeze %dma_start3A_685 : memref<1x64xi32, #tpu.memory_space<vmem>> -> memref<64xi32, #tpu.memory_space<vmem>>
      %dma_start3A_687 = arith.constant 0 : i32
      %dma_start3A_688 = arith.constant 0 : i32
      %dma_start3A_689 = tpu.memref_slice %arg6[%dma_start3A_687, %dma_start3A_688] : memref<10240x128xf32, #tpu.memory_space<hbm>> -> memref<10240x128xf32, #tpu.memory_space<hbm>>
      tpu.enqueue_indirect_dma source(%dma_start3A_689 : memref<10240x128xf32, #tpu.memory_space<hbm>>) target(%dma_start3A_683 : memref<64x128xf32, #tpu.memory_space<vmem>>) offsets(%dma_start3A_686 : memref<64xi32, #tpu.memory_space<vmem>>) semaphore(%arg16 : memref<!tpu.dma_semaphore, #tpu.memory_space<semaphore_mem>>)
      %dma_wait3A_690 = arith.constant 2 : i32
      %dma_wait3A_691 = arith.constant 2 : i32
      %dma_wait3A_692 = arith.constant 0 : i32
      %dma_wait3A_693 = arith.constant 0 : i32
      %dma_wait3A_694 = tpu.memref_slice %arg14[%dma_wait3A_691, %dma_wait3A_692, %dma_wait3A_693] : memref<3x64x128xf32, #tpu.memory_space<vmem>> -> memref<1x64x128xf32, #tpu.memory_space<vmem>>
      %dma_wait3A_695 = tpu.memref_squeeze %dma_wait3A_694 : memref<1x64x128xf32, #tpu.memory_space<vmem>> -> memref<64x128xf32, #tpu.memory_space<vmem>>
      %dma_wait3A_696 = arith.constant 0 : i32
      %dma_wait3A_697 = tpu.memref_slice %arg11[%dma_wait3A_690, %dma_wait3A_696] : memref<6x64xi32, #tpu.memory_space<vmem>> -> memref<1x64xi32, #tpu.memory_space<vmem>>
      %dma_wait3A_698 = tpu.memref_squeeze %dma_wait3A_697 : memref<1x64xi32, #tpu.memory_space<vmem>> -> memref<64xi32, #tpu.memory_space<vmem>>
      %dma_wait3A_699 = arith.constant 0 : i32
      %dma_wait3A_700 = arith.constant 0 : i32
      %dma_wait3A_701 = tpu.memref_slice %arg6[%dma_wait3A_699, %dma_wait3A_700] : memref<10240x128xf32, #tpu.memory_space<hbm>> -> memref<10240x128xf32, #tpu.memory_space<hbm>>
      tpu.wait_indirect_dma semaphore(%arg18 : memref<!tpu.dma_semaphore, #tpu.memory_space<semaphore_mem>>) src(%dma_wait3A_701 : memref<10240x128xf32, #tpu.memory_space<hbm>>) dst(%dma_wait3A_695 : memref<64x128xf32, #tpu.memory_space<vmem>>)
      %scan3A_702 = arith.constant 0 : i32
      %scan3A_703 = arith.constant 2 : i32
      %scan3A_704 = arith.constant 2 : i32
      %scan3A_705 = arith.constant 0 : i32
      %scan3A_706 = arith.constant 32 : i32
      %scan3A_707 = arith.addi %scan3A_705, %scan3A_706 : i32
      %scan3A_708 = arith.constant 1 : i32
      scf.for %scan3A_902 = %scan3A_705 to %scan3A_707 step %scan3A_708  : i32 {
        %mul3A_903 = arith.constant 2 : i32
        %mul3A_904 = arith.muli %scan3A_902, %mul3A_903 : i32
        %add3A_905 = arith.constant 0 : i32
        %add3A_906 = arith.addi %mul3A_904, %add3A_905 : i32
        %broadcast_in_dim3A = vector.broadcast %add3A_906 : i32 to vector<16xi32>
        %gather3A_907 = arith.constant 0 : i32
        %gather3A_908 = tpu.memref_slice %arg13[%scan3A_703, %gather3A_907] : memref<6x64xf32, #tpu.memory_space<vmem>> -> memref<1x64xf32, #tpu.memory_space<vmem>>
        %gather3A_909 = tpu.memref_squeeze %gather3A_908 : memref<1x64xf32, #tpu.memory_space<vmem>> -> memref<64xf32, #tpu.memory_space<vmem>>
        %gather3A_910 = tpu.vector_load_idx %gather3A_909[%broadcast_in_dim3A] : memref<64xf32, #tpu.memory_space<vmem>>[vector<16xi32>], vector<16xf32>,
        %get3A_911 = arith.constant 0 : i32
        %get3A_912 = arith.constant 0 : i32
        %get3A_913 = tpu.memref_slice %arg14[%scan3A_704, %get3A_911, %get3A_912] : memref<3x64x128xf32, #tpu.memory_space<vmem>> -> memref<1x64x128xf32, #tpu.memory_space<vmem>>
        %get3A_914 = tpu.memref_squeeze %get3A_913 : memref<1x64x128xf32, #tpu.memory_space<vmem>> -> memref<64x128xf32, #tpu.memory_space<vmem>>
        %get3A_915 = arith.index_cast %add3A_906 : i32 to index
        %get3A_916 = arith.constant 0 : index
        %get3A_917 = tpu.vector_load %get3A_914[%get3A_915, %get3A_916] {strides = array<i32>} : memref<64x128xf32, #tpu.memory_space<vmem>>, vector<16xf32>,
        %mul3A_918 = arith.mulf %get3A_917, %gather3A_910 : vector<16xf32>
        %swap3A_919 = arith.constant 0 : i32
        %swap3A_920 = arith.constant 0 : i32
        %swap3A_921 = tpu.memref_slice %arg14[%scan3A_704, %swap3A_919, %swap3A_920] : memref<3x64x128xf32, #tpu.memory_space<vmem>> -> memref<1x64x128xf32, #tpu.memory_space<vmem>>
        %swap3A_922 = tpu.memref_squeeze %swap3A_921 : memref<1x64x128xf32, #tpu.memory_space<vmem>> -> memref<64x128xf32, #tpu.memory_space<vmem>>
        %swap3A_923 = arith.index_cast %add3A_906 : i32 to index
        %swap3A_924 = arith.constant 0 : index
        %swap3A_925 = tpu.vector_load %swap3A_922[%swap3A_923, %swap3A_924] {strides = array<i32>} : memref<64x128xf32, #tpu.memory_space<vmem>>, vector<16xf32>,
        tpu.vector_store %swap3A_922[%swap3A_923, %swap3A_924], %mul3A_918 {strides = array<i32>} : memref<64x128xf32, #tpu.memory_space<vmem>>, vector<16xf32>,
        %get3A_926 = arith.constant 0 : i32
        %get3A_927 = arith.constant 0 : i32
        %get3A_928 = tpu.memref_slice %arg14[%scan3A_704, %get3A_926, %get3A_927] : memref<3x64x128xf32, #tpu.memory_space<vmem>> -> memref<1x64x128xf32, #tpu.memory_space<vmem>>
        %get3A_929 = tpu.memref_squeeze %get3A_928 : memref<1x64x128xf32, #tpu.memory_space<vmem>> -> memref<64x128xf32, #tpu.memory_space<vmem>>
        %get3A_930 = arith.index_cast %add3A_906 : i32 to index
        %get3A_931 = arith.constant 16 : index
        %get3A_932 = tpu.vector_load %get3A_929[%get3A_930, %get3A_931] {strides = array<i32>} : memref<64x128xf32, #tpu.memory_space<vmem>>, vector<16xf32>,
        %mul3A_933 = arith.mulf %get3A_932, %gather3A_910 : vector<16xf32>
        %swap3A_934 = arith.constant 0 : i32
        %swap3A_935 = arith.constant 0 : i32
        %swap3A_936 = tpu.memref_slice %arg14[%scan3A_704, %swap3A_934, %swap3A_935] : memref<3x64x128xf32, #tpu.memory_space<vmem>> -> memref<1x64x128xf32, #tpu.memory_space<vmem>>
        %swap3A_937 = tpu.memref_squeeze %swap3A_936 : memref<1x64x128xf32, #tpu.memory_space<vmem>> -> memref<64x128xf32, #tpu.memory_space<vmem>>
        %swap3A_938 = arith.index_cast %add3A_906 : i32 to index
        %swap3A_939 = arith.constant 16 : index
        %swap3A_940 = tpu.vector_load %swap3A_937[%swap3A_938, %swap3A_939] {strides = array<i32>} : memref<64x128xf32, #tpu.memory_space<vmem>>, vector<16xf32>,
        tpu.vector_store %swap3A_937[%swap3A_938, %swap3A_939], %mul3A_933 {strides = array<i32>} : memref<64x128xf32, #tpu.memory_space<vmem>>, vector<16xf32>,
        %get3A_941 = arith.constant 0 : i32
        %get3A_942 = arith.constant 0 : i32
        %get3A_943 = tpu.memref_slice %arg14[%scan3A_704, %get3A_941, %get3A_942] : memref<3x64x128xf32, #tpu.memory_space<vmem>> -> memref<1x64x128xf32, #tpu.memory_space<vmem>>
        %get3A_944 = tpu.memref_squeeze %get3A_943 : memref<1x64x128xf32, #tpu.memory_space<vmem>> -> memref<64x128xf32, #tpu.memory_space<vmem>>
        %get3A_945 = arith.index_cast %add3A_906 : i32 to index
        %get3A_946 = arith.constant 32 : index
        %get3A_947 = tpu.vector_load %get3A_944[%get3A_945, %get3A_946] {strides = array<i32>} : memref<64x128xf32, #tpu.memory_space<vmem>>, vector<16xf32>,
        %mul3A_948 = arith.mulf %get3A_947, %gather3A_910 : vector<16xf32>
        %swap3A_949 = arith.constant 0 : i32
        %swap3A_950 = arith.constant 0 : i32
        %swap3A_951 = tpu.memref_slice %arg14[%scan3A_704, %swap3A_949, %swap3A_950] : memref<3x64x128xf32, #tpu.memory_space<vmem>> -> memref<1x64x128xf32, #tpu.memory_space<vmem>>
        %swap3A_952 = tpu.memref_squeeze %swap3A_951 : memref<1x64x128xf32, #tpu.memory_space<vmem>> -> memref<64x128xf32, #tpu.memory_space<vmem>>
        %swap3A_953 = arith.index_cast %add3A_906 : i32 to index
        %swap3A_954 = arith.constant 32 : index
        %swap3A_955 = tpu.vector_load %swap3A_952[%swap3A_953, %swap3A_954] {strides = array<i32>} : memref<64x128xf32, #tpu.memory_space<vmem>>, vector<16xf32>,
        tpu.vector_store %swap3A_952[%swap3A_953, %swap3A_954], %mul3A_948 {strides = array<i32>} : memref<64x128xf32, #tpu.memory_space<vmem>>, vector<16xf32>,
        %get3A_956 = arith.constant 0 : i32
        %get3A_957 = arith.constant 0 : i32
        %get3A_958 = tpu.memref_slice %arg14[%scan3A_704, %get3A_956, %get3A_957] : memref<3x64x128xf32, #tpu.memory_space<vmem>> -> memref<1x64x128xf32, #tpu.memory_space<vmem>>
        %get3A_959 = tpu.memref_squeeze %get3A_958 : memref<1x64x128xf32, #tpu.memory_space<vmem>> -> memref<64x128xf32, #tpu.memory_space<vmem>>
        %get3A_960 = arith.index_cast %add3A_906 : i32 to index
        %get3A_961 = arith.constant 48 : index
        %get3A_962 = tpu.vector_load %get3A_959[%get3A_960, %get3A_961] {strides = array<i32>} : memref<64x128xf32, #tpu.memory_space<vmem>>, vector<16xf32>,
        %mul3A_963 = arith.mulf %get3A_962, %gather3A_910 : vector<16xf32>
        %swap3A_964 = arith.constant 0 : i32
        %swap3A_965 = arith.constant 0 : i32
        %swap3A_966 = tpu.memref_slice %arg14[%scan3A_704, %swap3A_964, %swap3A_965] : memref<3x64x128xf32, #tpu.memory_space<vmem>> -> memref<1x64x128xf32, #tpu.memory_space<vmem>>
        %swap3A_967 = tpu.memref_squeeze %swap3A_966 : memref<1x64x128xf32, #tpu.memory_space<vmem>> -> memref<64x128xf32, #tpu.memory_space<vmem>>
        %swap3A_968 = arith.index_cast %add3A_906 : i32 to index
        %swap3A_969 = arith.constant 48 : index
        %swap3A_970 = tpu.vector_load %swap3A_967[%swap3A_968, %swap3A_969] {strides = array<i32>} : memref<64x128xf32, #tpu.memory_space<vmem>>, vector<16xf32>,
        tpu.vector_store %swap3A_967[%swap3A_968, %swap3A_969], %mul3A_963 {strides = array<i32>} : memref<64x128xf32, #tpu.memory_space<vmem>>, vector<16xf32>,
        %get3A_971 = arith.constant 0 : i32
        %get3A_972 = arith.constant 0 : i32
        %get3A_973 = tpu.memref_slice %arg14[%scan3A_704, %get3A_971, %get3A_972] : memref<3x64x128xf32, #tpu.memory_space<vmem>> -> memref<1x64x128xf32, #tpu.memory_space<vmem>>
        %get3A_974 = tpu.memref_squeeze %get3A_973 : memref<1x64x128xf32, #tpu.memory_space<vmem>> -> memref<64x128xf32, #tpu.memory_space<vmem>>
        %get3A_975 = arith.index_cast %add3A_906 : i32 to index
        %get3A_976 = arith.constant 64 : index
        %get3A_977 = tpu.vector_load %get3A_974[%get3A_975, %get3A_976] {strides = array<i32>} : memref<64x128xf32, #tpu.memory_space<vmem>>, vector<16xf32>,
        %mul3A_978 = arith.mulf %get3A_977, %gather3A_910 : vector<16xf32>
        %swap3A_979 = arith.constant 0 : i32
        %swap3A_980 = arith.constant 0 : i32
        %swap3A_981 = tpu.memref_slice %arg14[%scan3A_704, %swap3A_979, %swap3A_980] : memref<3x64x128xf32, #tpu.memory_space<vmem>> -> memref<1x64x128xf32, #tpu.memory_space<vmem>>
        %swap3A_982 = tpu.memref_squeeze %swap3A_981 : memref<1x64x128xf32, #tpu.memory_space<vmem>> -> memref<64x128xf32, #tpu.memory_space<vmem>>
        %swap3A_983 = arith.index_cast %add3A_906 : i32 to index
        %swap3A_984 = arith.constant 64 : index
        %swap3A_985 = tpu.vector_load %swap3A_982[%swap3A_983, %swap3A_984] {strides = array<i32>} : memref<64x128xf32, #tpu.memory_space<vmem>>, vector<16xf32>,
        tpu.vector_store %swap3A_982[%swap3A_983, %swap3A_984], %mul3A_978 {strides = array<i32>} : memref<64x128xf32, #tpu.memory_space<vmem>>, vector<16xf32>,
        %get3A_986 = arith.constant 0 : i32
        %get3A_987 = arith.constant 0 : i32
        %get3A_988 = tpu.memref_slice %arg14[%scan3A_704, %get3A_986, %get3A_987] : memref<3x64x128xf32, #tpu.memory_space<vmem>> -> memref<1x64x128xf32, #tpu.memory_space<vmem>>
        %get3A_989 = tpu.memref_squeeze %get3A_988 : memref<1x64x128xf32, #tpu.memory_space<vmem>> -> memref<64x128xf32, #tpu.memory_space<vmem>>
        %get3A_990 = arith.index_cast %add3A_906 : i32 to index
        %get3A_991 = arith.constant 80 : index
        %get3A_992 = tpu.vector_load %get3A_989[%get3A_990, %get3A_991] {strides = array<i32>} : memref<64x128xf32, #tpu.memory_space<vmem>>, vector<16xf32>,
        %mul3A_993 = arith.mulf %get3A_992, %gather3A_910 : vector<16xf32>
        %swap3A_994 = arith.constant 0 : i32
        %swap3A_995 = arith.constant 0 : i32
        %swap3A_996 = tpu.memref_slice %arg14[%scan3A_704, %swap3A_994, %swap3A_995] : memref<3x64x128xf32, #tpu.memory_space<vmem>> -> memref<1x64x128xf32, #tpu.memory_space<vmem>>
        %swap3A_997 = tpu.memref_squeeze %swap3A_996 : memref<1x64x128xf32, #tpu.memory_space<vmem>> -> memref<64x128xf32, #tpu.memory_space<vmem>>
        %swap3A_998 = arith.index_cast %add3A_906 : i32 to index
        %swap3A_999 = arith.constant 80 : index
        %swap3A_1000 = tpu.vector_load %swap3A_997[%swap3A_998, %swap3A_999] {strides = array<i32>} : memref<64x128xf32, #tpu.memory_space<vmem>>, vector<16xf32>,
        tpu.vector_store %swap3A_997[%swap3A_998, %swap3A_999], %mul3A_993 {strides = array<i32>} : memref<64x128xf32, #tpu.memory_space<vmem>>, vector<16xf32>,
        %get3A_1001 = arith.constant 0 : i32
        %get3A_1002 = arith.constant 0 : i32
        %get3A_1003 = tpu.memref_slice %arg14[%scan3A_704, %get3A_1001, %get3A_1002] : memref<3x64x128xf32, #tpu.memory_space<vmem>> -> memref<1x64x128xf32, #tpu.memory_space<vmem>>
        %get3A_1004 = tpu.memref_squeeze %get3A_1003 : memref<1x64x128xf32, #tpu.memory_space<vmem>> -> memref<64x128xf32, #tpu.memory_space<vmem>>
        %get3A_1005 = arith.index_cast %add3A_906 : i32 to index
        %get3A_1006 = arith.constant 96 : index
        %get3A_1007 = tpu.vector_load %get3A_1004[%get3A_1005, %get3A_1006] {strides = array<i32>} : memref<64x128xf32, #tpu.memory_space<vmem>>, vector<16xf32>,
        %mul3A_1008 = arith.mulf %get3A_1007, %gather3A_910 : vector<16xf32>
        %swap3A_1009 = arith.constant 0 : i32
        %swap3A_1010 = arith.constant 0 : i32
        %swap3A_1011 = tpu.memref_slice %arg14[%scan3A_704, %swap3A_1009, %swap3A_1010] : memref<3x64x128xf32, #tpu.memory_space<vmem>> -> memref<1x64x128xf32, #tpu.memory_space<vmem>>
        %swap3A_1012 = tpu.memref_squeeze %swap3A_1011 : memref<1x64x128xf32, #tpu.memory_space<vmem>> -> memref<64x128xf32, #tpu.memory_space<vmem>>
        %swap3A_1013 = arith.index_cast %add3A_906 : i32 to index
        %swap3A_1014 = arith.constant 96 : index
        %swap3A_1015 = tpu.vector_load %swap3A_1012[%swap3A_1013, %swap3A_1014] {strides = array<i32>} : memref<64x128xf32, #tpu.memory_space<vmem>>, vector<16xf32>,
        tpu.vector_store %swap3A_1012[%swap3A_1013, %swap3A_1014], %mul3A_1008 {strides = array<i32>} : memref<64x128xf32, #tpu.memory_space<vmem>>, vector<16xf32>,
        %get3A_1016 = arith.constant 0 : i32
        %get3A_1017 = arith.constant 0 : i32
        %get3A_1018 = tpu.memref_slice %arg14[%scan3A_704, %get3A_1016, %get3A_1017] : memref<3x64x128xf32, #tpu.memory_space<vmem>> -> memref<1x64x128xf32, #tpu.memory_space<vmem>>
        %get3A_1019 = tpu.memref_squeeze %get3A_1018 : memref<1x64x128xf32, #tpu.memory_space<vmem>> -> memref<64x128xf32, #tpu.memory_space<vmem>>
        %get3A_1020 = arith.index_cast %add3A_906 : i32 to index
        %get3A_1021 = arith.constant 112 : index
        %get3A_1022 = tpu.vector_load %get3A_1019[%get3A_1020, %get3A_1021] {strides = array<i32>} : memref<64x128xf32, #tpu.memory_space<vmem>>, vector<16xf32>,
        %mul3A_1023 = arith.mulf %get3A_1022, %gather3A_910 : vector<16xf32>
        %swap3A_1024 = arith.constant 0 : i32
        %swap3A_1025 = arith.constant 0 : i32
        %swap3A_1026 = tpu.memref_slice %arg14[%scan3A_704, %swap3A_1024, %swap3A_1025] : memref<3x64x128xf32, #tpu.memory_space<vmem>> -> memref<1x64x128xf32, #tpu.memory_space<vmem>>
        %swap3A_1027 = tpu.memref_squeeze %swap3A_1026 : memref<1x64x128xf32, #tpu.memory_space<vmem>> -> memref<64x128xf32, #tpu.memory_space<vmem>>
        %swap3A_1028 = arith.index_cast %add3A_906 : i32 to index
        %swap3A_1029 = arith.constant 112 : index
        %swap3A_1030 = tpu.vector_load %swap3A_1027[%swap3A_1028, %swap3A_1029] {strides = array<i32>} : memref<64x128xf32, #tpu.memory_space<vmem>>, vector<16xf32>,
        tpu.vector_store %swap3A_1027[%swap3A_1028, %swap3A_1029], %mul3A_1023 {strides = array<i32>} : memref<64x128xf32, #tpu.memory_space<vmem>>, vector<16xf32>,
        %mul3A_1031 = arith.constant 2 : i32
        %mul3A_1032 = arith.muli %scan3A_902, %mul3A_1031 : i32
        %add3A_1033 = arith.constant 1 : i32
        %add3A_1034 = arith.addi %mul3A_1032, %add3A_1033 : i32
        %broadcast_in_dim3A_1035 = vector.broadcast %add3A_1034 : i32 to vector<16xi32>
        %gather3A_1036 = arith.constant 0 : i32
        %gather3A_1037 = tpu.memref_slice %arg13[%scan3A_703, %gather3A_1036] : memref<6x64xf32, #tpu.memory_space<vmem>> -> memref<1x64xf32, #tpu.memory_space<vmem>>
        %gather3A_1038 = tpu.memref_squeeze %gather3A_1037 : memref<1x64xf32, #tpu.memory_space<vmem>> -> memref<64xf32, #tpu.memory_space<vmem>>
        %gather3A_1039 = tpu.vector_load_idx %gather3A_1038[%broadcast_in_dim3A_1035] : memref<64xf32, #tpu.memory_space<vmem>>[vector<16xi32>], vector<16xf32>,
        %get3A_1040 = arith.constant 0 : i32
        %get3A_1041 = arith.constant 0 : i32
        %get3A_1042 = tpu.memref_slice %arg14[%scan3A_704, %get3A_1040, %get3A_1041] : memref<3x64x128xf32, #tpu.memory_space<vmem>> -> memref<1x64x128xf32, #tpu.memory_space<vmem>>
        %get3A_1043 = tpu.memref_squeeze %get3A_1042 : memref<1x64x128xf32, #tpu.memory_space<vmem>> -> memref<64x128xf32, #tpu.memory_space<vmem>>
        %get3A_1044 = arith.index_cast %add3A_1034 : i32 to index
        %get3A_1045 = arith.constant 0 : index
        %get3A_1046 = tpu.vector_load %get3A_1043[%get3A_1044, %get3A_1045] {strides = array<i32>} : memref<64x128xf32, #tpu.memory_space<vmem>>, vector<16xf32>,
        %mul3A_1047 = arith.mulf %get3A_1046, %gather3A_1039 : vector<16xf32>
        %swap3A_1048 = arith.constant 0 : i32
        %swap3A_1049 = arith.constant 0 : i32
        %swap3A_1050 = tpu.memref_slice %arg14[%scan3A_704, %swap3A_1048, %swap3A_1049] : memref<3x64x128xf32, #tpu.memory_space<vmem>> -> memref<1x64x128xf32, #tpu.memory_space<vmem>>
        %swap3A_1051 = tpu.memref_squeeze %swap3A_1050 : memref<1x64x128xf32, #tpu.memory_space<vmem>> -> memref<64x128xf32, #tpu.memory_space<vmem>>
        %swap3A_1052 = arith.index_cast %add3A_1034 : i32 to index
        %swap3A_1053 = arith.constant 0 : index
        %swap3A_1054 = tpu.vector_load %swap3A_1051[%swap3A_1052, %swap3A_1053] {strides = array<i32>} : memref<64x128xf32, #tpu.memory_space<vmem>>, vector<16xf32>,
        tpu.vector_store %swap3A_1051[%swap3A_1052, %swap3A_1053], %mul3A_1047 {strides = array<i32>} : memref<64x128xf32, #tpu.memory_space<vmem>>, vector<16xf32>,
        %get3A_1055 = arith.constant 0 : i32
        %get3A_1056 = arith.constant 0 : i32
        %get3A_1057 = tpu.memref_slice %arg14[%scan3A_704, %get3A_1055, %get3A_1056] : memref<3x64x128xf32, #tpu.memory_space<vmem>> -> memref<1x64x128xf32, #tpu.memory_space<vmem>>
        %get3A_1058 = tpu.memref_squeeze %get3A_1057 : memref<1x64x128xf32, #tpu.memory_space<vmem>> -> memref<64x128xf32, #tpu.memory_space<vmem>>
        %get3A_1059 = arith.index_cast %add3A_1034 : i32 to index
        %get3A_1060 = arith.constant 16 : index
        %get3A_1061 = tpu.vector_load %get3A_1058[%get3A_1059, %get3A_1060] {strides = array<i32>} : memref<64x128xf32, #tpu.memory_space<vmem>>, vector<16xf32>,
        %mul3A_1062 = arith.mulf %get3A_1061, %gather3A_1039 : vector<16xf32>
        %swap3A_1063 = arith.constant 0 : i32
        %swap3A_1064 = arith.constant 0 : i32
        %swap3A_1065 = tpu.memref_slice %arg14[%scan3A_704, %swap3A_1063, %swap3A_1064] : memref<3x64x128xf32, #tpu.memory_space<vmem>> -> memref<1x64x128xf32, #tpu.memory_space<vmem>>
        %swap3A_1066 = tpu.memref_squeeze %swap3A_1065 : memref<1x64x128xf32, #tpu.memory_space<vmem>> -> memref<64x128xf32, #tpu.memory_space<vmem>>
        %swap3A_1067 = arith.index_cast %add3A_1034 : i32 to index
        %swap3A_1068 = arith.constant 16 : index
        %swap3A_1069 = tpu.vector_load %swap3A_1066[%swap3A_1067, %swap3A_1068] {strides = array<i32>} : memref<64x128xf32, #tpu.memory_space<vmem>>, vector<16xf32>,
        tpu.vector_store %swap3A_1066[%swap3A_1067, %swap3A_1068], %mul3A_1062 {strides = array<i32>} : memref<64x128xf32, #tpu.memory_space<vmem>>, vector<16xf32>,
        %get3A_1070 = arith.constant 0 : i32
        %get3A_1071 = arith.constant 0 : i32
        %get3A_1072 = tpu.memref_slice %arg14[%scan3A_704, %get3A_1070, %get3A_1071] : memref<3x64x128xf32, #tpu.memory_space<vmem>> -> memref<1x64x128xf32, #tpu.memory_space<vmem>>
        %get3A_1073 = tpu.memref_squeeze %get3A_1072 : memref<1x64x128xf32, #tpu.memory_space<vmem>> -> memref<64x128xf32, #tpu.memory_space<vmem>>
        %get3A_1074 = arith.index_cast %add3A_1034 : i32 to index
        %get3A_1075 = arith.constant 32 : index
        %get3A_1076 = tpu.vector_load %get3A_1073[%get3A_1074, %get3A_1075] {strides = array<i32>} : memref<64x128xf32, #tpu.memory_space<vmem>>, vector<16xf32>,
        %mul3A_1077 = arith.mulf %get3A_1076, %gather3A_1039 : vector<16xf32>
        %swap3A_1078 = arith.constant 0 : i32
        %swap3A_1079 = arith.constant 0 : i32
        %swap3A_1080 = tpu.memref_slice %arg14[%scan3A_704, %swap3A_1078, %swap3A_1079] : memref<3x64x128xf32, #tpu.memory_space<vmem>> -> memref<1x64x128xf32, #tpu.memory_space<vmem>>
        %swap3A_1081 = tpu.memref_squeeze %swap3A_1080 : memref<1x64x128xf32, #tpu.memory_space<vmem>> -> memref<64x128xf32, #tpu.memory_space<vmem>>
        %swap3A_1082 = arith.index_cast %add3A_1034 : i32 to index
        %swap3A_1083 = arith.constant 32 : index
        %swap3A_1084 = tpu.vector_load %swap3A_1081[%swap3A_1082, %swap3A_1083] {strides = array<i32>} : memref<64x128xf32, #tpu.memory_space<vmem>>, vector<16xf32>,
        tpu.vector_store %swap3A_1081[%swap3A_1082, %swap3A_1083], %mul3A_1077 {strides = array<i32>} : memref<64x128xf32, #tpu.memory_space<vmem>>, vector<16xf32>,
        %get3A_1085 = arith.constant 0 : i32
        %get3A_1086 = arith.constant 0 : i32
        %get3A_1087 = tpu.memref_slice %arg14[%scan3A_704, %get3A_1085, %get3A_1086] : memref<3x64x128xf32, #tpu.memory_space<vmem>> -> memref<1x64x128xf32, #tpu.memory_space<vmem>>
        %get3A_1088 = tpu.memref_squeeze %get3A_1087 : memref<1x64x128xf32, #tpu.memory_space<vmem>> -> memref<64x128xf32, #tpu.memory_space<vmem>>
        %get3A_1089 = arith.index_cast %add3A_1034 : i32 to index
        %get3A_1090 = arith.constant 48 : index
        %get3A_1091 = tpu.vector_load %get3A_1088[%get3A_1089, %get3A_1090] {strides = array<i32>} : memref<64x128xf32, #tpu.memory_space<vmem>>, vector<16xf32>,
        %mul3A_1092 = arith.mulf %get3A_1091, %gather3A_1039 : vector<16xf32>
        %swap3A_1093 = arith.constant 0 : i32
        %swap3A_1094 = arith.constant 0 : i32
        %swap3A_1095 = tpu.memref_slice %arg14[%scan3A_704, %swap3A_1093, %swap3A_1094] : memref<3x64x128xf32, #tpu.memory_space<vmem>> -> memref<1x64x128xf32, #tpu.memory_space<vmem>>
        %swap3A_1096 = tpu.memref_squeeze %swap3A_1095 : memref<1x64x128xf32, #tpu.memory_space<vmem>> -> memref<64x128xf32, #tpu.memory_space<vmem>>
        %swap3A_1097 = arith.index_cast %add3A_1034 : i32 to index
        %swap3A_1098 = arith.constant 48 : index
        %swap3A_1099 = tpu.vector_load %swap3A_1096[%swap3A_1097, %swap3A_1098] {strides = array<i32>} : memref<64x128xf32, #tpu.memory_space<vmem>>, vector<16xf32>,
        tpu.vector_store %swap3A_1096[%swap3A_1097, %swap3A_1098], %mul3A_1092 {strides = array<i32>} : memref<64x128xf32, #tpu.memory_space<vmem>>, vector<16xf32>,
        %get3A_1100 = arith.constant 0 : i32
        %get3A_1101 = arith.constant 0 : i32
        %get3A_1102 = tpu.memref_slice %arg14[%scan3A_704, %get3A_1100, %get3A_1101] : memref<3x64x128xf32, #tpu.memory_space<vmem>> -> memref<1x64x128xf32, #tpu.memory_space<vmem>>
        %get3A_1103 = tpu.memref_squeeze %get3A_1102 : memref<1x64x128xf32, #tpu.memory_space<vmem>> -> memref<64x128xf32, #tpu.memory_space<vmem>>
        %get3A_1104 = arith.index_cast %add3A_1034 : i32 to index
        %get3A_1105 = arith.constant 64 : index
        %get3A_1106 = tpu.vector_load %get3A_1103[%get3A_1104, %get3A_1105] {strides = array<i32>} : memref<64x128xf32, #tpu.memory_space<vmem>>, vector<16xf32>,
        %mul3A_1107 = arith.mulf %get3A_1106, %gather3A_1039 : vector<16xf32>
        %swap3A_1108 = arith.constant 0 : i32
        %swap3A_1109 = arith.constant 0 : i32
        %swap3A_1110 = tpu.memref_slice %arg14[%scan3A_704, %swap3A_1108, %swap3A_1109] : memref<3x64x128xf32, #tpu.memory_space<vmem>> -> memref<1x64x128xf32, #tpu.memory_space<vmem>>
        %swap3A_1111 = tpu.memref_squeeze %swap3A_1110 : memref<1x64x128xf32, #tpu.memory_space<vmem>> -> memref<64x128xf32, #tpu.memory_space<vmem>>
        %swap3A_1112 = arith.index_cast %add3A_1034 : i32 to index
        %swap3A_1113 = arith.constant 64 : index
        %swap3A_1114 = tpu.vector_load %swap3A_1111[%swap3A_1112, %swap3A_1113] {strides = array<i32>} : memref<64x128xf32, #tpu.memory_space<vmem>>, vector<16xf32>,
        tpu.vector_store %swap3A_1111[%swap3A_1112, %swap3A_1113], %mul3A_1107 {strides = array<i32>} : memref<64x128xf32, #tpu.memory_space<vmem>>, vector<16xf32>,
        %get3A_1115 = arith.constant 0 : i32
        %get3A_1116 = arith.constant 0 : i32
        %get3A_1117 = tpu.memref_slice %arg14[%scan3A_704, %get3A_1115, %get3A_1116] : memref<3x64x128xf32, #tpu.memory_space<vmem>> -> memref<1x64x128xf32, #tpu.memory_space<vmem>>
        %get3A_1118 = tpu.memref_squeeze %get3A_1117 : memref<1x64x128xf32, #tpu.memory_space<vmem>> -> memref<64x128xf32, #tpu.memory_space<vmem>>
        %get3A_1119 = arith.index_cast %add3A_1034 : i32 to index
        %get3A_1120 = arith.constant 80 : index
        %get3A_1121 = tpu.vector_load %get3A_1118[%get3A_1119, %get3A_1120] {strides = array<i32>} : memref<64x128xf32, #tpu.memory_space<vmem>>, vector<16xf32>,
        %mul3A_1122 = arith.mulf %get3A_1121, %gather3A_1039 : vector<16xf32>
        %swap3A_1123 = arith.constant 0 : i32
        %swap3A_1124 = arith.constant 0 : i32
        %swap3A_1125 = tpu.memref_slice %arg14[%scan3A_704, %swap3A_1123, %swap3A_1124] : memref<3x64x128xf32, #tpu.memory_space<vmem>> -> memref<1x64x128xf32, #tpu.memory_space<vmem>>
        %swap3A_1126 = tpu.memref_squeeze %swap3A_1125 : memref<1x64x128xf32, #tpu.memory_space<vmem>> -> memref<64x128xf32, #tpu.memory_space<vmem>>
        %swap3A_1127 = arith.index_cast %add3A_1034 : i32 to index
        %swap3A_1128 = arith.constant 80 : index
        %swap3A_1129 = tpu.vector_load %swap3A_1126[%swap3A_1127, %swap3A_1128] {strides = array<i32>} : memref<64x128xf32, #tpu.memory_space<vmem>>, vector<16xf32>,
        tpu.vector_store %swap3A_1126[%swap3A_1127, %swap3A_1128], %mul3A_1122 {strides = array<i32>} : memref<64x128xf32, #tpu.memory_space<vmem>>, vector<16xf32>,
        %get3A_1130 = arith.constant 0 : i32
        %get3A_1131 = arith.constant 0 : i32
        %get3A_1132 = tpu.memref_slice %arg14[%scan3A_704, %get3A_1130, %get3A_1131] : memref<3x64x128xf32, #tpu.memory_space<vmem>> -> memref<1x64x128xf32, #tpu.memory_space<vmem>>
        %get3A_1133 = tpu.memref_squeeze %get3A_1132 : memref<1x64x128xf32, #tpu.memory_space<vmem>> -> memref<64x128xf32, #tpu.memory_space<vmem>>
        %get3A_1134 = arith.index_cast %add3A_1034 : i32 to index
        %get3A_1135 = arith.constant 96 : index
        %get3A_1136 = tpu.vector_load %get3A_1133[%get3A_1134, %get3A_1135] {strides = array<i32>} : memref<64x128xf32, #tpu.memory_space<vmem>>, vector<16xf32>,
        %mul3A_1137 = arith.mulf %get3A_1136, %gather3A_1039 : vector<16xf32>
        %swap3A_1138 = arith.constant 0 : i32
        %swap3A_1139 = arith.constant 0 : i32
        %swap3A_1140 = tpu.memref_slice %arg14[%scan3A_704, %swap3A_1138, %swap3A_1139] : memref<3x64x128xf32, #tpu.memory_space<vmem>> -> memref<1x64x128xf32, #tpu.memory_space<vmem>>
        %swap3A_1141 = tpu.memref_squeeze %swap3A_1140 : memref<1x64x128xf32, #tpu.memory_space<vmem>> -> memref<64x128xf32, #tpu.memory_space<vmem>>
        %swap3A_1142 = arith.index_cast %add3A_1034 : i32 to index
        %swap3A_1143 = arith.constant 96 : index
        %swap3A_1144 = tpu.vector_load %swap3A_1141[%swap3A_1142, %swap3A_1143] {strides = array<i32>} : memref<64x128xf32, #tpu.memory_space<vmem>>, vector<16xf32>,
        tpu.vector_store %swap3A_1141[%swap3A_1142, %swap3A_1143], %mul3A_1137 {strides = array<i32>} : memref<64x128xf32, #tpu.memory_space<vmem>>, vector<16xf32>,
        %get3A_1145 = arith.constant 0 : i32
        %get3A_1146 = arith.constant 0 : i32
        %get3A_1147 = tpu.memref_slice %arg14[%scan3A_704, %get3A_1145, %get3A_1146] : memref<3x64x128xf32, #tpu.memory_space<vmem>> -> memref<1x64x128xf32, #tpu.memory_space<vmem>>
        %get3A_1148 = tpu.memref_squeeze %get3A_1147 : memref<1x64x128xf32, #tpu.memory_space<vmem>> -> memref<64x128xf32, #tpu.memory_space<vmem>>
        %get3A_1149 = arith.index_cast %add3A_1034 : i32 to index
        %get3A_1150 = arith.constant 112 : index
        %get3A_1151 = tpu.vector_load %get3A_1148[%get3A_1149, %get3A_1150] {strides = array<i32>} : memref<64x128xf32, #tpu.memory_space<vmem>>, vector<16xf32>,
        %mul3A_1152 = arith.mulf %get3A_1151, %gather3A_1039 : vector<16xf32>
        %swap3A_1153 = arith.constant 0 : i32
        %swap3A_1154 = arith.constant 0 : i32
        %swap3A_1155 = tpu.memref_slice %arg14[%scan3A_704, %swap3A_1153, %swap3A_1154] : memref<3x64x128xf32, #tpu.memory_space<vmem>> -> memref<1x64x128xf32, #tpu.memory_space<vmem>>
        %swap3A_1156 = tpu.memref_squeeze %swap3A_1155 : memref<1x64x128xf32, #tpu.memory_space<vmem>> -> memref<64x128xf32, #tpu.memory_space<vmem>>
        %swap3A_1157 = arith.index_cast %add3A_1034 : i32 to index
        %swap3A_1158 = arith.constant 112 : index
        %swap3A_1159 = tpu.vector_load %swap3A_1156[%swap3A_1157, %swap3A_1158] {strides = array<i32>} : memref<64x128xf32, #tpu.memory_space<vmem>>, vector<16xf32>,
        tpu.vector_store %swap3A_1156[%swap3A_1157, %swap3A_1158], %mul3A_1152 {strides = array<i32>} : memref<64x128xf32, #tpu.memory_space<vmem>>, vector<16xf32>,
      }
      %scan3A_709 = arith.constant 32 : i32
      %dma_start3A_710 = arith.constant 2 : i32
      %dma_start3A_711 = arith.constant 2 : i32
      %dma_start3A_712 = arith.constant 0 : i32
      %dma_start3A_713 = arith.constant 0 : i32
      %dma_start3A_714 = tpu.memref_slice %arg14[%dma_start3A_710, %dma_start3A_712, %dma_start3A_713] : memref<3x64x128xf32, #tpu.memory_space<vmem>> -> memref<1x64x128xf32, #tpu.memory_space<vmem>>
      %dma_start3A_715 = tpu.memref_squeeze %dma_start3A_714 : memref<1x64x128xf32, #tpu.memory_space<vmem>> -> memref<64x128xf32, #tpu.memory_space<vmem>>
      %dma_start3A_716 = arith.constant 0 : i32
      %dma_start3A_717 = tpu.memref_slice %arg12[%dma_start3A_711, %dma_start3A_716] : memref<6x64xi32, #tpu.memory_space<vmem>> -> memref<1x64xi32, #tpu.memory_space<vmem>>
      %dma_start3A_718 = tpu.memref_squeeze %dma_start3A_717 : memref<1x64xi32, #tpu.memory_space<vmem>> -> memref<64xi32, #tpu.memory_space<vmem>>
      %dma_start3A_719 = arith.constant 0 : i32
      %dma_start3A_720 = arith.constant 0 : i32
      %dma_start3A_721 = tpu.memref_slice %arg15[%dma_start3A_719, %dma_start3A_720] : memref<10240x128xf32, #tpu.memory_space<vmem_shared>> -> memref<10240x128xf32, #tpu.memory_space<vmem_shared>>
      tpu.enqueue_indirect_dma source(%dma_start3A_715 : memref<64x128xf32, #tpu.memory_space<vmem>>) target(%dma_start3A_721 : memref<10240x128xf32, #tpu.memory_space<vmem_shared>>) offsets(%dma_start3A_718 : memref<64xi32, #tpu.memory_space<vmem>>) semaphore(%arg21 : memref<!tpu.dma_semaphore, #tpu.memory_space<semaphore_mem>>) {add = true}
      %dma_wait3A_722 = arith.constant 1 : i32
      %dma_wait3A_723 = arith.constant 1 : i32
      %dma_wait3A_724 = arith.constant 0 : i32
      %dma_wait3A_725 = arith.constant 0 : i32
      %dma_wait3A_726 = tpu.memref_slice %arg14[%dma_wait3A_722, %dma_wait3A_724, %dma_wait3A_725] : memref<3x64x128xf32, #tpu.memory_space<vmem>> -> memref<1x64x128xf32, #tpu.memory_space<vmem>>
      %dma_wait3A_727 = tpu.memref_squeeze %dma_wait3A_726 : memref<1x64x128xf32, #tpu.memory_space<vmem>> -> memref<64x128xf32, #tpu.memory_space<vmem>>
      %dma_wait3A_728 = arith.constant 0 : i32
      %dma_wait3A_729 = tpu.memref_slice %arg12[%dma_wait3A_723, %dma_wait3A_728] : memref<6x64xi32, #tpu.memory_space<vmem>> -> memref<1x64xi32, #tpu.memory_space<vmem>>
      %dma_wait3A_730 = tpu.memref_squeeze %dma_wait3A_729 : memref<1x64xi32, #tpu.memory_space<vmem>> -> memref<64xi32, #tpu.memory_space<vmem>>
      %dma_wait3A_731 = arith.constant 0 : i32
      %dma_wait3A_732 = arith.constant 0 : i32
      %dma_wait3A_733 = tpu.memref_slice %arg15[%dma_wait3A_731, %dma_wait3A_732] : memref<10240x128xf32, #tpu.memory_space<vmem_shared>> -> memref<10240x128xf32, #tpu.memory_space<vmem_shared>>
      tpu.wait_indirect_dma semaphore(%arg20 : memref<!tpu.dma_semaphore, #tpu.memory_space<semaphore_mem>>) src(%dma_wait3A_727 : memref<64x128xf32, #tpu.memory_space<vmem>>) dst(%dma_wait3A_733 : memref<10240x128xf32, #tpu.memory_space<vmem_shared>>)
      %dma_start3A_734 = arith.constant 4 : i32
      %dma_start3A_735 = arith.constant 1 : i32
      %dma_start3A_736 = arith.constant 0 : i32
      %dma_start3A_737 = arith.constant 0 : i32
      %dma_start3A_738 = tpu.memref_slice %arg14[%dma_start3A_735, %dma_start3A_736, %dma_start3A_737] : memref<3x64x128xf32, #tpu.memory_space<vmem>> -> memref<1x64x128xf32, #tpu.memory_space<vmem>>
      %dma_start3A_739 = tpu.memref_squeeze %dma_start3A_738 : memref<1x64x128xf32, #tpu.memory_space<vmem>> -> memref<64x128xf32, #tpu.memory_space<vmem>>
      %dma_start3A_740 = arith.constant 0 : i32
      %dma_start3A_741 = tpu.memref_slice %arg11[%dma_start3A_734, %dma_start3A_740] : memref<6x64xi32, #tpu.memory_space<vmem>> -> memref<1x64xi32, #tpu.memory_space<vmem>>
      %dma_start3A_742 = tpu.memref_squeeze %dma_start3A_741 : memref<1x64xi32, #tpu.memory_space<vmem>> -> memref<64xi32, #tpu.memory_space<vmem>>
      %dma_start3A_743 = arith.constant 0 : i32
      %dma_start3A_744 = arith.constant 0 : i32
      %dma_start3A_745 = tpu.memref_slice %arg6[%dma_start3A_743, %dma_start3A_744] : memref<10240x128xf32, #tpu.memory_space<hbm>> -> memref<10240x128xf32, #tpu.memory_space<hbm>>
      tpu.enqueue_indirect_dma source(%dma_start3A_745 : memref<10240x128xf32, #tpu.memory_space<hbm>>) target(%dma_start3A_739 : memref<64x128xf32, #tpu.memory_space<vmem>>) offsets(%dma_start3A_742 : memref<64xi32, #tpu.memory_space<vmem>>) semaphore(%arg17 : memref<!tpu.dma_semaphore, #tpu.memory_space<semaphore_mem>>)
      %dma_wait3A_746 = arith.constant 3 : i32
      %dma_wait3A_747 = arith.constant 0 : i32
      %dma_wait3A_748 = arith.constant 0 : i32
      %dma_wait3A_749 = arith.constant 0 : i32
      %dma_wait3A_750 = tpu.memref_slice %arg14[%dma_wait3A_747, %dma_wait3A_748, %dma_wait3A_749] : memref<3x64x128xf32, #tpu.memory_space<vmem>> -> memref<1x64x128xf32, #tpu.memory_space<vmem>>
      %dma_wait3A_751 = tpu.memref_squeeze %dma_wait3A_750 : memref<1x64x128xf32, #tpu.memory_space<vmem>> -> memref<64x128xf32, #tpu.memory_space<vmem>>
      %dma_wait3A_752 = arith.constant 0 : i32
      %dma_wait3A_753 = tpu.memref_slice %arg11[%dma_wait3A_746, %dma_wait3A_752] : memref<6x64xi32, #tpu.memory_space<vmem>> -> memref<1x64xi32, #tpu.memory_space<vmem>>
      %dma_wait3A_754 = tpu.memref_squeeze %dma_wait3A_753 : memref<1x64xi32, #tpu.memory_space<vmem>> -> memref<64xi32, #tpu.memory_space<vmem>>
      %dma_wait3A_755 = arith.constant 0 : i32
      %dma_wait3A_756 = arith.constant 0 : i32
      %dma_wait3A_757 = tpu.memref_slice %arg6[%dma_wait3A_755, %dma_wait3A_756] : memref<10240x128xf32, #tpu.memory_space<hbm>> -> memref<10240x128xf32, #tpu.memory_space<hbm>>
      tpu.wait_indirect_dma semaphore(%arg16 : memref<!tpu.dma_semaphore, #tpu.memory_space<semaphore_mem>>) src(%dma_wait3A_757 : memref<10240x128xf32, #tpu.memory_space<hbm>>) dst(%dma_wait3A_751 : memref<64x128xf32, #tpu.memory_space<vmem>>)
      %scan3A_758 = arith.constant 0 : i32
      %scan3A_759 = arith.constant 3 : i32
      %scan3A_760 = arith.constant 0 : i32
      %scan3A_761 = arith.constant 0 : i32
      %scan3A_762 = arith.constant 32 : i32
      %scan3A_763 = arith.addi %scan3A_761, %scan3A_762 : i32
      %scan3A_764 = arith.constant 1 : i32
      scf.for %scan3A_902 = %scan3A_761 to %scan3A_763 step %scan3A_764  : i32 {
        %mul3A_903 = arith.constant 2 : i32
        %mul3A_904 = arith.muli %scan3A_902, %mul3A_903 : i32
        %add3A_905 = arith.constant 0 : i32
        %add3A_906 = arith.addi %mul3A_904, %add3A_905 : i32
        %broadcast_in_dim3A = vector.broadcast %add3A_906 : i32 to vector<16xi32>
        %gather3A_907 = arith.constant 0 : i32
        %gather3A_908 = tpu.memref_slice %arg13[%scan3A_759, %gather3A_907] : memref<6x64xf32, #tpu.memory_space<vmem>> -> memref<1x64xf32, #tpu.memory_space<vmem>>
        %gather3A_909 = tpu.memref_squeeze %gather3A_908 : memref<1x64xf32, #tpu.memory_space<vmem>> -> memref<64xf32, #tpu.memory_space<vmem>>
        %gather3A_910 = tpu.vector_load_idx %gather3A_909[%broadcast_in_dim3A] : memref<64xf32, #tpu.memory_space<vmem>>[vector<16xi32>], vector<16xf32>,
        %get3A_911 = arith.constant 0 : i32
        %get3A_912 = arith.constant 0 : i32
        %get3A_913 = tpu.memref_slice %arg14[%scan3A_760, %get3A_911, %get3A_912] : memref<3x64x128xf32, #tpu.memory_space<vmem>> -> memref<1x64x128xf32, #tpu.memory_space<vmem>>
        %get3A_914 = tpu.memref_squeeze %get3A_913 : memref<1x64x128xf32, #tpu.memory_space<vmem>> -> memref<64x128xf32, #tpu.memory_space<vmem>>
        %get3A_915 = arith.index_cast %add3A_906 : i32 to index
        %get3A_916 = arith.constant 0 : index
        %get3A_917 = tpu.vector_load %get3A_914[%get3A_915, %get3A_916] {strides = array<i32>} : memref<64x128xf32, #tpu.memory_space<vmem>>, vector<16xf32>,
        %mul3A_918 = arith.mulf %get3A_917, %gather3A_910 : vector<16xf32>
        %swap3A_919 = arith.constant 0 : i32
        %swap3A_920 = arith.constant 0 : i32
        %swap3A_921 = tpu.memref_slice %arg14[%scan3A_760, %swap3A_919, %swap3A_920] : memref<3x64x128xf32, #tpu.memory_space<vmem>> -> memref<1x64x128xf32, #tpu.memory_space<vmem>>
        %swap3A_922 = tpu.memref_squeeze %swap3A_921 : memref<1x64x128xf32, #tpu.memory_space<vmem>> -> memref<64x128xf32, #tpu.memory_space<vmem>>
        %swap3A_923 = arith.index_cast %add3A_906 : i32 to index
        %swap3A_924 = arith.constant 0 : index
        %swap3A_925 = tpu.vector_load %swap3A_922[%swap3A_923, %swap3A_924] {strides = array<i32>} : memref<64x128xf32, #tpu.memory_space<vmem>>, vector<16xf32>,
        tpu.vector_store %swap3A_922[%swap3A_923, %swap3A_924], %mul3A_918 {strides = array<i32>} : memref<64x128xf32, #tpu.memory_space<vmem>>, vector<16xf32>,
        %get3A_926 = arith.constant 0 : i32
        %get3A_927 = arith.constant 0 : i32
        %get3A_928 = tpu.memref_slice %arg14[%scan3A_760, %get3A_926, %get3A_927] : memref<3x64x128xf32, #tpu.memory_space<vmem>> -> memref<1x64x128xf32, #tpu.memory_space<vmem>>
        %get3A_929 = tpu.memref_squeeze %get3A_928 : memref<1x64x128xf32, #tpu.memory_space<vmem>> -> memref<64x128xf32, #tpu.memory_space<vmem>>
        %get3A_930 = arith.index_cast %add3A_906 : i32 to index
        %get3A_931 = arith.constant 16 : index
        %get3A_932 = tpu.vector_load %get3A_929[%get3A_930, %get3A_931] {strides = array<i32>} : memref<64x128xf32, #tpu.memory_space<vmem>>, vector<16xf32>,
        %mul3A_933 = arith.mulf %get3A_932, %gather3A_910 : vector<16xf32>
        %swap3A_934 = arith.constant 0 : i32
        %swap3A_935 = arith.constant 0 : i32
        %swap3A_936 = tpu.memref_slice %arg14[%scan3A_760, %swap3A_934, %swap3A_935] : memref<3x64x128xf32, #tpu.memory_space<vmem>> -> memref<1x64x128xf32, #tpu.memory_space<vmem>>
        %swap3A_937 = tpu.memref_squeeze %swap3A_936 : memref<1x64x128xf32, #tpu.memory_space<vmem>> -> memref<64x128xf32, #tpu.memory_space<vmem>>
        %swap3A_938 = arith.index_cast %add3A_906 : i32 to index
        %swap3A_939 = arith.constant 16 : index
        %swap3A_940 = tpu.vector_load %swap3A_937[%swap3A_938, %swap3A_939] {strides = array<i32>} : memref<64x128xf32, #tpu.memory_space<vmem>>, vector<16xf32>,
        tpu.vector_store %swap3A_937[%swap3A_938, %swap3A_939], %mul3A_933 {strides = array<i32>} : memref<64x128xf32, #tpu.memory_space<vmem>>, vector<16xf32>,
        %get3A_941 = arith.constant 0 : i32
        %get3A_942 = arith.constant 0 : i32
        %get3A_943 = tpu.memref_slice %arg14[%scan3A_760, %get3A_941, %get3A_942] : memref<3x64x128xf32, #tpu.memory_space<vmem>> -> memref<1x64x128xf32, #tpu.memory_space<vmem>>
        %get3A_944 = tpu.memref_squeeze %get3A_943 : memref<1x64x128xf32, #tpu.memory_space<vmem>> -> memref<64x128xf32, #tpu.memory_space<vmem>>
        %get3A_945 = arith.index_cast %add3A_906 : i32 to index
        %get3A_946 = arith.constant 32 : index
        %get3A_947 = tpu.vector_load %get3A_944[%get3A_945, %get3A_946] {strides = array<i32>} : memref<64x128xf32, #tpu.memory_space<vmem>>, vector<16xf32>,
        %mul3A_948 = arith.mulf %get3A_947, %gather3A_910 : vector<16xf32>
        %swap3A_949 = arith.constant 0 : i32
        %swap3A_950 = arith.constant 0 : i32
        %swap3A_951 = tpu.memref_slice %arg14[%scan3A_760, %swap3A_949, %swap3A_950] : memref<3x64x128xf32, #tpu.memory_space<vmem>> -> memref<1x64x128xf32, #tpu.memory_space<vmem>>
        %swap3A_952 = tpu.memref_squeeze %swap3A_951 : memref<1x64x128xf32, #tpu.memory_space<vmem>> -> memref<64x128xf32, #tpu.memory_space<vmem>>
        %swap3A_953 = arith.index_cast %add3A_906 : i32 to index
        %swap3A_954 = arith.constant 32 : index
        %swap3A_955 = tpu.vector_load %swap3A_952[%swap3A_953, %swap3A_954] {strides = array<i32>} : memref<64x128xf32, #tpu.memory_space<vmem>>, vector<16xf32>,
        tpu.vector_store %swap3A_952[%swap3A_953, %swap3A_954], %mul3A_948 {strides = array<i32>} : memref<64x128xf32, #tpu.memory_space<vmem>>, vector<16xf32>,
        %get3A_956 = arith.constant 0 : i32
        %get3A_957 = arith.constant 0 : i32
        %get3A_958 = tpu.memref_slice %arg14[%scan3A_760, %get3A_956, %get3A_957] : memref<3x64x128xf32, #tpu.memory_space<vmem>> -> memref<1x64x128xf32, #tpu.memory_space<vmem>>
        %get3A_959 = tpu.memref_squeeze %get3A_958 : memref<1x64x128xf32, #tpu.memory_space<vmem>> -> memref<64x128xf32, #tpu.memory_space<vmem>>
        %get3A_960 = arith.index_cast %add3A_906 : i32 to index
        %get3A_961 = arith.constant 48 : index
        %get3A_962 = tpu.vector_load %get3A_959[%get3A_960, %get3A_961] {strides = array<i32>} : memref<64x128xf32, #tpu.memory_space<vmem>>, vector<16xf32>,
        %mul3A_963 = arith.mulf %get3A_962, %gather3A_910 : vector<16xf32>
        %swap3A_964 = arith.constant 0 : i32
        %swap3A_965 = arith.constant 0 : i32
        %swap3A_966 = tpu.memref_slice %arg14[%scan3A_760, %swap3A_964, %swap3A_965] : memref<3x64x128xf32, #tpu.memory_space<vmem>> -> memref<1x64x128xf32, #tpu.memory_space<vmem>>
        %swap3A_967 = tpu.memref_squeeze %swap3A_966 : memref<1x64x128xf32, #tpu.memory_space<vmem>> -> memref<64x128xf32, #tpu.memory_space<vmem>>
        %swap3A_968 = arith.index_cast %add3A_906 : i32 to index
        %swap3A_969 = arith.constant 48 : index
        %swap3A_970 = tpu.vector_load %swap3A_967[%swap3A_968, %swap3A_969] {strides = array<i32>} : memref<64x128xf32, #tpu.memory_space<vmem>>, vector<16xf32>,
        tpu.vector_store %swap3A_967[%swap3A_968, %swap3A_969], %mul3A_963 {strides = array<i32>} : memref<64x128xf32, #tpu.memory_space<vmem>>, vector<16xf32>,
        %get3A_971 = arith.constant 0 : i32
        %get3A_972 = arith.constant 0 : i32
        %get3A_973 = tpu.memref_slice %arg14[%scan3A_760, %get3A_971, %get3A_972] : memref<3x64x128xf32, #tpu.memory_space<vmem>> -> memref<1x64x128xf32, #tpu.memory_space<vmem>>
        %get3A_974 = tpu.memref_squeeze %get3A_973 : memref<1x64x128xf32, #tpu.memory_space<vmem>> -> memref<64x128xf32, #tpu.memory_space<vmem>>
        %get3A_975 = arith.index_cast %add3A_906 : i32 to index
        %get3A_976 = arith.constant 64 : index
        %get3A_977 = tpu.vector_load %get3A_974[%get3A_975, %get3A_976] {strides = array<i32>} : memref<64x128xf32, #tpu.memory_space<vmem>>, vector<16xf32>,
        %mul3A_978 = arith.mulf %get3A_977, %gather3A_910 : vector<16xf32>
        %swap3A_979 = arith.constant 0 : i32
        %swap3A_980 = arith.constant 0 : i32
        %swap3A_981 = tpu.memref_slice %arg14[%scan3A_760, %swap3A_979, %swap3A_980] : memref<3x64x128xf32, #tpu.memory_space<vmem>> -> memref<1x64x128xf32, #tpu.memory_space<vmem>>
        %swap3A_982 = tpu.memref_squeeze %swap3A_981 : memref<1x64x128xf32, #tpu.memory_space<vmem>> -> memref<64x128xf32, #tpu.memory_space<vmem>>
        %swap3A_983 = arith.index_cast %add3A_906 : i32 to index
        %swap3A_984 = arith.constant 64 : index
        %swap3A_985 = tpu.vector_load %swap3A_982[%swap3A_983, %swap3A_984] {strides = array<i32>} : memref<64x128xf32, #tpu.memory_space<vmem>>, vector<16xf32>,
        tpu.vector_store %swap3A_982[%swap3A_983, %swap3A_984], %mul3A_978 {strides = array<i32>} : memref<64x128xf32, #tpu.memory_space<vmem>>, vector<16xf32>,
        %get3A_986 = arith.constant 0 : i32
        %get3A_987 = arith.constant 0 : i32
        %get3A_988 = tpu.memref_slice %arg14[%scan3A_760, %get3A_986, %get3A_987] : memref<3x64x128xf32, #tpu.memory_space<vmem>> -> memref<1x64x128xf32, #tpu.memory_space<vmem>>
        %get3A_989 = tpu.memref_squeeze %get3A_988 : memref<1x64x128xf32, #tpu.memory_space<vmem>> -> memref<64x128xf32, #tpu.memory_space<vmem>>
        %get3A_990 = arith.index_cast %add3A_906 : i32 to index
        %get3A_991 = arith.constant 80 : index
        %get3A_992 = tpu.vector_load %get3A_989[%get3A_990, %get3A_991] {strides = array<i32>} : memref<64x128xf32, #tpu.memory_space<vmem>>, vector<16xf32>,
        %mul3A_993 = arith.mulf %get3A_992, %gather3A_910 : vector<16xf32>
        %swap3A_994 = arith.constant 0 : i32
        %swap3A_995 = arith.constant 0 : i32
        %swap3A_996 = tpu.memref_slice %arg14[%scan3A_760, %swap3A_994, %swap3A_995] : memref<3x64x128xf32, #tpu.memory_space<vmem>> -> memref<1x64x128xf32, #tpu.memory_space<vmem>>
        %swap3A_997 = tpu.memref_squeeze %swap3A_996 : memref<1x64x128xf32, #tpu.memory_space<vmem>> -> memref<64x128xf32, #tpu.memory_space<vmem>>
        %swap3A_998 = arith.index_cast %add3A_906 : i32 to index
        %swap3A_999 = arith.constant 80 : index
        %swap3A_1000 = tpu.vector_load %swap3A_997[%swap3A_998, %swap3A_999] {strides = array<i32>} : memref<64x128xf32, #tpu.memory_space<vmem>>, vector<16xf32>,
        tpu.vector_store %swap3A_997[%swap3A_998, %swap3A_999], %mul3A_993 {strides = array<i32>} : memref<64x128xf32, #tpu.memory_space<vmem>>, vector<16xf32>,
        %get3A_1001 = arith.constant 0 : i32
        %get3A_1002 = arith.constant 0 : i32
        %get3A_1003 = tpu.memref_slice %arg14[%scan3A_760, %get3A_1001, %get3A_1002] : memref<3x64x128xf32, #tpu.memory_space<vmem>> -> memref<1x64x128xf32, #tpu.memory_space<vmem>>
        %get3A_1004 = tpu.memref_squeeze %get3A_1003 : memref<1x64x128xf32, #tpu.memory_space<vmem>> -> memref<64x128xf32, #tpu.memory_space<vmem>>
        %get3A_1005 = arith.index_cast %add3A_906 : i32 to index
        %get3A_1006 = arith.constant 96 : index
        %get3A_1007 = tpu.vector_load %get3A_1004[%get3A_1005, %get3A_1006] {strides = array<i32>} : memref<64x128xf32, #tpu.memory_space<vmem>>, vector<16xf32>,
        %mul3A_1008 = arith.mulf %get3A_1007, %gather3A_910 : vector<16xf32>
        %swap3A_1009 = arith.constant 0 : i32
        %swap3A_1010 = arith.constant 0 : i32
        %swap3A_1011 = tpu.memref_slice %arg14[%scan3A_760, %swap3A_1009, %swap3A_1010] : memref<3x64x128xf32, #tpu.memory_space<vmem>> -> memref<1x64x128xf32, #tpu.memory_space<vmem>>
        %swap3A_1012 = tpu.memref_squeeze %swap3A_1011 : memref<1x64x128xf32, #tpu.memory_space<vmem>> -> memref<64x128xf32, #tpu.memory_space<vmem>>
        %swap3A_1013 = arith.index_cast %add3A_906 : i32 to index
        %swap3A_1014 = arith.constant 96 : index
        %swap3A_1015 = tpu.vector_load %swap3A_1012[%swap3A_1013, %swap3A_1014] {strides = array<i32>} : memref<64x128xf32, #tpu.memory_space<vmem>>, vector<16xf32>,
        tpu.vector_store %swap3A_1012[%swap3A_1013, %swap3A_1014], %mul3A_1008 {strides = array<i32>} : memref<64x128xf32, #tpu.memory_space<vmem>>, vector<16xf32>,
        %get3A_1016 = arith.constant 0 : i32
        %get3A_1017 = arith.constant 0 : i32
        %get3A_1018 = tpu.memref_slice %arg14[%scan3A_760, %get3A_1016, %get3A_1017] : memref<3x64x128xf32, #tpu.memory_space<vmem>> -> memref<1x64x128xf32, #tpu.memory_space<vmem>>
        %get3A_1019 = tpu.memref_squeeze %get3A_1018 : memref<1x64x128xf32, #tpu.memory_space<vmem>> -> memref<64x128xf32, #tpu.memory_space<vmem>>
        %get3A_1020 = arith.index_cast %add3A_906 : i32 to index
        %get3A_1021 = arith.constant 112 : index
        %get3A_1022 = tpu.vector_load %get3A_1019[%get3A_1020, %get3A_1021] {strides = array<i32>} : memref<64x128xf32, #tpu.memory_space<vmem>>, vector<16xf32>,
        %mul3A_1023 = arith.mulf %get3A_1022, %gather3A_910 : vector<16xf32>
        %swap3A_1024 = arith.constant 0 : i32
        %swap3A_1025 = arith.constant 0 : i32
        %swap3A_1026 = tpu.memref_slice %arg14[%scan3A_760, %swap3A_1024, %swap3A_1025] : memref<3x64x128xf32, #tpu.memory_space<vmem>> -> memref<1x64x128xf32, #tpu.memory_space<vmem>>
        %swap3A_1027 = tpu.memref_squeeze %swap3A_1026 : memref<1x64x128xf32, #tpu.memory_space<vmem>> -> memref<64x128xf32, #tpu.memory_space<vmem>>
        %swap3A_1028 = arith.index_cast %add3A_906 : i32 to index
        %swap3A_1029 = arith.constant 112 : index
        %swap3A_1030 = tpu.vector_load %swap3A_1027[%swap3A_1028, %swap3A_1029] {strides = array<i32>} : memref<64x128xf32, #tpu.memory_space<vmem>>, vector<16xf32>,
        tpu.vector_store %swap3A_1027[%swap3A_1028, %swap3A_1029], %mul3A_1023 {strides = array<i32>} : memref<64x128xf32, #tpu.memory_space<vmem>>, vector<16xf32>,
        %mul3A_1031 = arith.constant 2 : i32
        %mul3A_1032 = arith.muli %scan3A_902, %mul3A_1031 : i32
        %add3A_1033 = arith.constant 1 : i32
        %add3A_1034 = arith.addi %mul3A_1032, %add3A_1033 : i32
        %broadcast_in_dim3A_1035 = vector.broadcast %add3A_1034 : i32 to vector<16xi32>
        %gather3A_1036 = arith.constant 0 : i32
        %gather3A_1037 = tpu.memref_slice %arg13[%scan3A_759, %gather3A_1036] : memref<6x64xf32, #tpu.memory_space<vmem>> -> memref<1x64xf32, #tpu.memory_space<vmem>>
        %gather3A_1038 = tpu.memref_squeeze %gather3A_1037 : memref<1x64xf32, #tpu.memory_space<vmem>> -> memref<64xf32, #tpu.memory_space<vmem>>
        %gather3A_1039 = tpu.vector_load_idx %gather3A_1038[%broadcast_in_dim3A_1035] : memref<64xf32, #tpu.memory_space<vmem>>[vector<16xi32>], vector<16xf32>,
        %get3A_1040 = arith.constant 0 : i32
        %get3A_1041 = arith.constant 0 : i32
        %get3A_1042 = tpu.memref_slice %arg14[%scan3A_760, %get3A_1040, %get3A_1041] : memref<3x64x128xf32, #tpu.memory_space<vmem>> -> memref<1x64x128xf32, #tpu.memory_space<vmem>>
        %get3A_1043 = tpu.memref_squeeze %get3A_1042 : memref<1x64x128xf32, #tpu.memory_space<vmem>> -> memref<64x128xf32, #tpu.memory_space<vmem>>
        %get3A_1044 = arith.index_cast %add3A_1034 : i32 to index
        %get3A_1045 = arith.constant 0 : index
        %get3A_1046 = tpu.vector_load %get3A_1043[%get3A_1044, %get3A_1045] {strides = array<i32>} : memref<64x128xf32, #tpu.memory_space<vmem>>, vector<16xf32>,
        %mul3A_1047 = arith.mulf %get3A_1046, %gather3A_1039 : vector<16xf32>
        %swap3A_1048 = arith.constant 0 : i32
        %swap3A_1049 = arith.constant 0 : i32
        %swap3A_1050 = tpu.memref_slice %arg14[%scan3A_760, %swap3A_1048, %swap3A_1049] : memref<3x64x128xf32, #tpu.memory_space<vmem>> -> memref<1x64x128xf32, #tpu.memory_space<vmem>>
        %swap3A_1051 = tpu.memref_squeeze %swap3A_1050 : memref<1x64x128xf32, #tpu.memory_space<vmem>> -> memref<64x128xf32, #tpu.memory_space<vmem>>
        %swap3A_1052 = arith.index_cast %add3A_1034 : i32 to index
        %swap3A_1053 = arith.constant 0 : index
        %swap3A_1054 = tpu.vector_load %swap3A_1051[%swap3A_1052, %swap3A_1053] {strides = array<i32>} : memref<64x128xf32, #tpu.memory_space<vmem>>, vector<16xf32>,
        tpu.vector_store %swap3A_1051[%swap3A_1052, %swap3A_1053], %mul3A_1047 {strides = array<i32>} : memref<64x128xf32, #tpu.memory_space<vmem>>, vector<16xf32>,
        %get3A_1055 = arith.constant 0 : i32
        %get3A_1056 = arith.constant 0 : i32
        %get3A_1057 = tpu.memref_slice %arg14[%scan3A_760, %get3A_1055, %get3A_1056] : memref<3x64x128xf32, #tpu.memory_space<vmem>> -> memref<1x64x128xf32, #tpu.memory_space<vmem>>
        %get3A_1058 = tpu.memref_squeeze %get3A_1057 : memref<1x64x128xf32, #tpu.memory_space<vmem>> -> memref<64x128xf32, #tpu.memory_space<vmem>>
        %get3A_1059 = arith.index_cast %add3A_1034 : i32 to index
        %get3A_1060 = arith.constant 16 : index
        %get3A_1061 = tpu.vector_load %get3A_1058[%get3A_1059, %get3A_1060] {strides = array<i32>} : memref<64x128xf32, #tpu.memory_space<vmem>>, vector<16xf32>,
        %mul3A_1062 = arith.mulf %get3A_1061, %gather3A_1039 : vector<16xf32>
        %swap3A_1063 = arith.constant 0 : i32
        %swap3A_1064 = arith.constant 0 : i32
        %swap3A_1065 = tpu.memref_slice %arg14[%scan3A_760, %swap3A_1063, %swap3A_1064] : memref<3x64x128xf32, #tpu.memory_space<vmem>> -> memref<1x64x128xf32, #tpu.memory_space<vmem>>
        %swap3A_1066 = tpu.memref_squeeze %swap3A_1065 : memref<1x64x128xf32, #tpu.memory_space<vmem>> -> memref<64x128xf32, #tpu.memory_space<vmem>>
        %swap3A_1067 = arith.index_cast %add3A_1034 : i32 to index
        %swap3A_1068 = arith.constant 16 : index
        %swap3A_1069 = tpu.vector_load %swap3A_1066[%swap3A_1067, %swap3A_1068] {strides = array<i32>} : memref<64x128xf32, #tpu.memory_space<vmem>>, vector<16xf32>,
        tpu.vector_store %swap3A_1066[%swap3A_1067, %swap3A_1068], %mul3A_1062 {strides = array<i32>} : memref<64x128xf32, #tpu.memory_space<vmem>>, vector<16xf32>,
        %get3A_1070 = arith.constant 0 : i32
        %get3A_1071 = arith.constant 0 : i32
        %get3A_1072 = tpu.memref_slice %arg14[%scan3A_760, %get3A_1070, %get3A_1071] : memref<3x64x128xf32, #tpu.memory_space<vmem>> -> memref<1x64x128xf32, #tpu.memory_space<vmem>>
        %get3A_1073 = tpu.memref_squeeze %get3A_1072 : memref<1x64x128xf32, #tpu.memory_space<vmem>> -> memref<64x128xf32, #tpu.memory_space<vmem>>
        %get3A_1074 = arith.index_cast %add3A_1034 : i32 to index
        %get3A_1075 = arith.constant 32 : index
        %get3A_1076 = tpu.vector_load %get3A_1073[%get3A_1074, %get3A_1075] {strides = array<i32>} : memref<64x128xf32, #tpu.memory_space<vmem>>, vector<16xf32>,
        %mul3A_1077 = arith.mulf %get3A_1076, %gather3A_1039 : vector<16xf32>
        %swap3A_1078 = arith.constant 0 : i32
        %swap3A_1079 = arith.constant 0 : i32
        %swap3A_1080 = tpu.memref_slice %arg14[%scan3A_760, %swap3A_1078, %swap3A_1079] : memref<3x64x128xf32, #tpu.memory_space<vmem>> -> memref<1x64x128xf32, #tpu.memory_space<vmem>>
        %swap3A_1081 = tpu.memref_squeeze %swap3A_1080 : memref<1x64x128xf32, #tpu.memory_space<vmem>> -> memref<64x128xf32, #tpu.memory_space<vmem>>
        %swap3A_1082 = arith.index_cast %add3A_1034 : i32 to index
        %swap3A_1083 = arith.constant 32 : index
        %swap3A_1084 = tpu.vector_load %swap3A_1081[%swap3A_1082, %swap3A_1083] {strides = array<i32>} : memref<64x128xf32, #tpu.memory_space<vmem>>, vector<16xf32>,
        tpu.vector_store %swap3A_1081[%swap3A_1082, %swap3A_1083], %mul3A_1077 {strides = array<i32>} : memref<64x128xf32, #tpu.memory_space<vmem>>, vector<16xf32>,
        %get3A_1085 = arith.constant 0 : i32
        %get3A_1086 = arith.constant 0 : i32
        %get3A_1087 = tpu.memref_slice %arg14[%scan3A_760, %get3A_1085, %get3A_1086] : memref<3x64x128xf32, #tpu.memory_space<vmem>> -> memref<1x64x128xf32, #tpu.memory_space<vmem>>
        %get3A_1088 = tpu.memref_squeeze %get3A_1087 : memref<1x64x128xf32, #tpu.memory_space<vmem>> -> memref<64x128xf32, #tpu.memory_space<vmem>>
        %get3A_1089 = arith.index_cast %add3A_1034 : i32 to index
        %get3A_1090 = arith.constant 48 : index
        %get3A_1091 = tpu.vector_load %get3A_1088[%get3A_1089, %get3A_1090] {strides = array<i32>} : memref<64x128xf32, #tpu.memory_space<vmem>>, vector<16xf32>,
        %mul3A_1092 = arith.mulf %get3A_1091, %gather3A_1039 : vector<16xf32>
        %swap3A_1093 = arith.constant 0 : i32
        %swap3A_1094 = arith.constant 0 : i32
        %swap3A_1095 = tpu.memref_slice %arg14[%scan3A_760, %swap3A_1093, %swap3A_1094] : memref<3x64x128xf32, #tpu.memory_space<vmem>> -> memref<1x64x128xf32, #tpu.memory_space<vmem>>
        %swap3A_1096 = tpu.memref_squeeze %swap3A_1095 : memref<1x64x128xf32, #tpu.memory_space<vmem>> -> memref<64x128xf32, #tpu.memory_space<vmem>>
        %swap3A_1097 = arith.index_cast %add3A_1034 : i32 to index
        %swap3A_1098 = arith.constant 48 : index
        %swap3A_1099 = tpu.vector_load %swap3A_1096[%swap3A_1097, %swap3A_1098] {strides = array<i32>} : memref<64x128xf32, #tpu.memory_space<vmem>>, vector<16xf32>,
        tpu.vector_store %swap3A_1096[%swap3A_1097, %swap3A_1098], %mul3A_1092 {strides = array<i32>} : memref<64x128xf32, #tpu.memory_space<vmem>>, vector<16xf32>,
        %get3A_1100 = arith.constant 0 : i32
        %get3A_1101 = arith.constant 0 : i32
        %get3A_1102 = tpu.memref_slice %arg14[%scan3A_760, %get3A_1100, %get3A_1101] : memref<3x64x128xf32, #tpu.memory_space<vmem>> -> memref<1x64x128xf32, #tpu.memory_space<vmem>>
        %get3A_1103 = tpu.memref_squeeze %get3A_1102 : memref<1x64x128xf32, #tpu.memory_space<vmem>> -> memref<64x128xf32, #tpu.memory_space<vmem>>
        %get3A_1104 = arith.index_cast %add3A_1034 : i32 to index
        %get3A_1105 = arith.constant 64 : index
        %get3A_1106 = tpu.vector_load %get3A_1103[%get3A_1104, %get3A_1105] {strides = array<i32>} : memref<64x128xf32, #tpu.memory_space<vmem>>, vector<16xf32>,
        %mul3A_1107 = arith.mulf %get3A_1106, %gather3A_1039 : vector<16xf32>
        %swap3A_1108 = arith.constant 0 : i32
        %swap3A_1109 = arith.constant 0 : i32
        %swap3A_1110 = tpu.memref_slice %arg14[%scan3A_760, %swap3A_1108, %swap3A_1109] : memref<3x64x128xf32, #tpu.memory_space<vmem>> -> memref<1x64x128xf32, #tpu.memory_space<vmem>>
        %swap3A_1111 = tpu.memref_squeeze %swap3A_1110 : memref<1x64x128xf32, #tpu.memory_space<vmem>> -> memref<64x128xf32, #tpu.memory_space<vmem>>
        %swap3A_1112 = arith.index_cast %add3A_1034 : i32 to index
        %swap3A_1113 = arith.constant 64 : index
        %swap3A_1114 = tpu.vector_load %swap3A_1111[%swap3A_1112, %swap3A_1113] {strides = array<i32>} : memref<64x128xf32, #tpu.memory_space<vmem>>, vector<16xf32>,
        tpu.vector_store %swap3A_1111[%swap3A_1112, %swap3A_1113], %mul3A_1107 {strides = array<i32>} : memref<64x128xf32, #tpu.memory_space<vmem>>, vector<16xf32>,
        %get3A_1115 = arith.constant 0 : i32
        %get3A_1116 = arith.constant 0 : i32
        %get3A_1117 = tpu.memref_slice %arg14[%scan3A_760, %get3A_1115, %get3A_1116] : memref<3x64x128xf32, #tpu.memory_space<vmem>> -> memref<1x64x128xf32, #tpu.memory_space<vmem>>
        %get3A_1118 = tpu.memref_squeeze %get3A_1117 : memref<1x64x128xf32, #tpu.memory_space<vmem>> -> memref<64x128xf32, #tpu.memory_space<vmem>>
        %get3A_1119 = arith.index_cast %add3A_1034 : i32 to index
        %get3A_1120 = arith.constant 80 : index
        %get3A_1121 = tpu.vector_load %get3A_1118[%get3A_1119, %get3A_1120] {strides = array<i32>} : memref<64x128xf32, #tpu.memory_space<vmem>>, vector<16xf32>,
        %mul3A_1122 = arith.mulf %get3A_1121, %gather3A_1039 : vector<16xf32>
        %swap3A_1123 = arith.constant 0 : i32
        %swap3A_1124 = arith.constant 0 : i32
        %swap3A_1125 = tpu.memref_slice %arg14[%scan3A_760, %swap3A_1123, %swap3A_1124] : memref<3x64x128xf32, #tpu.memory_space<vmem>> -> memref<1x64x128xf32, #tpu.memory_space<vmem>>
        %swap3A_1126 = tpu.memref_squeeze %swap3A_1125 : memref<1x64x128xf32, #tpu.memory_space<vmem>> -> memref<64x128xf32, #tpu.memory_space<vmem>>
        %swap3A_1127 = arith.index_cast %add3A_1034 : i32 to index
        %swap3A_1128 = arith.constant 80 : index
        %swap3A_1129 = tpu.vector_load %swap3A_1126[%swap3A_1127, %swap3A_1128] {strides = array<i32>} : memref<64x128xf32, #tpu.memory_space<vmem>>, vector<16xf32>,
        tpu.vector_store %swap3A_1126[%swap3A_1127, %swap3A_1128], %mul3A_1122 {strides = array<i32>} : memref<64x128xf32, #tpu.memory_space<vmem>>, vector<16xf32>,
        %get3A_1130 = arith.constant 0 : i32
        %get3A_1131 = arith.constant 0 : i32
        %get3A_1132 = tpu.memref_slice %arg14[%scan3A_760, %get3A_1130, %get3A_1131] : memref<3x64x128xf32, #tpu.memory_space<vmem>> -> memref<1x64x128xf32, #tpu.memory_space<vmem>>
        %get3A_1133 = tpu.memref_squeeze %get3A_1132 : memref<1x64x128xf32, #tpu.memory_space<vmem>> -> memref<64x128xf32, #tpu.memory_space<vmem>>
        %get3A_1134 = arith.index_cast %add3A_1034 : i32 to index
        %get3A_1135 = arith.constant 96 : index
        %get3A_1136 = tpu.vector_load %get3A_1133[%get3A_1134, %get3A_1135] {strides = array<i32>} : memref<64x128xf32, #tpu.memory_space<vmem>>, vector<16xf32>,
        %mul3A_1137 = arith.mulf %get3A_1136, %gather3A_1039 : vector<16xf32>
        %swap3A_1138 = arith.constant 0 : i32
        %swap3A_1139 = arith.constant 0 : i32
        %swap3A_1140 = tpu.memref_slice %arg14[%scan3A_760, %swap3A_1138, %swap3A_1139] : memref<3x64x128xf32, #tpu.memory_space<vmem>> -> memref<1x64x128xf32, #tpu.memory_space<vmem>>
        %swap3A_1141 = tpu.memref_squeeze %swap3A_1140 : memref<1x64x128xf32, #tpu.memory_space<vmem>> -> memref<64x128xf32, #tpu.memory_space<vmem>>
        %swap3A_1142 = arith.index_cast %add3A_1034 : i32 to index
        %swap3A_1143 = arith.constant 96 : index
        %swap3A_1144 = tpu.vector_load %swap3A_1141[%swap3A_1142, %swap3A_1143] {strides = array<i32>} : memref<64x128xf32, #tpu.memory_space<vmem>>, vector<16xf32>,
        tpu.vector_store %swap3A_1141[%swap3A_1142, %swap3A_1143], %mul3A_1137 {strides = array<i32>} : memref<64x128xf32, #tpu.memory_space<vmem>>, vector<16xf32>,
        %get3A_1145 = arith.constant 0 : i32
        %get3A_1146 = arith.constant 0 : i32
        %get3A_1147 = tpu.memref_slice %arg14[%scan3A_760, %get3A_1145, %get3A_1146] : memref<3x64x128xf32, #tpu.memory_space<vmem>> -> memref<1x64x128xf32, #tpu.memory_space<vmem>>
        %get3A_1148 = tpu.memref_squeeze %get3A_1147 : memref<1x64x128xf32, #tpu.memory_space<vmem>> -> memref<64x128xf32, #tpu.memory_space<vmem>>
        %get3A_1149 = arith.index_cast %add3A_1034 : i32 to index
        %get3A_1150 = arith.constant 112 : index
        %get3A_1151 = tpu.vector_load %get3A_1148[%get3A_1149, %get3A_1150] {strides = array<i32>} : memref<64x128xf32, #tpu.memory_space<vmem>>, vector<16xf32>,
        %mul3A_1152 = arith.mulf %get3A_1151, %gather3A_1039 : vector<16xf32>
        %swap3A_1153 = arith.constant 0 : i32
        %swap3A_1154 = arith.constant 0 : i32
        %swap3A_1155 = tpu.memref_slice %arg14[%scan3A_760, %swap3A_1153, %swap3A_1154] : memref<3x64x128xf32, #tpu.memory_space<vmem>> -> memref<1x64x128xf32, #tpu.memory_space<vmem>>
        %swap3A_1156 = tpu.memref_squeeze %swap3A_1155 : memref<1x64x128xf32, #tpu.memory_space<vmem>> -> memref<64x128xf32, #tpu.memory_space<vmem>>
        %swap3A_1157 = arith.index_cast %add3A_1034 : i32 to index
        %swap3A_1158 = arith.constant 112 : index
        %swap3A_1159 = tpu.vector_load %swap3A_1156[%swap3A_1157, %swap3A_1158] {strides = array<i32>} : memref<64x128xf32, #tpu.memory_space<vmem>>, vector<16xf32>,
        tpu.vector_store %swap3A_1156[%swap3A_1157, %swap3A_1158], %mul3A_1152 {strides = array<i32>} : memref<64x128xf32, #tpu.memory_space<vmem>>, vector<16xf32>,
      }
      %scan3A_765 = arith.constant 32 : i32
      %dma_start3A_766 = arith.constant 0 : i32
      %dma_start3A_767 = arith.constant 3 : i32
      %dma_start3A_768 = arith.constant 0 : i32
      %dma_start3A_769 = arith.constant 0 : i32
      %dma_start3A_770 = tpu.memref_slice %arg14[%dma_start3A_766, %dma_start3A_768, %dma_start3A_769] : memref<3x64x128xf32, #tpu.memory_space<vmem>> -> memref<1x64x128xf32, #tpu.memory_space<vmem>>
      %dma_start3A_771 = tpu.memref_squeeze %dma_start3A_770 : memref<1x64x128xf32, #tpu.memory_space<vmem>> -> memref<64x128xf32, #tpu.memory_space<vmem>>
      %dma_start3A_772 = arith.constant 0 : i32
      %dma_start3A_773 = tpu.memref_slice %arg12[%dma_start3A_767, %dma_start3A_772] : memref<6x64xi32, #tpu.memory_space<vmem>> -> memref<1x64xi32, #tpu.memory_space<vmem>>
      %dma_start3A_774 = tpu.memref_squeeze %dma_start3A_773 : memref<1x64xi32, #tpu.memory_space<vmem>> -> memref<64xi32, #tpu.memory_space<vmem>>
      %dma_start3A_775 = arith.constant 0 : i32
      %dma_start3A_776 = arith.constant 0 : i32
      %dma_start3A_777 = tpu.memref_slice %arg15[%dma_start3A_775, %dma_start3A_776] : memref<10240x128xf32, #tpu.memory_space<vmem_shared>> -> memref<10240x128xf32, #tpu.memory_space<vmem_shared>>
      tpu.enqueue_indirect_dma source(%dma_start3A_771 : memref<64x128xf32, #tpu.memory_space<vmem>>) target(%dma_start3A_777 : memref<10240x128xf32, #tpu.memory_space<vmem_shared>>) offsets(%dma_start3A_774 : memref<64xi32, #tpu.memory_space<vmem>>) semaphore(%arg19 : memref<!tpu.dma_semaphore, #tpu.memory_space<semaphore_mem>>) {add = true}
      %dma_wait3A_778 = arith.constant 2 : i32
      %dma_wait3A_779 = arith.constant 2 : i32
      %dma_wait3A_780 = arith.constant 0 : i32
      %dma_wait3A_781 = arith.constant 0 : i32
      %dma_wait3A_782 = tpu.memref_slice %arg14[%dma_wait3A_778, %dma_wait3A_780, %dma_wait3A_781] : memref<3x64x128xf32, #tpu.memory_space<vmem>> -> memref<1x64x128xf32, #tpu.memory_space<vmem>>
      %dma_wait3A_783 = tpu.memref_squeeze %dma_wait3A_782 : memref<1x64x128xf32, #tpu.memory_space<vmem>> -> memref<64x128xf32, #tpu.memory_space<vmem>>
      %dma_wait3A_784 = arith.constant 0 : i32
      %dma_wait3A_785 = tpu.memref_slice %arg12[%dma_wait3A_779, %dma_wait3A_784] : memref<6x64xi32, #tpu.memory_space<vmem>> -> memref<1x64xi32, #tpu.memory_space<vmem>>
      %dma_wait3A_786 = tpu.memref_squeeze %dma_wait3A_785 : memref<1x64xi32, #tpu.memory_space<vmem>> -> memref<64xi32, #tpu.memory_space<vmem>>
      %dma_wait3A_787 = arith.constant 0 : i32
      %dma_wait3A_788 = arith.constant 0 : i32
      %dma_wait3A_789 = tpu.memref_slice %arg15[%dma_wait3A_787, %dma_wait3A_788] : memref<10240x128xf32, #tpu.memory_space<vmem_shared>> -> memref<10240x128xf32, #tpu.memory_space<vmem_shared>>
      tpu.wait_indirect_dma semaphore(%arg21 : memref<!tpu.dma_semaphore, #tpu.memory_space<semaphore_mem>>) src(%dma_wait3A_783 : memref<64x128xf32, #tpu.memory_space<vmem>>) dst(%dma_wait3A_789 : memref<10240x128xf32, #tpu.memory_space<vmem_shared>>)
      %dma_start3A_790 = arith.constant 5 : i32
      %dma_start3A_791 = arith.constant 2 : i32
      %dma_start3A_792 = arith.constant 0 : i32
      %dma_start3A_793 = arith.constant 0 : i32
      %dma_start3A_794 = tpu.memref_slice %arg14[%dma_start3A_791, %dma_start3A_792, %dma_start3A_793] : memref<3x64x128xf32, #tpu.memory_space<vmem>> -> memref<1x64x128xf32, #tpu.memory_space<vmem>>
      %dma_start3A_795 = tpu.memref_squeeze %dma_start3A_794 : memref<1x64x128xf32, #tpu.memory_space<vmem>> -> memref<64x128xf32, #tpu.memory_space<vmem>>
      %dma_start3A_796 = arith.constant 0 : i32
      %dma_start3A_797 = tpu.memref_slice %arg11[%dma_start3A_790, %dma_start3A_796] : memref<6x64xi32, #tpu.memory_space<vmem>> -> memref<1x64xi32, #tpu.memory_space<vmem>>
      %dma_start3A_798 = tpu.memref_squeeze %dma_start3A_797 : memref<1x64xi32, #tpu.memory_space<vmem>> -> memref<64xi32, #tpu.memory_space<vmem>>
      %dma_start3A_799 = arith.constant 0 : i32
      %dma_start3A_800 = arith.constant 0 : i32
      %dma_start3A_801 = tpu.memref_slice %arg6[%dma_start3A_799, %dma_start3A_800] : memref<10240x128xf32, #tpu.memory_space<hbm>> -> memref<10240x128xf32, #tpu.memory_space<hbm>>
      tpu.enqueue_indirect_dma source(%dma_start3A_801 : memref<10240x128xf32, #tpu.memory_space<hbm>>) target(%dma_start3A_795 : memref<64x128xf32, #tpu.memory_space<vmem>>) offsets(%dma_start3A_798 : memref<64xi32, #tpu.memory_space<vmem>>) semaphore(%arg18 : memref<!tpu.dma_semaphore, #tpu.memory_space<semaphore_mem>>)
      %dma_wait3A_802 = arith.constant 4 : i32
      %dma_wait3A_803 = arith.constant 1 : i32
      %dma_wait3A_804 = arith.constant 0 : i32
      %dma_wait3A_805 = arith.constant 0 : i32
      %dma_wait3A_806 = tpu.memref_slice %arg14[%dma_wait3A_803, %dma_wait3A_804, %dma_wait3A_805] : memref<3x64x128xf32, #tpu.memory_space<vmem>> -> memref<1x64x128xf32, #tpu.memory_space<vmem>>
      %dma_wait3A_807 = tpu.memref_squeeze %dma_wait3A_806 : memref<1x64x128xf32, #tpu.memory_space<vmem>> -> memref<64x128xf32, #tpu.memory_space<vmem>>
      %dma_wait3A_808 = arith.constant 0 : i32
      %dma_wait3A_809 = tpu.memref_slice %arg11[%dma_wait3A_802, %dma_wait3A_808] : memref<6x64xi32, #tpu.memory_space<vmem>> -> memref<1x64xi32, #tpu.memory_space<vmem>>
      %dma_wait3A_810 = tpu.memref_squeeze %dma_wait3A_809 : memref<1x64xi32, #tpu.memory_space<vmem>> -> memref<64xi32, #tpu.memory_space<vmem>>
      %dma_wait3A_811 = arith.constant 0 : i32
      %dma_wait3A_812 = arith.constant 0 : i32
      %dma_wait3A_813 = tpu.memref_slice %arg6[%dma_wait3A_811, %dma_wait3A_812] : memref<10240x128xf32, #tpu.memory_space<hbm>> -> memref<10240x128xf32, #tpu.memory_space<hbm>>
      tpu.wait_indirect_dma semaphore(%arg17 : memref<!tpu.dma_semaphore, #tpu.memory_space<semaphore_mem>>) src(%dma_wait3A_813 : memref<10240x128xf32, #tpu.memory_space<hbm>>) dst(%dma_wait3A_807 : memref<64x128xf32, #tpu.memory_space<vmem>>)
      %scan3A_814 = arith.constant 0 : i32
      %scan3A_815 = arith.constant 4 : i32
      %scan3A_816 = arith.constant 1 : i32
      %scan3A_817 = arith.constant 0 : i32
      %scan3A_818 = arith.constant 32 : i32
      %scan3A_819 = arith.addi %scan3A_817, %scan3A_818 : i32
      %scan3A_820 = arith.constant 1 : i32
      scf.for %scan3A_902 = %scan3A_817 to %scan3A_819 step %scan3A_820  : i32 {
        %mul3A_903 = arith.constant 2 : i32
        %mul3A_904 = arith.muli %scan3A_902, %mul3A_903 : i32
        %add3A_905 = arith.constant 0 : i32
        %add3A_906 = arith.addi %mul3A_904, %add3A_905 : i32
        %broadcast_in_dim3A = vector.broadcast %add3A_906 : i32 to vector<16xi32>
        %gather3A_907 = arith.constant 0 : i32
        %gather3A_908 = tpu.memref_slice %arg13[%scan3A_815, %gather3A_907] : memref<6x64xf32, #tpu.memory_space<vmem>> -> memref<1x64xf32, #tpu.memory_space<vmem>>
        %gather3A_909 = tpu.memref_squeeze %gather3A_908 : memref<1x64xf32, #tpu.memory_space<vmem>> -> memref<64xf32, #tpu.memory_space<vmem>>
        %gather3A_910 = tpu.vector_load_idx %gather3A_909[%broadcast_in_dim3A] : memref<64xf32, #tpu.memory_space<vmem>>[vector<16xi32>], vector<16xf32>,
        %get3A_911 = arith.constant 0 : i32
        %get3A_912 = arith.constant 0 : i32
        %get3A_913 = tpu.memref_slice %arg14[%scan3A_816, %get3A_911, %get3A_912] : memref<3x64x128xf32, #tpu.memory_space<vmem>> -> memref<1x64x128xf32, #tpu.memory_space<vmem>>
        %get3A_914 = tpu.memref_squeeze %get3A_913 : memref<1x64x128xf32, #tpu.memory_space<vmem>> -> memref<64x128xf32, #tpu.memory_space<vmem>>
        %get3A_915 = arith.index_cast %add3A_906 : i32 to index
        %get3A_916 = arith.constant 0 : index
        %get3A_917 = tpu.vector_load %get3A_914[%get3A_915, %get3A_916] {strides = array<i32>} : memref<64x128xf32, #tpu.memory_space<vmem>>, vector<16xf32>,
        %mul3A_918 = arith.mulf %get3A_917, %gather3A_910 : vector<16xf32>
        %swap3A_919 = arith.constant 0 : i32
        %swap3A_920 = arith.constant 0 : i32
        %swap3A_921 = tpu.memref_slice %arg14[%scan3A_816, %swap3A_919, %swap3A_920] : memref<3x64x128xf32, #tpu.memory_space<vmem>> -> memref<1x64x128xf32, #tpu.memory_space<vmem>>
        %swap3A_922 = tpu.memref_squeeze %swap3A_921 : memref<1x64x128xf32, #tpu.memory_space<vmem>> -> memref<64x128xf32, #tpu.memory_space<vmem>>
        %swap3A_923 = arith.index_cast %add3A_906 : i32 to index
        %swap3A_924 = arith.constant 0 : index
        %swap3A_925 = tpu.vector_load %swap3A_922[%swap3A_923, %swap3A_924] {strides = array<i32>} : memref<64x128xf32, #tpu.memory_space<vmem>>, vector<16xf32>,
        tpu.vector_store %swap3A_922[%swap3A_923, %swap3A_924], %mul3A_918 {strides = array<i32>} : memref<64x128xf32, #tpu.memory_space<vmem>>, vector<16xf32>,
        %get3A_926 = arith.constant 0 : i32
        %get3A_927 = arith.constant 0 : i32
        %get3A_928 = tpu.memref_slice %arg14[%scan3A_816, %get3A_926, %get3A_927] : memref<3x64x128xf32, #tpu.memory_space<vmem>> -> memref<1x64x128xf32, #tpu.memory_space<vmem>>
        %get3A_929 = tpu.memref_squeeze %get3A_928 : memref<1x64x128xf32, #tpu.memory_space<vmem>> -> memref<64x128xf32, #tpu.memory_space<vmem>>
        %get3A_930 = arith.index_cast %add3A_906 : i32 to index
        %get3A_931 = arith.constant 16 : index
        %get3A_932 = tpu.vector_load %get3A_929[%get3A_930, %get3A_931] {strides = array<i32>} : memref<64x128xf32, #tpu.memory_space<vmem>>, vector<16xf32>,
        %mul3A_933 = arith.mulf %get3A_932, %gather3A_910 : vector<16xf32>
        %swap3A_934 = arith.constant 0 : i32
        %swap3A_935 = arith.constant 0 : i32
        %swap3A_936 = tpu.memref_slice %arg14[%scan3A_816, %swap3A_934, %swap3A_935] : memref<3x64x128xf32, #tpu.memory_space<vmem>> -> memref<1x64x128xf32, #tpu.memory_space<vmem>>
        %swap3A_937 = tpu.memref_squeeze %swap3A_936 : memref<1x64x128xf32, #tpu.memory_space<vmem>> -> memref<64x128xf32, #tpu.memory_space<vmem>>
        %swap3A_938 = arith.index_cast %add3A_906 : i32 to index
        %swap3A_939 = arith.constant 16 : index
        %swap3A_940 = tpu.vector_load %swap3A_937[%swap3A_938, %swap3A_939] {strides = array<i32>} : memref<64x128xf32, #tpu.memory_space<vmem>>, vector<16xf32>,
        tpu.vector_store %swap3A_937[%swap3A_938, %swap3A_939], %mul3A_933 {strides = array<i32>} : memref<64x128xf32, #tpu.memory_space<vmem>>, vector<16xf32>,
        %get3A_941 = arith.constant 0 : i32
        %get3A_942 = arith.constant 0 : i32
        %get3A_943 = tpu.memref_slice %arg14[%scan3A_816, %get3A_941, %get3A_942] : memref<3x64x128xf32, #tpu.memory_space<vmem>> -> memref<1x64x128xf32, #tpu.memory_space<vmem>>
        %get3A_944 = tpu.memref_squeeze %get3A_943 : memref<1x64x128xf32, #tpu.memory_space<vmem>> -> memref<64x128xf32, #tpu.memory_space<vmem>>
        %get3A_945 = arith.index_cast %add3A_906 : i32 to index
        %get3A_946 = arith.constant 32 : index
        %get3A_947 = tpu.vector_load %get3A_944[%get3A_945, %get3A_946] {strides = array<i32>} : memref<64x128xf32, #tpu.memory_space<vmem>>, vector<16xf32>,
        %mul3A_948 = arith.mulf %get3A_947, %gather3A_910 : vector<16xf32>
        %swap3A_949 = arith.constant 0 : i32
        %swap3A_950 = arith.constant 0 : i32
        %swap3A_951 = tpu.memref_slice %arg14[%scan3A_816, %swap3A_949, %swap3A_950] : memref<3x64x128xf32, #tpu.memory_space<vmem>> -> memref<1x64x128xf32, #tpu.memory_space<vmem>>
        %swap3A_952 = tpu.memref_squeeze %swap3A_951 : memref<1x64x128xf32, #tpu.memory_space<vmem>> -> memref<64x128xf32, #tpu.memory_space<vmem>>
        %swap3A_953 = arith.index_cast %add3A_906 : i32 to index
        %swap3A_954 = arith.constant 32 : index
        %swap3A_955 = tpu.vector_load %swap3A_952[%swap3A_953, %swap3A_954] {strides = array<i32>} : memref<64x128xf32, #tpu.memory_space<vmem>>, vector<16xf32>,
        tpu.vector_store %swap3A_952[%swap3A_953, %swap3A_954], %mul3A_948 {strides = array<i32>} : memref<64x128xf32, #tpu.memory_space<vmem>>, vector<16xf32>,
        %get3A_956 = arith.constant 0 : i32
        %get3A_957 = arith.constant 0 : i32
        %get3A_958 = tpu.memref_slice %arg14[%scan3A_816, %get3A_956, %get3A_957] : memref<3x64x128xf32, #tpu.memory_space<vmem>> -> memref<1x64x128xf32, #tpu.memory_space<vmem>>
        %get3A_959 = tpu.memref_squeeze %get3A_958 : memref<1x64x128xf32, #tpu.memory_space<vmem>> -> memref<64x128xf32, #tpu.memory_space<vmem>>
        %get3A_960 = arith.index_cast %add3A_906 : i32 to index
        %get3A_961 = arith.constant 48 : index
        %get3A_962 = tpu.vector_load %get3A_959[%get3A_960, %get3A_961] {strides = array<i32>} : memref<64x128xf32, #tpu.memory_space<vmem>>, vector<16xf32>,
        %mul3A_963 = arith.mulf %get3A_962, %gather3A_910 : vector<16xf32>
        %swap3A_964 = arith.constant 0 : i32
        %swap3A_965 = arith.constant 0 : i32
        %swap3A_966 = tpu.memref_slice %arg14[%scan3A_816, %swap3A_964, %swap3A_965] : memref<3x64x128xf32, #tpu.memory_space<vmem>> -> memref<1x64x128xf32, #tpu.memory_space<vmem>>
        %swap3A_967 = tpu.memref_squeeze %swap3A_966 : memref<1x64x128xf32, #tpu.memory_space<vmem>> -> memref<64x128xf32, #tpu.memory_space<vmem>>
        %swap3A_968 = arith.index_cast %add3A_906 : i32 to index
        %swap3A_969 = arith.constant 48 : index
        %swap3A_970 = tpu.vector_load %swap3A_967[%swap3A_968, %swap3A_969] {strides = array<i32>} : memref<64x128xf32, #tpu.memory_space<vmem>>, vector<16xf32>,
        tpu.vector_store %swap3A_967[%swap3A_968, %swap3A_969], %mul3A_963 {strides = array<i32>} : memref<64x128xf32, #tpu.memory_space<vmem>>, vector<16xf32>,
        %get3A_971 = arith.constant 0 : i32
        %get3A_972 = arith.constant 0 : i32
        %get3A_973 = tpu.memref_slice %arg14[%scan3A_816, %get3A_971, %get3A_972] : memref<3x64x128xf32, #tpu.memory_space<vmem>> -> memref<1x64x128xf32, #tpu.memory_space<vmem>>
        %get3A_974 = tpu.memref_squeeze %get3A_973 : memref<1x64x128xf32, #tpu.memory_space<vmem>> -> memref<64x128xf32, #tpu.memory_space<vmem>>
        %get3A_975 = arith.index_cast %add3A_906 : i32 to index
        %get3A_976 = arith.constant 64 : index
        %get3A_977 = tpu.vector_load %get3A_974[%get3A_975, %get3A_976] {strides = array<i32>} : memref<64x128xf32, #tpu.memory_space<vmem>>, vector<16xf32>,
        %mul3A_978 = arith.mulf %get3A_977, %gather3A_910 : vector<16xf32>
        %swap3A_979 = arith.constant 0 : i32
        %swap3A_980 = arith.constant 0 : i32
        %swap3A_981 = tpu.memref_slice %arg14[%scan3A_816, %swap3A_979, %swap3A_980] : memref<3x64x128xf32, #tpu.memory_space<vmem>> -> memref<1x64x128xf32, #tpu.memory_space<vmem>>
        %swap3A_982 = tpu.memref_squeeze %swap3A_981 : memref<1x64x128xf32, #tpu.memory_space<vmem>> -> memref<64x128xf32, #tpu.memory_space<vmem>>
        %swap3A_983 = arith.index_cast %add3A_906 : i32 to index
        %swap3A_984 = arith.constant 64 : index
        %swap3A_985 = tpu.vector_load %swap3A_982[%swap3A_983, %swap3A_984] {strides = array<i32>} : memref<64x128xf32, #tpu.memory_space<vmem>>, vector<16xf32>,
        tpu.vector_store %swap3A_982[%swap3A_983, %swap3A_984], %mul3A_978 {strides = array<i32>} : memref<64x128xf32, #tpu.memory_space<vmem>>, vector<16xf32>,
        %get3A_986 = arith.constant 0 : i32
        %get3A_987 = arith.constant 0 : i32
        %get3A_988 = tpu.memref_slice %arg14[%scan3A_816, %get3A_986, %get3A_987] : memref<3x64x128xf32, #tpu.memory_space<vmem>> -> memref<1x64x128xf32, #tpu.memory_space<vmem>>
        %get3A_989 = tpu.memref_squeeze %get3A_988 : memref<1x64x128xf32, #tpu.memory_space<vmem>> -> memref<64x128xf32, #tpu.memory_space<vmem>>
        %get3A_990 = arith.index_cast %add3A_906 : i32 to index
        %get3A_991 = arith.constant 80 : index
        %get3A_992 = tpu.vector_load %get3A_989[%get3A_990, %get3A_991] {strides = array<i32>} : memref<64x128xf32, #tpu.memory_space<vmem>>, vector<16xf32>,
        %mul3A_993 = arith.mulf %get3A_992, %gather3A_910 : vector<16xf32>
        %swap3A_994 = arith.constant 0 : i32
        %swap3A_995 = arith.constant 0 : i32
        %swap3A_996 = tpu.memref_slice %arg14[%scan3A_816, %swap3A_994, %swap3A_995] : memref<3x64x128xf32, #tpu.memory_space<vmem>> -> memref<1x64x128xf32, #tpu.memory_space<vmem>>
        %swap3A_997 = tpu.memref_squeeze %swap3A_996 : memref<1x64x128xf32, #tpu.memory_space<vmem>> -> memref<64x128xf32, #tpu.memory_space<vmem>>
        %swap3A_998 = arith.index_cast %add3A_906 : i32 to index
        %swap3A_999 = arith.constant 80 : index
        %swap3A_1000 = tpu.vector_load %swap3A_997[%swap3A_998, %swap3A_999] {strides = array<i32>} : memref<64x128xf32, #tpu.memory_space<vmem>>, vector<16xf32>,
        tpu.vector_store %swap3A_997[%swap3A_998, %swap3A_999], %mul3A_993 {strides = array<i32>} : memref<64x128xf32, #tpu.memory_space<vmem>>, vector<16xf32>,
        %get3A_1001 = arith.constant 0 : i32
        %get3A_1002 = arith.constant 0 : i32
        %get3A_1003 = tpu.memref_slice %arg14[%scan3A_816, %get3A_1001, %get3A_1002] : memref<3x64x128xf32, #tpu.memory_space<vmem>> -> memref<1x64x128xf32, #tpu.memory_space<vmem>>
        %get3A_1004 = tpu.memref_squeeze %get3A_1003 : memref<1x64x128xf32, #tpu.memory_space<vmem>> -> memref<64x128xf32, #tpu.memory_space<vmem>>
        %get3A_1005 = arith.index_cast %add3A_906 : i32 to index
        %get3A_1006 = arith.constant 96 : index
        %get3A_1007 = tpu.vector_load %get3A_1004[%get3A_1005, %get3A_1006] {strides = array<i32>} : memref<64x128xf32, #tpu.memory_space<vmem>>, vector<16xf32>,
        %mul3A_1008 = arith.mulf %get3A_1007, %gather3A_910 : vector<16xf32>
        %swap3A_1009 = arith.constant 0 : i32
        %swap3A_1010 = arith.constant 0 : i32
        %swap3A_1011 = tpu.memref_slice %arg14[%scan3A_816, %swap3A_1009, %swap3A_1010] : memref<3x64x128xf32, #tpu.memory_space<vmem>> -> memref<1x64x128xf32, #tpu.memory_space<vmem>>
        %swap3A_1012 = tpu.memref_squeeze %swap3A_1011 : memref<1x64x128xf32, #tpu.memory_space<vmem>> -> memref<64x128xf32, #tpu.memory_space<vmem>>
        %swap3A_1013 = arith.index_cast %add3A_906 : i32 to index
        %swap3A_1014 = arith.constant 96 : index
        %swap3A_1015 = tpu.vector_load %swap3A_1012[%swap3A_1013, %swap3A_1014] {strides = array<i32>} : memref<64x128xf32, #tpu.memory_space<vmem>>, vector<16xf32>,
        tpu.vector_store %swap3A_1012[%swap3A_1013, %swap3A_1014], %mul3A_1008 {strides = array<i32>} : memref<64x128xf32, #tpu.memory_space<vmem>>, vector<16xf32>,
        %get3A_1016 = arith.constant 0 : i32
        %get3A_1017 = arith.constant 0 : i32
        %get3A_1018 = tpu.memref_slice %arg14[%scan3A_816, %get3A_1016, %get3A_1017] : memref<3x64x128xf32, #tpu.memory_space<vmem>> -> memref<1x64x128xf32, #tpu.memory_space<vmem>>
        %get3A_1019 = tpu.memref_squeeze %get3A_1018 : memref<1x64x128xf32, #tpu.memory_space<vmem>> -> memref<64x128xf32, #tpu.memory_space<vmem>>
        %get3A_1020 = arith.index_cast %add3A_906 : i32 to index
        %get3A_1021 = arith.constant 112 : index
        %get3A_1022 = tpu.vector_load %get3A_1019[%get3A_1020, %get3A_1021] {strides = array<i32>} : memref<64x128xf32, #tpu.memory_space<vmem>>, vector<16xf32>,
        %mul3A_1023 = arith.mulf %get3A_1022, %gather3A_910 : vector<16xf32>
        %swap3A_1024 = arith.constant 0 : i32
        %swap3A_1025 = arith.constant 0 : i32
        %swap3A_1026 = tpu.memref_slice %arg14[%scan3A_816, %swap3A_1024, %swap3A_1025] : memref<3x64x128xf32, #tpu.memory_space<vmem>> -> memref<1x64x128xf32, #tpu.memory_space<vmem>>
        %swap3A_1027 = tpu.memref_squeeze %swap3A_1026 : memref<1x64x128xf32, #tpu.memory_space<vmem>> -> memref<64x128xf32, #tpu.memory_space<vmem>>
        %swap3A_1028 = arith.index_cast %add3A_906 : i32 to index
        %swap3A_1029 = arith.constant 112 : index
        %swap3A_1030 = tpu.vector_load %swap3A_1027[%swap3A_1028, %swap3A_1029] {strides = array<i32>} : memref<64x128xf32, #tpu.memory_space<vmem>>, vector<16xf32>,
        tpu.vector_store %swap3A_1027[%swap3A_1028, %swap3A_1029], %mul3A_1023 {strides = array<i32>} : memref<64x128xf32, #tpu.memory_space<vmem>>, vector<16xf32>,
        %mul3A_1031 = arith.constant 2 : i32
        %mul3A_1032 = arith.muli %scan3A_902, %mul3A_1031 : i32
        %add3A_1033 = arith.constant 1 : i32
        %add3A_1034 = arith.addi %mul3A_1032, %add3A_1033 : i32
        %broadcast_in_dim3A_1035 = vector.broadcast %add3A_1034 : i32 to vector<16xi32>
        %gather3A_1036 = arith.constant 0 : i32
        %gather3A_1037 = tpu.memref_slice %arg13[%scan3A_815, %gather3A_1036] : memref<6x64xf32, #tpu.memory_space<vmem>> -> memref<1x64xf32, #tpu.memory_space<vmem>>
        %gather3A_1038 = tpu.memref_squeeze %gather3A_1037 : memref<1x64xf32, #tpu.memory_space<vmem>> -> memref<64xf32, #tpu.memory_space<vmem>>
        %gather3A_1039 = tpu.vector_load_idx %gather3A_1038[%broadcast_in_dim3A_1035] : memref<64xf32, #tpu.memory_space<vmem>>[vector<16xi32>], vector<16xf32>,
        %get3A_1040 = arith.constant 0 : i32
        %get3A_1041 = arith.constant 0 : i32
        %get3A_1042 = tpu.memref_slice %arg14[%scan3A_816, %get3A_1040, %get3A_1041] : memref<3x64x128xf32, #tpu.memory_space<vmem>> -> memref<1x64x128xf32, #tpu.memory_space<vmem>>
        %get3A_1043 = tpu.memref_squeeze %get3A_1042 : memref<1x64x128xf32, #tpu.memory_space<vmem>> -> memref<64x128xf32, #tpu.memory_space<vmem>>
        %get3A_1044 = arith.index_cast %add3A_1034 : i32 to index
        %get3A_1045 = arith.constant 0 : index
        %get3A_1046 = tpu.vector_load %get3A_1043[%get3A_1044, %get3A_1045] {strides = array<i32>} : memref<64x128xf32, #tpu.memory_space<vmem>>, vector<16xf32>,
        %mul3A_1047 = arith.mulf %get3A_1046, %gather3A_1039 : vector<16xf32>
        %swap3A_1048 = arith.constant 0 : i32
        %swap3A_1049 = arith.constant 0 : i32
        %swap3A_1050 = tpu.memref_slice %arg14[%scan3A_816, %swap3A_1048, %swap3A_1049] : memref<3x64x128xf32, #tpu.memory_space<vmem>> -> memref<1x64x128xf32, #tpu.memory_space<vmem>>
        %swap3A_1051 = tpu.memref_squeeze %swap3A_1050 : memref<1x64x128xf32, #tpu.memory_space<vmem>> -> memref<64x128xf32, #tpu.memory_space<vmem>>
        %swap3A_1052 = arith.index_cast %add3A_1034 : i32 to index
        %swap3A_1053 = arith.constant 0 : index
        %swap3A_1054 = tpu.vector_load %swap3A_1051[%swap3A_1052, %swap3A_1053] {strides = array<i32>} : memref<64x128xf32, #tpu.memory_space<vmem>>, vector<16xf32>,
        tpu.vector_store %swap3A_1051[%swap3A_1052, %swap3A_1053], %mul3A_1047 {strides = array<i32>} : memref<64x128xf32, #tpu.memory_space<vmem>>, vector<16xf32>,
        %get3A_1055 = arith.constant 0 : i32
        %get3A_1056 = arith.constant 0 : i32
        %get3A_1057 = tpu.memref_slice %arg14[%scan3A_816, %get3A_1055, %get3A_1056] : memref<3x64x128xf32, #tpu.memory_space<vmem>> -> memref<1x64x128xf32, #tpu.memory_space<vmem>>
        %get3A_1058 = tpu.memref_squeeze %get3A_1057 : memref<1x64x128xf32, #tpu.memory_space<vmem>> -> memref<64x128xf32, #tpu.memory_space<vmem>>
        %get3A_1059 = arith.index_cast %add3A_1034 : i32 to index
        %get3A_1060 = arith.constant 16 : index
        %get3A_1061 = tpu.vector_load %get3A_1058[%get3A_1059, %get3A_1060] {strides = array<i32>} : memref<64x128xf32, #tpu.memory_space<vmem>>, vector<16xf32>,
        %mul3A_1062 = arith.mulf %get3A_1061, %gather3A_1039 : vector<16xf32>
        %swap3A_1063 = arith.constant 0 : i32
        %swap3A_1064 = arith.constant 0 : i32
        %swap3A_1065 = tpu.memref_slice %arg14[%scan3A_816, %swap3A_1063, %swap3A_1064] : memref<3x64x128xf32, #tpu.memory_space<vmem>> -> memref<1x64x128xf32, #tpu.memory_space<vmem>>
        %swap3A_1066 = tpu.memref_squeeze %swap3A_1065 : memref<1x64x128xf32, #tpu.memory_space<vmem>> -> memref<64x128xf32, #tpu.memory_space<vmem>>
        %swap3A_1067 = arith.index_cast %add3A_1034 : i32 to index
        %swap3A_1068 = arith.constant 16 : index
        %swap3A_1069 = tpu.vector_load %swap3A_1066[%swap3A_1067, %swap3A_1068] {strides = array<i32>} : memref<64x128xf32, #tpu.memory_space<vmem>>, vector<16xf32>,
        tpu.vector_store %swap3A_1066[%swap3A_1067, %swap3A_1068], %mul3A_1062 {strides = array<i32>} : memref<64x128xf32, #tpu.memory_space<vmem>>, vector<16xf32>,
        %get3A_1070 = arith.constant 0 : i32
        %get3A_1071 = arith.constant 0 : i32
        %get3A_1072 = tpu.memref_slice %arg14[%scan3A_816, %get3A_1070, %get3A_1071] : memref<3x64x128xf32, #tpu.memory_space<vmem>> -> memref<1x64x128xf32, #tpu.memory_space<vmem>>
        %get3A_1073 = tpu.memref_squeeze %get3A_1072 : memref<1x64x128xf32, #tpu.memory_space<vmem>> -> memref<64x128xf32, #tpu.memory_space<vmem>>
        %get3A_1074 = arith.index_cast %add3A_1034 : i32 to index
        %get3A_1075 = arith.constant 32 : index
        %get3A_1076 = tpu.vector_load %get3A_1073[%get3A_1074, %get3A_1075] {strides = array<i32>} : memref<64x128xf32, #tpu.memory_space<vmem>>, vector<16xf32>,
        %mul3A_1077 = arith.mulf %get3A_1076, %gather3A_1039 : vector<16xf32>
        %swap3A_1078 = arith.constant 0 : i32
        %swap3A_1079 = arith.constant 0 : i32
        %swap3A_1080 = tpu.memref_slice %arg14[%scan3A_816, %swap3A_1078, %swap3A_1079] : memref<3x64x128xf32, #tpu.memory_space<vmem>> -> memref<1x64x128xf32, #tpu.memory_space<vmem>>
        %swap3A_1081 = tpu.memref_squeeze %swap3A_1080 : memref<1x64x128xf32, #tpu.memory_space<vmem>> -> memref<64x128xf32, #tpu.memory_space<vmem>>
        %swap3A_1082 = arith.index_cast %add3A_1034 : i32 to index
        %swap3A_1083 = arith.constant 32 : index
        %swap3A_1084 = tpu.vector_load %swap3A_1081[%swap3A_1082, %swap3A_1083] {strides = array<i32>} : memref<64x128xf32, #tpu.memory_space<vmem>>, vector<16xf32>,
        tpu.vector_store %swap3A_1081[%swap3A_1082, %swap3A_1083], %mul3A_1077 {strides = array<i32>} : memref<64x128xf32, #tpu.memory_space<vmem>>, vector<16xf32>,
        %get3A_1085 = arith.constant 0 : i32
        %get3A_1086 = arith.constant 0 : i32
        %get3A_1087 = tpu.memref_slice %arg14[%scan3A_816, %get3A_1085, %get3A_1086] : memref<3x64x128xf32, #tpu.memory_space<vmem>> -> memref<1x64x128xf32, #tpu.memory_space<vmem>>
        %get3A_1088 = tpu.memref_squeeze %get3A_1087 : memref<1x64x128xf32, #tpu.memory_space<vmem>> -> memref<64x128xf32, #tpu.memory_space<vmem>>
        %get3A_1089 = arith.index_cast %add3A_1034 : i32 to index
        %get3A_1090 = arith.constant 48 : index
        %get3A_1091 = tpu.vector_load %get3A_1088[%get3A_1089, %get3A_1090] {strides = array<i32>} : memref<64x128xf32, #tpu.memory_space<vmem>>, vector<16xf32>,
        %mul3A_1092 = arith.mulf %get3A_1091, %gather3A_1039 : vector<16xf32>
        %swap3A_1093 = arith.constant 0 : i32
        %swap3A_1094 = arith.constant 0 : i32
        %swap3A_1095 = tpu.memref_slice %arg14[%scan3A_816, %swap3A_1093, %swap3A_1094] : memref<3x64x128xf32, #tpu.memory_space<vmem>> -> memref<1x64x128xf32, #tpu.memory_space<vmem>>
        %swap3A_1096 = tpu.memref_squeeze %swap3A_1095 : memref<1x64x128xf32, #tpu.memory_space<vmem>> -> memref<64x128xf32, #tpu.memory_space<vmem>>
        %swap3A_1097 = arith.index_cast %add3A_1034 : i32 to index
        %swap3A_1098 = arith.constant 48 : index
        %swap3A_1099 = tpu.vector_load %swap3A_1096[%swap3A_1097, %swap3A_1098] {strides = array<i32>} : memref<64x128xf32, #tpu.memory_space<vmem>>, vector<16xf32>,
        tpu.vector_store %swap3A_1096[%swap3A_1097, %swap3A_1098], %mul3A_1092 {strides = array<i32>} : memref<64x128xf32, #tpu.memory_space<vmem>>, vector<16xf32>,
        %get3A_1100 = arith.constant 0 : i32
        %get3A_1101 = arith.constant 0 : i32
        %get3A_1102 = tpu.memref_slice %arg14[%scan3A_816, %get3A_1100, %get3A_1101] : memref<3x64x128xf32, #tpu.memory_space<vmem>> -> memref<1x64x128xf32, #tpu.memory_space<vmem>>
        %get3A_1103 = tpu.memref_squeeze %get3A_1102 : memref<1x64x128xf32, #tpu.memory_space<vmem>> -> memref<64x128xf32, #tpu.memory_space<vmem>>
        %get3A_1104 = arith.index_cast %add3A_1034 : i32 to index
        %get3A_1105 = arith.constant 64 : index
        %get3A_1106 = tpu.vector_load %get3A_1103[%get3A_1104, %get3A_1105] {strides = array<i32>} : memref<64x128xf32, #tpu.memory_space<vmem>>, vector<16xf32>,
        %mul3A_1107 = arith.mulf %get3A_1106, %gather3A_1039 : vector<16xf32>
        %swap3A_1108 = arith.constant 0 : i32
        %swap3A_1109 = arith.constant 0 : i32
        %swap3A_1110 = tpu.memref_slice %arg14[%scan3A_816, %swap3A_1108, %swap3A_1109] : memref<3x64x128xf32, #tpu.memory_space<vmem>> -> memref<1x64x128xf32, #tpu.memory_space<vmem>>
        %swap3A_1111 = tpu.memref_squeeze %swap3A_1110 : memref<1x64x128xf32, #tpu.memory_space<vmem>> -> memref<64x128xf32, #tpu.memory_space<vmem>>
        %swap3A_1112 = arith.index_cast %add3A_1034 : i32 to index
        %swap3A_1113 = arith.constant 64 : index
        %swap3A_1114 = tpu.vector_load %swap3A_1111[%swap3A_1112, %swap3A_1113] {strides = array<i32>} : memref<64x128xf32, #tpu.memory_space<vmem>>, vector<16xf32>,
        tpu.vector_store %swap3A_1111[%swap3A_1112, %swap3A_1113], %mul3A_1107 {strides = array<i32>} : memref<64x128xf32, #tpu.memory_space<vmem>>, vector<16xf32>,
        %get3A_1115 = arith.constant 0 : i32
        %get3A_1116 = arith.constant 0 : i32
        %get3A_1117 = tpu.memref_slice %arg14[%scan3A_816, %get3A_1115, %get3A_1116] : memref<3x64x128xf32, #tpu.memory_space<vmem>> -> memref<1x64x128xf32, #tpu.memory_space<vmem>>
        %get3A_1118 = tpu.memref_squeeze %get3A_1117 : memref<1x64x128xf32, #tpu.memory_space<vmem>> -> memref<64x128xf32, #tpu.memory_space<vmem>>
        %get3A_1119 = arith.index_cast %add3A_1034 : i32 to index
        %get3A_1120 = arith.constant 80 : index
        %get3A_1121 = tpu.vector_load %get3A_1118[%get3A_1119, %get3A_1120] {strides = array<i32>} : memref<64x128xf32, #tpu.memory_space<vmem>>, vector<16xf32>,
        %mul3A_1122 = arith.mulf %get3A_1121, %gather3A_1039 : vector<16xf32>
        %swap3A_1123 = arith.constant 0 : i32
        %swap3A_1124 = arith.constant 0 : i32
        %swap3A_1125 = tpu.memref_slice %arg14[%scan3A_816, %swap3A_1123, %swap3A_1124] : memref<3x64x128xf32, #tpu.memory_space<vmem>> -> memref<1x64x128xf32, #tpu.memory_space<vmem>>
        %swap3A_1126 = tpu.memref_squeeze %swap3A_1125 : memref<1x64x128xf32, #tpu.memory_space<vmem>> -> memref<64x128xf32, #tpu.memory_space<vmem>>
        %swap3A_1127 = arith.index_cast %add3A_1034 : i32 to index
        %swap3A_1128 = arith.constant 80 : index
        %swap3A_1129 = tpu.vector_load %swap3A_1126[%swap3A_1127, %swap3A_1128] {strides = array<i32>} : memref<64x128xf32, #tpu.memory_space<vmem>>, vector<16xf32>,
        tpu.vector_store %swap3A_1126[%swap3A_1127, %swap3A_1128], %mul3A_1122 {strides = array<i32>} : memref<64x128xf32, #tpu.memory_space<vmem>>, vector<16xf32>,
        %get3A_1130 = arith.constant 0 : i32
        %get3A_1131 = arith.constant 0 : i32
        %get3A_1132 = tpu.memref_slice %arg14[%scan3A_816, %get3A_1130, %get3A_1131] : memref<3x64x128xf32, #tpu.memory_space<vmem>> -> memref<1x64x128xf32, #tpu.memory_space<vmem>>
        %get3A_1133 = tpu.memref_squeeze %get3A_1132 : memref<1x64x128xf32, #tpu.memory_space<vmem>> -> memref<64x128xf32, #tpu.memory_space<vmem>>
        %get3A_1134 = arith.index_cast %add3A_1034 : i32 to index
        %get3A_1135 = arith.constant 96 : index
        %get3A_1136 = tpu.vector_load %get3A_1133[%get3A_1134, %get3A_1135] {strides = array<i32>} : memref<64x128xf32, #tpu.memory_space<vmem>>, vector<16xf32>,
        %mul3A_1137 = arith.mulf %get3A_1136, %gather3A_1039 : vector<16xf32>
        %swap3A_1138 = arith.constant 0 : i32
        %swap3A_1139 = arith.constant 0 : i32
        %swap3A_1140 = tpu.memref_slice %arg14[%scan3A_816, %swap3A_1138, %swap3A_1139] : memref<3x64x128xf32, #tpu.memory_space<vmem>> -> memref<1x64x128xf32, #tpu.memory_space<vmem>>
        %swap3A_1141 = tpu.memref_squeeze %swap3A_1140 : memref<1x64x128xf32, #tpu.memory_space<vmem>> -> memref<64x128xf32, #tpu.memory_space<vmem>>
        %swap3A_1142 = arith.index_cast %add3A_1034 : i32 to index
        %swap3A_1143 = arith.constant 96 : index
        %swap3A_1144 = tpu.vector_load %swap3A_1141[%swap3A_1142, %swap3A_1143] {strides = array<i32>} : memref<64x128xf32, #tpu.memory_space<vmem>>, vector<16xf32>,
        tpu.vector_store %swap3A_1141[%swap3A_1142, %swap3A_1143], %mul3A_1137 {strides = array<i32>} : memref<64x128xf32, #tpu.memory_space<vmem>>, vector<16xf32>,
        %get3A_1145 = arith.constant 0 : i32
        %get3A_1146 = arith.constant 0 : i32
        %get3A_1147 = tpu.memref_slice %arg14[%scan3A_816, %get3A_1145, %get3A_1146] : memref<3x64x128xf32, #tpu.memory_space<vmem>> -> memref<1x64x128xf32, #tpu.memory_space<vmem>>
        %get3A_1148 = tpu.memref_squeeze %get3A_1147 : memref<1x64x128xf32, #tpu.memory_space<vmem>> -> memref<64x128xf32, #tpu.memory_space<vmem>>
        %get3A_1149 = arith.index_cast %add3A_1034 : i32 to index
        %get3A_1150 = arith.constant 112 : index
        %get3A_1151 = tpu.vector_load %get3A_1148[%get3A_1149, %get3A_1150] {strides = array<i32>} : memref<64x128xf32, #tpu.memory_space<vmem>>, vector<16xf32>,
        %mul3A_1152 = arith.mulf %get3A_1151, %gather3A_1039 : vector<16xf32>
        %swap3A_1153 = arith.constant 0 : i32
        %swap3A_1154 = arith.constant 0 : i32
        %swap3A_1155 = tpu.memref_slice %arg14[%scan3A_816, %swap3A_1153, %swap3A_1154] : memref<3x64x128xf32, #tpu.memory_space<vmem>> -> memref<1x64x128xf32, #tpu.memory_space<vmem>>
        %swap3A_1156 = tpu.memref_squeeze %swap3A_1155 : memref<1x64x128xf32, #tpu.memory_space<vmem>> -> memref<64x128xf32, #tpu.memory_space<vmem>>
        %swap3A_1157 = arith.index_cast %add3A_1034 : i32 to index
        %swap3A_1158 = arith.constant 112 : index
        %swap3A_1159 = tpu.vector_load %swap3A_1156[%swap3A_1157, %swap3A_1158] {strides = array<i32>} : memref<64x128xf32, #tpu.memory_space<vmem>>, vector<16xf32>,
        tpu.vector_store %swap3A_1156[%swap3A_1157, %swap3A_1158], %mul3A_1152 {strides = array<i32>} : memref<64x128xf32, #tpu.memory_space<vmem>>, vector<16xf32>,
      }
      %scan3A_821 = arith.constant 32 : i32
      %dma_start3A_822 = arith.constant 1 : i32
      %dma_start3A_823 = arith.constant 4 : i32
      %dma_start3A_824 = arith.constant 0 : i32
      %dma_start3A_825 = arith.constant 0 : i32
      %dma_start3A_826 = tpu.memref_slice %arg14[%dma_start3A_822, %dma_start3A_824, %dma_start3A_825] : memref<3x64x128xf32, #tpu.memory_space<vmem>> -> memref<1x64x128xf32, #tpu.memory_space<vmem>>
      %dma_start3A_827 = tpu.memref_squeeze %dma_start3A_826 : memref<1x64x128xf32, #tpu.memory_space<vmem>> -> memref<64x128xf32, #tpu.memory_space<vmem>>
      %dma_start3A_828 = arith.constant 0 : i32
      %dma_start3A_829 = tpu.memref_slice %arg12[%dma_start3A_823, %dma_start3A_828] : memref<6x64xi32, #tpu.memory_space<vmem>> -> memref<1x64xi32, #tpu.memory_space<vmem>>
      %dma_start3A_830 = tpu.memref_squeeze %dma_start3A_829 : memref<1x64xi32, #tpu.memory_space<vmem>> -> memref<64xi32, #tpu.memory_space<vmem>>
      %dma_start3A_831 = arith.constant 0 : i32
      %dma_start3A_832 = arith.constant 0 : i32
      %dma_start3A_833 = tpu.memref_slice %arg15[%dma_start3A_831, %dma_start3A_832] : memref<10240x128xf32, #tpu.memory_space<vmem_shared>> -> memref<10240x128xf32, #tpu.memory_space<vmem_shared>>
      tpu.enqueue_indirect_dma source(%dma_start3A_827 : memref<64x128xf32, #tpu.memory_space<vmem>>) target(%dma_start3A_833 : memref<10240x128xf32, #tpu.memory_space<vmem_shared>>) offsets(%dma_start3A_830 : memref<64xi32, #tpu.memory_space<vmem>>) semaphore(%arg20 : memref<!tpu.dma_semaphore, #tpu.memory_space<semaphore_mem>>) {add = true}
      %dma_wait3A_834 = arith.constant 0 : i32
      %dma_wait3A_835 = arith.constant 3 : i32
      %dma_wait3A_836 = arith.constant 0 : i32
      %dma_wait3A_837 = arith.constant 0 : i32
      %dma_wait3A_838 = tpu.memref_slice %arg14[%dma_wait3A_834, %dma_wait3A_836, %dma_wait3A_837] : memref<3x64x128xf32, #tpu.memory_space<vmem>> -> memref<1x64x128xf32, #tpu.memory_space<vmem>>
      %dma_wait3A_839 = tpu.memref_squeeze %dma_wait3A_838 : memref<1x64x128xf32, #tpu.memory_space<vmem>> -> memref<64x128xf32, #tpu.memory_space<vmem>>
      %dma_wait3A_840 = arith.constant 0 : i32
      %dma_wait3A_841 = tpu.memref_slice %arg12[%dma_wait3A_835, %dma_wait3A_840] : memref<6x64xi32, #tpu.memory_space<vmem>> -> memref<1x64xi32, #tpu.memory_space<vmem>>
      %dma_wait3A_842 = tpu.memref_squeeze %dma_wait3A_841 : memref<1x64xi32, #tpu.memory_space<vmem>> -> memref<64xi32, #tpu.memory_space<vmem>>
      %dma_wait3A_843 = arith.constant 0 : i32
      %dma_wait3A_844 = arith.constant 0 : i32
      %dma_wait3A_845 = tpu.memref_slice %arg15[%dma_wait3A_843, %dma_wait3A_844] : memref<10240x128xf32, #tpu.memory_space<vmem_shared>> -> memref<10240x128xf32, #tpu.memory_space<vmem_shared>>
      tpu.wait_indirect_dma semaphore(%arg19 : memref<!tpu.dma_semaphore, #tpu.memory_space<semaphore_mem>>) src(%dma_wait3A_839 : memref<64x128xf32, #tpu.memory_space<vmem>>) dst(%dma_wait3A_845 : memref<10240x128xf32, #tpu.memory_space<vmem_shared>>)
      %dma_wait3A_846 = arith.constant 5 : i32
      %dma_wait3A_847 = arith.constant 2 : i32
      %dma_wait3A_848 = arith.constant 0 : i32
      %dma_wait3A_849 = arith.constant 0 : i32
      %dma_wait3A_850 = tpu.memref_slice %arg14[%dma_wait3A_847, %dma_wait3A_848, %dma_wait3A_849] : memref<3x64x128xf32, #tpu.memory_space<vmem>> -> memref<1x64x128xf32, #tpu.memory_space<vmem>>
      %dma_wait3A_851 = tpu.memref_squeeze %dma_wait3A_850 : memref<1x64x128xf32, #tpu.memory_space<vmem>> -> memref<64x128xf32, #tpu.memory_space<vmem>>
      %dma_wait3A_852 = arith.constant 0 : i32
      %dma_wait3A_853 = tpu.memref_slice %arg11[%dma_wait3A_846, %dma_wait3A_852] : memref<6x64xi32, #tpu.memory_space<vmem>> -> memref<1x64xi32, #tpu.memory_space<vmem>>
      %dma_wait3A_854 = tpu.memref_squeeze %dma_wait3A_853 : memref<1x64xi32, #tpu.memory_space<vmem>> -> memref<64xi32, #tpu.memory_space<vmem>>
      %dma_wait3A_855 = arith.constant 0 : i32
      %dma_wait3A_856 = arith.constant 0 : i32
      %dma_wait3A_857 = tpu.memref_slice %arg6[%dma_wait3A_855, %dma_wait3A_856] : memref<10240x128xf32, #tpu.memory_space<hbm>> -> memref<10240x128xf32, #tpu.memory_space<hbm>>
      tpu.wait_indirect_dma semaphore(%arg18 : memref<!tpu.dma_semaphore, #tpu.memory_space<semaphore_mem>>) src(%dma_wait3A_857 : memref<10240x128xf32, #tpu.memory_space<hbm>>) dst(%dma_wait3A_851 : memref<64x128xf32, #tpu.memory_space<vmem>>)
      %scan3A_858 = arith.constant 0 : i32
      %scan3A_859 = arith.constant 5 : i32
      %scan3A_860 = arith.constant 2 : i32
      %scan3A_861 = arith.constant 0 : i32
      %scan3A_862 = arith.constant 32 : i32
      %scan3A_863 = arith.addi %scan3A_861, %scan3A_862 : i32
      %scan3A_864 = arith.constant 1 : i32
      scf.for %scan3A_902 = %scan3A_861 to %scan3A_863 step %scan3A_864  : i32 {
        %mul3A_903 = arith.constant 2 : i32
        %mul3A_904 = arith.muli %scan3A_902, %mul3A_903 : i32
        %add3A_905 = arith.constant 0 : i32
        %add3A_906 = arith.addi %mul3A_904, %add3A_905 : i32
        %broadcast_in_dim3A = vector.broadcast %add3A_906 : i32 to vector<16xi32>
        %gather3A_907 = arith.constant 0 : i32
        %gather3A_908 = tpu.memref_slice %arg13[%scan3A_859, %gather3A_907] : memref<6x64xf32, #tpu.memory_space<vmem>> -> memref<1x64xf32, #tpu.memory_space<vmem>>
        %gather3A_909 = tpu.memref_squeeze %gather3A_908 : memref<1x64xf32, #tpu.memory_space<vmem>> -> memref<64xf32, #tpu.memory_space<vmem>>
        %gather3A_910 = tpu.vector_load_idx %gather3A_909[%broadcast_in_dim3A] : memref<64xf32, #tpu.memory_space<vmem>>[vector<16xi32>], vector<16xf32>,
        %get3A_911 = arith.constant 0 : i32
        %get3A_912 = arith.constant 0 : i32
        %get3A_913 = tpu.memref_slice %arg14[%scan3A_860, %get3A_911, %get3A_912] : memref<3x64x128xf32, #tpu.memory_space<vmem>> -> memref<1x64x128xf32, #tpu.memory_space<vmem>>
        %get3A_914 = tpu.memref_squeeze %get3A_913 : memref<1x64x128xf32, #tpu.memory_space<vmem>> -> memref<64x128xf32, #tpu.memory_space<vmem>>
        %get3A_915 = arith.index_cast %add3A_906 : i32 to index
        %get3A_916 = arith.constant 0 : index
        %get3A_917 = tpu.vector_load %get3A_914[%get3A_915, %get3A_916] {strides = array<i32>} : memref<64x128xf32, #tpu.memory_space<vmem>>, vector<16xf32>,
        %mul3A_918 = arith.mulf %get3A_917, %gather3A_910 : vector<16xf32>
        %swap3A_919 = arith.constant 0 : i32
        %swap3A_920 = arith.constant 0 : i32
        %swap3A_921 = tpu.memref_slice %arg14[%scan3A_860, %swap3A_919, %swap3A_920] : memref<3x64x128xf32, #tpu.memory_space<vmem>> -> memref<1x64x128xf32, #tpu.memory_space<vmem>>
        %swap3A_922 = tpu.memref_squeeze %swap3A_921 : memref<1x64x128xf32, #tpu.memory_space<vmem>> -> memref<64x128xf32, #tpu.memory_space<vmem>>
        %swap3A_923 = arith.index_cast %add3A_906 : i32 to index
        %swap3A_924 = arith.constant 0 : index
        %swap3A_925 = tpu.vector_load %swap3A_922[%swap3A_923, %swap3A_924] {strides = array<i32>} : memref<64x128xf32, #tpu.memory_space<vmem>>, vector<16xf32>,
        tpu.vector_store %swap3A_922[%swap3A_923, %swap3A_924], %mul3A_918 {strides = array<i32>} : memref<64x128xf32, #tpu.memory_space<vmem>>, vector<16xf32>,
        %get3A_926 = arith.constant 0 : i32
        %get3A_927 = arith.constant 0 : i32
        %get3A_928 = tpu.memref_slice %arg14[%scan3A_860, %get3A_926, %get3A_927] : memref<3x64x128xf32, #tpu.memory_space<vmem>> -> memref<1x64x128xf32, #tpu.memory_space<vmem>>
        %get3A_929 = tpu.memref_squeeze %get3A_928 : memref<1x64x128xf32, #tpu.memory_space<vmem>> -> memref<64x128xf32, #tpu.memory_space<vmem>>
        %get3A_930 = arith.index_cast %add3A_906 : i32 to index
        %get3A_931 = arith.constant 16 : index
        %get3A_932 = tpu.vector_load %get3A_929[%get3A_930, %get3A_931] {strides = array<i32>} : memref<64x128xf32, #tpu.memory_space<vmem>>, vector<16xf32>,
        %mul3A_933 = arith.mulf %get3A_932, %gather3A_910 : vector<16xf32>
        %swap3A_934 = arith.constant 0 : i32
        %swap3A_935 = arith.constant 0 : i32
        %swap3A_936 = tpu.memref_slice %arg14[%scan3A_860, %swap3A_934, %swap3A_935] : memref<3x64x128xf32, #tpu.memory_space<vmem>> -> memref<1x64x128xf32, #tpu.memory_space<vmem>>
        %swap3A_937 = tpu.memref_squeeze %swap3A_936 : memref<1x64x128xf32, #tpu.memory_space<vmem>> -> memref<64x128xf32, #tpu.memory_space<vmem>>
        %swap3A_938 = arith.index_cast %add3A_906 : i32 to index
        %swap3A_939 = arith.constant 16 : index
        %swap3A_940 = tpu.vector_load %swap3A_937[%swap3A_938, %swap3A_939] {strides = array<i32>} : memref<64x128xf32, #tpu.memory_space<vmem>>, vector<16xf32>,
        tpu.vector_store %swap3A_937[%swap3A_938, %swap3A_939], %mul3A_933 {strides = array<i32>} : memref<64x128xf32, #tpu.memory_space<vmem>>, vector<16xf32>,
        %get3A_941 = arith.constant 0 : i32
        %get3A_942 = arith.constant 0 : i32
        %get3A_943 = tpu.memref_slice %arg14[%scan3A_860, %get3A_941, %get3A_942] : memref<3x64x128xf32, #tpu.memory_space<vmem>> -> memref<1x64x128xf32, #tpu.memory_space<vmem>>
        %get3A_944 = tpu.memref_squeeze %get3A_943 : memref<1x64x128xf32, #tpu.memory_space<vmem>> -> memref<64x128xf32, #tpu.memory_space<vmem>>
        %get3A_945 = arith.index_cast %add3A_906 : i32 to index
        %get3A_946 = arith.constant 32 : index
        %get3A_947 = tpu.vector_load %get3A_944[%get3A_945, %get3A_946] {strides = array<i32>} : memref<64x128xf32, #tpu.memory_space<vmem>>, vector<16xf32>,
        %mul3A_948 = arith.mulf %get3A_947, %gather3A_910 : vector<16xf32>
        %swap3A_949 = arith.constant 0 : i32
        %swap3A_950 = arith.constant 0 : i32
        %swap3A_951 = tpu.memref_slice %arg14[%scan3A_860, %swap3A_949, %swap3A_950] : memref<3x64x128xf32, #tpu.memory_space<vmem>> -> memref<1x64x128xf32, #tpu.memory_space<vmem>>
        %swap3A_952 = tpu.memref_squeeze %swap3A_951 : memref<1x64x128xf32, #tpu.memory_space<vmem>> -> memref<64x128xf32, #tpu.memory_space<vmem>>
        %swap3A_953 = arith.index_cast %add3A_906 : i32 to index
        %swap3A_954 = arith.constant 32 : index
        %swap3A_955 = tpu.vector_load %swap3A_952[%swap3A_953, %swap3A_954] {strides = array<i32>} : memref<64x128xf32, #tpu.memory_space<vmem>>, vector<16xf32>,
        tpu.vector_store %swap3A_952[%swap3A_953, %swap3A_954], %mul3A_948 {strides = array<i32>} : memref<64x128xf32, #tpu.memory_space<vmem>>, vector<16xf32>,
        %get3A_956 = arith.constant 0 : i32
        %get3A_957 = arith.constant 0 : i32
        %get3A_958 = tpu.memref_slice %arg14[%scan3A_860, %get3A_956, %get3A_957] : memref<3x64x128xf32, #tpu.memory_space<vmem>> -> memref<1x64x128xf32, #tpu.memory_space<vmem>>
        %get3A_959 = tpu.memref_squeeze %get3A_958 : memref<1x64x128xf32, #tpu.memory_space<vmem>> -> memref<64x128xf32, #tpu.memory_space<vmem>>
        %get3A_960 = arith.index_cast %add3A_906 : i32 to index
        %get3A_961 = arith.constant 48 : index
        %get3A_962 = tpu.vector_load %get3A_959[%get3A_960, %get3A_961] {strides = array<i32>} : memref<64x128xf32, #tpu.memory_space<vmem>>, vector<16xf32>,
        %mul3A_963 = arith.mulf %get3A_962, %gather3A_910 : vector<16xf32>
        %swap3A_964 = arith.constant 0 : i32
        %swap3A_965 = arith.constant 0 : i32
        %swap3A_966 = tpu.memref_slice %arg14[%scan3A_860, %swap3A_964, %swap3A_965] : memref<3x64x128xf32, #tpu.memory_space<vmem>> -> memref<1x64x128xf32, #tpu.memory_space<vmem>>
        %swap3A_967 = tpu.memref_squeeze %swap3A_966 : memref<1x64x128xf32, #tpu.memory_space<vmem>> -> memref<64x128xf32, #tpu.memory_space<vmem>>
        %swap3A_968 = arith.index_cast %add3A_906 : i32 to index
        %swap3A_969 = arith.constant 48 : index
        %swap3A_970 = tpu.vector_load %swap3A_967[%swap3A_968, %swap3A_969] {strides = array<i32>} : memref<64x128xf32, #tpu.memory_space<vmem>>, vector<16xf32>,
        tpu.vector_store %swap3A_967[%swap3A_968, %swap3A_969], %mul3A_963 {strides = array<i32>} : memref<64x128xf32, #tpu.memory_space<vmem>>, vector<16xf32>,
        %get3A_971 = arith.constant 0 : i32
        %get3A_972 = arith.constant 0 : i32
        %get3A_973 = tpu.memref_slice %arg14[%scan3A_860, %get3A_971, %get3A_972] : memref<3x64x128xf32, #tpu.memory_space<vmem>> -> memref<1x64x128xf32, #tpu.memory_space<vmem>>
        %get3A_974 = tpu.memref_squeeze %get3A_973 : memref<1x64x128xf32, #tpu.memory_space<vmem>> -> memref<64x128xf32, #tpu.memory_space<vmem>>
        %get3A_975 = arith.index_cast %add3A_906 : i32 to index
        %get3A_976 = arith.constant 64 : index
        %get3A_977 = tpu.vector_load %get3A_974[%get3A_975, %get3A_976] {strides = array<i32>} : memref<64x128xf32, #tpu.memory_space<vmem>>, vector<16xf32>,
        %mul3A_978 = arith.mulf %get3A_977, %gather3A_910 : vector<16xf32>
        %swap3A_979 = arith.constant 0 : i32
        %swap3A_980 = arith.constant 0 : i32
        %swap3A_981 = tpu.memref_slice %arg14[%scan3A_860, %swap3A_979, %swap3A_980] : memref<3x64x128xf32, #tpu.memory_space<vmem>> -> memref<1x64x128xf32, #tpu.memory_space<vmem>>
        %swap3A_982 = tpu.memref_squeeze %swap3A_981 : memref<1x64x128xf32, #tpu.memory_space<vmem>> -> memref<64x128xf32, #tpu.memory_space<vmem>>
        %swap3A_983 = arith.index_cast %add3A_906 : i32 to index
        %swap3A_984 = arith.constant 64 : index
        %swap3A_985 = tpu.vector_load %swap3A_982[%swap3A_983, %swap3A_984] {strides = array<i32>} : memref<64x128xf32, #tpu.memory_space<vmem>>, vector<16xf32>,
        tpu.vector_store %swap3A_982[%swap3A_983, %swap3A_984], %mul3A_978 {strides = array<i32>} : memref<64x128xf32, #tpu.memory_space<vmem>>, vector<16xf32>,
        %get3A_986 = arith.constant 0 : i32
        %get3A_987 = arith.constant 0 : i32
        %get3A_988 = tpu.memref_slice %arg14[%scan3A_860, %get3A_986, %get3A_987] : memref<3x64x128xf32, #tpu.memory_space<vmem>> -> memref<1x64x128xf32, #tpu.memory_space<vmem>>
        %get3A_989 = tpu.memref_squeeze %get3A_988 : memref<1x64x128xf32, #tpu.memory_space<vmem>> -> memref<64x128xf32, #tpu.memory_space<vmem>>
        %get3A_990 = arith.index_cast %add3A_906 : i32 to index
        %get3A_991 = arith.constant 80 : index
        %get3A_992 = tpu.vector_load %get3A_989[%get3A_990, %get3A_991] {strides = array<i32>} : memref<64x128xf32, #tpu.memory_space<vmem>>, vector<16xf32>,
        %mul3A_993 = arith.mulf %get3A_992, %gather3A_910 : vector<16xf32>
        %swap3A_994 = arith.constant 0 : i32
        %swap3A_995 = arith.constant 0 : i32
        %swap3A_996 = tpu.memref_slice %arg14[%scan3A_860, %swap3A_994, %swap3A_995] : memref<3x64x128xf32, #tpu.memory_space<vmem>> -> memref<1x64x128xf32, #tpu.memory_space<vmem>>
        %swap3A_997 = tpu.memref_squeeze %swap3A_996 : memref<1x64x128xf32, #tpu.memory_space<vmem>> -> memref<64x128xf32, #tpu.memory_space<vmem>>
        %swap3A_998 = arith.index_cast %add3A_906 : i32 to index
        %swap3A_999 = arith.constant 80 : index
        %swap3A_1000 = tpu.vector_load %swap3A_997[%swap3A_998, %swap3A_999] {strides = array<i32>} : memref<64x128xf32, #tpu.memory_space<vmem>>, vector<16xf32>,
        tpu.vector_store %swap3A_997[%swap3A_998, %swap3A_999], %mul3A_993 {strides = array<i32>} : memref<64x128xf32, #tpu.memory_space<vmem>>, vector<16xf32>,
        %get3A_1001 = arith.constant 0 : i32
        %get3A_1002 = arith.constant 0 : i32
        %get3A_1003 = tpu.memref_slice %arg14[%scan3A_860, %get3A_1001, %get3A_1002] : memref<3x64x128xf32, #tpu.memory_space<vmem>> -> memref<1x64x128xf32, #tpu.memory_space<vmem>>
        %get3A_1004 = tpu.memref_squeeze %get3A_1003 : memref<1x64x128xf32, #tpu.memory_space<vmem>> -> memref<64x128xf32, #tpu.memory_space<vmem>>
        %get3A_1005 = arith.index_cast %add3A_906 : i32 to index
        %get3A_1006 = arith.constant 96 : index
        %get3A_1007 = tpu.vector_load %get3A_1004[%get3A_1005, %get3A_1006] {strides = array<i32>} : memref<64x128xf32, #tpu.memory_space<vmem>>, vector<16xf32>,
        %mul3A_1008 = arith.mulf %get3A_1007, %gather3A_910 : vector<16xf32>
        %swap3A_1009 = arith.constant 0 : i32
        %swap3A_1010 = arith.constant 0 : i32
        %swap3A_1011 = tpu.memref_slice %arg14[%scan3A_860, %swap3A_1009, %swap3A_1010] : memref<3x64x128xf32, #tpu.memory_space<vmem>> -> memref<1x64x128xf32, #tpu.memory_space<vmem>>
        %swap3A_1012 = tpu.memref_squeeze %swap3A_1011 : memref<1x64x128xf32, #tpu.memory_space<vmem>> -> memref<64x128xf32, #tpu.memory_space<vmem>>
        %swap3A_1013 = arith.index_cast %add3A_906 : i32 to index
        %swap3A_1014 = arith.constant 96 : index
        %swap3A_1015 = tpu.vector_load %swap3A_1012[%swap3A_1013, %swap3A_1014] {strides = array<i32>} : memref<64x128xf32, #tpu.memory_space<vmem>>, vector<16xf32>,
        tpu.vector_store %swap3A_1012[%swap3A_1013, %swap3A_1014], %mul3A_1008 {strides = array<i32>} : memref<64x128xf32, #tpu.memory_space<vmem>>, vector<16xf32>,
        %get3A_1016 = arith.constant 0 : i32
        %get3A_1017 = arith.constant 0 : i32
        %get3A_1018 = tpu.memref_slice %arg14[%scan3A_860, %get3A_1016, %get3A_1017] : memref<3x64x128xf32, #tpu.memory_space<vmem>> -> memref<1x64x128xf32, #tpu.memory_space<vmem>>
        %get3A_1019 = tpu.memref_squeeze %get3A_1018 : memref<1x64x128xf32, #tpu.memory_space<vmem>> -> memref<64x128xf32, #tpu.memory_space<vmem>>
        %get3A_1020 = arith.index_cast %add3A_906 : i32 to index
        %get3A_1021 = arith.constant 112 : index
        %get3A_1022 = tpu.vector_load %get3A_1019[%get3A_1020, %get3A_1021] {strides = array<i32>} : memref<64x128xf32, #tpu.memory_space<vmem>>, vector<16xf32>,
        %mul3A_1023 = arith.mulf %get3A_1022, %gather3A_910 : vector<16xf32>
        %swap3A_1024 = arith.constant 0 : i32
        %swap3A_1025 = arith.constant 0 : i32
        %swap3A_1026 = tpu.memref_slice %arg14[%scan3A_860, %swap3A_1024, %swap3A_1025] : memref<3x64x128xf32, #tpu.memory_space<vmem>> -> memref<1x64x128xf32, #tpu.memory_space<vmem>>
        %swap3A_1027 = tpu.memref_squeeze %swap3A_1026 : memref<1x64x128xf32, #tpu.memory_space<vmem>> -> memref<64x128xf32, #tpu.memory_space<vmem>>
        %swap3A_1028 = arith.index_cast %add3A_906 : i32 to index
        %swap3A_1029 = arith.constant 112 : index
        %swap3A_1030 = tpu.vector_load %swap3A_1027[%swap3A_1028, %swap3A_1029] {strides = array<i32>} : memref<64x128xf32, #tpu.memory_space<vmem>>, vector<16xf32>,
        tpu.vector_store %swap3A_1027[%swap3A_1028, %swap3A_1029], %mul3A_1023 {strides = array<i32>} : memref<64x128xf32, #tpu.memory_space<vmem>>, vector<16xf32>,
        %mul3A_1031 = arith.constant 2 : i32
        %mul3A_1032 = arith.muli %scan3A_902, %mul3A_1031 : i32
        %add3A_1033 = arith.constant 1 : i32
        %add3A_1034 = arith.addi %mul3A_1032, %add3A_1033 : i32
        %broadcast_in_dim3A_1035 = vector.broadcast %add3A_1034 : i32 to vector<16xi32>
        %gather3A_1036 = arith.constant 0 : i32
        %gather3A_1037 = tpu.memref_slice %arg13[%scan3A_859, %gather3A_1036] : memref<6x64xf32, #tpu.memory_space<vmem>> -> memref<1x64xf32, #tpu.memory_space<vmem>>
        %gather3A_1038 = tpu.memref_squeeze %gather3A_1037 : memref<1x64xf32, #tpu.memory_space<vmem>> -> memref<64xf32, #tpu.memory_space<vmem>>
        %gather3A_1039 = tpu.vector_load_idx %gather3A_1038[%broadcast_in_dim3A_1035] : memref<64xf32, #tpu.memory_space<vmem>>[vector<16xi32>], vector<16xf32>,
        %get3A_1040 = arith.constant 0 : i32
        %get3A_1041 = arith.constant 0 : i32
        %get3A_1042 = tpu.memref_slice %arg14[%scan3A_860, %get3A_1040, %get3A_1041] : memref<3x64x128xf32, #tpu.memory_space<vmem>> -> memref<1x64x128xf32, #tpu.memory_space<vmem>>
        %get3A_1043 = tpu.memref_squeeze %get3A_1042 : memref<1x64x128xf32, #tpu.memory_space<vmem>> -> memref<64x128xf32, #tpu.memory_space<vmem>>
        %get3A_1044 = arith.index_cast %add3A_1034 : i32 to index
        %get3A_1045 = arith.constant 0 : index
        %get3A_1046 = tpu.vector_load %get3A_1043[%get3A_1044, %get3A_1045] {strides = array<i32>} : memref<64x128xf32, #tpu.memory_space<vmem>>, vector<16xf32>,
        %mul3A_1047 = arith.mulf %get3A_1046, %gather3A_1039 : vector<16xf32>
        %swap3A_1048 = arith.constant 0 : i32
        %swap3A_1049 = arith.constant 0 : i32
        %swap3A_1050 = tpu.memref_slice %arg14[%scan3A_860, %swap3A_1048, %swap3A_1049] : memref<3x64x128xf32, #tpu.memory_space<vmem>> -> memref<1x64x128xf32, #tpu.memory_space<vmem>>
        %swap3A_1051 = tpu.memref_squeeze %swap3A_1050 : memref<1x64x128xf32, #tpu.memory_space<vmem>> -> memref<64x128xf32, #tpu.memory_space<vmem>>
        %swap3A_1052 = arith.index_cast %add3A_1034 : i32 to index
        %swap3A_1053 = arith.constant 0 : index
        %swap3A_1054 = tpu.vector_load %swap3A_1051[%swap3A_1052, %swap3A_1053] {strides = array<i32>} : memref<64x128xf32, #tpu.memory_space<vmem>>, vector<16xf32>,
        tpu.vector_store %swap3A_1051[%swap3A_1052, %swap3A_1053], %mul3A_1047 {strides = array<i32>} : memref<64x128xf32, #tpu.memory_space<vmem>>, vector<16xf32>,
        %get3A_1055 = arith.constant 0 : i32
        %get3A_1056 = arith.constant 0 : i32
        %get3A_1057 = tpu.memref_slice %arg14[%scan3A_860, %get3A_1055, %get3A_1056] : memref<3x64x128xf32, #tpu.memory_space<vmem>> -> memref<1x64x128xf32, #tpu.memory_space<vmem>>
        %get3A_1058 = tpu.memref_squeeze %get3A_1057 : memref<1x64x128xf32, #tpu.memory_space<vmem>> -> memref<64x128xf32, #tpu.memory_space<vmem>>
        %get3A_1059 = arith.index_cast %add3A_1034 : i32 to index
        %get3A_1060 = arith.constant 16 : index
        %get3A_1061 = tpu.vector_load %get3A_1058[%get3A_1059, %get3A_1060] {strides = array<i32>} : memref<64x128xf32, #tpu.memory_space<vmem>>, vector<16xf32>,
        %mul3A_1062 = arith.mulf %get3A_1061, %gather3A_1039 : vector<16xf32>
        %swap3A_1063 = arith.constant 0 : i32
        %swap3A_1064 = arith.constant 0 : i32
        %swap3A_1065 = tpu.memref_slice %arg14[%scan3A_860, %swap3A_1063, %swap3A_1064] : memref<3x64x128xf32, #tpu.memory_space<vmem>> -> memref<1x64x128xf32, #tpu.memory_space<vmem>>
        %swap3A_1066 = tpu.memref_squeeze %swap3A_1065 : memref<1x64x128xf32, #tpu.memory_space<vmem>> -> memref<64x128xf32, #tpu.memory_space<vmem>>
        %swap3A_1067 = arith.index_cast %add3A_1034 : i32 to index
        %swap3A_1068 = arith.constant 16 : index
        %swap3A_1069 = tpu.vector_load %swap3A_1066[%swap3A_1067, %swap3A_1068] {strides = array<i32>} : memref<64x128xf32, #tpu.memory_space<vmem>>, vector<16xf32>,
        tpu.vector_store %swap3A_1066[%swap3A_1067, %swap3A_1068], %mul3A_1062 {strides = array<i32>} : memref<64x128xf32, #tpu.memory_space<vmem>>, vector<16xf32>,
        %get3A_1070 = arith.constant 0 : i32
        %get3A_1071 = arith.constant 0 : i32
        %get3A_1072 = tpu.memref_slice %arg14[%scan3A_860, %get3A_1070, %get3A_1071] : memref<3x64x128xf32, #tpu.memory_space<vmem>> -> memref<1x64x128xf32, #tpu.memory_space<vmem>>
        %get3A_1073 = tpu.memref_squeeze %get3A_1072 : memref<1x64x128xf32, #tpu.memory_space<vmem>> -> memref<64x128xf32, #tpu.memory_space<vmem>>
        %get3A_1074 = arith.index_cast %add3A_1034 : i32 to index
        %get3A_1075 = arith.constant 32 : index
        %get3A_1076 = tpu.vector_load %get3A_1073[%get3A_1074, %get3A_1075] {strides = array<i32>} : memref<64x128xf32, #tpu.memory_space<vmem>>, vector<16xf32>,
        %mul3A_1077 = arith.mulf %get3A_1076, %gather3A_1039 : vector<16xf32>
        %swap3A_1078 = arith.constant 0 : i32
        %swap3A_1079 = arith.constant 0 : i32
        %swap3A_1080 = tpu.memref_slice %arg14[%scan3A_860, %swap3A_1078, %swap3A_1079] : memref<3x64x128xf32, #tpu.memory_space<vmem>> -> memref<1x64x128xf32, #tpu.memory_space<vmem>>
        %swap3A_1081 = tpu.memref_squeeze %swap3A_1080 : memref<1x64x128xf32, #tpu.memory_space<vmem>> -> memref<64x128xf32, #tpu.memory_space<vmem>>
        %swap3A_1082 = arith.index_cast %add3A_1034 : i32 to index
        %swap3A_1083 = arith.constant 32 : index
        %swap3A_1084 = tpu.vector_load %swap3A_1081[%swap3A_1082, %swap3A_1083] {strides = array<i32>} : memref<64x128xf32, #tpu.memory_space<vmem>>, vector<16xf32>,
        tpu.vector_store %swap3A_1081[%swap3A_1082, %swap3A_1083], %mul3A_1077 {strides = array<i32>} : memref<64x128xf32, #tpu.memory_space<vmem>>, vector<16xf32>,
        %get3A_1085 = arith.constant 0 : i32
        %get3A_1086 = arith.constant 0 : i32
        %get3A_1087 = tpu.memref_slice %arg14[%scan3A_860, %get3A_1085, %get3A_1086] : memref<3x64x128xf32, #tpu.memory_space<vmem>> -> memref<1x64x128xf32, #tpu.memory_space<vmem>>
        %get3A_1088 = tpu.memref_squeeze %get3A_1087 : memref<1x64x128xf32, #tpu.memory_space<vmem>> -> memref<64x128xf32, #tpu.memory_space<vmem>>
        %get3A_1089 = arith.index_cast %add3A_1034 : i32 to index
        %get3A_1090 = arith.constant 48 : index
        %get3A_1091 = tpu.vector_load %get3A_1088[%get3A_1089, %get3A_1090] {strides = array<i32>} : memref<64x128xf32, #tpu.memory_space<vmem>>, vector<16xf32>,
        %mul3A_1092 = arith.mulf %get3A_1091, %gather3A_1039 : vector<16xf32>
        %swap3A_1093 = arith.constant 0 : i32
        %swap3A_1094 = arith.constant 0 : i32
        %swap3A_1095 = tpu.memref_slice %arg14[%scan3A_860, %swap3A_1093, %swap3A_1094] : memref<3x64x128xf32, #tpu.memory_space<vmem>> -> memref<1x64x128xf32, #tpu.memory_space<vmem>>
        %swap3A_1096 = tpu.memref_squeeze %swap3A_1095 : memref<1x64x128xf32, #tpu.memory_space<vmem>> -> memref<64x128xf32, #tpu.memory_space<vmem>>
        %swap3A_1097 = arith.index_cast %add3A_1034 : i32 to index
        %swap3A_1098 = arith.constant 48 : index
        %swap3A_1099 = tpu.vector_load %swap3A_1096[%swap3A_1097, %swap3A_1098] {strides = array<i32>} : memref<64x128xf32, #tpu.memory_space<vmem>>, vector<16xf32>,
        tpu.vector_store %swap3A_1096[%swap3A_1097, %swap3A_1098], %mul3A_1092 {strides = array<i32>} : memref<64x128xf32, #tpu.memory_space<vmem>>, vector<16xf32>,
        %get3A_1100 = arith.constant 0 : i32
        %get3A_1101 = arith.constant 0 : i32
        %get3A_1102 = tpu.memref_slice %arg14[%scan3A_860, %get3A_1100, %get3A_1101] : memref<3x64x128xf32, #tpu.memory_space<vmem>> -> memref<1x64x128xf32, #tpu.memory_space<vmem>>
        %get3A_1103 = tpu.memref_squeeze %get3A_1102 : memref<1x64x128xf32, #tpu.memory_space<vmem>> -> memref<64x128xf32, #tpu.memory_space<vmem>>
        %get3A_1104 = arith.index_cast %add3A_1034 : i32 to index
        %get3A_1105 = arith.constant 64 : index
        %get3A_1106 = tpu.vector_load %get3A_1103[%get3A_1104, %get3A_1105] {strides = array<i32>} : memref<64x128xf32, #tpu.memory_space<vmem>>, vector<16xf32>,
        %mul3A_1107 = arith.mulf %get3A_1106, %gather3A_1039 : vector<16xf32>
        %swap3A_1108 = arith.constant 0 : i32
        %swap3A_1109 = arith.constant 0 : i32
        %swap3A_1110 = tpu.memref_slice %arg14[%scan3A_860, %swap3A_1108, %swap3A_1109] : memref<3x64x128xf32, #tpu.memory_space<vmem>> -> memref<1x64x128xf32, #tpu.memory_space<vmem>>
        %swap3A_1111 = tpu.memref_squeeze %swap3A_1110 : memref<1x64x128xf32, #tpu.memory_space<vmem>> -> memref<64x128xf32, #tpu.memory_space<vmem>>
        %swap3A_1112 = arith.index_cast %add3A_1034 : i32 to index
        %swap3A_1113 = arith.constant 64 : index
        %swap3A_1114 = tpu.vector_load %swap3A_1111[%swap3A_1112, %swap3A_1113] {strides = array<i32>} : memref<64x128xf32, #tpu.memory_space<vmem>>, vector<16xf32>,
        tpu.vector_store %swap3A_1111[%swap3A_1112, %swap3A_1113], %mul3A_1107 {strides = array<i32>} : memref<64x128xf32, #tpu.memory_space<vmem>>, vector<16xf32>,
        %get3A_1115 = arith.constant 0 : i32
        %get3A_1116 = arith.constant 0 : i32
        %get3A_1117 = tpu.memref_slice %arg14[%scan3A_860, %get3A_1115, %get3A_1116] : memref<3x64x128xf32, #tpu.memory_space<vmem>> -> memref<1x64x128xf32, #tpu.memory_space<vmem>>
        %get3A_1118 = tpu.memref_squeeze %get3A_1117 : memref<1x64x128xf32, #tpu.memory_space<vmem>> -> memref<64x128xf32, #tpu.memory_space<vmem>>
        %get3A_1119 = arith.index_cast %add3A_1034 : i32 to index
        %get3A_1120 = arith.constant 80 : index
        %get3A_1121 = tpu.vector_load %get3A_1118[%get3A_1119, %get3A_1120] {strides = array<i32>} : memref<64x128xf32, #tpu.memory_space<vmem>>, vector<16xf32>,
        %mul3A_1122 = arith.mulf %get3A_1121, %gather3A_1039 : vector<16xf32>
        %swap3A_1123 = arith.constant 0 : i32
        %swap3A_1124 = arith.constant 0 : i32
        %swap3A_1125 = tpu.memref_slice %arg14[%scan3A_860, %swap3A_1123, %swap3A_1124] : memref<3x64x128xf32, #tpu.memory_space<vmem>> -> memref<1x64x128xf32, #tpu.memory_space<vmem>>
        %swap3A_1126 = tpu.memref_squeeze %swap3A_1125 : memref<1x64x128xf32, #tpu.memory_space<vmem>> -> memref<64x128xf32, #tpu.memory_space<vmem>>
        %swap3A_1127 = arith.index_cast %add3A_1034 : i32 to index
        %swap3A_1128 = arith.constant 80 : index
        %swap3A_1129 = tpu.vector_load %swap3A_1126[%swap3A_1127, %swap3A_1128] {strides = array<i32>} : memref<64x128xf32, #tpu.memory_space<vmem>>, vector<16xf32>,
        tpu.vector_store %swap3A_1126[%swap3A_1127, %swap3A_1128], %mul3A_1122 {strides = array<i32>} : memref<64x128xf32, #tpu.memory_space<vmem>>, vector<16xf32>,
        %get3A_1130 = arith.constant 0 : i32
        %get3A_1131 = arith.constant 0 : i32
        %get3A_1132 = tpu.memref_slice %arg14[%scan3A_860, %get3A_1130, %get3A_1131] : memref<3x64x128xf32, #tpu.memory_space<vmem>> -> memref<1x64x128xf32, #tpu.memory_space<vmem>>
        %get3A_1133 = tpu.memref_squeeze %get3A_1132 : memref<1x64x128xf32, #tpu.memory_space<vmem>> -> memref<64x128xf32, #tpu.memory_space<vmem>>
        %get3A_1134 = arith.index_cast %add3A_1034 : i32 to index
        %get3A_1135 = arith.constant 96 : index
        %get3A_1136 = tpu.vector_load %get3A_1133[%get3A_1134, %get3A_1135] {strides = array<i32>} : memref<64x128xf32, #tpu.memory_space<vmem>>, vector<16xf32>,
        %mul3A_1137 = arith.mulf %get3A_1136, %gather3A_1039 : vector<16xf32>
        %swap3A_1138 = arith.constant 0 : i32
        %swap3A_1139 = arith.constant 0 : i32
        %swap3A_1140 = tpu.memref_slice %arg14[%scan3A_860, %swap3A_1138, %swap3A_1139] : memref<3x64x128xf32, #tpu.memory_space<vmem>> -> memref<1x64x128xf32, #tpu.memory_space<vmem>>
        %swap3A_1141 = tpu.memref_squeeze %swap3A_1140 : memref<1x64x128xf32, #tpu.memory_space<vmem>> -> memref<64x128xf32, #tpu.memory_space<vmem>>
        %swap3A_1142 = arith.index_cast %add3A_1034 : i32 to index
        %swap3A_1143 = arith.constant 96 : index
        %swap3A_1144 = tpu.vector_load %swap3A_1141[%swap3A_1142, %swap3A_1143] {strides = array<i32>} : memref<64x128xf32, #tpu.memory_space<vmem>>, vector<16xf32>,
        tpu.vector_store %swap3A_1141[%swap3A_1142, %swap3A_1143], %mul3A_1137 {strides = array<i32>} : memref<64x128xf32, #tpu.memory_space<vmem>>, vector<16xf32>,
        %get3A_1145 = arith.constant 0 : i32
        %get3A_1146 = arith.constant 0 : i32
        %get3A_1147 = tpu.memref_slice %arg14[%scan3A_860, %get3A_1145, %get3A_1146] : memref<3x64x128xf32, #tpu.memory_space<vmem>> -> memref<1x64x128xf32, #tpu.memory_space<vmem>>
        %get3A_1148 = tpu.memref_squeeze %get3A_1147 : memref<1x64x128xf32, #tpu.memory_space<vmem>> -> memref<64x128xf32, #tpu.memory_space<vmem>>
        %get3A_1149 = arith.index_cast %add3A_1034 : i32 to index
        %get3A_1150 = arith.constant 112 : index
        %get3A_1151 = tpu.vector_load %get3A_1148[%get3A_1149, %get3A_1150] {strides = array<i32>} : memref<64x128xf32, #tpu.memory_space<vmem>>, vector<16xf32>,
        %mul3A_1152 = arith.mulf %get3A_1151, %gather3A_1039 : vector<16xf32>
        %swap3A_1153 = arith.constant 0 : i32
        %swap3A_1154 = arith.constant 0 : i32
        %swap3A_1155 = tpu.memref_slice %arg14[%scan3A_860, %swap3A_1153, %swap3A_1154] : memref<3x64x128xf32, #tpu.memory_space<vmem>> -> memref<1x64x128xf32, #tpu.memory_space<vmem>>
        %swap3A_1156 = tpu.memref_squeeze %swap3A_1155 : memref<1x64x128xf32, #tpu.memory_space<vmem>> -> memref<64x128xf32, #tpu.memory_space<vmem>>
        %swap3A_1157 = arith.index_cast %add3A_1034 : i32 to index
        %swap3A_1158 = arith.constant 112 : index
        %swap3A_1159 = tpu.vector_load %swap3A_1156[%swap3A_1157, %swap3A_1158] {strides = array<i32>} : memref<64x128xf32, #tpu.memory_space<vmem>>, vector<16xf32>,
        tpu.vector_store %swap3A_1156[%swap3A_1157, %swap3A_1158], %mul3A_1152 {strides = array<i32>} : memref<64x128xf32, #tpu.memory_space<vmem>>, vector<16xf32>,
      }
      %scan3A_865 = arith.constant 32 : i32
      %dma_start3A_866 = arith.constant 2 : i32
      %dma_start3A_867 = arith.constant 5 : i32
      %dma_start3A_868 = arith.constant 0 : i32
      %dma_start3A_869 = arith.constant 0 : i32
      %dma_start3A_870 = tpu.memref_slice %arg14[%dma_start3A_866, %dma_start3A_868, %dma_start3A_869] : memref<3x64x128xf32, #tpu.memory_space<vmem>> -> memref<1x64x128xf32, #tpu.memory_space<vmem>>
      %dma_start3A_871 = tpu.memref_squeeze %dma_start3A_870 : memref<1x64x128xf32, #tpu.memory_space<vmem>> -> memref<64x128xf32, #tpu.memory_space<vmem>>
      %dma_start3A_872 = arith.constant 0 : i32
      %dma_start3A_873 = tpu.memref_slice %arg12[%dma_start3A_867, %dma_start3A_872] : memref<6x64xi32, #tpu.memory_space<vmem>> -> memref<1x64xi32, #tpu.memory_space<vmem>>
      %dma_start3A_874 = tpu.memref_squeeze %dma_start3A_873 : memref<1x64xi32, #tpu.memory_space<vmem>> -> memref<64xi32, #tpu.memory_space<vmem>>
      %dma_start3A_875 = arith.constant 0 : i32
      %dma_start3A_876 = arith.constant 0 : i32
      %dma_start3A_877 = tpu.memref_slice %arg15[%dma_start3A_875, %dma_start3A_876] : memref<10240x128xf32, #tpu.memory_space<vmem_shared>> -> memref<10240x128xf32, #tpu.memory_space<vmem_shared>>
      tpu.enqueue_indirect_dma source(%dma_start3A_871 : memref<64x128xf32, #tpu.memory_space<vmem>>) target(%dma_start3A_877 : memref<10240x128xf32, #tpu.memory_space<vmem_shared>>) offsets(%dma_start3A_874 : memref<64xi32, #tpu.memory_space<vmem>>) semaphore(%arg21 : memref<!tpu.dma_semaphore, #tpu.memory_space<semaphore_mem>>) {add = true}
      %dma_wait3A_878 = arith.constant 1 : i32
      %dma_wait3A_879 = arith.constant 4 : i32
      %dma_wait3A_880 = arith.constant 0 : i32
      %dma_wait3A_881 = arith.constant 0 : i32
      %dma_wait3A_882 = tpu.memref_slice %arg14[%dma_wait3A_878, %dma_wait3A_880, %dma_wait3A_881] : memref<3x64x128xf32, #tpu.memory_space<vmem>> -> memref<1x64x128xf32, #tpu.memory_space<vmem>>
      %dma_wait3A_883 = tpu.memref_squeeze %dma_wait3A_882 : memref<1x64x128xf32, #tpu.memory_space<vmem>> -> memref<64x128xf32, #tpu.memory_space<vmem>>
      %dma_wait3A_884 = arith.constant 0 : i32
      %dma_wait3A_885 = tpu.memref_slice %arg12[%dma_wait3A_879, %dma_wait3A_884] : memref<6x64xi32, #tpu.memory_space<vmem>> -> memref<1x64xi32, #tpu.memory_space<vmem>>
      %dma_wait3A_886 = tpu.memref_squeeze %dma_wait3A_885 : memref<1x64xi32, #tpu.memory_space<vmem>> -> memref<64xi32, #tpu.memory_space<vmem>>
      %dma_wait3A_887 = arith.constant 0 : i32
      %dma_wait3A_888 = arith.constant 0 : i32
      %dma_wait3A_889 = tpu.memref_slice %arg15[%dma_wait3A_887, %dma_wait3A_888] : memref<10240x128xf32, #tpu.memory_space<vmem_shared>> -> memref<10240x128xf32, #tpu.memory_space<vmem_shared>>
      tpu.wait_indirect_dma semaphore(%arg20 : memref<!tpu.dma_semaphore, #tpu.memory_space<semaphore_mem>>) src(%dma_wait3A_883 : memref<64x128xf32, #tpu.memory_space<vmem>>) dst(%dma_wait3A_889 : memref<10240x128xf32, #tpu.memory_space<vmem_shared>>)
      %dma_wait3A_890 = arith.constant 2 : i32
      %dma_wait3A_891 = arith.constant 5 : i32
      %dma_wait3A_892 = arith.constant 0 : i32
      %dma_wait3A_893 = arith.constant 0 : i32
      %dma_wait3A_894 = tpu.memref_slice %arg14[%dma_wait3A_890, %dma_wait3A_892, %dma_wait3A_893] : memref<3x64x128xf32, #tpu.memory_space<vmem>> -> memref<1x64x128xf32, #tpu.memory_space<vmem>>
      %dma_wait3A_895 = tpu.memref_squeeze %dma_wait3A_894 : memref<1x64x128xf32, #tpu.memory_space<vmem>> -> memref<64x128xf32, #tpu.memory_space<vmem>>
      %dma_wait3A_896 = arith.constant 0 : i32
      %dma_wait3A_897 = tpu.memref_slice %arg12[%dma_wait3A_891, %dma_wait3A_896] : memref<6x64xi32, #tpu.memory_space<vmem>> -> memref<1x64xi32, #tpu.memory_space<vmem>>
      %dma_wait3A_898 = tpu.memref_squeeze %dma_wait3A_897 : memref<1x64xi32, #tpu.memory_space<vmem>> -> memref<64xi32, #tpu.memory_space<vmem>>
      %dma_wait3A_899 = arith.constant 0 : i32
      %dma_wait3A_900 = arith.constant 0 : i32
      %dma_wait3A_901 = tpu.memref_slice %arg15[%dma_wait3A_899, %dma_wait3A_900] : memref<10240x128xf32, #tpu.memory_space<vmem_shared>> -> memref<10240x128xf32, #tpu.memory_space<vmem_shared>>
      tpu.wait_indirect_dma semaphore(%arg21 : memref<!tpu.dma_semaphore, #tpu.memory_space<semaphore_mem>>) src(%dma_wait3A_895 : memref<64x128xf32, #tpu.memory_space<vmem>>) dst(%dma_wait3A_901 : memref<10240x128xf32, #tpu.memory_space<vmem_shared>>)
    }
    %scan3A_13 = arith.constant 27 : i32
    %barrier3A_14 = arith.constant 0 : index
    tpu.barrier barrier_id(%barrier3A_14)
    "tpu.region"() ({
      %run_scoped3A_15 = tpu.sem_alloc : memref<!tpu.dma_semaphore, #tpu.memory_space<semaphore_mem>>
      %dma_start3A = arith.constant 0 : i32
      %dma_start3A_16 = arith.constant 0 : i32
      %dma_start3A_17 = tpu.memref_slice %arg8[%arg0, %dma_start3A, %dma_start3A_16] : memref<2x10240x128xf32, #tpu.memory_space<hbm>> -> memref<1x10240x128xf32, #tpu.memory_space<hbm>>
      %dma_start3A_18 = tpu.memref_squeeze %dma_start3A_17 : memref<1x10240x128xf32, #tpu.memory_space<hbm>> -> memref<10240x128xf32, #tpu.memory_space<hbm>>
      %dma_start3A_19 = arith.constant 0 : i32
      %dma_start3A_20 = tpu.memref_slice %dma_start3A_18[%mul3A_2, %dma_start3A_19] : memref<10240x128xf32, #tpu.memory_space<hbm>> -> memref<640x128xf32, #tpu.memory_space<hbm>>
      %dma_start3A_21 = arith.constant 0 : i32
      %dma_start3A_22 = tpu.memref_slice %arg15[%mul3A_2, %dma_start3A_21] : memref<10240x128xf32, #tpu.memory_space<vmem_shared>> -> memref<640x128xf32, #tpu.memory_space<vmem_shared>>
      tpu.enqueue_dma source(%dma_start3A_22 : memref<640x128xf32, #tpu.memory_space<vmem_shared>>) target(%dma_start3A_20 : memref<640x128xf32, #tpu.memory_space<hbm>>) target_semaphore(%run_scoped3A_15 : memref<!tpu.dma_semaphore, #tpu.memory_space<semaphore_mem>>)
      %dma_wait3A = arith.constant 0 : i32
      %dma_wait3A_23 = arith.constant 0 : i32
      %dma_wait3A_24 = tpu.memref_slice %arg8[%arg0, %dma_wait3A, %dma_wait3A_23] : memref<2x10240x128xf32, #tpu.memory_space<hbm>> -> memref<1x10240x128xf32, #tpu.memory_space<hbm>>
      %dma_wait3A_25 = tpu.memref_squeeze %dma_wait3A_24 : memref<1x10240x128xf32, #tpu.memory_space<hbm>> -> memref<10240x128xf32, #tpu.memory_space<hbm>>
      %dma_wait3A_26 = arith.constant 0 : i32
      %dma_wait3A_27 = tpu.memref_slice %dma_wait3A_25[%mul3A_2, %dma_wait3A_26] : memref<10240x128xf32, #tpu.memory_space<hbm>> -> memref<640x128xf32, #tpu.memory_space<hbm>>
      %dma_wait3A_28 = arith.constant 0 : i32
      %dma_wait3A_29 = tpu.memref_slice %arg15[%mul3A_2, %dma_wait3A_28] : memref<10240x128xf32, #tpu.memory_space<vmem_shared>> -> memref<640x128xf32, #tpu.memory_space<vmem_shared>>
      tpu.wait_dma2 semaphore(%run_scoped3A_15 : memref<!tpu.dma_semaphore, #tpu.memory_space<semaphore_mem>>) src(%dma_wait3A_29 : memref<640x128xf32, #tpu.memory_space<vmem_shared>>) dst(%dma_wait3A_27 : memref<640x128xf32, #tpu.memory_space<hbm>>)
      tpu.yield
    }) : () -> ()
    return
  }
}

module attributes {stable_mosaic.version = 14 : i64} {
  func.func @_tc1_body(%arg0: i32, %arg1: memref<1000x128xf32, #tpu.memory_space<vmem>>, %arg2: memref<128x128xf32, #tpu.memory_space<vmem>>, %arg3: memref<128x128xf32, #tpu.memory_space<vmem>>, %arg4: memref<1000x128xf32, #tpu.memory_space<vmem>>, %arg5: memref<1000x128xf32, #tpu.memory_space<vmem>>, %arg6: memref<8x128xf32, #tpu.memory_space<vmem>>) attributes {dimension_semantics = [#tpu.dimension_semantics<arbitrary>], iteration_bounds = array<i64: 10>, scalar_prefetch = 0 : i64, scratch_operands = 0 : i64, tpu.core_type = #tpu.core_type<tc>, window_params = [{transform_indices = @transform_0, window_bounds = array<i64: 1000, 128>}, {pipeline_mode = #tpu.pipeline_mode<synchronous>, transform_indices = @transform_1, window_bounds = array<i64: 128, 128>}, {pipeline_mode = #tpu.pipeline_mode<synchronous>, transform_indices = @transform_2, window_bounds = array<i64: 128, 128>}, {transform_indices = @transform_3, window_bounds = array<i64: 1000, 128>}, {transform_indices = @transform_4, window_bounds = array<i64: 1000, 128>}, {pipeline_mode = #tpu.pipeline_mode<synchronous>, transform_indices = @transform_5, window_bounds = array<i64: 8, 128>}]} {
    %get3A = arith.constant 0 : index
    %get3A_0 = arith.constant 0 : index
    %get3A_1 = vector.load %arg1[%get3A, %get3A_0] : memref<1000x128xf32, #tpu.memory_space<vmem>>, vector<1000x128xf32>
    %get3A_2 = arith.constant 0 : index
    %get3A_3 = arith.constant 0 : index
    %get3A_4 = vector.load %arg2[%get3A_2, %get3A_3] : memref<128x128xf32, #tpu.memory_space<vmem>>, vector<128x128xf32>
    %dot_general3A = arith.constant dense<0.000000e+00> : vector<1000x128xf32>
    %dot_general3A_5 = tpu.matmul %get3A_1, %get3A_4, %dot_general3A {dimension_numbers = #tpu.dot_dimension_numbers<[1], [0], [0], [1], [0, 0, 1, 1], [], []>, transpose_lhs_hint = false} : vector<1000x128xf32>, vector<128x128xf32>, vector<1000x128xf32> -> vector<1000x128xf32>
    %swap3A = arith.constant 0 : index
    %swap3A_6 = arith.constant 0 : index
    %swap3A_7 = vector.load %arg4[%swap3A, %swap3A_6] : memref<1000x128xf32, #tpu.memory_space<vmem>>, vector<1000x128xf32>
    tpu.vector_store %arg4[%swap3A, %swap3A_6], %dot_general3A_5 {strides = array<i32>} : memref<1000x128xf32, #tpu.memory_space<vmem>>, vector<1000x128xf32>,
    %get3A_8 = arith.constant 0 : index
    %get3A_9 = arith.constant 0 : index
    %get3A_10 = vector.load %arg3[%get3A_8, %get3A_9] : memref<128x128xf32, #tpu.memory_space<vmem>>, vector<128x128xf32>
    %dot_general3A_11 = arith.constant dense<0.000000e+00> : vector<1000x128xf32>
    %dot_general3A_12 = tpu.matmul %dot_general3A_5, %get3A_10, %dot_general3A_11 {dimension_numbers = #tpu.dot_dimension_numbers<[1], [0], [0], [1], [0, 0, 1, 1], [], []>, transpose_lhs_hint = false} : vector<1000x128xf32>, vector<128x128xf32>, vector<1000x128xf32> -> vector<1000x128xf32>
    %swap3A_13 = arith.constant 0 : index
    %swap3A_14 = arith.constant 0 : index
    %swap3A_15 = vector.load %arg5[%swap3A_13, %swap3A_14] : memref<1000x128xf32, #tpu.memory_space<vmem>>, vector<1000x128xf32>
    tpu.vector_store %arg5[%swap3A_13, %swap3A_14], %dot_general3A_12 {strides = array<i32>} : memref<1000x128xf32, #tpu.memory_space<vmem>>, vector<1000x128xf32>,
    %eq3A = arith.constant 0 : i32
    %eq3A_16 = arith.cmpi eq, %arg0, %eq3A : i32
    %convert_element_type3A = arith.extui %eq3A_16 : i1 to i32
    %cond3A = arith.constant 0 : i32
    %cond3A_17 = arith.cmpi ne, %convert_element_type3A, %cond3A : i32
    scf.if %cond3A_17 {
      %broadcast_in_dim3A_27 = arith.constant 0xFF800000 : f32
      %broadcast_in_dim3A_28 = vector.broadcast %broadcast_in_dim3A_27 : f32 to vector<8x128xf32>
      %swap3A_29 = arith.constant 0 : index
      %swap3A_30 = arith.constant 0 : index
      %swap3A_31 = vector.load %arg6[%swap3A_29, %swap3A_30] : memref<8x128xf32, #tpu.memory_space<vmem>>, vector<8x128xf32>
      tpu.vector_store %arg6[%swap3A_29, %swap3A_30], %broadcast_in_dim3A_28 {strides = array<i32>} : memref<8x128xf32, #tpu.memory_space<vmem>>, vector<8x128xf32>,
    } else {
    }
    %reduce_max3A = arith.constant dense<0xFF800000> : vector<128xf32>
    %reduce_max3A_18 = vector.multi_reduction <maximumf>, %dot_general3A_12, %reduce_max3A [0] : vector<1000x128xf32> to vector<128xf32>
    %broadcast_in_dim3A = vector.shape_cast %reduce_max3A_18 : vector<128xf32> to vector<1x128xf32>
    %broadcast_in_dim3A_19 = vector.shape_cast %broadcast_in_dim3A : vector<1x128xf32> to vector<1x128xf32>
    %broadcast_in_dim3A_20 = vector.broadcast %broadcast_in_dim3A_19 : vector<1x128xf32> to vector<8x128xf32>
    %get3A_21 = arith.constant 0 : index
    %get3A_22 = arith.constant 0 : index
    %get3A_23 = vector.load %arg6[%get3A_21, %get3A_22] : memref<8x128xf32, #tpu.memory_space<vmem>>, vector<8x128xf32>
    %max3A = arith.maximumf %get3A_23, %broadcast_in_dim3A_20 : vector<8x128xf32>
    %swap3A_24 = arith.constant 0 : index
    %swap3A_25 = arith.constant 0 : index
    %swap3A_26 = vector.load %arg6[%swap3A_24, %swap3A_25] : memref<8x128xf32, #tpu.memory_space<vmem>>, vector<8x128xf32>
    tpu.vector_store %arg6[%swap3A_24, %swap3A_25], %max3A {strides = array<i32>} : memref<8x128xf32, #tpu.memory_space<vmem>>, vector<8x128xf32>,
    return
  }
  func.func @transform_0(%arg0: i32) -> (i32, i32) {
    %c0_i32 = arith.constant 0 : i32
    %c0_i32_0 = arith.constant 0 : i32
    return %arg0, %c0_i32 : i32, i32
  }
  func.func @transform_1(%arg0: i32) -> (i32, i32) {
    %c0_i32 = arith.constant 0 : i32
    %c0_i32_0 = arith.constant 0 : i32
    %c0_i32_1 = arith.constant 0 : i32
    return %c0_i32, %c0_i32_0 : i32, i32
  }
  func.func @transform_2(%arg0: i32) -> (i32, i32) {
    %c0_i32 = arith.constant 0 : i32
    %c0_i32_0 = arith.constant 0 : i32
    %c0_i32_1 = arith.constant 0 : i32
    return %c0_i32, %c0_i32_0 : i32, i32
  }
  func.func @transform_3(%arg0: i32) -> (i32, i32) {
    %c0_i32 = arith.constant 0 : i32
    %c0_i32_0 = arith.constant 0 : i32
    return %arg0, %c0_i32 : i32, i32
  }
  func.func @transform_4(%arg0: i32) -> (i32, i32) {
    %c0_i32 = arith.constant 0 : i32
    %c0_i32_0 = arith.constant 0 : i32
    return %arg0, %c0_i32 : i32, i32
  }
  func.func @transform_5(%arg0: i32) -> (i32, i32) {
    %c0_i32 = arith.constant 0 : i32
    %c0_i32_0 = arith.constant 0 : i32
    %c0_i32_1 = arith.constant 0 : i32
    return %c0_i32, %c0_i32_0 : i32, i32
  }
}

module attributes {stable_mosaic.version = 14 : i64} {
  func.func @_tc2_body(%arg0: i32, %arg1: memref<1000x128xf32, #tpu.memory_space<vmem>>, %arg2: memref<1000x128xf32, #tpu.memory_space<vmem>>, %arg3: memref<1x128xf32, #tpu.memory_space<vmem>>, %arg4: memref<1000x128xf32, #tpu.memory_space<vmem>>) attributes {dimension_semantics = [#tpu.dimension_semantics<arbitrary>], iteration_bounds = array<i64: 10>, scalar_prefetch = 0 : i64, scratch_operands = 0 : i64, tpu.core_type = #tpu.core_type<tc>, window_params = [{transform_indices = @transform_0, window_bounds = array<i64: 1000, 128>}, {transform_indices = @transform_1, window_bounds = array<i64: 1000, 128>}, {pipeline_mode = #tpu.pipeline_mode<synchronous>, transform_indices = @transform_2, window_bounds = array<i64: 1, 128>}, {transform_indices = @transform_3, window_bounds = array<i64: 1000, 128>}]} {
    %get3A = arith.constant 0 : index
    %get3A_0 = arith.constant 0 : index
    %get3A_1 = vector.load %arg1[%get3A, %get3A_0] : memref<1000x128xf32, #tpu.memory_space<vmem>>, vector<1000x128xf32>
    %get3A_2 = arith.constant 0 : index
    %get3A_3 = arith.constant 0 : index
    %get3A_4 = vector.load %arg2[%get3A_2, %get3A_3] : memref<1000x128xf32, #tpu.memory_space<vmem>>, vector<1000x128xf32>
    %add3A = arith.addf %get3A_1, %get3A_4 : vector<1000x128xf32>
    %get3A_5 = arith.constant 0 : index
    %get3A_6 = arith.constant 0 : index
    %get3A_7 = vector.load %arg3[%get3A_5, %get3A_6] : memref<1x128xf32, #tpu.memory_space<vmem>>, vector<1x128xf32>
    %add3A_8 = vector.broadcast %get3A_7 : vector<1x128xf32> to vector<1000x128xf32>
    %add3A_9 = arith.addf %add3A, %add3A_8 : vector<1000x128xf32>
    %gt3A = arith.constant 0.000000e+00 : f32
    %gt3A_10 = vector.broadcast %gt3A : f32 to vector<1000x128xf32>
    %gt3A_11 = arith.cmpf ogt, %add3A_9, %gt3A_10 : vector<1000x128xf32>
    %min3A = arith.constant 0.000000e+00 : f32
    %min3A_12 = vector.broadcast %min3A : f32 to vector<1000x128xf32>
    %min3A_13 = arith.minimumf %add3A_9, %min3A_12 : vector<1000x128xf32>
    %exp3A = math.exp %min3A_13 : vector<1000x128xf32>
    %sub3A = arith.constant 1.000000e+00 : f32
    %sub3A_14 = vector.broadcast %sub3A : f32 to vector<1000x128xf32>
    %sub3A_15 = arith.subf %exp3A, %sub3A_14 : vector<1000x128xf32>
    %select_n3A = arith.select %gt3A_11, %add3A_9, %sub3A_15 : vector<1000x128xi1>, vector<1000x128xf32>
    %swap3A = arith.constant 0 : index
    %swap3A_16 = arith.constant 0 : index
    %swap3A_17 = vector.load %arg4[%swap3A, %swap3A_16] : memref<1000x128xf32, #tpu.memory_space<vmem>>, vector<1000x128xf32>
    tpu.vector_store %arg4[%swap3A, %swap3A_16], %select_n3A {strides = array<i32>} : memref<1000x128xf32, #tpu.memory_space<vmem>>, vector<1000x128xf32>,
    return
  }
  func.func @transform_0(%arg0: i32) -> (i32, i32) {
    %c0_i32 = arith.constant 0 : i32
    %c0_i32_0 = arith.constant 0 : i32
    return %arg0, %c0_i32 : i32, i32
  }
  func.func @transform_1(%arg0: i32) -> (i32, i32) {
    %c0_i32 = arith.constant 0 : i32
    %c0_i32_0 = arith.constant 0 : i32
    return %arg0, %c0_i32 : i32, i32
  }
  func.func @transform_2(%arg0: i32) -> (i32, i32) {
    %c0_i32 = arith.constant 0 : i32
    %c0_i32_0 = arith.constant 0 : i32
    %c0_i32_1 = arith.constant 0 : i32
    return %c0_i32, %c0_i32_0 : i32, i32
  }
  func.func @transform_3(%arg0: i32) -> (i32, i32) {
    %c0_i32 = arith.constant 0 : i32
    %c0_i32_0 = arith.constant 0 : i32
    return %arg0, %c0_i32 : i32, i32
  }
}

</mosaic_0001>

<sc_bundles>
// kernel: kernel.6.cloned.1.call-start
scs
__scs_entry_jumppad:
0x0: {  	(pc) =	sbr.rel $0x88, $3  }
0x1: {  	(tag) =	ssettag $0x0;
	lr =	simm.s32 $0x1  }
0x2: {  	[smem:$0x3F9B] =	sst lr;
	_ =	strace $0xD0000000  }
0x3: {  	_ = 	snop  }
0x4: {  	_ = 	snop  }
0x5: {  	_ = 	snop  }
0x6: {  	_ = 	snop  }
0x7: {  	_ = 	snop  }
__scs_overlays_trampoline_lowered:
0x8: {  	[smem:$0x3FAA] =	sst s0  }
0x9: {  	[smem:$0x3FAB] =	sst s1  }
0xa: {  	[smem:$0x3FAC] =	sst s2  }
0xb: {  	[smem:$0x3FAD] =	sst s3  }
0xc: {  	[smem:$0x3FAE] =	sst s4  }
0xd: {  	[smem:$0x3FAF] =	sst s5  }
0xe: {  	[smem:$0x3FB0] =	sst s6  }
0xf: {  	[smem:$0x3FB1] =	sst s7  }
0x10: {  	[smem:$0x3FB2] =	sst s8  }
0x11: {  	[smem:$0x3FB3] =	sst s9;
	s0 =	simm.s32 @!p0 $0x0  }
0x12: {  	s1 =	sld [smem:$0x3F99];
	s0 =	simm.s32 @p0 $0x1  }
0x13: {  	[smem:$0x3FB4] =	sst s0;
	s0 =	simm.s32 @!p1 $0x0  }
0x14: {  	s2 =	sld [smem:$0x3F98];
	s0 =	simm.s32 @p1 $0x1  }
0x15: {  	[smem:$0x3FB5] =	sst s0;
	s0 =	simm.s32 @!p2 $0x0  }
0x16: {  	s3 =	sld [smem:$0x3FDB];
	s0 =	simm.s32 @p2 $0x1  }
0x17: {  	s4 =	simm.s32 $0x1BF5;
	[smem:$0x3FB7] =	sst s0  }
0x18: {  	s0 =	sld [smem:$0x3F9A];
	_ =	swait.ge [sflag:s4], $0x0  }
0x19: {  	s7 =	sld [smem:$0x3F9B]  }
0x1a: {  	s8 =	sadd.s32 $0xFFFFE003, lr  }
0x1b: {  	s9 =	sadd.s32 $0xFFFFFEF7, lr;
	s5 =	simm.s32 $0xFFFFFFFF;
	p2 =	slt.u32 s8, $0xFFFFF086  }
0x1c: {  	p1 =	slt.u32 s9, $0xF7A;
	s5 =	simm.s32 @!p2 $0x0  }
0x1d: {  	s5 =	simm.s32 @p1 $0x1;
	p0 =	seq.s32 s7, s2  }
0x1e: {  	s7 =	smul.u32 @!p0 $0xF7A, s2;
	p2 =	seq.s32 @!p0 s5, $0x0  }
0x1f: {  	s9 =	smul.u32 $0xF7A, s1;
	s8 =	simm.s32 @!p0 $0x1BF5;
	p2 =	por !p2, p0  }
0x20: {  	[sflag:s8] =	ssyncset.s32 @!p0 $0xFFFFF086;
	s6 =	sadd.s32 @!p0 s3, s7;
	s7 =	simm.s32 @!p0 $0x108  }
0x21: {  	s3 =	sadd.s32 s3, s9;
	s6 =	sadd.s32 @!p0 $0x88, s6;
	s7 =	simm.s32 @p2 $0x1082  }
0x22: {  	[simem:s7], [sflag:s8] =	dma.local @!p0 [hbm:s6], $0xF7A  }
0x23: {  	s9 =	sor.u32 $0xD0000000, s2;
	s6 =	simm.s32 $0x108;
	_ =	swait.ge @!p0 [sflag:s8], $0x0  }
0x24: {  	s3 =	sadd.s32 $0x88, s3;
	s6 =	simm.s32 @!p1 $0x1082;
	[sflag:s4] =	ssyncset.s32 $0xFFFFF086  }
0x25: {  	[simem:s6], [sflag:s4] =	dma.local [hbm:s3], $0xF7A  }
0x26: {  	[smem:$0x3F9B] =	sst s1;
	(tag) =	ssettag s2;
	_ =	strace s9  }
0x27: {  	s1 =	sld [smem:$0x3FAB]  }
0x28: {  	s2 =	sld [smem:$0x3FAC]  }
0x29: {  	s4 =	sld [smem:$0x3FAE]  }
0x2a: {  	p0 =	seq.s32 s5, $0x0;
	s5 =	sld [smem:$0x3FAF]  }
0x2b: {  	s6 =	sld [smem:$0x3FB0]  }
0x2c: {  	s7 =	sld [smem:$0x3FB1]  }
0x2d: {  	s3 =	simm.s32 $0x108;
	s8 =	sld [smem:$0x3FB2]  }
0x2e: {  	s3 =	simm.s32 @!p0 $0x1082;
	s9 =	sld [smem:$0x3FB3]  }
0x2f: {  	lr =	sadd.s32 s0, s3;
	s0 =	sld [smem:$0x3FAA]  }
0x30: {  	s3 =	sld [smem:$0x3FAD]  }
0x31: {  	[smem:$0x3FB6] =	sst s10  }
0x32: {  	s10 =	sld [smem:$0x3FB4];
	_ =	sdelay $0x3  }
0x33: {  	p0 =	seq.s32 s10, $0x1;
	s10 =	sld [smem:$0x3FB6];
	_ =	sdelay $0x3  }
0x34: {  	[smem:$0x3FB6] =	sst s10  }
0x35: {  	s10 =	sld [smem:$0x3FB5];
	_ =	sdelay $0x3  }
0x36: {  	p1 =	seq.s32 s10, $0x1;
	s10 =	sld [smem:$0x3FB6];
	_ =	sdelay $0x3  }
0x37: {  	[smem:$0x3FB6] =	sst s10  }
0x38: {  	s10 =	sld [smem:$0x3FB7]  }
0x39: {  	_ = 	snop;
	(pc) =	sbr.ind lr, $3  }
0x3a: {  	_ = 	snop  }
0x3b: {  	_ = 	snop  }
0x3c: {  	p2 =	seq.s32 s10, $0x1;
	s10 =	sld [smem:$0x3FB6]  }
0x3d: {  	_ =	shalt  }
0x3e: {  	_ =	shalt  }
0x3f: {  	_ =	shalt  }
0x40: {  	_ =	shalt  }
0x41: {  	_ =	shalt  }
0x42: {  	_ =	shalt  }
0x43: {  	_ =	shalt  }
0x44: {  	_ =	shalt  }
0x45: {  	_ =	shalt  }
0x46: {  	_ =	shalt  }
0x47: {  	_ =	shalt  }
0x48: {  	_ =	shalt  }
0x49: {  	_ =	shalt  }
0x4a: {  	_ =	shalt  }
0x4b: {  	_ =	shalt  }
0x4c: {  	_ =	shalt  }
0x4d: {  	_ =	shalt  }
0x4e: {  	_ =	shalt  }
0x4f: {  	_ =	shalt  }
0x50: {  	_ =	shalt  }
0x51: {  	_ =	shalt  }
0x52: {  	_ =	shalt  }
0x53: {  	_ =	shalt  }
0x54: {  	_ =	shalt  }
0x55: {  	_ =	shalt  }
0x56: {  	_ =	shalt  }
0x57: {  	_ =	shalt  }
0x58: {  	_ =	shalt  }
0x59: {  	_ =	shalt  }
0x5a: {  	_ =	shalt  }
0x5b: {  	_ =	shalt  }
0x5c: {  	_ =	shalt  }
0x5d: {  	_ =	shalt  }
0x5e: {  	_ =	shalt  }
0x5f: {  	_ =	shalt  }
0x60: {  	_ =	shalt  }
0x61: {  	_ =	shalt  }
0x62: {  	_ =	shalt  }
0x63: {  	_ =	shalt  }
0x64: {  	_ =	shalt  }
0x65: {  	_ =	shalt  }
0x66: {  	_ =	shalt  }
0x67: {  	_ =	shalt  }
0x68: {  	_ =	shalt  }
0x69: {  	_ =	shalt  }
0x6a: {  	_ =	shalt  }
0x6b: {  	_ =	shalt  }
0x6c: {  	_ =	shalt  }
0x6d: {  	_ =	shalt  }
0x6e: {  	_ =	shalt  }
0x6f: {  	_ =	shalt  }
0x70: {  	_ =	shalt  }
0x71: {  	_ =	shalt  }
0x72: {  	_ =	shalt  }
0x73: {  	_ =	shalt  }
0x74: {  	_ =	shalt  }
0x75: {  	_ =	shalt  }
0x76: {  	_ =	shalt  }
0x77: {  	_ =	shalt  }
0x78: {  	_ =	shalt  }
0x79: {  	_ =	shalt  }
0x7a: {  	_ =	shalt  }
0x7b: {  	_ =	shalt  }
0x7c: {  	_ =	shalt  }
0x7d: {  	_ =	shalt  }
0x7e: {  	_ =	shalt  }
0x7f: {  	_ =	shalt  }
0x80: {  	_ =	shalt  }
0x81: {  	_ =	shalt  }
0x82: {  	_ =	shalt  }
0x83: {  	_ =	shalt  }
0x84: {  	_ =	shalt  }
0x85: {  	_ =	shalt  }
0x86: {  	_ =	shalt  }
0x87: {  	_ =	shalt  }
.Lfunc_end0:
.L_simem_size_0:
called_computation_lowered:
.L_overlay_start_0:
0x88: {  	s2 =	sld [smem:$0x3FD9]  }
0x89: {  	s3 =	sld [smem:$0x3FFE];
	_ =	sdelay $0x1  }
0x8a: {  	s1 =	srdreg.scid  }
0x8b: {  	s0 =	sand.u32 $0x1, s1  }
0x8c: {  	s17 =	sshll.u32 s0, $0xA;
	s2 =	sadd.s32 s3, s2  }
0x8d: {  	s2 =	sadd.s32 s2, s17  }
0x8e: {  	[smem:$0x3FC2] =	sst s2  }
0x8f: {  	_ = 	snop  }
0x90: {  	s2 =	sld [smem:$0x3FD0];
	(tm) =	ssettm $0x1  }
0x91: {  	s18 =	sld [smem:$0x3FFB];
	_ =	sdelay $0x3  }
0x92: {  	_ =	strace s18  }
0x93: {  	s3 =	sld [smem:$0x3FFC];
	_ =	sdelay $0x3  }
0x94: {  	_ =	strace s3  }
0x95: {  	s3 =	sld [smem:$0x3FFD];
	_ =	sdelay $0x3  }
0x96: {  	_ =	strace s3  }
0x97: {  	_ =	strace $0x8FFFFFFF  }
0x98: {  	s19 =	sld [smem:$0x3FDB];
	_ =	sdelay $0x1  }
0x99: {  	s4 =	simm.s32 $_scs_section_size  }
0x9a: {  	s5 =	simm.s32 $_size__tile_overlayer_lowered;
	s6 =	simm.s32 $_tile_overlayer_lowered  }
0x9b: {  	s22 =	simm.s32 $0x1BFF;
	s21 =	sshll.u32 s6, $0x1;
	s3 =	sadd.s32 s4, s19  }
0x9c: {  	s7 =	simm.s32 $0x0;
	s20 =	sshll.u32 s5, $0x1;
	s5 =	sadd.s32 s21, s3  }
0x9d: {  	[timem:s7], [sflag:s22] =	dma.local [hbm:s5], s20  }
0x9e: {  	_ =	swait.ge [sflag:s22], s20  }
0x9f: {  	s4 =	ssub.s32 $0x0, s20;
	[sflag:s22] =	ssyncset.done $0x0  }
0xa0: {  	[sflag:s22] =	ssyncadd.s32 s4;
	_ =	sdelay $0x1  }
0xa1: {  	s23 =	simm.s32 $0x1B8B  }
0xa2: {  	_ =	swait.ge [sflag:s23], $0x1  }
0xa3: {  	[sflag:s23] =	ssyncset.done $0x0  }
0xa4: {  	s25 =	simm.s32 $0x1B8E;
	s24 =	sld [smem:$0x3FFE];
	[sflag:s23] =	ssyncadd.s32 $0xFFFFFFFF  }
0xa5: {  	s26 =	simm.s32 $execute0_lowered;
	[smem:$0x3FD2] =	sst s25  }
0xa6: {  	s5 =	sshll.u32 s26, $0x1;
	_ =	strace $0x80000046;
	[dreg:$0x1] =	wrdreg $0xFFFFFFFF  }
0xa7: {  	s28 =	simm.s32 $_size_execute0_lowered;
	s3 =	sadd.s32 s3, s5;
	[dreg:$0x0] =	wrdreg $0x0  }
0xa8: {  	s5 =	sshll.u32 s28, $0x1;
	[dreg:$0x2] =	wrdreg s3  }
0xa9: {  	[dreg:$0x3] =	wrdreg s5  }
0xaa: {  	[dreg:$0x4] =	wrdreg $0xC0  }
0xab: {  	_ =	task [dreg:s7], $0x5FFFF  }
0xac: {  	[dreg:$0x1] =	wrdreg $0xFFFFFFFF  }
0xad: {  	[dreg:$0x0] =	wrdreg $0x60  }
0xae: {  	[dreg:$0x2] =	wrdreg s24  }
0xaf: {  	[dreg:$0x3] =	wrdreg s2  }
0xb0: {  	[dreg:$0x4] =	wrdreg $0xF1E00  }
0xb1: {  	[dreg:$0x5] =	wrdreg $0x9  }
0xb2: {  	_ =	task.clear_ibuf [dreg:s7], $0x6FFFF;
	_ =	strace $0x90000046  }
0xb3: {  	s29 =	simm.s32 $0x9;
	_ =	strace $0x80000048  }
0xb4: {  	_ =	swait.ge [sflag:s29], $0x1  }
0xb5: {  	[sflag:s29] =	ssyncadd.s32 $0xFFFFFFFF  }
0xb6: {  	_ =	strace $0x90000048  }
0xb7: {  	_ =	sfence  }
0xb8: {  	s30 =	sld [smem:$0x0];
	_ =	sdelay $0x2  }
0xb9: {  	s31 =	sshll.u32 s1, $0xD;
	s1 =	sshrl.u32 s1, $0x2  }
0xba: {  	s3 =	sand.u32 $0x4000, s31;
	s1 =	sadd.s32 s1, s30  }
0xbb: {  	s0 =	sor.u32 s3, s0;
	s1 =	sshll.u32 s1, $0x11  }
0xbc: {  	s0 =	sor.u32 s1, s0  }
0xbd: {  	s0 =	sadd.s32 $0x8F2B, s0  }
0xbe: {  	[sflag:s0] =	ssyncadd.remote.s32 $0x1  }
0xbf: {  	_ =	sfence.sel $0xFFFF  }
0xc0: {  	[dreg:$0x0] =	wrdreg $0xFFFFFFFF;
	(pc) =	sbr.abs _section_cstart, $3  }
0xc1: {  	[dreg:$0x1] =	wrdreg $0xFFFFFFFF  }
0xc2: {  	_ =	task.clear_ibuf [dreg:s7], $0x2FFFF;
	_ =	strace $0x9FFFFFFF  }
0xc3: {  	(tm) =	ssettm $0x7FFFFFFF  }
tec
execute0_lowered:
.L_overlay_start_1:
0x0: {  	(tag) =	ssettag $0x1  }
0x1: {  	s7 =	rddreg [dreg:$0x0]  }
0x2: {  	s6 =	rddreg [dreg:$0x1]  }
0x3: {  	s1 =	rddreg [dreg:$0x2]  }
0x4: {  	s0 =	rddreg [dreg:$0x3];
	s2 =	simm.s32 $0x0  }
0x5: {  	s3 =	srdreg.scid;
	s16 =	stileid.u32;
	s12 =	simm.s32 $0x2800  }
0x6: {  	s13 =	simm.s32 $0xF180;
	s14 =	simm.s32 $0x5000;
	s15 =	simm.s32 $0x7880  }
0x7: {  	s17 =	simm.s32 $0xA100;
	s18 =	simm.s32 $0x50;
	s19 =	simm.s32 $0xF190  }
0x8: {  	s21 =	simm.s32 $0x0;
	[smem:$0x7FF] =	sst s2;
	s5 =	sand.u32 $0x1, s3  }
0x9: {  	s3 =	sadd.s32 $0xAE00, s7;
	p0 =	sne.s32 s16, $0x0;
	_ =	strace $0x80000047  }
0xa: {  	s4 =	sshll.u32 s5, $0x4;
	s8 =	smul.u32 $0x500, s5;
	s10 =	ssub.s32 $0x2, s5  }
0xb: {  	s5 =	sadd.s32 $0xA800, s7;
	s20 =	sshrl.u32 @!p0 s1, $0x3;
	s9 =	sor.u32 s16, s4  }
0xc: {  	s4 =	sadd.s32 $0xA200, s7;
	s31 =	sshrl.u32 s10, $0x1;
	s9 =	smul.u32 $0x510, s9  }
0xd: {  	v0 =	vlaneseq.u32;
	s16 =	simm.s32 $0xC980;
	s11 =	sadd.s32 s8, s7;
	s10 =	ssub.s32 s10, s31  }
0xe: {  	v1 =	vimm.f32 $0.0e+00;
	v2 =	vor.u32 $0x10, v0;
	s10 =	smax.u32 s10, $0x1;
	s6 =	sadd.s32 s6, s9;
	s7 =	sadd.s32 s7, s9  }
0xf: {  	v3 =	vor.u32 $0x20, v0;
	v4 =	vor.u32 $0x30, v0;
	v5 =	vor.u32 $0x40, v0;
	s9 =	sadd.s32 $0x15600, s11;
	s11 =	simm.s32 $0x1;
	s8 =	sadd.s32 $0xB400, s7  }
.LBB2_1:
0x10: {  	[tilespmem:s2], [sflag:$0x1] =	stream.linear.gather [hbm4b:s3+s2], $0x2800, $0x38;
	[tilespmem:$0xF460] =	vst v63  }
0x11: {  	_ =	swait.ge [sflag:s11], $0x2800  }
0x12: {  	[sflag:s11] =	ssyncset.done $0x0  }
0x13: {  	[sflag:s11] =	ssyncadd.s32 $0xFFFFD800  }
0x14: {  	[tilespmem:s12], [sflag:$0x1] =	stream.linear.gather [hbm4b:s4+s2], $0x2800, $0x38;
	[tilespmem:$0xF460] =	vst v63  }
0x15: {  	_ =	swait.ge [sflag:s11], $0x2800  }
0x16: {  	[sflag:s11] =	ssyncset.done $0x0  }
0x17: {  	[sflag:s11] =	ssyncadd.s32 $0xFFFFD800  }
0x18: {  	[tilespmem:s13], [sflag:$0x1] =	stream.linear.gather [hbm4b:s5+s2], $0x10, $0x38;
	[tilespmem:$0xF460] =	vst v63  }
0x19: {  	_ =	swait.ge [sflag:s11], $0x10  }
0x1a: {  	[sflag:s11] =	ssyncset.done $0x0  }
0x1b: {  	[sflag:s11] =	ssyncadd.s32 $0xFFFFFFF0  }
0x1c: {  	[tilespmem:s14], [sflag:$0x1] =	stream.linear.gather [hbm4b:s6+s2], $0x2880, $0x38;
	[tilespmem:$0xF460] =	vst v63  }
0x1d: {  	_ =	swait.ge [sflag:s11], $0x2880  }
0x1e: {  	[sflag:s11] =	ssyncset.done $0x0  }
0x1f: {  	[sflag:s11] =	ssyncadd.s32 $0xFFFFD780  }
0x20: {  	[tilespmem:s15], [sflag:$0x1] =	stream.linear.gather [hbm4b:s7+s2], $0x2880, $0x38;
	[tilespmem:$0xF460] =	vst v63  }
0x21: {  	_ =	swait.ge [sflag:s11], $0x2880  }
0x22: {  	[sflag:s11] =	ssyncset.done $0x0  }
0x23: {  	s22 =	simm.s32 $0x0;
	s23 =	simm.s32 $0x200;
	[sflag:s11] =	ssyncadd.s32 $0xFFFFD780  }
.LBB2_2:
0x24: {  	p1 =	sne.s32 s23, $0x9E00;
	[tilespmem:s22+$0xC9F0] =	vst v1  }
0x25: {  	[tilespmem:s22+$0xC980] =	vst v1  }
0x26: {  	[tilespmem:s22+$0xC990] =	vst v1  }
.Ltmp0:
0x27: {  	[tilespmem:s22+$0xC9A0] =	vst v1;
	(pc) =	sbr.rel @p1 .LBB2_2-.Ltmp0, $4  }
0x28: {  	[tilespmem:s22+$0xC9B0] =	vst v1  }
0x29: {  	[tilespmem:s22+$0xC9C0] =	vst v1  }
0x2a: {  	[tilespmem:s22+$0xC9D0] =	vst v1  }
0x2b: {  	[tilespmem:s22+$0xC9E0] =	vst v1;
	s22 =	sshra.s32 s23, $0x2;
	s23 =	sadd.s32 $0x200, s23  }
0x2c: {  	[tilespmem:s22+$0xC9F0] =	vst v1  }
0x2d: {  	[tilespmem:s22+$0xC980] =	vst v1  }
0x2e: {  	[tilespmem:s22+$0xC990] =	vst v1  }
0x2f: {  	[tilespmem:s22+$0xC9A0] =	vst v1  }
0x30: {  	[tilespmem:s22+$0xC9B0] =	vst v1  }
0x31: {  	[tilespmem:s22+$0xC9C0] =	vst v1  }
0x32: {  	[tilespmem:s22+$0xC9D0] =	vst v1  }
0x33: {  	[tilespmem:s22+$0xC9E0] =	vst v1  }
0x34: {  	[tilespmem:$0xF190] =	vst v0  }
0x35: {  	[tilespmem:$0xF1A0] =	vst v2  }
0x36: {  	[tilespmem:$0xF1B0] =	vst v3  }
0x37: {  	[tilespmem:$0xF1C0] =	vst v4  }
0x38: {  	s22 =	simm.s32 @!p0 $0xC980;
	[tilespmem:$0xF1D0] =	vst v5  }
0x39: {  	[spmem:s1] =	stream.linear.scatter @!p0 [tilespmem:s22], [sflag:$0x1], $0x2800, $0x38;
	[tilespmem:$0xF460] =	vst v63  }
0x3a: {  	s22 =	simm.s32 @!p0 $0x1  }
0x3b: {  	_ =	swait.ge @!p0 [sflag:s22], $0x2800  }
0x3c: {  	[sflag:s22] =	ssyncset.done @!p0 $0x0  }
0x3d: {  	[sflag:s22] =	ssyncadd.s32 @!p0 $0xFFFFD800  }
0x3e: {  	[bflag:$0x0] =	sbarrier.arrive $0xFFFF  }
0x3f: {  	s22 =	simm.s32 $0x0;
	v6 =	vld [tilespmem:$0xF180]  }
.LBB2_4:
0x40: {  	s23 =	sshra.s32 s22, $0x2  }
0x41: {  	v7 =	vld [tilespmem:s23+$0x5000]  }
0x42: {  	v8 =	vld [tilespmem:s23+$0x7880];
	_ =	sdelay $0x6  }
0x43: {  	v7 =	vld.idx.msk [tilespmem:v7+s2+$0x0], $0xffff  }
0x44: {  	v9 =	vld.idx.msk [tilespmem:v8+s12+$0x0], $0xffff;
	_ =	sdelay $0x4  }
0x45: {  	v7 =	vadd.f32 v9, v7;
	_ =	sdelay $0x1  }
0x46: {  	v9 =	vmul.f32 $2.000000030e-01, v7  }
0x47: {  	vm0 =	vge.f32 v7, $0.0e+00  }
0x48: {  	v7 =	vsel vm0, v7, v9  }
0x49: {  	v7 =	vsub.f32 v7, v6;
	_ =	sdelay $0x1  }
0x4a: {  	v7 =	vmul.f32 $1.442695020e+00, v7;
	_ =	sdelay $0x1  }
0x4b: {  	(erf) = vpow2.f32 v7;
	_ =	sdelay $0x8  }
0x4c: {  	v7 =	vpop (erf)  }
0x4d: {  	[tilespmem:s23+$0xA100] =	vst v7  }
0x4e: {  	[tilespmem:v8+s16+$0x0] =	vst.idx.add.f32.msk $0xffff, v7  }
0x4f: {  	v7 =	vld [tilespmem:s23+$0x5010]  }
0x50: {  	v8 =	vld [tilespmem:s23+$0x7890];
	_ =	sdelay $0x6  }
0x51: {  	v7 =	vld.idx.msk [tilespmem:v7+s2+$0x0], $0xffff  }
0x52: {  	v57 =	vld.idx.msk [tilespmem:v8+s12+$0x0], $0xffff;
	_ =	sdelay $0x4  }
0x53: {  	v7 =	vadd.f32 v57, v7;
	_ =	sdelay $0x1  }
0x54: {  	v9 =	vmul.f32 $2.000000030e-01, v7  }
0x55: {  	vm9 =	vge.f32 v7, $0.0e+00  }
0x56: {  	v7 =	vsel vm9, v7, v9  }
0x57: {  	v7 =	vsub.f32 v7, v6;
	_ =	sdelay $0x1  }
0x58: {  	v7 =	vmul.f32 $1.442695020e+00, v7;
	_ =	sdelay $0x1  }
0x59: {  	(erf) = vpow2.f32 v7;
	_ =	sdelay $0x8  }
0x5a: {  	v7 =	vpop (erf)  }
0x5b: {  	[tilespmem:s23+$0xA110] =	vst v7  }
0x5c: {  	[tilespmem:v8+s16+$0x0] =	vst.idx.add.f32.msk $0xffff, v7  }
0x5d: {  	v7 =	vld [tilespmem:s23+$0x5020]  }
0x5e: {  	v8 =	vld [tilespmem:s23+$0x78A0];
	_ =	sdelay $0x6  }
0x5f: {  	v7 =	vld.idx.msk [tilespmem:v7+s2+$0x0], $0xffff  }
0x60: {  	v58 =	vld.idx.msk [tilespmem:v8+s12+$0x0], $0xffff;
	_ =	sdelay $0x4  }
0x61: {  	v7 =	vadd.f32 v58, v7;
	_ =	sdelay $0x1  }
0x62: {  	v9 =	vmul.f32 $2.000000030e-01, v7  }
0x63: {  	vm10 =	vge.f32 v7, $0.0e+00  }
0x64: {  	v7 =	vsel vm10, v7, v9  }
0x65: {  	v7 =	vsub.f32 v7, v6;
	_ =	sdelay $0x1  }
0x66: {  	v7 =	vmul.f32 $1.442695020e+00, v7;
	_ =	sdelay $0x1  }
0x67: {  	(erf) = vpow2.f32 v7;
	_ =	sdelay $0x8  }
0x68: {  	v7 =	vpop (erf)  }
0x69: {  	[tilespmem:s23+$0xA120] =	vst v7  }
0x6a: {  	[tilespmem:v8+s16+$0x0] =	vst.idx.add.f32.msk $0xffff, v7  }
0x6b: {  	v7 =	vld [tilespmem:s23+$0x5030]  }
0x6c: {  	v8 =	vld [tilespmem:s23+$0x78B0];
	_ =	sdelay $0x6  }
0x6d: {  	v7 =	vld.idx.msk [tilespmem:v7+s2+$0x0], $0xffff  }
0x6e: {  	v59 =	vld.idx.msk [tilespmem:v8+s12+$0x0], $0xffff;
	_ =	sdelay $0x4  }
0x6f: {  	v7 =	vadd.f32 v59, v7;
	_ =	sdelay $0x1  }
0x70: {  	v9 =	vmul.f32 $2.000000030e-01, v7  }
0x71: {  	vm11 =	vge.f32 v7, $0.0e+00  }
0x72: {  	v7 =	vsel vm11, v7, v9  }
0x73: {  	v7 =	vsub.f32 v7, v6;
	_ =	sdelay $0x1  }
0x74: {  	v7 =	vmul.f32 $1.442695020e+00, v7;
	_ =	sdelay $0x1  }
0x75: {  	(erf) = vpow2.f32 v7;
	_ =	sdelay $0x8  }
0x76: {  	v7 =	vpop (erf)  }
0x77: {  	[tilespmem:s23+$0xA130] =	vst v7  }
0x78: {  	[tilespmem:v8+s16+$0x0] =	vst.idx.add.f32.msk $0xffff, v7  }
0x79: {  	v7 =	vld [tilespmem:s23+$0x5040]  }
0x7a: {  	v8 =	vld [tilespmem:s23+$0x78C0];
	_ =	sdelay $0x6  }
0x7b: {  	v7 =	vld.idx.msk [tilespmem:v7+s2+$0x0], $0xffff  }
0x7c: {  	v60 =	vld.idx.msk [tilespmem:v8+s12+$0x0], $0xffff;
	_ =	sdelay $0x4  }
0x7d: {  	v7 =	vadd.f32 v60, v7;
	_ =	sdelay $0x1  }
0x7e: {  	v9 =	vmul.f32 $2.000000030e-01, v7  }
0x7f: {  	vm12 =	vge.f32 v7, $0.0e+00  }
0x80: {  	v7 =	vsel vm12, v7, v9  }
0x81: {  	v7 =	vsub.f32 v7, v6;
	_ =	sdelay $0x1  }
0x82: {  	v7 =	vmul.f32 $1.442695020e+00, v7;
	_ =	sdelay $0x1  }
0x83: {  	(erf) = vpow2.f32 v7;
	_ =	sdelay $0x8  }
0x84: {  	v7 =	vpop (erf)  }
0x85: {  	[tilespmem:s23+$0xA140] =	vst v7  }
0x86: {  	[tilespmem:v8+s16+$0x0] =	vst.idx.add.f32.msk $0xffff, v7  }
0x87: {  	v7 =	vld [tilespmem:s23+$0x5050]  }
0x88: {  	v8 =	vld [tilespmem:s23+$0x78D0];
	_ =	sdelay $0x6  }
0x89: {  	v7 =	vld.idx.msk [tilespmem:v7+s2+$0x0], $0xffff  }
0x8a: {  	v61 =	vld.idx.msk [tilespmem:v8+s12+$0x0], $0xffff;
	_ =	sdelay $0x4  }
0x8b: {  	v7 =	vadd.f32 v61, v7;
	_ =	sdelay $0x1  }
0x8c: {  	v9 =	vmul.f32 $2.000000030e-01, v7  }
0x8d: {  	vm13 =	vge.f32 v7, $0.0e+00  }
0x8e: {  	v7 =	vsel vm13, v7, v9  }
0x8f: {  	v7 =	vsub.f32 v7, v6;
	_ =	sdelay $0x1  }
0x90: {  	v7 =	vmul.f32 $1.442695020e+00, v7;
	_ =	sdelay $0x1  }
0x91: {  	(erf) = vpow2.f32 v7;
	_ =	sdelay $0x8  }
0x92: {  	v7 =	vpop (erf)  }
0x93: {  	[tilespmem:s23+$0xA150] =	vst v7  }
0x94: {  	[tilespmem:v8+s16+$0x0] =	vst.idx.add.f32.msk $0xffff, v7  }
0x95: {  	v7 =	vld [tilespmem:s23+$0x5060]  }
0x96: {  	v8 =	vld [tilespmem:s23+$0x78E0];
	_ =	sdelay $0x6  }
0x97: {  	v7 =	vld.idx.msk [tilespmem:v7+s2+$0x0], $0xffff  }
0x98: {  	v62 =	vld.idx.msk [tilespmem:v8+s12+$0x0], $0xffff;
	_ =	sdelay $0x4  }
0x99: {  	v7 =	vadd.f32 v62, v7;
	_ =	sdelay $0x1  }
0x9a: {  	v9 =	vmul.f32 $2.000000030e-01, v7  }
0x9b: {  	vm14 =	vge.f32 v7, $0.0e+00  }
0x9c: {  	v7 =	vsel vm14, v7, v9  }
0x9d: {  	v7 =	vsub.f32 v7, v6;
	_ =	sdelay $0x1  }
0x9e: {  	v7 =	vmul.f32 $1.442695020e+00, v7;
	_ =	sdelay $0x1  }
0x9f: {  	(erf) = vpow2.f32 v7;
	_ =	sdelay $0x8  }
0xa0: {  	v7 =	vpop (erf)  }
0xa1: {  	[tilespmem:s23+$0xA160] =	vst v7  }
0xa2: {  	[tilespmem:v8+s16+$0x0] =	vst.idx.add.f32.msk $0xffff, v7  }
0xa3: {  	v7 =	vld [tilespmem:s23+$0x5070]  }
0xa4: {  	v8 =	vld [tilespmem:s23+$0x78F0];
	_ =	sdelay $0x6  }
0xa5: {  	v7 =	vld.idx.msk [tilespmem:v7+s2+$0x0], $0xffff  }
0xa6: {  	v63 =	vld.idx.msk [tilespmem:v8+s12+$0x0], $0xffff;
	_ =	sdelay $0x4  }
0xa7: {  	v7 =	vadd.f32 v63, v7;
	_ =	sdelay $0x1  }
0xa8: {  	v9 =	vmul.f32 $2.000000030e-01, v7  }
0xa9: {  	vm15 =	vge.f32 v7, $0.0e+00  }
0xaa: {  	v7 =	vsel vm15, v7, v9  }
0xab: {  	v7 =	vsub.f32 v7, v6;
	_ =	sdelay $0x1  }
0xac: {  	v7 =	vmul.f32 $1.442695020e+00, v7;
	_ =	sdelay $0x1  }
0xad: {  	(erf) = vpow2.f32 v7;
	_ =	sdelay $0x5  }
0xae: {  	p1 =	sne.s32 s22, $0xA000  }
.Ltmp1:
0xaf: {  	_ = 	snop;
	(pc) =	sbr.rel @p1 .LBB2_4-.Ltmp1, $4  }
0xb0: {  	_ = 	snop  }
0xb1: {  	v7 =	vpop (erf)  }
0xb2: {  	[tilespmem:s23+$0xA170] =	vst v7  }
0xb3: {  	s22 =	sadd.s32 $0x200, s22;
	[tilespmem:v8+s16+$0x0] =	vst.idx.add.f32.msk $0xffff, v7  }
0xb4: {  	[hbm4b:s8+s2] =	stream.linear.scatter [tilespmem:s17], [sflag:$0x1], $0x2880, $0x38;
	[tilespmem:$0xF460] =	vst v63  }
0xb5: {  	_ =	swait.ge [sflag:s11], $0x2880  }
0xb6: {  	[sflag:s11] =	ssyncset.done $0x0  }
0xb7: {  	[sflag:s11] =	ssyncadd.s32 $0xFFFFD780  }
0xb8: {  	[spmem:s1] =	stream.indirect.scatter.add.f32 [tilespmem:s16], [sflag:$0x1], $0x80, s19, s18, $0xb8;
	[tilespmem:$0xF460] =	vst v63  }
0xb9: {  	_ =	swait.ge [sflag:s11], $0x2800  }
0xba: {  	[sflag:s11] =	ssyncset.done $0x0  }
0xbb: {  	s21 =	sadd.s32 $0x1, s21;
	[sflag:s11] =	ssyncadd.s32 $0xFFFFD800  }
0xbc: {  	s22 =	simm.s32 @!p0 $0x1C01;
	p1 =	sne.s32 s21, s10;
	[bflag:$0x0] =	sbarrier.arrive $0xFFFF  }
0xbd: {  	[hbm:s9], [sflag:s22] =	dma.local @!p0 [spmem:s20], $0x500  }
.Ltmp2:
0xbe: {  	_ = 	snop;
	(pc) =	sbr.rel @p1 .LBB2_1-.Ltmp2, $4  }
0xbf: {  	s22 =	simm.s32 @!p0 $0x1  }
0xc0: {  	_ =	swait.ge @!p0 [sflag:s22], $0x500  }
0xc1: {  	[sflag:s22] =	ssyncset.done @!p0 $0x0  }
0xc2: {  	[sflag:s22] =	ssyncadd.s32 @!p0 $0xFFFFFB00  }
0xc3: {  	_ =	sfence.sel $0x180000  }
0xc4: {  	[bflag:$0x0] =	sbarrier.arrive $0xFFFF  }
0xc5: {  	_ =	strace $0x90000047  }
0xc6: {  	s0 =	sadd.s32 @!p0 $0x100000, s0;
	[bflag:$0x2] =	sbarrier.arrive $0xFFFF  }
0xc7: {  	[sflag:s0] =	ssyncadd.tile.s32 @!p0 $0x1;
	_ =	shalt  }
.Lfunc_end2:
_tile_overlayer_lowered:
.L_overlay_start_2:
0xc8: {  	(tag) =	ssettag $0x2  }
0xc9: {  	s0 =	rddreg [dreg:$0x0];
	s2 =	stileid.u32  }
0xca: {  	s1 =	rddreg [dreg:$0x1];
	p0 =	sne.s32 s2, $0x0  }
0xcb: {  	s3 =	rddreg [dreg:$0x2];
	[bflag:$0x3] =	sbarrier.arrive $0xFFFF;
	s2 =	simm.s32 @!p0 $0x1C01  }
0xcc: {  	[timem:s3], [sflag:s2] =	dma.local @!p0 [hbm:s0], s1  }
0xcd: {  	s0 =	simm.s32 @!p0 $0x1  }
0xce: {  	_ =	swait.ge @!p0 [sflag:s0], s1  }
0xcf: {  	s1 =	ssub.s32 @!p0 $0x0, s1;
	[sflag:s0] =	ssyncset.done @!p0 $0x0  }
0xd0: {  	[sflag:s0] =	ssyncadd.s32 @!p0 s1  }
0xd1: {  	[bflag:$0x3] =	sbarrier.arrive $0xFFFF  }
0xd2: {  	_ =	shalt  }

// kernel: kernel.9.cloned.1.call-start
scs
__scs_entry_jumppad:
0x0: {  	(pc) =	sbr.rel $0x88, $3  }
0x1: {  	(tag) =	ssettag $0x0;
	lr =	simm.s32 $0x1  }
0x2: {  	[smem:$0x3F9B] =	sst lr;
	_ =	strace $0xD0000000  }
0x3: {  	_ = 	snop  }
0x4: {  	_ = 	snop  }
0x5: {  	_ = 	snop  }
0x6: {  	_ = 	snop  }
0x7: {  	_ = 	snop  }
__scs_overlays_trampoline_lowered:
0x8: {  	[smem:$0x3FAA] =	sst s0  }
0x9: {  	[smem:$0x3FAB] =	sst s1  }
0xa: {  	[smem:$0x3FAC] =	sst s2  }
0xb: {  	[smem:$0x3FAD] =	sst s3  }
0xc: {  	[smem:$0x3FAE] =	sst s4  }
0xd: {  	[smem:$0x3FAF] =	sst s5  }
0xe: {  	[smem:$0x3FB0] =	sst s6  }
0xf: {  	[smem:$0x3FB1] =	sst s7  }
0x10: {  	[smem:$0x3FB2] =	sst s8  }
0x11: {  	[smem:$0x3FB3] =	sst s9;
	s0 =	simm.s32 @!p0 $0x0  }
0x12: {  	s1 =	sld [smem:$0x3F99];
	s0 =	simm.s32 @p0 $0x1  }
0x13: {  	[smem:$0x3FB4] =	sst s0;
	s0 =	simm.s32 @!p1 $0x0  }
0x14: {  	s2 =	sld [smem:$0x3F98];
	s0 =	simm.s32 @p1 $0x1  }
0x15: {  	[smem:$0x3FB5] =	sst s0;
	s0 =	simm.s32 @!p2 $0x0  }
0x16: {  	s3 =	sld [smem:$0x3FDB];
	s0 =	simm.s32 @p2 $0x1  }
0x17: {  	s4 =	simm.s32 $0x1BF5;
	[smem:$0x3FB7] =	sst s0  }
0x18: {  	s0 =	sld [smem:$0x3F9A];
	_ =	swait.ge [sflag:s4], $0x0  }
0x19: {  	s7 =	sld [smem:$0x3F9B]  }
0x1a: {  	s8 =	sadd.s32 $0xFFFFE003, lr  }
0x1b: {  	s9 =	sadd.s32 $0xFFFFFEF7, lr;
	s5 =	simm.s32 $0xFFFFFFFF;
	p2 =	slt.u32 s8, $0xFFFFF086  }
0x1c: {  	p1 =	slt.u32 s9, $0xF7A;
	s5 =	simm.s32 @!p2 $0x0  }
0x1d: {  	s5 =	simm.s32 @p1 $0x1;
	p0 =	seq.s32 s7, s2  }
0x1e: {  	s7 =	smul.u32 @!p0 $0xF7A, s2;
	p2 =	seq.s32 @!p0 s5, $0x0  }
0x1f: {  	s9 =	smul.u32 $0xF7A, s1;
	s8 =	simm.s32 @!p0 $0x1BF5;
	p2 =	por !p2, p0  }
0x20: {  	[sflag:s8] =	ssyncset.s32 @!p0 $0xFFFFF086;
	s6 =	sadd.s32 @!p0 s3, s7;
	s7 =	simm.s32 @!p0 $0x108  }
0x21: {  	s3 =	sadd.s32 s3, s9;
	s6 =	sadd.s32 @!p0 $0x88, s6;
	s7 =	simm.s32 @p2 $0x1082  }
0x22: {  	[simem:s7], [sflag:s8] =	dma.local @!p0 [hbm:s6], $0xF7A  }
0x23: {  	s9 =	sor.u32 $0xD0000000, s2;
	s6 =	simm.s32 $0x108;
	_ =	swait.ge @!p0 [sflag:s8], $0x0  }
0x24: {  	s3 =	sadd.s32 $0x88, s3;
	s6 =	simm.s32 @!p1 $0x1082;
	[sflag:s4] =	ssyncset.s32 $0xFFFFF086  }
0x25: {  	[simem:s6], [sflag:s4] =	dma.local [hbm:s3], $0xF7A  }
0x26: {  	[smem:$0x3F9B] =	sst s1;
	(tag) =	ssettag s2;
	_ =	strace s9  }
0x27: {  	s1 =	sld [smem:$0x3FAB]  }
0x28: {  	s2 =	sld [smem:$0x3FAC]  }
0x29: {  	s4 =	sld [smem:$0x3FAE]  }
0x2a: {  	p0 =	seq.s32 s5, $0x0;
	s5 =	sld [smem:$0x3FAF]  }
0x2b: {  	s6 =	sld [smem:$0x3FB0]  }
0x2c: {  	s7 =	sld [smem:$0x3FB1]  }
0x2d: {  	s3 =	simm.s32 $0x108;
	s8 =	sld [smem:$0x3FB2]  }
0x2e: {  	s3 =	simm.s32 @!p0 $0x1082;
	s9 =	sld [smem:$0x3FB3]  }
0x2f: {  	lr =	sadd.s32 s0, s3;
	s0 =	sld [smem:$0x3FAA]  }
0x30: {  	s3 =	sld [smem:$0x3FAD]  }
0x31: {  	[smem:$0x3FB6] =	sst s10  }
0x32: {  	s10 =	sld [smem:$0x3FB4];
	_ =	sdelay $0x3  }
0x33: {  	p0 =	seq.s32 s10, $0x1;
	s10 =	sld [smem:$0x3FB6];
	_ =	sdelay $0x3  }
0x34: {  	[smem:$0x3FB6] =	sst s10  }
0x35: {  	s10 =	sld [smem:$0x3FB5];
	_ =	sdelay $0x3  }
0x36: {  	p1 =	seq.s32 s10, $0x1;
	s10 =	sld [smem:$0x3FB6];
	_ =	sdelay $0x3  }
0x37: {  	[smem:$0x3FB6] =	sst s10  }
0x38: {  	s10 =	sld [smem:$0x3FB7]  }
0x39: {  	_ = 	snop;
	(pc) =	sbr.ind lr, $3  }
0x3a: {  	_ = 	snop  }
0x3b: {  	_ = 	snop  }
0x3c: {  	p2 =	seq.s32 s10, $0x1;
	s10 =	sld [smem:$0x3FB6]  }
0x3d: {  	_ =	shalt  }
0x3e: {  	_ =	shalt  }
0x3f: {  	_ =	shalt  }
0x40: {  	_ =	shalt  }
0x41: {  	_ =	shalt  }
0x42: {  	_ =	shalt  }
0x43: {  	_ =	shalt  }
0x44: {  	_ =	shalt  }
0x45: {  	_ =	shalt  }
0x46: {  	_ =	shalt  }
0x47: {  	_ =	shalt  }
0x48: {  	_ =	shalt  }
0x49: {  	_ =	shalt  }
0x4a: {  	_ =	shalt  }
0x4b: {  	_ =	shalt  }
0x4c: {  	_ =	shalt  }
0x4d: {  	_ =	shalt  }
0x4e: {  	_ =	shalt  }
0x4f: {  	_ =	shalt  }
0x50: {  	_ =	shalt  }
0x51: {  	_ =	shalt  }
0x52: {  	_ =	shalt  }
0x53: {  	_ =	shalt  }
0x54: {  	_ =	shalt  }
0x55: {  	_ =	shalt  }
0x56: {  	_ =	shalt  }
0x57: {  	_ =	shalt  }
0x58: {  	_ =	shalt  }
0x59: {  	_ =	shalt  }
0x5a: {  	_ =	shalt  }
0x5b: {  	_ =	shalt  }
0x5c: {  	_ =	shalt  }
0x5d: {  	_ =	shalt  }
0x5e: {  	_ =	shalt  }
0x5f: {  	_ =	shalt  }
0x60: {  	_ =	shalt  }
0x61: {  	_ =	shalt  }
0x62: {  	_ =	shalt  }
0x63: {  	_ =	shalt  }
0x64: {  	_ =	shalt  }
0x65: {  	_ =	shalt  }
0x66: {  	_ =	shalt  }
0x67: {  	_ =	shalt  }
0x68: {  	_ =	shalt  }
0x69: {  	_ =	shalt  }
0x6a: {  	_ =	shalt  }
0x6b: {  	_ =	shalt  }
0x6c: {  	_ =	shalt  }
0x6d: {  	_ =	shalt  }
0x6e: {  	_ =	shalt  }
0x6f: {  	_ =	shalt  }
0x70: {  	_ =	shalt  }
0x71: {  	_ =	shalt  }
0x72: {  	_ =	shalt  }
0x73: {  	_ =	shalt  }
0x74: {  	_ =	shalt  }
0x75: {  	_ =	shalt  }
0x76: {  	_ =	shalt  }
0x77: {  	_ =	shalt  }
0x78: {  	_ =	shalt  }
0x79: {  	_ =	shalt  }
0x7a: {  	_ =	shalt  }
0x7b: {  	_ =	shalt  }
0x7c: {  	_ =	shalt  }
0x7d: {  	_ =	shalt  }
0x7e: {  	_ =	shalt  }
0x7f: {  	_ =	shalt  }
0x80: {  	_ =	shalt  }
0x81: {  	_ =	shalt  }
0x82: {  	_ =	shalt  }
0x83: {  	_ =	shalt  }
0x84: {  	_ =	shalt  }
0x85: {  	_ =	shalt  }
0x86: {  	_ =	shalt  }
0x87: {  	_ =	shalt  }
.Lfunc_end0:
.L_simem_size_0:
called_computation.1_lowered:
.L_overlay_start_0:
0x88: {  	s2 =	sld [smem:$0x3FD9]  }
0x89: {  	s3 =	sld [smem:$0x3FFE];
	_ =	sdelay $0x1  }
0x8a: {  	s1 =	srdreg.scid  }
0x8b: {  	s0 =	sand.u32 $0x1, s1  }
0x8c: {  	s17 =	sshll.u32 s0, $0xA;
	s2 =	sadd.s32 s3, s2  }
0x8d: {  	s2 =	sadd.s32 s2, s17  }
0x8e: {  	[smem:$0x3FC2] =	sst s2  }
0x8f: {  	_ = 	snop  }
0x90: {  	s2 =	sld [smem:$0x3FD0];
	(tm) =	ssettm $0x1  }
0x91: {  	s18 =	sld [smem:$0x3FFB];
	_ =	sdelay $0x3  }
0x92: {  	_ =	strace s18  }
0x93: {  	s3 =	sld [smem:$0x3FFC];
	_ =	sdelay $0x3  }
0x94: {  	_ =	strace s3  }
0x95: {  	s3 =	sld [smem:$0x3FFD];
	_ =	sdelay $0x3  }
0x96: {  	_ =	strace s3  }
0x97: {  	_ =	strace $0x8FFFFFFF  }
0x98: {  	s19 =	sld [smem:$0x3FDB];
	_ =	sdelay $0x1  }
0x99: {  	s4 =	simm.s32 $_scs_section_size  }
0x9a: {  	s5 =	simm.s32 $_size__tile_overlayer_lowered;
	s6 =	simm.s32 $_tile_overlayer_lowered  }
0x9b: {  	s22 =	simm.s32 $0x1BFF;
	s21 =	sshll.u32 s6, $0x1;
	s3 =	sadd.s32 s4, s19  }
0x9c: {  	s7 =	simm.s32 $0x0;
	s20 =	sshll.u32 s5, $0x1;
	s5 =	sadd.s32 s21, s3  }
0x9d: {  	[timem:s7], [sflag:s22] =	dma.local [hbm:s5], s20  }
0x9e: {  	_ =	swait.ge [sflag:s22], s20  }
0x9f: {  	s4 =	ssub.s32 $0x0, s20;
	[sflag:s22] =	ssyncset.done $0x0  }
0xa0: {  	[sflag:s22] =	ssyncadd.s32 s4;
	_ =	sdelay $0x1  }
0xa1: {  	s23 =	simm.s32 $0x1B8B  }
0xa2: {  	_ =	swait.ge [sflag:s23], $0x1  }
0xa3: {  	[sflag:s23] =	ssyncset.done $0x0  }
0xa4: {  	s25 =	simm.s32 $0x1B8E;
	s24 =	sld [smem:$0x3FFE];
	[sflag:s23] =	ssyncadd.s32 $0xFFFFFFFF  }
0xa5: {  	s26 =	simm.s32 $execute0_lowered;
	[smem:$0x3FD2] =	sst s25  }
0xa6: {  	s5 =	sshll.u32 s26, $0x1;
	_ =	strace $0x80000049;
	[dreg:$0x1] =	wrdreg $0xFFFFFFFF  }
0xa7: {  	s28 =	simm.s32 $_size_execute0_lowered;
	s3 =	sadd.s32 s3, s5;
	[dreg:$0x0] =	wrdreg $0x0  }
0xa8: {  	s5 =	sshll.u32 s28, $0x1;
	[dreg:$0x2] =	wrdreg s3  }
0xa9: {  	[dreg:$0x3] =	wrdreg s5  }
0xaa: {  	[dreg:$0x4] =	wrdreg $0xC0  }
0xab: {  	_ =	task [dreg:s7], $0x5FFFF  }
0xac: {  	[dreg:$0x1] =	wrdreg $0xFFFFFFFF  }
0xad: {  	[dreg:$0x0] =	wrdreg $0x60  }
0xae: {  	[dreg:$0x2] =	wrdreg s2  }
0xaf: {  	[dreg:$0x3] =	wrdreg s24  }
0xb0: {  	[dreg:$0x4] =	wrdreg $0x90800  }
0xb1: {  	[dreg:$0x5] =	wrdreg $0x9  }
0xb2: {  	_ =	task.clear_ibuf [dreg:s7], $0x6FFFF;
	_ =	strace $0x90000049  }
0xb3: {  	s29 =	simm.s32 $0x9;
	_ =	strace $0x8000004B  }
0xb4: {  	_ =	swait.ge [sflag:s29], $0x1  }
0xb5: {  	[sflag:s29] =	ssyncadd.s32 $0xFFFFFFFF  }
0xb6: {  	_ =	strace $0x9000004B  }
0xb7: {  	_ =	sfence  }
0xb8: {  	s30 =	sld [smem:$0x0];
	_ =	sdelay $0x2  }
0xb9: {  	s31 =	sshll.u32 s1, $0xD;
	s1 =	sshrl.u32 s1, $0x2  }
0xba: {  	s3 =	sand.u32 $0x4000, s31;
	s1 =	sadd.s32 s1, s30  }
0xbb: {  	s0 =	sor.u32 s3, s0;
	s1 =	sshll.u32 s1, $0x11  }
0xbc: {  	s0 =	sor.u32 s1, s0  }
0xbd: {  	s0 =	sadd.s32 $0x8F2B, s0  }
0xbe: {  	[sflag:s0] =	ssyncadd.remote.s32 $0x1  }
0xbf: {  	_ =	sfence.sel $0xFFFF  }
0xc0: {  	[dreg:$0x0] =	wrdreg $0xFFFFFFFF;
	(pc) =	sbr.abs _section_cstart, $3  }
0xc1: {  	[dreg:$0x1] =	wrdreg $0xFFFFFFFF  }
0xc2: {  	_ =	task.clear_ibuf [dreg:s7], $0x2FFFF;
	_ =	strace $0x9FFFFFFF  }
0xc3: {  	(tm) =	ssettm $0x7FFFFFFF  }
tec
execute0_lowered:
.L_overlay_start_1:
0x0: {  	(tag) =	ssettag $0x1  }
0x1: {  	s0 =	rddreg [dreg:$0x0]  }
0x2: {  	s1 =	rddreg [dreg:$0x1]  }
0x3: {  	s2 =	rddreg [dreg:$0x2]  }
0x4: {  	s13 =	simm.s32 $0x0;
	s11 =	stileid.u32;
	s4 =	srdreg.scid  }
0x5: {  	s14 =	simm.s32 $0x7;
	s30 =	simm.s32 $0x2800;
	s16 =	simm.s32 $0x2C00  }
0x6: {  	s17 =	simm.s32 $0x2D80;
	s18 =	simm.s32 $0x2F00;
	s19 =	simm.s32 $0x40  }
0x7: {  	s20 =	simm.s32 $0x3080;
	s22 =	simm.s32 $0x5080;
	s23 =	simm.s32 $0x1  }
0x8: {  	s28 =	simm.s32 $0x2;
	s29 =	simm.s32 $0x2F40;
	s31 =	simm.s32 $0x4  }
0x9: {  	s15 =	simm.s32 $0x6;
	[smem:$0x7FF] =	sst s13;
	s3 =	smul.u32 $0x14000, s11  }
0xa: {  	s5 =	sadd.s32 $0x15600, s1;
	s4 =	sand.u32 $0x1, s4;
	s24 =	sshll.u32 s11, $0x6  }
0xb: {  	_ =	strace $0x8000004A;
	[dreg:$0x4] =	wrdreg s5;
	s5 =	sadd.s32 $0x16000, s1  }
0xc: {  	s7 =	smul.u32 $0x28000, s4;
	s9 =	ssub.s32 $0x2, s4;
	s4 =	sshll.u32 s4, $0x4  }
0xd: {  	s6 =	sshrl.u32 s3, $0x3;
	s10 =	sshrl.u32 s9, $0x1;
	s4 =	sor.u32 s11, s4  }
0xe: {  	s3 =	sadd.s32 s3, s2;
	s8 =	sadd.s32 s6, s1;
	s7 =	sadd.s32 s7, s1  }
0xf: {  	s12 =	ssub.s32 s9, s10;
	s4 =	smul.u32 $0x510, s4;
	s9 =	sadd.s32 $0x15B00, s1  }
0x10: {  	s21 =	sshrl.u32 s3, $0x3;
	s8 =	sadd.s32 $0x3E000, s8;
	[dreg:$0x7] =	wrdreg s9  }
0x11: {  	s25 =	sadd.s32 $0x66000, s7;
	s26 =	smax.u32 s12, $0x1;
	[dreg:$0xa] =	wrdreg s21  }
0x12: {  	s12 =	simm.s32 $0x5;
	s7 =	simm.s32 $0x2FC0;
	[dreg:$0x5] =	wrdreg s8  }
0x13: {  	s8 =	sor.u32 $0x1C07, s24;
	s0 =	sadd.s32 s0, s4;
	s10 =	sadd.s32 s1, s4  }
0x14: {  	[dreg:$0x9] =	wrdreg s26;
	s26 =	simm.s32 $0x7080;
	s1 =	simm.s32 $0x3  }
0x15: {  	s4 =	simm.s32 $0x2F80;
	[dreg:$0x8] =	wrdreg s0;
	s11 =	sadd.s32 $0xB400, s10  }
0x16: {  	s0 =	sadd.s32 s6, s25;
	s25 =	simm.s32 $0x3000;
	[dreg:$0x6] =	wrdreg s8  }
0x17: {  	s6 =	simm.s32 $0x0;
	[dreg:$0xb] =	wrdreg s0;
	s0 =	simm.s32 $0x3040  }
.LBB2_1:
0x18: {  	[dreg:$0xc] =	wrdreg s6  }
0x19: {  	s3 =	rddreg [dreg:$0x5]  }
0x1a: {  	[spmem:s21], [sflag:s8] =	dma.local [hbm:s3], $0x2800  }
0x1b: {  	_ =	swait.ge [sflag:s14], $0x2800  }
0x1c: {  	[sflag:s14] =	ssyncset.done $0x0  }
0x1d: {  	s24 =	rddreg [dreg:$0x4];
	[sflag:s14] =	ssyncadd.s32 $0xFFFFD800  }
0x1e: {  	[tilespmem:s13], [sflag:$0x7] =	stream.linear.gather [hbm4b:s24+s13], $0x2800, $0x38;
	[tilespmem:$0x1D080] =	vst v63  }
0x1f: {  	_ =	swait.ge [sflag:s14], $0x2800  }
0x20: {  	[sflag:s14] =	ssyncset.done $0x0  }
0x21: {  	s6 =	simm.s32 $0x200;
	s24 =	simm.s32 $0x0;
	[sflag:s14] =	ssyncadd.s32 $0xFFFFD800  }
.LBB2_2:
0x22: {  	s3 =	sadd.s32 s24, s9  }
0x23: {  	[tilespmem:s30], [sflag:$0x7] =	stream.linear.gather [hbm4b:s3+s13], $0x400, $0x38;
	[tilespmem:$0x1D080] =	vst v63  }
0x24: {  	_ =	swait.ge [sflag:s14], $0x400  }
0x25: {  	[sflag:s14] =	ssyncset.done $0x0  }
0x26: {  	[sflag:s14] =	ssyncadd.s32 $0xFFFFFC00  }
0x27: {  	v0 =	vld [tilespmem:s6+$0xFFFFFE00]  }
0x28: {  	v1 =	vld [tilespmem:$0x2800];
	_ =	sdelay $0x4  }
0x29: {  	v0 =	vadd.f32 v1, v0;
	_ =	sdelay $0x1  }
0x2a: {  	v58 =	vld [tilespmem:s6+$0xFFFFFE10];
	[tilespmem:s6+$0xFFFFFE00] =	vst v0  }
0x2b: {  	v59 =	vld [tilespmem:$0x2810];
	_ =	sdelay $0x4  }
0x2c: {  	v0 =	vadd.f32 v59, v58;
	_ =	sdelay $0x1  }
0x2d: {  	v60 =	vld [tilespmem:s6+$0xFFFFFE20];
	[tilespmem:s6+$0xFFFFFE10] =	vst v0  }
0x2e: {  	v61 =	vld [tilespmem:$0x2820];
	_ =	sdelay $0x4  }
0x2f: {  	v0 =	vadd.f32 v61, v60;
	_ =	sdelay $0x1  }
0x30: {  	v62 =	vld [tilespmem:s6+$0xFFFFFE30];
	[tilespmem:s6+$0xFFFFFE20] =	vst v0  }
0x31: {  	v63 =	vld [tilespmem:$0x2830];
	_ =	sdelay $0x4  }
0x32: {  	v0 =	vadd.f32 v63, v62;
	_ =	sdelay $0x1  }
0x33: {  	v4 =	vld [tilespmem:s6+$0xFFFFFE40];
	[tilespmem:s6+$0xFFFFFE30] =	vst v0  }
0x34: {  	v5 =	vld [tilespmem:$0x2840];
	_ =	sdelay $0x4  }
0x35: {  	v0 =	vadd.f32 v5, v4;
	_ =	sdelay $0x1  }
0x36: {  	v6 =	vld [tilespmem:s6+$0xFFFFFE50];
	[tilespmem:s6+$0xFFFFFE40] =	vst v0  }
0x37: {  	v7 =	vld [tilespmem:$0x2850];
	_ =	sdelay $0x4  }
0x38: {  	v0 =	vadd.f32 v7, v6;
	_ =	sdelay $0x1  }
0x39: {  	v8 =	vld [tilespmem:s6+$0xFFFFFE60];
	[tilespmem:s6+$0xFFFFFE50] =	vst v0  }
0x3a: {  	v9 =	vld [tilespmem:$0x2860];
	_ =	sdelay $0x4  }
0x3b: {  	v0 =	vadd.f32 v9, v8;
	_ =	sdelay $0x1  }
0x3c: {  	v10 =	vld [tilespmem:s6+$0xFFFFFE70];
	[tilespmem:s6+$0xFFFFFE60] =	vst v0  }
0x3d: {  	v11 =	vld [tilespmem:$0x2870];
	_ =	sdelay $0x4  }
0x3e: {  	v0 =	vadd.f32 v11, v10;
	_ =	sdelay $0x1  }
0x3f: {  	v12 =	vld [tilespmem:s6+$0xFFFFFE80];
	[tilespmem:s6+$0xFFFFFE70] =	vst v0  }
0x40: {  	v13 =	vld [tilespmem:$0x2880];
	_ =	sdelay $0x4  }
0x41: {  	v0 =	vadd.f32 v13, v12;
	_ =	sdelay $0x1  }
0x42: {  	v14 =	vld [tilespmem:s6+$0xFFFFFE90];
	[tilespmem:s6+$0xFFFFFE80] =	vst v0  }
0x43: {  	v15 =	vld [tilespmem:$0x2890];
	_ =	sdelay $0x4  }
0x44: {  	v0 =	vadd.f32 v15, v14;
	_ =	sdelay $0x1  }
0x45: {  	v16 =	vld [tilespmem:s6+$0xFFFFFEA0];
	[tilespmem:s6+$0xFFFFFE90] =	vst v0  }
0x46: {  	v17 =	vld [tilespmem:$0x28A0];
	_ =	sdelay $0x4  }
0x47: {  	v0 =	vadd.f32 v17, v16;
	_ =	sdelay $0x1  }
0x48: {  	v18 =	vld [tilespmem:s6+$0xFFFFFEB0];
	[tilespmem:s6+$0xFFFFFEA0] =	vst v0  }
0x49: {  	v19 =	vld [tilespmem:$0x28B0];
	_ =	sdelay $0x4  }
0x4a: {  	v0 =	vadd.f32 v19, v18;
	_ =	sdelay $0x1  }
0x4b: {  	v20 =	vld [tilespmem:s6+$0xFFFFFEC0];
	[tilespmem:s6+$0xFFFFFEB0] =	vst v0  }
0x4c: {  	v21 =	vld [tilespmem:$0x28C0];
	_ =	sdelay $0x4  }
0x4d: {  	v0 =	vadd.f32 v21, v20;
	_ =	sdelay $0x1  }
0x4e: {  	v22 =	vld [tilespmem:s6+$0xFFFFFED0];
	[tilespmem:s6+$0xFFFFFEC0] =	vst v0  }
0x4f: {  	v23 =	vld [tilespmem:$0x28D0];
	_ =	sdelay $0x4  }
0x50: {  	v0 =	vadd.f32 v23, v22;
	_ =	sdelay $0x1  }
0x51: {  	v24 =	vld [tilespmem:s6+$0xFFFFFEE0];
	[tilespmem:s6+$0xFFFFFED0] =	vst v0  }
0x52: {  	v25 =	vld [tilespmem:$0x28E0];
	_ =	sdelay $0x4  }
0x53: {  	v0 =	vadd.f32 v25, v24;
	_ =	sdelay $0x1  }
0x54: {  	v26 =	vld [tilespmem:s6+$0xFFFFFEF0];
	[tilespmem:s6+$0xFFFFFEE0] =	vst v0  }
0x55: {  	v27 =	vld [tilespmem:$0x28F0];
	_ =	sdelay $0x4  }
0x56: {  	v0 =	vadd.f32 v27, v26;
	_ =	sdelay $0x1  }
0x57: {  	v28 =	vld [tilespmem:s6+$0xFFFFFF00];
	[tilespmem:s6+$0xFFFFFEF0] =	vst v0  }
0x58: {  	v29 =	vld [tilespmem:$0x2900];
	_ =	sdelay $0x4  }
0x59: {  	v0 =	vadd.f32 v29, v28;
	_ =	sdelay $0x1  }
0x5a: {  	v30 =	vld [tilespmem:s6+$0xFFFFFF10];
	[tilespmem:s6+$0xFFFFFF00] =	vst v0  }
0x5b: {  	v31 =	vld [tilespmem:$0x2910];
	_ =	sdelay $0x4  }
0x5c: {  	v0 =	vadd.f32 v31, v30;
	_ =	sdelay $0x1  }
0x5d: {  	v32 =	vld [tilespmem:s6+$0xFFFFFF20];
	[tilespmem:s6+$0xFFFFFF10] =	vst v0  }
0x5e: {  	v33 =	vld [tilespmem:$0x2920];
	_ =	sdelay $0x4  }
0x5f: {  	v0 =	vadd.f32 v33, v32;
	_ =	sdelay $0x1  }
0x60: {  	v34 =	vld [tilespmem:s6+$0xFFFFFF30];
	[tilespmem:s6+$0xFFFFFF20] =	vst v0  }
0x61: {  	v35 =	vld [tilespmem:$0x2930];
	_ =	sdelay $0x4  }
0x62: {  	v0 =	vadd.f32 v35, v34;
	_ =	sdelay $0x1  }
0x63: {  	v36 =	vld [tilespmem:s6+$0xFFFFFF40];
	[tilespmem:s6+$0xFFFFFF30] =	vst v0  }
0x64: {  	v37 =	vld [tilespmem:$0x2940];
	_ =	sdelay $0x4  }
0x65: {  	v0 =	vadd.f32 v37, v36;
	_ =	sdelay $0x1  }
0x66: {  	v38 =	vld [tilespmem:s6+$0xFFFFFF50];
	[tilespmem:s6+$0xFFFFFF40] =	vst v0  }
0x67: {  	v39 =	vld [tilespmem:$0x2950];
	_ =	sdelay $0x4  }
0x68: {  	v0 =	vadd.f32 v39, v38;
	_ =	sdelay $0x1  }
0x69: {  	v40 =	vld [tilespmem:s6+$0xFFFFFF60];
	[tilespmem:s6+$0xFFFFFF50] =	vst v0  }
0x6a: {  	v41 =	vld [tilespmem:$0x2960];
	_ =	sdelay $0x4  }
0x6b: {  	v0 =	vadd.f32 v41, v40;
	_ =	sdelay $0x1  }
0x6c: {  	v42 =	vld [tilespmem:s6+$0xFFFFFF70];
	[tilespmem:s6+$0xFFFFFF60] =	vst v0  }
0x6d: {  	v43 =	vld [tilespmem:$0x2970];
	_ =	sdelay $0x4  }
0x6e: {  	v0 =	vadd.f32 v43, v42;
	_ =	sdelay $0x1  }
0x6f: {  	v44 =	vld [tilespmem:s6+$0xFFFFFF80];
	[tilespmem:s6+$0xFFFFFF70] =	vst v0  }
0x70: {  	v45 =	vld [tilespmem:$0x2980];
	_ =	sdelay $0x4  }
0x71: {  	v0 =	vadd.f32 v45, v44;
	_ =	sdelay $0x1  }
0x72: {  	v46 =	vld [tilespmem:s6+$0xFFFFFF90];
	[tilespmem:s6+$0xFFFFFF80] =	vst v0  }
0x73: {  	v47 =	vld [tilespmem:$0x2990];
	_ =	sdelay $0x4  }
0x74: {  	v0 =	vadd.f32 v47, v46;
	_ =	sdelay $0x1  }
0x75: {  	v48 =	vld [tilespmem:s6+$0xFFFFFFA0];
	[tilespmem:s6+$0xFFFFFF90] =	vst v0  }
0x76: {  	v49 =	vld [tilespmem:$0x29A0];
	_ =	sdelay $0x4  }
0x77: {  	v0 =	vadd.f32 v49, v48;
	_ =	sdelay $0x1  }
0x78: {  	v50 =	vld [tilespmem:s6+$0xFFFFFFB0];
	[tilespmem:s6+$0xFFFFFFA0] =	vst v0  }
0x79: {  	v51 =	vld [tilespmem:$0x29B0];
	_ =	sdelay $0x4  }
0x7a: {  	v0 =	vadd.f32 v51, v50;
	_ =	sdelay $0x1  }
0x7b: {  	v52 =	vld [tilespmem:s6+$0xFFFFFFC0];
	[tilespmem:s6+$0xFFFFFFB0] =	vst v0  }
0x7c: {  	v53 =	vld [tilespmem:$0x29C0];
	_ =	sdelay $0x4  }
0x7d: {  	v0 =	vadd.f32 v53, v52;
	_ =	sdelay $0x1  }
0x7e: {  	v54 =	vld [tilespmem:s6+$0xFFFFFFD0];
	[tilespmem:s6+$0xFFFFFFC0] =	vst v0  }
0x7f: {  	v55 =	vld [tilespmem:$0x29D0];
	_ =	sdelay $0x4  }
0x80: {  	v0 =	vadd.f32 v55, v54;
	_ =	sdelay $0x1  }
0x81: {  	v56 =	vld [tilespmem:s6+$0xFFFFFFE0];
	[tilespmem:s6+$0xFFFFFFD0] =	vst v0  }
0x82: {  	v57 =	vld [tilespmem:$0x29E0];
	_ =	sdelay $0x4  }
0x83: {  	v0 =	vadd.f32 v57, v56;
	_ =	sdelay $0x1  }
0x84: {  	v58 =	vld [tilespmem:s6+$0xFFFFFFF0];
	[tilespmem:s6+$0xFFFFFFE0] =	vst v0  }
0x85: {  	v59 =	vld [tilespmem:$0x29F0];
	_ =	sdelay $0x4  }
0x86: {  	v0 =	vadd.f32 v59, v58;
	_ =	sdelay $0x1  }
0x87: {  	v60 =	vld [tilespmem:s6+$0x0];
	[tilespmem:s6+$0xFFFFFFF0] =	vst v0  }
0x88: {  	v61 =	vld [tilespmem:$0x2A00];
	_ =	sdelay $0x4  }
0x89: {  	v0 =	vadd.f32 v61, v60;
	_ =	sdelay $0x1  }
0x8a: {  	v62 =	vld [tilespmem:s6+$0x10];
	[tilespmem:s6+$0x0] =	vst v0  }
0x8b: {  	v63 =	vld [tilespmem:$0x2A10];
	_ =	sdelay $0x4  }
0x8c: {  	v0 =	vadd.f32 v63, v62;
	_ =	sdelay $0x1  }
0x8d: {  	v4 =	vld [tilespmem:s6+$0x20];
	[tilespmem:s6+$0x10] =	vst v0  }
0x8e: {  	v5 =	vld [tilespmem:$0x2A20];
	_ =	sdelay $0x4  }
0x8f: {  	v0 =	vadd.f32 v5, v4;
	_ =	sdelay $0x1  }
0x90: {  	v6 =	vld [tilespmem:s6+$0x30];
	[tilespmem:s6+$0x20] =	vst v0  }
0x91: {  	v7 =	vld [tilespmem:$0x2A30];
	_ =	sdelay $0x4  }
0x92: {  	v0 =	vadd.f32 v7, v6;
	_ =	sdelay $0x1  }
0x93: {  	v8 =	vld [tilespmem:s6+$0x40];
	[tilespmem:s6+$0x30] =	vst v0  }
0x94: {  	v9 =	vld [tilespmem:$0x2A40];
	_ =	sdelay $0x4  }
0x95: {  	v0 =	vadd.f32 v9, v8;
	_ =	sdelay $0x1  }
0x96: {  	v10 =	vld [tilespmem:s6+$0x50];
	[tilespmem:s6+$0x40] =	vst v0  }
0x97: {  	v11 =	vld [tilespmem:$0x2A50];
	_ =	sdelay $0x4  }
0x98: {  	v0 =	vadd.f32 v11, v10;
	_ =	sdelay $0x1  }
0x99: {  	v12 =	vld [tilespmem:s6+$0x60];
	[tilespmem:s6+$0x50] =	vst v0  }
0x9a: {  	v13 =	vld [tilespmem:$0x2A60];
	_ =	sdelay $0x4  }
0x9b: {  	v0 =	vadd.f32 v13, v12;
	_ =	sdelay $0x1  }
0x9c: {  	v14 =	vld [tilespmem:s6+$0x70];
	[tilespmem:s6+$0x60] =	vst v0  }
0x9d: {  	v15 =	vld [tilespmem:$0x2A70];
	_ =	sdelay $0x4  }
0x9e: {  	v0 =	vadd.f32 v15, v14;
	_ =	sdelay $0x1  }
0x9f: {  	v16 =	vld [tilespmem:s6+$0x80];
	[tilespmem:s6+$0x70] =	vst v0  }
0xa0: {  	v17 =	vld [tilespmem:$0x2A80];
	_ =	sdelay $0x4  }
0xa1: {  	v0 =	vadd.f32 v17, v16;
	_ =	sdelay $0x1  }
0xa2: {  	v18 =	vld [tilespmem:s6+$0x90];
	[tilespmem:s6+$0x80] =	vst v0  }
0xa3: {  	v19 =	vld [tilespmem:$0x2A90];
	_ =	sdelay $0x4  }
0xa4: {  	v0 =	vadd.f32 v19, v18;
	_ =	sdelay $0x1  }
0xa5: {  	v20 =	vld [tilespmem:s6+$0xA0];
	[tilespmem:s6+$0x90] =	vst v0  }
0xa6: {  	v21 =	vld [tilespmem:$0x2AA0];
	_ =	sdelay $0x4  }
0xa7: {  	v0 =	vadd.f32 v21, v20;
	_ =	sdelay $0x1  }
0xa8: {  	v22 =	vld [tilespmem:s6+$0xB0];
	[tilespmem:s6+$0xA0] =	vst v0  }
0xa9: {  	v23 =	vld [tilespmem:$0x2AB0];
	_ =	sdelay $0x4  }
0xaa: {  	v0 =	vadd.f32 v23, v22;
	_ =	sdelay $0x1  }
0xab: {  	v24 =	vld [tilespmem:s6+$0xC0];
	[tilespmem:s6+$0xB0] =	vst v0  }
0xac: {  	v25 =	vld [tilespmem:$0x2AC0];
	_ =	sdelay $0x4  }
0xad: {  	v0 =	vadd.f32 v25, v24;
	_ =	sdelay $0x1  }
0xae: {  	v26 =	vld [tilespmem:s6+$0xD0];
	[tilespmem:s6+$0xC0] =	vst v0  }
0xaf: {  	v27 =	vld [tilespmem:$0x2AD0];
	_ =	sdelay $0x4  }
0xb0: {  	v0 =	vadd.f32 v27, v26;
	_ =	sdelay $0x1  }
0xb1: {  	v28 =	vld [tilespmem:s6+$0xE0];
	[tilespmem:s6+$0xD0] =	vst v0  }
0xb2: {  	v29 =	vld [tilespmem:$0x2AE0];
	_ =	sdelay $0x4  }
0xb3: {  	v0 =	vadd.f32 v29, v28;
	_ =	sdelay $0x1  }
0xb4: {  	v30 =	vld [tilespmem:s6+$0xF0];
	[tilespmem:s6+$0xE0] =	vst v0  }
0xb5: {  	v31 =	vld [tilespmem:$0x2AF0];
	_ =	sdelay $0x4  }
0xb6: {  	v0 =	vadd.f32 v31, v30;
	_ =	sdelay $0x1  }
0xb7: {  	v32 =	vld [tilespmem:s6+$0x100];
	[tilespmem:s6+$0xF0] =	vst v0  }
0xb8: {  	v33 =	vld [tilespmem:$0x2B00];
	_ =	sdelay $0x4  }
0xb9: {  	v0 =	vadd.f32 v33, v32;
	_ =	sdelay $0x1  }
0xba: {  	v34 =	vld [tilespmem:s6+$0x110];
	[tilespmem:s6+$0x100] =	vst v0  }
0xbb: {  	v35 =	vld [tilespmem:$0x2B10];
	_ =	sdelay $0x4  }
0xbc: {  	v0 =	vadd.f32 v35, v34;
	_ =	sdelay $0x1  }
0xbd: {  	v36 =	vld [tilespmem:s6+$0x120];
	[tilespmem:s6+$0x110] =	vst v0  }
0xbe: {  	v37 =	vld [tilespmem:$0x2B20];
	_ =	sdelay $0x4  }
0xbf: {  	v0 =	vadd.f32 v37, v36;
	_ =	sdelay $0x1  }
0xc0: {  	v38 =	vld [tilespmem:s6+$0x130];
	[tilespmem:s6+$0x120] =	vst v0  }
0xc1: {  	v39 =	vld [tilespmem:$0x2B30];
	_ =	sdelay $0x4  }
0xc2: {  	v0 =	vadd.f32 v39, v38;
	_ =	sdelay $0x1  }
0xc3: {  	v40 =	vld [tilespmem:s6+$0x140];
	[tilespmem:s6+$0x130] =	vst v0  }
0xc4: {  	v41 =	vld [tilespmem:$0x2B40];
	_ =	sdelay $0x4  }
0xc5: {  	v0 =	vadd.f32 v41, v40;
	_ =	sdelay $0x1  }
0xc6: {  	v42 =	vld [tilespmem:s6+$0x150];
	[tilespmem:s6+$0x140] =	vst v0  }
0xc7: {  	v43 =	vld [tilespmem:$0x2B50];
	_ =	sdelay $0x4  }
0xc8: {  	v0 =	vadd.f32 v43, v42;
	_ =	sdelay $0x1  }
0xc9: {  	v44 =	vld [tilespmem:s6+$0x160];
	[tilespmem:s6+$0x150] =	vst v0  }
0xca: {  	v45 =	vld [tilespmem:$0x2B60];
	_ =	sdelay $0x4  }
0xcb: {  	v0 =	vadd.f32 v45, v44;
	_ =	sdelay $0x1  }
0xcc: {  	v46 =	vld [tilespmem:s6+$0x170];
	[tilespmem:s6+$0x160] =	vst v0  }
0xcd: {  	v47 =	vld [tilespmem:$0x2B70];
	_ =	sdelay $0x4  }
0xce: {  	v0 =	vadd.f32 v47, v46;
	_ =	sdelay $0x1  }
0xcf: {  	v48 =	vld [tilespmem:s6+$0x180];
	[tilespmem:s6+$0x170] =	vst v0  }
0xd0: {  	v49 =	vld [tilespmem:$0x2B80];
	_ =	sdelay $0x4  }
0xd1: {  	v0 =	vadd.f32 v49, v48;
	_ =	sdelay $0x1  }
0xd2: {  	v50 =	vld [tilespmem:s6+$0x190];
	[tilespmem:s6+$0x180] =	vst v0  }
0xd3: {  	v51 =	vld [tilespmem:$0x2B90];
	_ =	sdelay $0x4  }
0xd4: {  	v0 =	vadd.f32 v51, v50;
	_ =	sdelay $0x1  }
0xd5: {  	v52 =	vld [tilespmem:s6+$0x1A0];
	[tilespmem:s6+$0x190] =	vst v0  }
0xd6: {  	v53 =	vld [tilespmem:$0x2BA0];
	_ =	sdelay $0x4  }
0xd7: {  	v0 =	vadd.f32 v53, v52;
	_ =	sdelay $0x1  }
0xd8: {  	v54 =	vld [tilespmem:s6+$0x1B0];
	[tilespmem:s6+$0x1A0] =	vst v0  }
0xd9: {  	v55 =	vld [tilespmem:$0x2BB0];
	_ =	sdelay $0x4  }
0xda: {  	v0 =	vadd.f32 v55, v54;
	_ =	sdelay $0x1  }
0xdb: {  	v56 =	vld [tilespmem:s6+$0x1C0];
	[tilespmem:s6+$0x1B0] =	vst v0  }
0xdc: {  	v57 =	vld [tilespmem:$0x2BC0];
	_ =	sdelay $0x4  }
0xdd: {  	v0 =	vadd.f32 v57, v56;
	_ =	sdelay $0x1  }
0xde: {  	v58 =	vld [tilespmem:s6+$0x1D0];
	[tilespmem:s6+$0x1C0] =	vst v0  }
0xdf: {  	v59 =	vld [tilespmem:$0x2BD0];
	_ =	sdelay $0x4  }
0xe0: {  	v0 =	vadd.f32 v59, v58;
	_ =	sdelay $0x1  }
0xe1: {  	v60 =	vld [tilespmem:s6+$0x1E0];
	[tilespmem:s6+$0x1D0] =	vst v0  }
0xe2: {  	v61 =	vld [tilespmem:$0x2BE0];
	_ =	sdelay $0x4  }
0xe3: {  	v0 =	vadd.f32 v61, v60;
	_ =	sdelay $0x1  }
0xe4: {  	v62 =	vld [tilespmem:s6+$0x1F0];
	[tilespmem:s6+$0x1E0] =	vst v0  }
0xe5: {  	v63 =	vld [tilespmem:$0x2BF0];
	_ =	sdelay $0x1  }
0xe6: {  	p0 =	sne.s32 s24, $0x480  }
.Ltmp0:
0xe7: {  	_ = 	snop;
	(pc) =	sbr.rel @p0 .LBB2_2-.Ltmp0, $3  }
0xe8: {  	_ = 	snop  }
0xe9: {  	v0 =	vadd.f32 v63, v62;
	_ =	sdelay $0x1  }
0xea: {  	s24 =	sadd.s32 $0x80, s24;
	[tilespmem:s6+$0x1F0] =	vst v0;
	s6 =	sadd.s32 $0x400, s6  }
0xeb: {  	[bflag:$0x0] =	sbarrier.arrive $0xFFFF;
	s6 =	simm.s32 $0x0;
	s24 =	simm.s32 $0x0  }
.LBB2_4:
0xec: {  	s3 =	smul.u32 $0x30, s24  }
0xed: {  	s8 =	rddreg [dreg:$0x8]  }
0xee: {  	s13 =	sadd.s32 s3, s8  }
0xef: {  	[tilespmem:s16], [sflag:$0x7] =	stream.linear.gather [hbm4b:s13+s6], $0x180, $0x38;
	[tilespmem:$0x1D080] =	vst v63  }
0xf0: {  	_ =	swait.ge [sflag:s14], $0x180  }
0xf1: {  	[sflag:s14] =	ssyncset.done $0x0  }
0xf2: {  	s9 =	sadd.s32 s3, s10;
	[sflag:s14] =	ssyncadd.s32 $0xFFFFFE80  }
0xf3: {  	[tilespmem:s17], [sflag:$0x7] =	stream.linear.gather [hbm4b:s9+s6], $0x180, $0x38;
	[tilespmem:$0x1D080] =	vst v63  }
0xf4: {  	_ =	swait.ge [sflag:s14], $0x180  }
0xf5: {  	[sflag:s14] =	ssyncset.done $0x0  }
0xf6: {  	s3 =	sadd.s32 s3, s11;
	[sflag:s14] =	ssyncadd.s32 $0xFFFFFE80  }
0xf7: {  	[tilespmem:s18], [sflag:$0x7] =	stream.linear.gather [hbm4b:s3+s6], $0x180, $0x38;
	[tilespmem:$0x1D080] =	vst v63  }
0xf8: {  	_ =	swait.ge [sflag:s14], $0x180  }
0xf9: {  	[sflag:s14] =	ssyncset.done $0x0  }
0xfa: {  	[sflag:s14] =	ssyncadd.s32 $0xFFFFFE80  }
0xfb: {  	v0 =	vld [tilespmem:$0x2D80];
	_ =	sdelay $0x7  }
0xfc: {  	v0 =	vld.idx.msk [tilespmem:v0+s6+$0x0], $0xffff;
	_ =	sdelay $0x4  }
0xfd: {  	v0 =	vadd.f32 $1.000000020e-16, v0;
	_ =	sdelay $0x1  }
0xfe: {  	(erf) = vrcp.f32 v0;
	_ =	sdelay $0x3  }
0xff: {  	v1 =	vld [tilespmem:$0x2D90]  }
0x100: {  	v0 =	vld [tilespmem:$0x2F00];
	_ =	sdelay $0x3  }
0x101: {  	v2 =	vpop (erf)  }
0x102: {  	v0 =	vmul.f32 v2, v0;
	_ =	sdelay $0x1  }
0x103: {  	[tilespmem:$0x2F00] =	vst v0  }
0x104: {  	v0 =	vld.idx.msk [tilespmem:v1+s6+$0x0], $0xffff;
	_ =	sdelay $0x4  }
0x105: {  	v0 =	vadd.f32 $1.000000020e-16, v0;
	_ =	sdelay $0x1  }
0x106: {  	(erf) = vrcp.f32 v0;
	_ =	sdelay $0x3  }
0x107: {  	v1 =	vld [tilespmem:$0x2DA0]  }
0x108: {  	v0 =	vld [tilespmem:$0x2F10];
	_ =	sdelay $0x3  }
0x109: {  	v2 =	vpop (erf)  }
0x10a: {  	v0 =	vmul.f32 v2, v0;
	_ =	sdelay $0x1  }
0x10b: {  	[tilespmem:$0x2F10] =	vst v0  }
0x10c: {  	v0 =	vld.idx.msk [tilespmem:v1+s6+$0x0], $0xffff;
	_ =	sdelay $0x4  }
0x10d: {  	v0 =	vadd.f32 $1.000000020e-16, v0;
	_ =	sdelay $0x1  }
0x10e: {  	(erf) = vrcp.f32 v0;
	_ =	sdelay $0x3  }
0x10f: {  	v1 =	vld [tilespmem:$0x2DB0]  }
0x110: {  	v0 =	vld [tilespmem:$0x2F20];
	_ =	sdelay $0x3  }
0x111: {  	v2 =	vpop (erf)  }
0x112: {  	v0 =	vmul.f32 v2, v0;
	_ =	sdelay $0x1  }
0x113: {  	[tilespmem:$0x2F20] =	vst v0  }
0x114: {  	v0 =	vld.idx.msk [tilespmem:v1+s6+$0x0], $0xffff;
	_ =	sdelay $0x4  }
0x115: {  	v0 =	vadd.f32 $1.000000020e-16, v0;
	_ =	sdelay $0x1  }
0x116: {  	(erf) = vrcp.f32 v0;
	_ =	sdelay $0x3  }
0x117: {  	v1 =	vld [tilespmem:$0x2DC0]  }
0x118: {  	v0 =	vld [tilespmem:$0x2F30];
	_ =	sdelay $0x3  }
0x119: {  	v2 =	vpop (erf)  }
0x11a: {  	v0 =	vmul.f32 v2, v0;
	_ =	sdelay $0x1  }
0x11b: {  	[tilespmem:$0x2F30] =	vst v0  }
0x11c: {  	v0 =	vld.idx.msk [tilespmem:v1+s6+$0x0], $0xffff;
	_ =	sdelay $0x4  }
0x11d: {  	v0 =	vadd.f32 $1.000000020e-16, v0;
	_ =	sdelay $0x1  }
0x11e: {  	(erf) = vrcp.f32 v0;
	_ =	sdelay $0x3  }
0x11f: {  	v1 =	vld [tilespmem:$0x2DD0]  }
0x120: {  	v0 =	vld [tilespmem:$0x2F40];
	_ =	sdelay $0x3  }
0x121: {  	v2 =	vpop (erf)  }
0x122: {  	v0 =	vmul.f32 v2, v0;
	_ =	sdelay $0x1  }
0x123: {  	[tilespmem:$0x2F40] =	vst v0  }
0x124: {  	v0 =	vld.idx.msk [tilespmem:v1+s6+$0x0], $0xffff;
	_ =	sdelay $0x4  }
0x125: {  	v0 =	vadd.f32 $1.000000020e-16, v0;
	_ =	sdelay $0x1  }
0x126: {  	(erf) = vrcp.f32 v0;
	_ =	sdelay $0x3  }
0x127: {  	v1 =	vld [tilespmem:$0x2DE0]  }
0x128: {  	v0 =	vld [tilespmem:$0x2F50];
	_ =	sdelay $0x3  }
0x129: {  	v2 =	vpop (erf)  }
0x12a: {  	v0 =	vmul.f32 v2, v0;
	_ =	sdelay $0x1  }
0x12b: {  	[tilespmem:$0x2F50] =	vst v0  }
0x12c: {  	v0 =	vld.idx.msk [tilespmem:v1+s6+$0x0], $0xffff;
	_ =	sdelay $0x4  }
0x12d: {  	v0 =	vadd.f32 $1.000000020e-16, v0;
	_ =	sdelay $0x1  }
0x12e: {  	(erf) = vrcp.f32 v0;
	_ =	sdelay $0x3  }
0x12f: {  	v1 =	vld [tilespmem:$0x2DF0]  }
0x130: {  	v0 =	vld [tilespmem:$0x2F60];
	_ =	sdelay $0x3  }
0x131: {  	v2 =	vpop (erf)  }
0x132: {  	v0 =	vmul.f32 v2, v0;
	_ =	sdelay $0x1  }
0x133: {  	[tilespmem:$0x2F60] =	vst v0  }
0x134: {  	v0 =	vld.idx.msk [tilespmem:v1+s6+$0x0], $0xffff;
	_ =	sdelay $0x4  }
0x135: {  	v0 =	vadd.f32 $1.000000020e-16, v0;
	_ =	sdelay $0x1  }
0x136: {  	(erf) = vrcp.f32 v0;
	_ =	sdelay $0x3  }
0x137: {  	v1 =	vld [tilespmem:$0x2E00]  }
0x138: {  	v0 =	vld [tilespmem:$0x2F70];
	_ =	sdelay $0x3  }
0x139: {  	v2 =	vpop (erf)  }
0x13a: {  	v0 =	vmul.f32 v2, v0;
	_ =	sdelay $0x1  }
0x13b: {  	[tilespmem:$0x2F70] =	vst v0  }
0x13c: {  	v0 =	vld.idx.msk [tilespmem:v1+s6+$0x0], $0xffff;
	_ =	sdelay $0x4  }
0x13d: {  	v0 =	vadd.f32 $1.000000020e-16, v0;
	_ =	sdelay $0x1  }
0x13e: {  	(erf) = vrcp.f32 v0;
	_ =	sdelay $0x3  }
0x13f: {  	v1 =	vld [tilespmem:$0x2E10]  }
0x140: {  	v0 =	vld [tilespmem:$0x2F80];
	_ =	sdelay $0x3  }
0x141: {  	v2 =	vpop (erf)  }
0x142: {  	v0 =	vmul.f32 v2, v0;
	_ =	sdelay $0x1  }
0x143: {  	[tilespmem:$0x2F80] =	vst v0  }
0x144: {  	v0 =	vld.idx.msk [tilespmem:v1+s6+$0x0], $0xffff;
	_ =	sdelay $0x4  }
0x145: {  	v0 =	vadd.f32 $1.000000020e-16, v0;
	_ =	sdelay $0x1  }
0x146: {  	(erf) = vrcp.f32 v0;
	_ =	sdelay $0x3  }
0x147: {  	v1 =	vld [tilespmem:$0x2E20]  }
0x148: {  	v0 =	vld [tilespmem:$0x2F90];
	_ =	sdelay $0x3  }
0x149: {  	v2 =	vpop (erf)  }
0x14a: {  	v0 =	vmul.f32 v2, v0;
	_ =	sdelay $0x1  }
0x14b: {  	[tilespmem:$0x2F90] =	vst v0  }
0x14c: {  	v0 =	vld.idx.msk [tilespmem:v1+s6+$0x0], $0xffff;
	_ =	sdelay $0x4  }
0x14d: {  	v0 =	vadd.f32 $1.000000020e-16, v0;
	_ =	sdelay $0x1  }
0x14e: {  	(erf) = vrcp.f32 v0;
	_ =	sdelay $0x3  }
0x14f: {  	v1 =	vld [tilespmem:$0x2E30]  }
0x150: {  	v0 =	vld [tilespmem:$0x2FA0];
	_ =	sdelay $0x3  }
0x151: {  	v2 =	vpop (erf)  }
0x152: {  	v0 =	vmul.f32 v2, v0;
	_ =	sdelay $0x1  }
0x153: {  	[tilespmem:$0x2FA0] =	vst v0  }
0x154: {  	v0 =	vld.idx.msk [tilespmem:v1+s6+$0x0], $0xffff;
	_ =	sdelay $0x4  }
0x155: {  	v0 =	vadd.f32 $1.000000020e-16, v0;
	_ =	sdelay $0x1  }
0x156: {  	(erf) = vrcp.f32 v0;
	_ =	sdelay $0x3  }
0x157: {  	v1 =	vld [tilespmem:$0x2E40]  }
0x158: {  	v0 =	vld [tilespmem:$0x2FB0];
	_ =	sdelay $0x3  }
0x159: {  	v2 =	vpop (erf)  }
0x15a: {  	v0 =	vmul.f32 v2, v0;
	_ =	sdelay $0x1  }
0x15b: {  	[tilespmem:$0x2FB0] =	vst v0  }
0x15c: {  	v0 =	vld.idx.msk [tilespmem:v1+s6+$0x0], $0xffff;
	_ =	sdelay $0x4  }
0x15d: {  	v0 =	vadd.f32 $1.000000020e-16, v0;
	_ =	sdelay $0x1  }
0x15e: {  	(erf) = vrcp.f32 v0;
	_ =	sdelay $0x3  }
0x15f: {  	v1 =	vld [tilespmem:$0x2E50]  }
0x160: {  	v0 =	vld [tilespmem:$0x2FC0];
	_ =	sdelay $0x3  }
0x161: {  	v2 =	vpop (erf)  }
0x162: {  	v0 =	vmul.f32 v2, v0;
	_ =	sdelay $0x1  }
0x163: {  	[tilespmem:$0x2FC0] =	vst v0  }
0x164: {  	v0 =	vld.idx.msk [tilespmem:v1+s6+$0x0], $0xffff;
	_ =	sdelay $0x4  }
0x165: {  	v0 =	vadd.f32 $1.000000020e-16, v0;
	_ =	sdelay $0x1  }
0x166: {  	(erf) = vrcp.f32 v0;
	_ =	sdelay $0x3  }
0x167: {  	v1 =	vld [tilespmem:$0x2E60]  }
0x168: {  	v0 =	vld [tilespmem:$0x2FD0];
	_ =	sdelay $0x3  }
0x169: {  	v2 =	vpop (erf)  }
0x16a: {  	v0 =	vmul.f32 v2, v0;
	_ =	sdelay $0x1  }
0x16b: {  	[tilespmem:$0x2FD0] =	vst v0  }
0x16c: {  	v0 =	vld.idx.msk [tilespmem:v1+s6+$0x0], $0xffff;
	_ =	sdelay $0x4  }
0x16d: {  	v0 =	vadd.f32 $1.000000020e-16, v0;
	_ =	sdelay $0x1  }
0x16e: {  	(erf) = vrcp.f32 v0;
	_ =	sdelay $0x3  }
0x16f: {  	v1 =	vld [tilespmem:$0x2E70]  }
0x170: {  	v0 =	vld [tilespmem:$0x2FE0];
	_ =	sdelay $0x3  }
0x171: {  	v2 =	vpop (erf)  }
0x172: {  	v0 =	vmul.f32 v2, v0;
	_ =	sdelay $0x1  }
0x173: {  	[tilespmem:$0x2FE0] =	vst v0  }
0x174: {  	v0 =	vld.idx.msk [tilespmem:v1+s6+$0x0], $0xffff;
	_ =	sdelay $0x4  }
0x175: {  	v0 =	vadd.f32 $1.000000020e-16, v0;
	_ =	sdelay $0x1  }
0x176: {  	(erf) = vrcp.f32 v0;
	_ =	sdelay $0x3  }
0x177: {  	v1 =	vld [tilespmem:$0x2E80]  }
0x178: {  	v0 =	vld [tilespmem:$0x2FF0];
	_ =	sdelay $0x3  }
0x179: {  	v2 =	vpop (erf)  }
0x17a: {  	v0 =	vmul.f32 v2, v0;
	_ =	sdelay $0x1  }
0x17b: {  	[tilespmem:$0x2FF0] =	vst v0  }
0x17c: {  	v0 =	vld.idx.msk [tilespmem:v1+s6+$0x0], $0xffff;
	_ =	sdelay $0x4  }
0x17d: {  	v0 =	vadd.f32 $1.000000020e-16, v0;
	_ =	sdelay $0x1  }
0x17e: {  	(erf) = vrcp.f32 v0;
	_ =	sdelay $0x3  }
0x17f: {  	v1 =	vld [tilespmem:$0x2E90]  }
0x180: {  	v0 =	vld [tilespmem:$0x3000];
	_ =	sdelay $0x3  }
0x181: {  	v2 =	vpop (erf)  }
0x182: {  	v0 =	vmul.f32 v2, v0;
	_ =	sdelay $0x1  }
0x183: {  	[tilespmem:$0x3000] =	vst v0  }
0x184: {  	v0 =	vld.idx.msk [tilespmem:v1+s6+$0x0], $0xffff;
	_ =	sdelay $0x4  }
0x185: {  	v0 =	vadd.f32 $1.000000020e-16, v0;
	_ =	sdelay $0x1  }
0x186: {  	(erf) = vrcp.f32 v0;
	_ =	sdelay $0x3  }
0x187: {  	v1 =	vld [tilespmem:$0x2EA0]  }
0x188: {  	v0 =	vld [tilespmem:$0x3010];
	_ =	sdelay $0x3  }
0x189: {  	v2 =	vpop (erf)  }
0x18a: {  	v0 =	vmul.f32 v2, v0;
	_ =	sdelay $0x1  }
0x18b: {  	[tilespmem:$0x3010] =	vst v0  }
0x18c: {  	v0 =	vld.idx.msk [tilespmem:v1+s6+$0x0], $0xffff;
	_ =	sdelay $0x4  }
0x18d: {  	v0 =	vadd.f32 $1.000000020e-16, v0;
	_ =	sdelay $0x1  }
0x18e: {  	(erf) = vrcp.f32 v0;
	_ =	sdelay $0x3  }
0x18f: {  	v1 =	vld [tilespmem:$0x2EB0]  }
0x190: {  	v0 =	vld [tilespmem:$0x3020];
	_ =	sdelay $0x3  }
0x191: {  	v2 =	vpop (erf)  }
0x192: {  	v0 =	vmul.f32 v2, v0;
	_ =	sdelay $0x1  }
0x193: {  	[tilespmem:$0x3020] =	vst v0  }
0x194: {  	v0 =	vld.idx.msk [tilespmem:v1+s6+$0x0], $0xffff;
	_ =	sdelay $0x4  }
0x195: {  	v0 =	vadd.f32 $1.000000020e-16, v0;
	_ =	sdelay $0x1  }
0x196: {  	(erf) = vrcp.f32 v0;
	_ =	sdelay $0x3  }
0x197: {  	v1 =	vld [tilespmem:$0x2EC0]  }
0x198: {  	v0 =	vld [tilespmem:$0x3030];
	_ =	sdelay $0x3  }
0x199: {  	v2 =	vpop (erf)  }
0x19a: {  	v0 =	vmul.f32 v2, v0;
	_ =	sdelay $0x1  }
0x19b: {  	[tilespmem:$0x3030] =	vst v0  }
0x19c: {  	v0 =	vld.idx.msk [tilespmem:v1+s6+$0x0], $0xffff;
	_ =	sdelay $0x4  }
0x19d: {  	v0 =	vadd.f32 $1.000000020e-16, v0;
	_ =	sdelay $0x1  }
0x19e: {  	(erf) = vrcp.f32 v0;
	_ =	sdelay $0x3  }
0x19f: {  	v1 =	vld [tilespmem:$0x2ED0]  }
0x1a0: {  	v0 =	vld [tilespmem:$0x3040];
	_ =	sdelay $0x3  }
0x1a1: {  	v2 =	vpop (erf)  }
0x1a2: {  	v0 =	vmul.f32 v2, v0;
	_ =	sdelay $0x1  }
0x1a3: {  	[tilespmem:$0x3040] =	vst v0  }
0x1a4: {  	v0 =	vld.idx.msk [tilespmem:v1+s6+$0x0], $0xffff;
	_ =	sdelay $0x4  }
0x1a5: {  	v0 =	vadd.f32 $1.000000020e-16, v0;
	_ =	sdelay $0x1  }
0x1a6: {  	(erf) = vrcp.f32 v0;
	_ =	sdelay $0x3  }
0x1a7: {  	v1 =	vld [tilespmem:$0x2EE0]  }
0x1a8: {  	v0 =	vld [tilespmem:$0x3050];
	_ =	sdelay $0x3  }
0x1a9: {  	v2 =	vpop (erf)  }
0x1aa: {  	v0 =	vmul.f32 v2, v0;
	_ =	sdelay $0x1  }
0x1ab: {  	[tilespmem:$0x3050] =	vst v0  }
0x1ac: {  	v0 =	vld.idx.msk [tilespmem:v1+s6+$0x0], $0xffff;
	_ =	sdelay $0x4  }
0x1ad: {  	v0 =	vadd.f32 $1.000000020e-16, v0;
	_ =	sdelay $0x1  }
0x1ae: {  	(erf) = vrcp.f32 v0;
	_ =	sdelay $0x3  }
0x1af: {  	v1 =	vld [tilespmem:$0x2EF0]  }
0x1b0: {  	v0 =	vld [tilespmem:$0x3060];
	_ =	sdelay $0x3  }
0x1b1: {  	v2 =	vpop (erf)  }
0x1b2: {  	v0 =	vmul.f32 v2, v0;
	_ =	sdelay $0x1  }
0x1b3: {  	[tilespmem:$0x3060] =	vst v0  }
0x1b4: {  	v0 =	vld.idx.msk [tilespmem:v1+s6+$0x0], $0xffff;
	_ =	sdelay $0x4  }
0x1b5: {  	v0 =	vadd.f32 $1.000000020e-16, v0;
	_ =	sdelay $0x1  }
0x1b6: {  	(erf) = vrcp.f32 v0;
	_ =	sdelay $0x4  }
0x1b7: {  	v0 =	vld [tilespmem:$0x3070];
	_ =	sdelay $0x3  }
0x1b8: {  	v1 =	vpop (erf)  }
0x1b9: {  	v0 =	vmul.f32 v1, v0;
	_ =	sdelay $0x1  }
0x1ba: {  	[tilespmem:$0x3070] =	vst v0;
	v0 =	vmov s6  }
0x1bb: {  	[tilespmem:s20], [sflag:$0x1] =	stream.indirect.gather [hbm4b:s5+s19], $0x80, s16, s19, $0xb8;
	v0 =	vand.u32 $0xFFFFFFFE, v0;
	[tilespmem:$0x1D080] =	vst v63  }
0x1bc: {  	s21 =	simm.s32 $0x2C40;
	v1 =	vbroadcast v0, $0x0  }
0x1bd: {  	[tilespmem:s22], [sflag:$0x2] =	stream.indirect.gather [hbm4b:s5+s19], $0x80, s21, s19, $0xb8;
	[tilespmem:$0x1D080] =	vst v63  }
0x1be: {  	_ =	swait.ge [sflag:s23], $0x2000  }
0x1bf: {  	[sflag:s23] =	ssyncset.done $0x0  }
0x1c0: {  	s13 =	simm.s32 $0x3100;
	[sflag:s23] =	ssyncadd.s32 $0xFFFFE000  }
0x1c1: {  	v4 =	vld [tilespmem:s13+$0xFFFFFFF0]  }
0x1c2: {  	v5 =	vld.idx.msk [tilespmem:v1+s18+$0x0], $0xffff  }
0x1c3: {  	v6 =	vld [tilespmem:s13+$0xFFFFFF80]  }
0x1c4: {  	v7 =	vld [tilespmem:s13+$0xFFFFFFA0]  }
0x1c5: {  	v3 =	vld [tilespmem:s13+$0xFFFFFFB0]  }
0x1c6: {  	v2 =	vld [tilespmem:s13+$0xFFFFFFD0]  }
0x1c7: {  	v9 =	vld [tilespmem:s13+$0xFFFFFF90];
	v4 =	vmul.f32 v4, v5  }
0x1c8: {  	v8 =	vld [tilespmem:s13+$0xFFFFFFE0];
	v6 =	vmul.f32 v6, v5  }
0x1c9: {  	v10 =	vld [tilespmem:s13+$0xFFFFFFC0];
	v7 =	vmul.f32 v7, v5;
	[tilespmem:s13+$0xFFFFFFF0] =	vst v4  }
0x1ca: {  	v3 =	vmul.f32 v3, v5;
	[tilespmem:s13+$0xFFFFFF80] =	vst v6  }
0x1cb: {  	s30 =	simm.s32 $0x1;
	v2 =	vmul.f32 v2, v5;
	[tilespmem:s13+$0xFFFFFFA0] =	vst v7  }
0x1cc: {  	v4 =	vmul.f32 v9, v5;
	[tilespmem:s13+$0xFFFFFFB0] =	vst v3;
	v6 =	vmov s30  }
0x1cd: {  	v0 =	vld [tilespmem:s13+$0x0];
	v3 =	vmul.f32 v8, v5;
	[tilespmem:s13+$0xFFFFFFD0] =	vst v2  }
0x1ce: {  	v1 =	vld [tilespmem:s13+$0x10];
	v2 =	vmul.f32 v10, v5;
	[tilespmem:s13+$0xFFFFFF90] =	vst v4  }
0x1cf: {  	[tilespmem:s13+$0xFFFFFFE0] =	vst v3;
	v4 =	vld [tilespmem:s13+$0x30]  }
0x1d0: {  	[tilespmem:s13+$0xFFFFFFC0] =	vst v2;
	v3 =	vld [tilespmem:s13+$0x70]  }
0x1d1: {  	s3 =	simm.s32 $0x2;
	s21 =	simm.s32 $0x3100;
	v2 =	vld.idx.msk [tilespmem:v6+s18+$0x0], $0xffff  }
.LBB2_5:
0x1d2: {  	p0 =	sne.s32 s3, $0x3E  }
0x1d3: {  	v5 =	vld [tilespmem:s13+$0x20];
	s21 =	sadd.s32 $0x100, s21;
	s30 =	smov.u32 s3;
	s3 =	sadd.s32 $0x2, s3  }
0x1d4: {  	v6 =	vld [tilespmem:s13+$0x40]  }
0x1d5: {  	v7 =	vld [tilespmem:s13+$0x50]  }
0x1d6: {  	v8 =	vld [tilespmem:s13+$0x60];
	_ =	sdelay $0x1  }
0x1d7: {  	v0 =	vmul.f32 v0, v2;
	v1 =	vmul.f32 v1, v2  }
0x1d8: {  	v4 =	vmul.f32 v4, v2;
	v5 =	vmul.f32 v5, v2  }
0x1d9: {  	v9 =	vmov s30;
	v6 =	vmul.f32 v6, v2;
	[tilespmem:s13+$0x0] =	vst v0;
	v7 =	vmul.f32 v7, v2  }
0x1da: {  	v9 =	vand.u32 $0xFFFFFFFE, v9;
	v0 =	vld [tilespmem:s21+$0x0];
	[tilespmem:s13+$0x30] =	vst v4;
	v4 =	vmul.f32 v8, v2;
	v2 =	vmul.f32 v3, v2  }
0x1db: {  	v3 =	vbroadcast v9, $0x0;
	[tilespmem:s13+$0x10] =	vst v1  }
0x1dc: {  	[tilespmem:s13+$0x70] =	vst v2  }
0x1dd: {  	v2 =	vld [tilespmem:s21+$0xFFFFFFD0];
	[tilespmem:s13+$0x20] =	vst v5  }
0x1de: {  	v5 =	vld [tilespmem:s21+$0xFFFFFFB0];
	[tilespmem:s13+$0x60] =	vst v4  }
0x1df: {  	v4 =	vld [tilespmem:s21+$0xFFFFFFE0];
	[tilespmem:s13+$0x40] =	vst v6  }
0x1e0: {  	v6 =	vld [tilespmem:s21+$0xFFFFFFF0];
	[tilespmem:s13+$0x50] =	vst v7;
	s13 =	smov.u32 s21  }
0x1e1: {  	v3 =	vld.idx.msk [tilespmem:v3+s18+$0x0], $0xffff  }
0x1e2: {  	v7 =	vld [tilespmem:s21+$0xFFFFFF80]  }
0x1e3: {  	v8 =	vld [tilespmem:s21+$0xFFFFFFA0]  }
0x1e4: {  	v9 =	vld [tilespmem:s21+$0xFFFFFF90]  }
0x1e5: {  	v10 =	vld [tilespmem:s21+$0xFFFFFFC0]  }
0x1e6: {  	v1 =	vld [tilespmem:s21+$0x10]  }
0x1e7: {  	v6 =	vmul.f32 v6, v3;
	v7 =	vmul.f32 v7, v3  }
0x1e8: {  	v4 =	vmul.f32 v4, v3;
	v8 =	vmul.f32 v8, v3  }
0x1e9: {  	v5 =	vmul.f32 v5, v3;
	v9 =	vmul.f32 v9, v3;
	[tilespmem:s21+$0xFFFFFFF0] =	vst v6  }
0x1ea: {  	v2 =	vmul.f32 v2, v3;
	[tilespmem:s21+$0xFFFFFF80] =	vst v7;
	v6 =	vmul.f32 v10, v3  }
0x1eb: {  	s30 =	sadd.s32 $0x1, s30;
	[tilespmem:s21+$0xFFFFFFA0] =	vst v8  }
0x1ec: {  	[tilespmem:s21+$0xFFFFFFB0] =	vst v5;
	v5 =	vmov s30  }
.Ltmp1:
0x1ed: {  	[tilespmem:s21+$0xFFFFFFD0] =	vst v2;
	(pc) =	sbr.rel @p0 .LBB2_5-.Ltmp1, $4  }
0x1ee: {  	[tilespmem:s21+$0xFFFFFF90] =	vst v9  }
0x1ef: {  	[tilespmem:s21+$0xFFFFFFE0] =	vst v4;
	v4 =	vld [tilespmem:s21+$0x30]  }
0x1f0: {  	[tilespmem:s21+$0xFFFFFFC0] =	vst v6;
	v3 =	vld [tilespmem:s21+$0x70]  }
0x1f1: {  	v2 =	vld.idx.msk [tilespmem:v5+s18+$0x0], $0xffff  }
0x1f2: {  	_ =	sdelay $0x2  }
0x1f3: {  	v5 =	vld [tilespmem:s13+$0x20]  }
0x1f4: {  	v6 =	vld [tilespmem:s13+$0x60];
	v0 =	vmul.f32 v0, v2  }
0x1f5: {  	v7 =	vld [tilespmem:s13+$0x40];
	v4 =	vmul.f32 v4, v2  }
0x1f6: {  	v8 =	vld [tilespmem:s13+$0x50];
	v1 =	vmul.f32 v1, v2;
	[tilespmem:s13+$0x0] =	vst v0  }
0x1f7: {  	[tilespmem:s13+$0x30] =	vst v4;
	v0 =	vmul.f32 v3, v2  }
0x1f8: {  	v3 =	vmul.f32 v5, v2;
	[tilespmem:s13+$0x10] =	vst v1  }
0x1f9: {  	v1 =	vmul.f32 v6, v2;
	[tilespmem:s13+$0x70] =	vst v0  }
0x1fa: {  	v0 =	vmul.f32 v7, v2;
	[tilespmem:s13+$0x20] =	vst v3  }
0x1fb: {  	v2 =	vmul.f32 v8, v2;
	[tilespmem:s13+$0x60] =	vst v1  }
0x1fc: {  	s3 =	simm.s32 $0x0;
	[tilespmem:s13+$0x40] =	vst v0  }
0x1fd: {  	[tilespmem:s13+$0x50] =	vst v2;
	v0 =	vmov s3  }
0x1fe: {  	[spmem:s2] =	stream.indirect.scatter.add.f32 [tilespmem:s20], [sflag:$0x4], $0x80, s17, s19, $0xb8;
	v0 =	vand.u32 $0xFFFFFFFE, v0;
	[tilespmem:$0x1D080] =	vst v63  }
0x1ff: {  	s8 =	simm.s32 $0x2C80;
	v1 =	vbroadcast v0, $0x0  }
0x200: {  	[tilespmem:s26], [sflag:$0x3] =	stream.indirect.gather [hbm4b:s5+s19], $0x80, s8, s19, $0xb8;
	[tilespmem:$0x1D080] =	vst v63  }
0x201: {  	_ =	swait.ge [sflag:s28], $0x2000  }
0x202: {  	[sflag:s28] =	ssyncset.done $0x0  }
0x203: {  	s13 =	simm.s32 $0x5170;
	[sflag:s28] =	ssyncadd.s32 $0xFFFFE000  }
0x204: {  	v4 =	vld [tilespmem:s13+$0xFFFFFF80]  }
0x205: {  	v5 =	vld.idx.msk [tilespmem:v1+s29+$0x0], $0xffff  }
0x206: {  	v6 =	vld [tilespmem:s13+$0xFFFFFF10]  }
0x207: {  	v7 =	vld [tilespmem:s13+$0xFFFFFF30]  }
0x208: {  	v3 =	vld [tilespmem:s13+$0xFFFFFF40]  }
0x209: {  	v2 =	vld [tilespmem:s13+$0xFFFFFF60]  }
0x20a: {  	v9 =	vld [tilespmem:s13+$0xFFFFFF20];
	v4 =	vmul.f32 v4, v5  }
0x20b: {  	v63 =	vld [tilespmem:s13+$0xFFFFFF70];
	v6 =	vmul.f32 v6, v5  }
0x20c: {  	v10 =	vld [tilespmem:s13+$0xFFFFFF50];
	v7 =	vmul.f32 v7, v5;
	[tilespmem:s13+$0xFFFFFF80] =	vst v4  }
0x20d: {  	v3 =	vmul.f32 v3, v5;
	[tilespmem:s13+$0xFFFFFF10] =	vst v6  }
0x20e: {  	s30 =	simm.s32 $0x1;
	v2 =	vmul.f32 v2, v5;
	[tilespmem:s13+$0xFFFFFF30] =	vst v7  }
0x20f: {  	v4 =	vmul.f32 v9, v5;
	[tilespmem:s13+$0xFFFFFF40] =	vst v3;
	v3 =	vmov s30  }
0x210: {  	v0 =	vld [tilespmem:s13+$0xFFFFFF90];
	v6 =	vmul.f32 v63, v5;
	[tilespmem:s13+$0xFFFFFF60] =	vst v2  }
0x211: {  	v1 =	vld [tilespmem:s13+$0xFFFFFFA0];
	v5 =	vmul.f32 v10, v5;
	[tilespmem:s13+$0xFFFFFF20] =	vst v4  }
0x212: {  	v2 =	vld [tilespmem:s13+$0xFFFFFFF0];
	[tilespmem:s13+$0xFFFFFF70] =	vst v6  }
0x213: {  	[tilespmem:s13+$0xFFFFFF50] =	vst v5;
	v4 =	vld [tilespmem:s13+$0xFFFFFFC0]  }
0x214: {  	s21 =	simm.s32 $0x5170;
	s3 =	simm.s32 $0x2;
	v3 =	vld.idx.msk [tilespmem:v3+s29+$0x0], $0xffff  }
.LBB2_7:
0x215: {  	p0 =	sne.s32 s3, $0x3E  }
0x216: {  	v5 =	vld [tilespmem:s13+$0xFFFFFFB0];
	s21 =	sadd.s32 $0x100, s21;
	s30 =	smov.u32 s3;
	s3 =	sadd.s32 $0x2, s3  }
0x217: {  	v6 =	vld [tilespmem:s13+$0xFFFFFFD0]  }
0x218: {  	v7 =	vld [tilespmem:s13+$0xFFFFFFE0]  }
0x219: {  	v8 =	vld [tilespmem:s13+$0x0];
	_ =	sdelay $0x1  }
0x21a: {  	v0 =	vmul.f32 v0, v3;
	v1 =	vmul.f32 v1, v3  }
0x21b: {  	v4 =	vmul.f32 v4, v3;
	v5 =	vmul.f32 v5, v3  }
0x21c: {  	v9 =	vmov s30;
	v6 =	vmul.f32 v6, v3;
	[tilespmem:s13+$0xFFFFFF90] =	vst v0;
	v7 =	vmul.f32 v7, v3  }
0x21d: {  	v9 =	vand.u32 $0xFFFFFFFE, v9;
	v2 =	vmul.f32 v2, v3;
	v0 =	vld [tilespmem:s21+$0xFFFFFF90];
	[tilespmem:s13+$0xFFFFFFC0] =	vst v4;
	v3 =	vmul.f32 v8, v3  }
0x21e: {  	v4 =	vbroadcast v9, $0x0;
	[tilespmem:s13+$0xFFFFFFA0] =	vst v1  }
0x21f: {  	[tilespmem:s13+$0x0] =	vst v3  }
0x220: {  	v3 =	vld [tilespmem:s21+$0xFFFFFF60];
	[tilespmem:s13+$0xFFFFFFB0] =	vst v5  }
0x221: {  	v5 =	vld [tilespmem:s21+$0xFFFFFF40];
	[tilespmem:s13+$0xFFFFFFF0] =	vst v2  }
0x222: {  	v2 =	vld [tilespmem:s21+$0xFFFFFF70];
	[tilespmem:s13+$0xFFFFFFD0] =	vst v6  }
0x223: {  	v6 =	vld [tilespmem:s21+$0xFFFFFF80];
	[tilespmem:s13+$0xFFFFFFE0] =	vst v7;
	s13 =	smov.u32 s21  }
0x224: {  	v4 =	vld.idx.msk [tilespmem:v4+s29+$0x0], $0xffff  }
0x225: {  	v7 =	vld [tilespmem:s21+$0xFFFFFF10]  }
0x226: {  	v8 =	vld [tilespmem:s21+$0xFFFFFF30]  }
0x227: {  	v9 =	vld [tilespmem:s21+$0xFFFFFF20]  }
0x228: {  	v10 =	vld [tilespmem:s21+$0xFFFFFF50]  }
0x229: {  	v1 =	vld [tilespmem:s21+$0xFFFFFFA0]  }
0x22a: {  	v6 =	vmul.f32 v6, v4;
	v7 =	vmul.f32 v7, v4  }
0x22b: {  	v2 =	vmul.f32 v2, v4;
	v8 =	vmul.f32 v8, v4  }
0x22c: {  	v5 =	vmul.f32 v5, v4;
	v9 =	vmul.f32 v9, v4;
	[tilespmem:s21+$0xFFFFFF80] =	vst v6  }
0x22d: {  	v3 =	vmul.f32 v3, v4;
	[tilespmem:s21+$0xFFFFFF10] =	vst v7;
	v6 =	vmul.f32 v10, v4  }
0x22e: {  	s30 =	sadd.s32 $0x1, s30;
	[tilespmem:s21+$0xFFFFFF30] =	vst v8  }
0x22f: {  	[tilespmem:s21+$0xFFFFFF40] =	vst v5;
	v5 =	vmov s30  }
.Ltmp2:
0x230: {  	[tilespmem:s21+$0xFFFFFF60] =	vst v3;
	(pc) =	sbr.rel @p0 .LBB2_7-.Ltmp2, $4  }
0x231: {  	[tilespmem:s21+$0xFFFFFF20] =	vst v9  }
0x232: {  	[tilespmem:s21+$0xFFFFFF70] =	vst v2;
	v2 =	vld [tilespmem:s21+$0xFFFFFFF0]  }
0x233: {  	[tilespmem:s21+$0xFFFFFF50] =	vst v6;
	v4 =	vld [tilespmem:s21+$0xFFFFFFC0]  }
0x234: {  	v3 =	vld.idx.msk [tilespmem:v5+s29+$0x0], $0xffff  }
0x235: {  	_ =	sdelay $0x1  }
0x236: {  	v5 =	vld [tilespmem:s13+$0x0]  }
0x237: {  	v6 =	vld [tilespmem:s13+$0xFFFFFFB0]  }
0x238: {  	v0 =	vmul.f32 v0, v3  }
0x239: {  	v8 =	vld [tilespmem:s13+$0xFFFFFFE0];
	v4 =	vmul.f32 v4, v3  }
0x23a: {  	v7 =	vld [tilespmem:s13+$0xFFFFFFD0];
	v1 =	vmul.f32 v1, v3;
	[tilespmem:s13+$0xFFFFFF90] =	vst v0  }
0x23b: {  	[tilespmem:s13+$0xFFFFFFC0] =	vst v4;
	v0 =	vmul.f32 v5, v3  }
0x23c: {  	v4 =	vmul.f32 v6, v3;
	[tilespmem:s13+$0xFFFFFFA0] =	vst v1  }
0x23d: {  	v1 =	vmul.f32 v2, v3;
	[tilespmem:s13+$0x0] =	vst v0  }
0x23e: {  	v2 =	vmul.f32 v8, v3;
	[tilespmem:s13+$0xFFFFFFB0] =	vst v4  }
0x23f: {  	v0 =	vmul.f32 v7, v3;
	[tilespmem:s13+$0xFFFFFFF0] =	vst v1  }
0x240: {  	[tilespmem:s13+$0xFFFFFFE0] =	vst v2  }
0x241: {  	s3 =	simm.s32 $0x2DC0;
	[tilespmem:s13+$0xFFFFFFD0] =	vst v0  }
0x242: {  	[spmem:s2] =	stream.indirect.scatter.add.f32 [tilespmem:s22], [sflag:$0x5], $0x80, s3, s19, $0xb8;
	[tilespmem:$0x1D080] =	vst v63  }
0x243: {  	_ =	swait.ge [sflag:s31], $0x2000  }
0x244: {  	[sflag:s31] =	ssyncset.done $0x0  }
0x245: {  	s21 =	simm.s32 $0x0;
	s8 =	simm.s32 $0x2CC0;
	[sflag:s31] =	ssyncadd.s32 $0xFFFFE000  }
0x246: {  	v0 =	vmov s21;
	[tilespmem:s20], [sflag:$0x1] =	stream.indirect.gather [hbm4b:s5+s19], $0x80, s8, s19, $0xb8;
	[tilespmem:$0x1D080] =	vst v63  }
0x247: {  	v0 =	vand.u32 $0xFFFFFFFE, v0;
	_ =	swait.ge [sflag:s1], $0x2000  }
0x248: {  	v0 =	vbroadcast v0, $0x0;
	[sflag:s1] =	ssyncset.done $0x0  }
0x249: {  	s13 =	simm.s32 $0x0;
	[sflag:s1] =	ssyncadd.s32 $0xFFFFE000  }
0x24a: {  	v1 =	vld [tilespmem:s13+$0x70C0]  }
0x24b: {  	v4 =	vld [tilespmem:s13+$0x70F0]  }
0x24c: {  	v2 =	vld [tilespmem:s13+$0x70B0]  }
0x24d: {  	v3 =	vld [tilespmem:s13+$0x70A0]  }
0x24e: {  	v6 =	vld.idx.msk [tilespmem:v0+s4+$0x0], $0xffff  }
0x24f: {  	v0 =	vld [tilespmem:s13+$0x7090]  }
0x250: {  	v5 =	vld [tilespmem:s13+$0x7080]  }
0x251: {  	v63 =	vld [tilespmem:s13+$0x70E0]  }
0x252: {  	v7 =	vld [tilespmem:s13+$0x70D0];
	_ =	sdelay $0x1  }
0x253: {  	v9 =	vmul.f32 v0, v6;
	v0 =	vmul.f32 v3, v6  }
0x254: {  	v3 =	vmul.f32 v5, v6;
	v2 =	vmul.f32 v2, v6  }
0x255: {  	v1 =	vmul.f32 v1, v6;
	v5 =	vmul.f32 v63, v6;
	[tilespmem:s13+$0x70A0] =	vst v0  }
0x256: {  	s30 =	simm.s32 $0x1;
	s21 =	simm.s32 $0x1;
	s3 =	simm.s32 $0x400;
	v4 =	vmul.f32 v4, v6;
	v0 =	vmul.f32 v7, v6;
	[tilespmem:s13+$0x7090] =	vst v9  }
.LBB2_9:
0x257: {  	p0 =	sne.s32 s3, $0x7C00  }
0x258: {  	[tilespmem:s13+$0x7080] =	vst v3;
	s21 =	sadd.s32 $0x2, s21;
	s8 =	smov.u32 s3;
	s3 =	sadd.s32 $0x400, s3  }
0x259: {  	[tilespmem:s13+$0x70B0] =	vst v2;
	v2 =	vmov s30;
	s30 =	smov.u32 s21  }
0x25a: {  	[tilespmem:s13+$0x70E0] =	vst v5;
	v3 =	vld [tilespmem:s13+$0x7130]  }
0x25b: {  	[tilespmem:s13+$0x70F0] =	vst v4;
	v4 =	vld [tilespmem:s13+$0x7150]  }
0x25c: {  	[tilespmem:s13+$0x70C0] =	vst v1;
	v1 =	vld [tilespmem:s13+$0x7170]  }
0x25d: {  	[tilespmem:s13+$0x70D0] =	vst v0;
	v0 =	vld [tilespmem:s13+$0x7100]  }
0x25e: {  	s9 =	sadd.s32 $0xFFFFFFFF, s21;
	v2 =	vld.idx.msk [tilespmem:v2+s4+$0x0], $0xffff  }
0x25f: {  	v5 =	vmov s9;
	v6 =	vld [tilespmem:s13+$0x7120]  }
0x260: {  	v5 =	vand.u32 $0xFFFFFFFE, v5;
	v7 =	vld [tilespmem:s13+$0x7160]  }
0x261: {  	v5 =	vbroadcast v5, $0x0;
	v8 =	vld [tilespmem:s13+$0x7110]  }
0x262: {  	v9 =	vld [tilespmem:s13+$0x7140];
	_ =	sdelay $0x1  }
0x263: {  	v0 =	vmul.f32 v0, v2;
	v1 =	vmul.f32 v1, v2  }
0x264: {  	v4 =	vmul.f32 v4, v2;
	v6 =	vmul.f32 v6, v2  }
0x265: {  	v7 =	vmul.f32 v7, v2;
	v8 =	vmul.f32 v8, v2;
	[tilespmem:s13+$0x7170] =	vst v1  }
0x266: {  	s8 =	sshra.s32 s8, $0x2;
	[tilespmem:s13+$0x7100] =	vst v0;
	v0 =	vmul.f32 v3, v2;
	v1 =	vmul.f32 v9, v2  }
0x267: {  	v9 =	vld [tilespmem:s8+$0x70C0];
	[tilespmem:s13+$0x7150] =	vst v4  }
0x268: {  	[tilespmem:s13+$0x7120] =	vst v6  }
0x269: {  	[tilespmem:s13+$0x7130] =	vst v0  }
0x26a: {  	v4 =	vld [tilespmem:s8+$0x70F0];
	[tilespmem:s13+$0x7140] =	vst v1  }
0x26b: {  	v0 =	vld [tilespmem:s8+$0x70B0];
	[tilespmem:s13+$0x7160] =	vst v7  }
0x26c: {  	v1 =	vld [tilespmem:s8+$0x70A0];
	[tilespmem:s13+$0x7110] =	vst v8;
	s13 =	smov.u32 s8  }
0x26d: {  	v6 =	vld.idx.msk [tilespmem:v5+s4+$0x0], $0xffff  }
0x26e: {  	v2 =	vld [tilespmem:s13+$0x7090]  }
0x26f: {  	v3 =	vld [tilespmem:s13+$0x7080]  }
0x270: {  	v5 =	vld [tilespmem:s13+$0x70D0]  }
0x271: {  	v7 =	vld [tilespmem:s13+$0x70E0]  }
.Ltmp3:
0x272: {  	(pc) =	sbr.rel @p0 .LBB2_9-.Ltmp3, $4  }
0x273: {  	v1 =	vmul.f32 v1, v6;
	v8 =	vmul.f32 v2, v6  }
0x274: {  	v2 =	vmul.f32 v0, v6;
	v3 =	vmul.f32 v3, v6  }
0x275: {  	[tilespmem:s13+$0x70A0] =	vst v1;
	v1 =	vmul.f32 v9, v6;
	v0 =	vmul.f32 v5, v6  }
0x276: {  	v4 =	vmul.f32 v4, v6;
	[tilespmem:s13+$0x7090] =	vst v8;
	v5 =	vmul.f32 v7, v6  }
0x277: {  	[tilespmem:s13+$0x7080] =	vst v3  }
0x278: {  	[tilespmem:s13+$0x70B0] =	vst v2;
	v3 =	vmov s30  }
0x279: {  	[tilespmem:s13+$0x70C0] =	vst v1  }
0x27a: {  	[tilespmem:s13+$0x70D0] =	vst v0  }
0x27b: {  	[tilespmem:s13+$0x70E0] =	vst v5  }
0x27c: {  	v1 =	vld [tilespmem:s13+$0x7170];
	[tilespmem:s13+$0x70F0] =	vst v4  }
0x27d: {  	v0 =	vld.idx.msk [tilespmem:v3+s4+$0x0], $0xffff  }
0x27e: {  	v3 =	vld [tilespmem:s13+$0x7100]  }
0x27f: {  	v4 =	vld [tilespmem:s13+$0x7150]  }
0x280: {  	v2 =	vld [tilespmem:s13+$0x7130]  }
0x281: {  	v5 =	vld [tilespmem:s13+$0x7120]  }
0x282: {  	v7 =	vld [tilespmem:s13+$0x7140];
	v1 =	vmul.f32 v1, v0  }
0x283: {  	v6 =	vld [tilespmem:s13+$0x7160];
	v3 =	vmul.f32 v3, v0  }
0x284: {  	v8 =	vld [tilespmem:s13+$0x7110];
	v4 =	vmul.f32 v4, v0;
	[tilespmem:s13+$0x7170] =	vst v1  }
0x285: {  	v2 =	vmul.f32 v2, v0;
	[tilespmem:s13+$0x7100] =	vst v3  }
0x286: {  	v1 =	vmul.f32 v5, v0;
	[tilespmem:s13+$0x7150] =	vst v4  }
0x287: {  	v3 =	vmul.f32 v7, v0;
	[tilespmem:s13+$0x7130] =	vst v2  }
0x288: {  	[tilespmem:s13+$0x7120] =	vst v1;
	v1 =	vmul.f32 v6, v0  }
0x289: {  	v0 =	vmul.f32 v8, v0;
	[tilespmem:s13+$0x7140] =	vst v3  }
0x28a: {  	[tilespmem:s13+$0x7160] =	vst v1  }
0x28b: {  	s3 =	simm.s32 $0x2E00;
	s21 =	simm.s32 $0x0;
	[tilespmem:s13+$0x7110] =	vst v0  }
0x28c: {  	[spmem:s2] =	stream.indirect.scatter.add.f32 [tilespmem:s26], [sflag:$0x6], $0x80, s3, s19, $0xb8;
	[tilespmem:$0x1D080] =	vst v63  }
0x28d: {  	v0 =	vmov s21;
	_ =	swait.ge [sflag:s12], $0x2000  }
0x28e: {  	v0 =	vand.u32 $0xFFFFFFFE, v0;
	[sflag:s12] =	ssyncset.done $0x0  }
0x28f: {  	s8 =	simm.s32 $0x2D00;
	v1 =	vbroadcast v0, $0x0;
	[sflag:s12] =	ssyncadd.s32 $0xFFFFE000  }
0x290: {  	[tilespmem:s22], [sflag:$0x2] =	stream.indirect.gather [hbm4b:s5+s19], $0x80, s8, s19, $0xb8;
	[tilespmem:$0x1D080] =	vst v63  }
0x291: {  	_ =	swait.ge [sflag:s23], $0x2000  }
0x292: {  	[sflag:s23] =	ssyncset.done $0x0  }
0x293: {  	s13 =	simm.s32 $0x3100;
	[sflag:s23] =	ssyncadd.s32 $0xFFFFE000  }
0x294: {  	v4 =	vld [tilespmem:s13+$0xFFFFFFF0]  }
0x295: {  	v5 =	vld.idx.msk [tilespmem:v1+s7+$0x0], $0xffff  }
0x296: {  	v6 =	vld [tilespmem:s13+$0xFFFFFF80]  }
0x297: {  	v7 =	vld [tilespmem:s13+$0xFFFFFFA0]  }
0x298: {  	v3 =	vld [tilespmem:s13+$0xFFFFFFB0]  }
0x299: {  	v2 =	vld [tilespmem:s13+$0xFFFFFFD0]  }
0x29a: {  	v9 =	vld [tilespmem:s13+$0xFFFFFF90];
	v4 =	vmul.f32 v4, v5  }
0x29b: {  	v63 =	vld [tilespmem:s13+$0xFFFFFFE0];
	v6 =	vmul.f32 v6, v5  }
0x29c: {  	v10 =	vld [tilespmem:s13+$0xFFFFFFC0];
	v7 =	vmul.f32 v7, v5;
	[tilespmem:s13+$0xFFFFFFF0] =	vst v4  }
0x29d: {  	v3 =	vmul.f32 v3, v5;
	[tilespmem:s13+$0xFFFFFF80] =	vst v6  }
0x29e: {  	s30 =	simm.s32 $0x1;
	v2 =	vmul.f32 v2, v5;
	[tilespmem:s13+$0xFFFFFFA0] =	vst v7  }
0x29f: {  	v4 =	vmul.f32 v9, v5;
	[tilespmem:s13+$0xFFFFFFB0] =	vst v3;
	v6 =	vmov s30  }
0x2a0: {  	v0 =	vld [tilespmem:s13+$0x0];
	v3 =	vmul.f32 v63, v5;
	[tilespmem:s13+$0xFFFFFFD0] =	vst v2  }
0x2a1: {  	v1 =	vld [tilespmem:s13+$0x10];
	v2 =	vmul.f32 v10, v5;
	[tilespmem:s13+$0xFFFFFF90] =	vst v4  }
0x2a2: {  	[tilespmem:s13+$0xFFFFFFE0] =	vst v3;
	v4 =	vld [tilespmem:s13+$0x30]  }
0x2a3: {  	[tilespmem:s13+$0xFFFFFFC0] =	vst v2;
	v3 =	vld [tilespmem:s13+$0x70]  }
0x2a4: {  	s21 =	simm.s32 $0x3100;
	s3 =	simm.s32 $0x2;
	v2 =	vld.idx.msk [tilespmem:v6+s7+$0x0], $0xffff  }
.LBB2_11:
0x2a5: {  	p0 =	sne.s32 s3, $0x3E  }
0x2a6: {  	v5 =	vld [tilespmem:s13+$0x20];
	s21 =	sadd.s32 $0x100, s21;
	s30 =	smov.u32 s3;
	s3 =	sadd.s32 $0x2, s3  }
0x2a7: {  	v6 =	vld [tilespmem:s13+$0x40]  }
0x2a8: {  	v7 =	vld [tilespmem:s13+$0x50]  }
0x2a9: {  	v8 =	vld [tilespmem:s13+$0x60];
	_ =	sdelay $0x1  }
0x2aa: {  	v0 =	vmul.f32 v0, v2;
	v1 =	vmul.f32 v1, v2  }
0x2ab: {  	v4 =	vmul.f32 v4, v2;
	v5 =	vmul.f32 v5, v2  }
0x2ac: {  	v9 =	vmov s30;
	v6 =	vmul.f32 v6, v2;
	[tilespmem:s13+$0x0] =	vst v0;
	v7 =	vmul.f32 v7, v2  }
0x2ad: {  	v9 =	vand.u32 $0xFFFFFFFE, v9;
	v0 =	vld [tilespmem:s21+$0x0];
	[tilespmem:s13+$0x30] =	vst v4;
	v4 =	vmul.f32 v8, v2;
	v2 =	vmul.f32 v3, v2  }
0x2ae: {  	v3 =	vbroadcast v9, $0x0;
	[tilespmem:s13+$0x10] =	vst v1  }
0x2af: {  	[tilespmem:s13+$0x70] =	vst v2  }
0x2b0: {  	v2 =	vld [tilespmem:s21+$0xFFFFFFD0];
	[tilespmem:s13+$0x20] =	vst v5  }
0x2b1: {  	v5 =	vld [tilespmem:s21+$0xFFFFFFB0];
	[tilespmem:s13+$0x60] =	vst v4  }
0x2b2: {  	v4 =	vld [tilespmem:s21+$0xFFFFFFE0];
	[tilespmem:s13+$0x40] =	vst v6  }
0x2b3: {  	v6 =	vld [tilespmem:s21+$0xFFFFFFF0];
	[tilespmem:s13+$0x50] =	vst v7;
	s13 =	smov.u32 s21  }
0x2b4: {  	v3 =	vld.idx.msk [tilespmem:v3+s7+$0x0], $0xffff  }
0x2b5: {  	v7 =	vld [tilespmem:s21+$0xFFFFFF80]  }
0x2b6: {  	v8 =	vld [tilespmem:s21+$0xFFFFFFA0]  }
0x2b7: {  	v9 =	vld [tilespmem:s21+$0xFFFFFF90]  }
0x2b8: {  	v10 =	vld [tilespmem:s21+$0xFFFFFFC0]  }
0x2b9: {  	v1 =	vld [tilespmem:s21+$0x10]  }
0x2ba: {  	v6 =	vmul.f32 v6, v3;
	v7 =	vmul.f32 v7, v3  }
0x2bb: {  	v4 =	vmul.f32 v4, v3;
	v8 =	vmul.f32 v8, v3  }
0x2bc: {  	v5 =	vmul.f32 v5, v3;
	v9 =	vmul.f32 v9, v3;
	[tilespmem:s21+$0xFFFFFFF0] =	vst v6  }
0x2bd: {  	v2 =	vmul.f32 v2, v3;
	[tilespmem:s21+$0xFFFFFF80] =	vst v7;
	v6 =	vmul.f32 v10, v3  }
0x2be: {  	s8 =	sadd.s32 $0x1, s30;
	[tilespmem:s21+$0xFFFFFFA0] =	vst v8  }
0x2bf: {  	[tilespmem:s21+$0xFFFFFFB0] =	vst v5;
	v5 =	vmov s8  }
.Ltmp4:
0x2c0: {  	[tilespmem:s21+$0xFFFFFFD0] =	vst v2;
	(pc) =	sbr.rel @p0 .LBB2_11-.Ltmp4, $4  }
0x2c1: {  	[tilespmem:s21+$0xFFFFFF90] =	vst v9  }
0x2c2: {  	[tilespmem:s21+$0xFFFFFFE0] =	vst v4;
	v4 =	vld [tilespmem:s21+$0x30]  }
0x2c3: {  	[tilespmem:s21+$0xFFFFFFC0] =	vst v6;
	v3 =	vld [tilespmem:s21+$0x70]  }
0x2c4: {  	v2 =	vld.idx.msk [tilespmem:v5+s7+$0x0], $0xffff  }
0x2c5: {  	_ =	sdelay $0x2  }
0x2c6: {  	v5 =	vld [tilespmem:s13+$0x20]  }
0x2c7: {  	v6 =	vld [tilespmem:s13+$0x60];
	v0 =	vmul.f32 v0, v2  }
0x2c8: {  	v7 =	vld [tilespmem:s13+$0x40];
	v4 =	vmul.f32 v4, v2  }
0x2c9: {  	v8 =	vld [tilespmem:s13+$0x50];
	v1 =	vmul.f32 v1, v2;
	[tilespmem:s13+$0x0] =	vst v0  }
0x2ca: {  	[tilespmem:s13+$0x30] =	vst v4;
	v0 =	vmul.f32 v3, v2  }
0x2cb: {  	v3 =	vmul.f32 v5, v2;
	[tilespmem:s13+$0x10] =	vst v1  }
0x2cc: {  	v1 =	vmul.f32 v6, v2;
	[tilespmem:s13+$0x70] =	vst v0  }
0x2cd: {  	v0 =	vmul.f32 v7, v2;
	[tilespmem:s13+$0x20] =	vst v3  }
0x2ce: {  	v2 =	vmul.f32 v8, v2;
	[tilespmem:s13+$0x60] =	vst v1  }
0x2cf: {  	[tilespmem:s13+$0x40] =	vst v0  }
0x2d0: {  	s3 =	simm.s32 $0x2E40;
	s21 =	simm.s32 $0x0;
	[tilespmem:s13+$0x50] =	vst v2  }
0x2d1: {  	[spmem:s2] =	stream.indirect.scatter.add.f32 [tilespmem:s20], [sflag:$0x4], $0x80, s3, s19, $0xb8;
	[tilespmem:$0x1D080] =	vst v63  }
0x2d2: {  	v0 =	vmov s21;
	_ =	swait.ge [sflag:s15], $0x2000  }
0x2d3: {  	v0 =	vand.u32 $0xFFFFFFFE, v0;
	[sflag:s15] =	ssyncset.done $0x0  }
0x2d4: {  	s8 =	simm.s32 $0x2D40;
	v1 =	vbroadcast v0, $0x0;
	[sflag:s15] =	ssyncadd.s32 $0xFFFFE000  }
0x2d5: {  	[tilespmem:s26], [sflag:$0x3] =	stream.indirect.gather [hbm4b:s5+s19], $0x80, s8, s19, $0xb8;
	[tilespmem:$0x1D080] =	vst v63  }
0x2d6: {  	_ =	swait.ge [sflag:s28], $0x2000  }
0x2d7: {  	[sflag:s28] =	ssyncset.done $0x0  }
0x2d8: {  	s13 =	simm.s32 $0x5170;
	[sflag:s28] =	ssyncadd.s32 $0xFFFFE000  }
0x2d9: {  	v4 =	vld [tilespmem:s13+$0xFFFFFF80]  }
0x2da: {  	v5 =	vld.idx.msk [tilespmem:v1+s25+$0x0], $0xffff  }
0x2db: {  	v6 =	vld [tilespmem:s13+$0xFFFFFF10]  }
0x2dc: {  	v7 =	vld [tilespmem:s13+$0xFFFFFF30]  }
0x2dd: {  	v3 =	vld [tilespmem:s13+$0xFFFFFF40]  }
0x2de: {  	v2 =	vld [tilespmem:s13+$0xFFFFFF60]  }
0x2df: {  	v9 =	vld [tilespmem:s13+$0xFFFFFF20];
	v4 =	vmul.f32 v4, v5  }
0x2e0: {  	v63 =	vld [tilespmem:s13+$0xFFFFFF70];
	v6 =	vmul.f32 v6, v5  }
0x2e1: {  	v10 =	vld [tilespmem:s13+$0xFFFFFF50];
	v7 =	vmul.f32 v7, v5;
	[tilespmem:s13+$0xFFFFFF80] =	vst v4  }
0x2e2: {  	v3 =	vmul.f32 v3, v5;
	[tilespmem:s13+$0xFFFFFF10] =	vst v6  }
0x2e3: {  	s30 =	simm.s32 $0x1;
	v2 =	vmul.f32 v2, v5;
	[tilespmem:s13+$0xFFFFFF30] =	vst v7  }
0x2e4: {  	v4 =	vmul.f32 v9, v5;
	[tilespmem:s13+$0xFFFFFF40] =	vst v3;
	v3 =	vmov s30  }
0x2e5: {  	v0 =	vld [tilespmem:s13+$0xFFFFFF90];
	v6 =	vmul.f32 v63, v5;
	[tilespmem:s13+$0xFFFFFF60] =	vst v2  }
0x2e6: {  	v1 =	vld [tilespmem:s13+$0xFFFFFFA0];
	v5 =	vmul.f32 v10, v5;
	[tilespmem:s13+$0xFFFFFF20] =	vst v4  }
0x2e7: {  	v2 =	vld [tilespmem:s13+$0xFFFFFFF0];
	[tilespmem:s13+$0xFFFFFF70] =	vst v6  }
0x2e8: {  	[tilespmem:s13+$0xFFFFFF50] =	vst v5;
	v4 =	vld [tilespmem:s13+$0xFFFFFFC0]  }
0x2e9: {  	s21 =	simm.s32 $0x5170;
	s3 =	simm.s32 $0x2;
	v3 =	vld.idx.msk [tilespmem:v3+s25+$0x0], $0xffff  }
.LBB2_13:
0x2ea: {  	p0 =	sne.s32 s3, $0x3E  }
0x2eb: {  	v5 =	vld [tilespmem:s13+$0xFFFFFFB0];
	s21 =	sadd.s32 $0x100, s21;
	s30 =	smov.u32 s3;
	s3 =	sadd.s32 $0x2, s3  }
0x2ec: {  	v6 =	vld [tilespmem:s13+$0xFFFFFFD0]  }
0x2ed: {  	v7 =	vld [tilespmem:s13+$0xFFFFFFE0]  }
0x2ee: {  	v8 =	vld [tilespmem:s13+$0x0];
	_ =	sdelay $0x1  }
0x2ef: {  	v0 =	vmul.f32 v0, v3;
	v1 =	vmul.f32 v1, v3  }
0x2f0: {  	v4 =	vmul.f32 v4, v3;
	v5 =	vmul.f32 v5, v3  }
0x2f1: {  	v9 =	vmov s30;
	v6 =	vmul.f32 v6, v3;
	[tilespmem:s13+$0xFFFFFF90] =	vst v0;
	v7 =	vmul.f32 v7, v3  }
0x2f2: {  	v9 =	vand.u32 $0xFFFFFFFE, v9;
	v2 =	vmul.f32 v2, v3;
	v0 =	vld [tilespmem:s21+$0xFFFFFF90];
	[tilespmem:s13+$0xFFFFFFC0] =	vst v4;
	v3 =	vmul.f32 v8, v3  }
0x2f3: {  	v4 =	vbroadcast v9, $0x0;
	[tilespmem:s13+$0xFFFFFFA0] =	vst v1  }
0x2f4: {  	[tilespmem:s13+$0x0] =	vst v3  }
0x2f5: {  	v3 =	vld [tilespmem:s21+$0xFFFFFF60];
	[tilespmem:s13+$0xFFFFFFB0] =	vst v5  }
0x2f6: {  	v5 =	vld [tilespmem:s21+$0xFFFFFF40];
	[tilespmem:s13+$0xFFFFFFF0] =	vst v2  }
0x2f7: {  	v2 =	vld [tilespmem:s21+$0xFFFFFF70];
	[tilespmem:s13+$0xFFFFFFD0] =	vst v6  }
0x2f8: {  	v6 =	vld [tilespmem:s21+$0xFFFFFF80];
	[tilespmem:s13+$0xFFFFFFE0] =	vst v7;
	s13 =	smov.u32 s21  }
0x2f9: {  	v4 =	vld.idx.msk [tilespmem:v4+s25+$0x0], $0xffff  }
0x2fa: {  	v7 =	vld [tilespmem:s21+$0xFFFFFF10]  }
0x2fb: {  	v8 =	vld [tilespmem:s21+$0xFFFFFF30]  }
0x2fc: {  	v9 =	vld [tilespmem:s21+$0xFFFFFF20]  }
0x2fd: {  	v10 =	vld [tilespmem:s21+$0xFFFFFF50]  }
0x2fe: {  	v1 =	vld [tilespmem:s21+$0xFFFFFFA0]  }
0x2ff: {  	v6 =	vmul.f32 v6, v4;
	v7 =	vmul.f32 v7, v4  }
0x300: {  	v2 =	vmul.f32 v2, v4;
	v8 =	vmul.f32 v8, v4  }
0x301: {  	v5 =	vmul.f32 v5, v4;
	v9 =	vmul.f32 v9, v4;
	[tilespmem:s21+$0xFFFFFF80] =	vst v6  }
0x302: {  	v3 =	vmul.f32 v3, v4;
	[tilespmem:s21+$0xFFFFFF10] =	vst v7;
	v6 =	vmul.f32 v10, v4  }
0x303: {  	s8 =	sadd.s32 $0x1, s30;
	[tilespmem:s21+$0xFFFFFF30] =	vst v8  }
0x304: {  	[tilespmem:s21+$0xFFFFFF40] =	vst v5;
	v5 =	vmov s8  }
.Ltmp5:
0x305: {  	[tilespmem:s21+$0xFFFFFF60] =	vst v3;
	(pc) =	sbr.rel @p0 .LBB2_13-.Ltmp5, $4  }
0x306: {  	[tilespmem:s21+$0xFFFFFF20] =	vst v9  }
0x307: {  	[tilespmem:s21+$0xFFFFFF70] =	vst v2;
	v2 =	vld [tilespmem:s21+$0xFFFFFFF0]  }
0x308: {  	[tilespmem:s21+$0xFFFFFF50] =	vst v6;
	v4 =	vld [tilespmem:s21+$0xFFFFFFC0]  }
0x309: {  	v3 =	vld.idx.msk [tilespmem:v5+s25+$0x0], $0xffff  }
0x30a: {  	_ =	sdelay $0x1  }
0x30b: {  	v5 =	vld [tilespmem:s13+$0x0]  }
0x30c: {  	v6 =	vld [tilespmem:s13+$0xFFFFFFB0]  }
0x30d: {  	v0 =	vmul.f32 v0, v3  }
0x30e: {  	v8 =	vld [tilespmem:s13+$0xFFFFFFE0];
	v4 =	vmul.f32 v4, v3  }
0x30f: {  	v7 =	vld [tilespmem:s13+$0xFFFFFFD0];
	v1 =	vmul.f32 v1, v3;
	[tilespmem:s13+$0xFFFFFF90] =	vst v0  }
0x310: {  	[tilespmem:s13+$0xFFFFFFC0] =	vst v4;
	v0 =	vmul.f32 v5, v3  }
0x311: {  	v4 =	vmul.f32 v6, v3;
	[tilespmem:s13+$0xFFFFFFA0] =	vst v1  }
0x312: {  	v1 =	vmul.f32 v2, v3;
	[tilespmem:s13+$0x0] =	vst v0  }
0x313: {  	v2 =	vmul.f32 v8, v3;
	[tilespmem:s13+$0xFFFFFFB0] =	vst v4  }
0x314: {  	v0 =	vmul.f32 v7, v3;
	[tilespmem:s13+$0xFFFFFFF0] =	vst v1  }
0x315: {  	[tilespmem:s13+$0xFFFFFFE0] =	vst v2  }
0x316: {  	s3 =	simm.s32 $0x2E80;
	[tilespmem:s13+$0xFFFFFFD0] =	vst v0  }
0x317: {  	[spmem:s2] =	stream.indirect.scatter.add.f32 [tilespmem:s22], [sflag:$0x5], $0x80, s3, s19, $0xb8;
	[tilespmem:$0x1D080] =	vst v63  }
0x318: {  	_ =	swait.ge [sflag:s31], $0x2000  }
0x319: {  	s21 =	simm.s32 $0x0;
	[sflag:s31] =	ssyncset.done $0x0  }
0x31a: {  	v0 =	vmov s21;
	[sflag:s31] =	ssyncadd.s32 $0xFFFFE000  }
0x31b: {  	v0 =	vand.u32 $0xFFFFFFFE, v0;
	_ =	swait.ge [sflag:s1], $0x2000  }
0x31c: {  	v0 =	vbroadcast v0, $0x0;
	[sflag:s1] =	ssyncset.done $0x0  }
0x31d: {  	s13 =	simm.s32 $0x0;
	[sflag:s1] =	ssyncadd.s32 $0xFFFFE000  }
0x31e: {  	v1 =	vld [tilespmem:s13+$0x70C0]  }
0x31f: {  	v4 =	vld [tilespmem:s13+$0x70F0]  }
0x320: {  	v2 =	vld [tilespmem:s13+$0x70B0]  }
0x321: {  	v3 =	vld [tilespmem:s13+$0x70A0]  }
0x322: {  	v6 =	vld.idx.msk [tilespmem:v0+s0+$0x0], $0xffff  }
0x323: {  	v0 =	vld [tilespmem:s13+$0x7090]  }
0x324: {  	v5 =	vld [tilespmem:s13+$0x7080]  }
0x325: {  	v63 =	vld [tilespmem:s13+$0x70E0]  }
0x326: {  	v7 =	vld [tilespmem:s13+$0x70D0];
	_ =	sdelay $0x1  }
0x327: {  	v9 =	vmul.f32 v0, v6;
	v0 =	vmul.f32 v3, v6  }
0x328: {  	v3 =	vmul.f32 v5, v6;
	v2 =	vmul.f32 v2, v6  }
0x329: {  	v1 =	vmul.f32 v1, v6;
	v5 =	vmul.f32 v63, v6;
	[tilespmem:s13+$0x70A0] =	vst v0  }
0x32a: {  	s30 =	simm.s32 $0x1;
	s21 =	simm.s32 $0x1;
	s3 =	simm.s32 $0x400;
	v4 =	vmul.f32 v4, v6;
	v0 =	vmul.f32 v7, v6;
	[tilespmem:s13+$0x7090] =	vst v9  }
.LBB2_15:
0x32b: {  	p0 =	sne.s32 s3, $0x7C00  }
0x32c: {  	[tilespmem:s13+$0x7080] =	vst v3;
	s21 =	sadd.s32 $0x2, s21;
	s8 =	smov.u32 s3;
	s3 =	sadd.s32 $0x400, s3  }
0x32d: {  	[tilespmem:s13+$0x70B0] =	vst v2;
	v2 =	vmov s30;
	s30 =	smov.u32 s21  }
0x32e: {  	[tilespmem:s13+$0x70E0] =	vst v5;
	v3 =	vld [tilespmem:s13+$0x7130]  }
0x32f: {  	[tilespmem:s13+$0x70F0] =	vst v4;
	v4 =	vld [tilespmem:s13+$0x7150]  }
0x330: {  	[tilespmem:s13+$0x70C0] =	vst v1;
	v1 =	vld [tilespmem:s13+$0x7170]  }
0x331: {  	[tilespmem:s13+$0x70D0] =	vst v0;
	v0 =	vld [tilespmem:s13+$0x7100]  }
0x332: {  	s9 =	sadd.s32 $0xFFFFFFFF, s21;
	v2 =	vld.idx.msk [tilespmem:v2+s0+$0x0], $0xffff  }
0x333: {  	v5 =	vmov s9;
	v6 =	vld [tilespmem:s13+$0x7120]  }
0x334: {  	v5 =	vand.u32 $0xFFFFFFFE, v5;
	v7 =	vld [tilespmem:s13+$0x7160]  }
0x335: {  	v5 =	vbroadcast v5, $0x0;
	v8 =	vld [tilespmem:s13+$0x7110]  }
0x336: {  	v9 =	vld [tilespmem:s13+$0x7140];
	_ =	sdelay $0x1  }
0x337: {  	v0 =	vmul.f32 v0, v2;
	v1 =	vmul.f32 v1, v2  }
0x338: {  	v4 =	vmul.f32 v4, v2;
	v6 =	vmul.f32 v6, v2  }
0x339: {  	v7 =	vmul.f32 v7, v2;
	v8 =	vmul.f32 v8, v2;
	[tilespmem:s13+$0x7170] =	vst v1  }
0x33a: {  	s8 =	sshra.s32 s8, $0x2;
	[tilespmem:s13+$0x7100] =	vst v0;
	v0 =	vmul.f32 v3, v2;
	v1 =	vmul.f32 v9, v2  }
0x33b: {  	v9 =	vld [tilespmem:s8+$0x70C0];
	[tilespmem:s13+$0x7150] =	vst v4  }
0x33c: {  	[tilespmem:s13+$0x7120] =	vst v6  }
0x33d: {  	[tilespmem:s13+$0x7130] =	vst v0  }
0x33e: {  	v4 =	vld [tilespmem:s8+$0x70F0];
	[tilespmem:s13+$0x7140] =	vst v1  }
0x33f: {  	v0 =	vld [tilespmem:s8+$0x70B0];
	[tilespmem:s13+$0x7160] =	vst v7  }
0x340: {  	v1 =	vld [tilespmem:s8+$0x70A0];
	[tilespmem:s13+$0x7110] =	vst v8;
	s13 =	smov.u32 s8  }
0x341: {  	v6 =	vld.idx.msk [tilespmem:v5+s0+$0x0], $0xffff  }
0x342: {  	v2 =	vld [tilespmem:s13+$0x7090]  }
0x343: {  	v3 =	vld [tilespmem:s13+$0x7080]  }
0x344: {  	v5 =	vld [tilespmem:s13+$0x70D0]  }
0x345: {  	v7 =	vld [tilespmem:s13+$0x70E0]  }
.Ltmp6:
0x346: {  	(pc) =	sbr.rel @p0 .LBB2_15-.Ltmp6, $4  }
0x347: {  	v1 =	vmul.f32 v1, v6;
	v8 =	vmul.f32 v2, v6  }
0x348: {  	v2 =	vmul.f32 v0, v6;
	v3 =	vmul.f32 v3, v6  }
0x349: {  	[tilespmem:s13+$0x70A0] =	vst v1;
	v1 =	vmul.f32 v9, v6;
	v0 =	vmul.f32 v5, v6  }
0x34a: {  	v4 =	vmul.f32 v4, v6;
	[tilespmem:s13+$0x7090] =	vst v8;
	v5 =	vmul.f32 v7, v6  }
0x34b: {  	[tilespmem:s13+$0x7080] =	vst v3  }
0x34c: {  	[tilespmem:s13+$0x70B0] =	vst v2;
	v56 =	vmov s30  }
0x34d: {  	[tilespmem:s13+$0x70C0] =	vst v1  }
0x34e: {  	[tilespmem:s13+$0x70D0] =	vst v0  }
0x34f: {  	[tilespmem:s13+$0x70E0] =	vst v5  }
0x350: {  	v58 =	vld [tilespmem:s13+$0x7170];
	[tilespmem:s13+$0x70F0] =	vst v4  }
0x351: {  	v0 =	vld.idx.msk [tilespmem:v56+s0+$0x0], $0xffff  }
0x352: {  	v59 =	vld [tilespmem:s13+$0x7100]  }
0x353: {  	v57 =	vld [tilespmem:s13+$0x7150]  }
0x354: {  	v60 =	vld [tilespmem:s13+$0x7120]  }
0x355: {  	v55 =	vld [tilespmem:s13+$0x7130]  }
0x356: {  	v7 =	vld [tilespmem:s13+$0x7140];
	v1 =	vmul.f32 v58, v0  }
0x357: {  	v6 =	vld [tilespmem:s13+$0x7160];
	v3 =	vmul.f32 v59, v0  }
0x358: {  	v8 =	vld [tilespmem:s13+$0x7110];
	v4 =	vmul.f32 v57, v0;
	[tilespmem:s13+$0x7170] =	vst v1  }
0x359: {  	v61 =	vmul.f32 v60, v0;
	[tilespmem:s13+$0x7100] =	vst v3  }
0x35a: {  	v2 =	vmul.f32 v55, v0;
	[tilespmem:s13+$0x7150] =	vst v4  }
0x35b: {  	v62 =	vmul.f32 v7, v0;
	[tilespmem:s13+$0x7120] =	vst v61  }
0x35c: {  	v63 =	vmul.f32 v6, v0;
	[tilespmem:s13+$0x7130] =	vst v2  }
0x35d: {  	v0 =	vmul.f32 v8, v0;
	[tilespmem:s13+$0x7140] =	vst v62  }
0x35e: {  	[tilespmem:s13+$0x7160] =	vst v63  }
0x35f: {  	s3 =	simm.s32 $0x2EC0;
	s24 =	sadd.s32 $0x1, s24;
	[tilespmem:s13+$0x7110] =	vst v0  }
0x360: {  	[spmem:s2] =	stream.indirect.scatter.add.f32 [tilespmem:s26], [sflag:$0x6], $0x80, s3, s19, $0xb8;
	[tilespmem:$0x1D080] =	vst v63  }
0x361: {  	p0 =	sne.s32 s24, $0x1B;
	_ =	swait.ge [sflag:s12], $0x2000  }
.Ltmp7:
0x362: {  	[sflag:s12] =	ssyncset.done $0x0;
	(pc) =	sbr.rel @p0 .LBB2_4-.Ltmp7, $4  }
0x363: {  	[sflag:s12] =	ssyncadd.s32 $0xFFFFE000  }
0x364: {  	_ =	swait.ge [sflag:s15], $0x2000  }
0x365: {  	[sflag:s15] =	ssyncset.done $0x0  }
0x366: {  	[sflag:s15] =	ssyncadd.s32 $0xFFFFE000  }
0x367: {  	[bflag:$0x0] =	sbarrier.arrive $0xFFFF  }
0x368: {  	s8 =	rddreg [dreg:$0x6]  }
0x369: {  	s21 =	rddreg [dreg:$0xa]  }
0x36a: {  	s3 =	rddreg [dreg:$0xb]  }
0x36b: {  	[hbm:s3], [sflag:s8] =	dma.local [spmem:s21], $0x2800  }
0x36c: {  	_ =	swait.ge [sflag:s14], $0x2800  }
0x36d: {  	s6 =	rddreg [dreg:$0xc]  }
0x36e: {  	s24 =	rddreg [dreg:$0x9];
	s6 =	sadd.s32 $0x1, s6  }
0x36f: {  	p0 =	sne.s32 s6, s24  }
.Ltmp8:
0x370: {  	_ = 	snop;
	(pc) =	sbr.rel @p0 .LBB2_1-.Ltmp8, $3  }
0x371: {  	_ =	sdelay $0x1  }
0x372: {  	s13 =	simm.s32 $0x0;
	[sflag:s14] =	ssyncset.done $0x0  }
0x373: {  	s30 =	simm.s32 $0x2800;
	s9 =	rddreg [dreg:$0x7];
	[sflag:s14] =	ssyncadd.s32 $0xFFFFD800  }
0x374: {  	_ =	sfence.sel $0x180000  }
0x375: {  	[bflag:$0x0] =	sbarrier.arrive $0xFFFF  }
0x376: {  	_ =	strace $0x9000004A  }
0x377: {  	s0 =	stileid.u32;
	[bflag:$0x2] =	sbarrier.arrive $0xFFFF  }
0x378: {  	p0 =	sne.s32 s0, $0x0;
	s0 =	rddreg [dreg:$0x3]  }
0x379: {  	s0 =	sadd.s32 @!p0 $0x100000, s0  }
0x37a: {  	[sflag:s0] =	ssyncadd.tile.s32 @!p0 $0x1;
	_ =	shalt  }
.Lfunc_end2:
_tile_overlayer_lowered:
.L_overlay_start_2:
0x37b: {  	(tag) =	ssettag $0x2  }
0x37c: {  	s0 =	rddreg [dreg:$0x0];
	s2 =	stileid.u32  }
0x37d: {  	s1 =	rddreg [dreg:$0x1];
	p0 =	sne.s32 s2, $0x0  }
0x37e: {  	s3 =	rddreg [dreg:$0x2];
	[bflag:$0x3] =	sbarrier.arrive $0xFFFF;
	s2 =	simm.s32 @!p0 $0x1C07  }
0x37f: {  	[timem:s3], [sflag:s2] =	dma.local @!p0 [hbm:s0], s1  }
0x380: {  	s0 =	simm.s32 @!p0 $0x7  }
0x381: {  	_ =	swait.ge @!p0 [sflag:s0], s1  }
0x382: {  	s1 =	ssub.s32 @!p0 $0x0, s1;
	[sflag:s0] =	ssyncset.done @!p0 $0x0  }
0x383: {  	[sflag:s0] =	ssyncadd.s32 @!p0 s1  }
0x384: {  	[bflag:$0x3] =	sbarrier.arrive $0xFFFF  }
0x385: {  	_ =	shalt  }

</sc_bundles>
